<compile_context>
chip_gen: v7x
topology: tpu7x:2x2x1
jax: 0.10.2.dev20260603
libtpu: 0.0.44.dev20260713+nightly
codegen_flags: <defaults>
</compile_context>

<pallas_src>
import jax
import jax.numpy as jnp
from jax import lax
from jax.experimental import pallas as pl
from jax.experimental.pallas import tpu as pltpu
from jax.experimental.pallas import tpu_sc as plsc

N = 10000
E = 320000
FEAT = 128

NC = 2
NS = 16
NW = NC * NS

EPW = E // NW
CH = 80
NCHUNK = EPW // CH
NBUF = 4

DEG_PAD = 10240
DEG_PER_TILE = DEG_PAD // NS

AGG_PER_TILE = 640
NROW_CH = AGG_PER_TILE // CH

SRC_MASK = (1 << 14) - 1

STEADY = (NCHUNK // (2 * NBUF)) * (2 * NBUF)


def _sc_body(packed_hbm, feat_hbm, agg_out, deg_out,
             shared_agg, shared_deg,
             rows_a, rows_b, rows_c, rows_d,
             pk_a, pk_b, pk_c, pk_d,
             sidx_a, sidx_b, sidx_c, sidx_d,
             didx_a, didx_b, didx_c, didx_d,
             zdeg, ones_v,
             semi_a0, semi_a1, semi_b0, semi_b1, semi_c0, semi_c1,
             semi_d0, semi_d1,
             semg_a, semg_b, semg_c, semg_d,
             semsc_a, semsc_b, semsc_c, semsc_d, semw):
    cid = lax.axis_index("c")
    tid = lax.axis_index("s")
    wid = cid * NS + tid

    rows = (rows_a, rows_b, rows_c, rows_d)
    pk = (pk_a, pk_b, pk_c, pk_d)
    sidx = (sidx_a, sidx_b, sidx_c, sidx_d)
    didx = (didx_a, didx_b, didx_c, didx_d)
    semi = ((semi_a0, semi_a1), (semi_b0, semi_b1),
            (semi_c0, semi_c1), (semi_d0, semi_d1))
    semg = (semg_a, semg_b, semg_c, semg_d)
    semsc = (semsc_a, semsc_b, semsc_c, semsc_d)

    z16 = jnp.zeros((16,), jnp.float32)
    o16 = jnp.ones((16,), jnp.float32)

    def _istart(jn, b, p):
        pltpu.async_copy(packed_hbm.at[wid, jn], pk[b].at[p], semi[b][p])

    def _iwait(b, p):
        pltpu.make_async_copy(packed_hbm.at[wid, 0], pk[b].at[p],
                              semi[b][p]).wait()

    def _unpack(b, p):
        for c in range(CH // 16):
            v = pk[b][p, pl.ds(c * 16, 16)]
            sidx[b][p, pl.ds(c * 16, 16)] = v & SRC_MASK
            didx[b][p, pl.ds(c * 16, 16)] = v >> 14

    def _gstart(b, p):
        pltpu.async_copy(feat_hbm.at[sidx[b].at[p]], rows[b], semg[b])

    def _gwait(b):
        pltpu.make_async_copy(feat_hbm.at[pl.ds(0, CH)], rows[b],
                              semg[b]).wait()

    def _scstart(b, p):
        pltpu.async_copy(rows[b], shared_agg.at[didx[b].at[p]], semsc[b],
                         add=True)

    def _scwait(b):
        pltpu.make_async_copy(feat_hbm.at[pl.ds(0, CH)], rows[b],
                              semsc[b]).wait()

    for j in range(2 * NBUF):
        _istart(j, j % NBUF, j // NBUF)

    def _zero_row(i, carry):
        for c in range(FEAT // 16):
            rows_a[i, pl.ds(c * 16, 16)] = z16
        return carry

    lax.fori_loop(0, CH, _zero_row, 0)

    def _zero_deg(i, carry):
        zdeg[pl.ds(i * 16, 16)] = z16
        return carry

    lax.fori_loop(0, DEG_PER_TILE // 16, _zero_deg, 0)

    for c in range(CH // 16):
        ones_v[pl.ds(c * 16, 16)] = o16

    for k in range(NROW_CH):
        a0 = tid * AGG_PER_TILE + k * CH

        @pl.when(a0 < N)
        def _():
            pltpu.async_copy(rows_a, shared_agg.at[pl.ds(a0, CH), :], semw)
    pltpu.sync_copy(zdeg, shared_deg.at[pl.ds(tid * DEG_PER_TILE,
                                              DEG_PER_TILE)])
    for k in range(NROW_CH):
        a0 = tid * AGG_PER_TILE + k * CH

        @pl.when(a0 < N)
        def _():
            pltpu.make_async_copy(feat_hbm.at[pl.ds(0, CH)], rows_a,
                                  semw).wait()

    for b in range(NBUF):
        _iwait(b, 0)
        _unpack(b, 0)
        _gstart(b, 0)

    plsc.subcore_barrier()

    def _consume(b, p):
        _gwait(b)
        _scstart(b, p)
        pltpu.sync_copy(ones_v, shared_deg.at[didx[b].at[p]], add=True)
        _scwait(b)

    def _step(j8, carry):
        for q in range(2 * NBUF):
            j = j8 * (2 * NBUF) + q
            b = q % NBUF
            p = q // NBUF
            _consume(b, p)
            jn = j + NBUF

            @pl.when(jn < NCHUNK)
            def _():
                _iwait(b, 1 - p)
                _unpack(b, 1 - p)
                _gstart(b, 1 - p)

            jn2 = j + 2 * NBUF

            @pl.when(jn2 < NCHUNK)
            def _():
                _istart(jn2, b, p)
        return carry

    lax.fori_loop(0, STEADY // (2 * NBUF), _step, 0)
    for j in range(STEADY, NCHUNK):
        b = j % NBUF
        p = (j // NBUF) % 2
        _consume(b, p)
        jn = j + NBUF
        if jn < NCHUNK:
            _iwait(jn % NBUF, (jn // NBUF) % 2)
            _unpack(jn % NBUF, (jn // NBUF) % 2)
            _gstart(jn % NBUF, (jn // NBUF) % 2)
    plsc.subcore_barrier()

    for k in range(NROW_CH):
        a0 = tid * AGG_PER_TILE + k * CH
        b = k % NBUF

        @pl.when(a0 < N)
        def _():
            if k >= NBUF:
                pltpu.make_async_copy(feat_hbm.at[pl.ds(0, CH)], rows[b],
                                      semw).wait()
            pltpu.sync_copy(shared_agg.at[pl.ds(a0, CH), :], rows[b])
            pltpu.async_copy(rows[b], agg_out.at[cid, pl.ds(a0, CH), :],
                             semw)
    for _ in range(NBUF):
        pltpu.make_async_copy(feat_hbm.at[pl.ds(0, CH)], rows_a,
                              semw).wait()
    d0 = tid * DEG_PER_TILE
    pltpu.sync_copy(shared_deg.at[pl.ds(d0, DEG_PER_TILE)], zdeg)
    pltpu.sync_copy(zdeg, deg_out.at[cid, pl.ds(d0, DEG_PER_TILE)])


@jax.jit
def _sc_aggregate(packed, feat):
    mesh = plsc.VectorSubcoreMesh(core_axis_name="c", subcore_axis_name="s",
                                  num_cores=NC, num_subcores=NS)
    idx2 = pltpu.VMEM((2, CH), jnp.int32)
    rowbuf = pltpu.VMEM((CH, FEAT), jnp.float32)
    return pl.kernel(
        _sc_body,
        out_type=[
            jax.ShapeDtypeStruct((NC, N, FEAT), jnp.float32),
            jax.ShapeDtypeStruct((NC, DEG_PAD), jnp.float32),
        ],
        mesh=mesh,
        scratch_types=(
            [pltpu.VMEM_SHARED((N, FEAT), jnp.float32),
             pltpu.VMEM_SHARED((DEG_PAD,), jnp.float32)]
            + [rowbuf] * NBUF
            + [idx2] * (3 * NBUF)
            + [pltpu.VMEM((DEG_PER_TILE,), jnp.float32),
               pltpu.VMEM((CH,), jnp.float32)]
            + [pltpu.SemaphoreType.DMA] * (2 * NBUF + NBUF + NBUF + 1)
        ),
    )(packed, feat)


TC_R = 10000


def _tc_body(agg_ref, deg_ref, w_ref, b_ref, out_ref):
    a = agg_ref[0] + agg_ref[1]
    d = deg_ref[0] + deg_ref[1]
    scale = 1.0 / jnp.maximum(d, 1.0)
    a = a * scale
    out_ref[...] = (
        jnp.dot(a, w_ref[...], preferred_element_type=jnp.float32)
        + b_ref[...]
    )


@jax.jit
def _tc_finish(agg_p, deg3, W, b2):
    grid = N // TC_R
    return pl.pallas_call(
        _tc_body,
        grid=(grid,),
        in_specs=[
            pl.BlockSpec((NC, TC_R, FEAT), lambda i: (0, i, 0)),
            pl.BlockSpec((NC, TC_R, 1), lambda i: (0, i, 0)),
            pl.BlockSpec((FEAT, FEAT), lambda i: (0, 0)),
            pl.BlockSpec((1, FEAT), lambda i: (0, 0)),
        ],
        out_specs=pl.BlockSpec((TC_R, FEAT), lambda i: (i, 0)),
        out_shape=jax.ShapeDtypeStruct((N, FEAT), jnp.float32),
    )(agg_p, deg3, W, b2)


def kernel(graph, feat, W, b):
    packed = (graph[0] | (graph[1] << 14)).reshape(NW, NCHUNK, CH)
    agg_p, deg_p = _sc_aggregate(packed, feat)
    return _tc_finish(agg_p, deg_p[:, :N].reshape(NC, N, 1), W,
                      b.reshape(1, FEAT))

# --- scband reference (transcript-rebuilt; emitter-appended) ---
"""Pipeline reference for scband-custom-gcn-24180665876667 (READ-ONLY COPY).

The authoritative reference and input builder live on the scoring server;
editing this copy changes nothing except your own understanding.
"""

import jax, jax.numpy as jnp
import numpy as np

N = 10000
E = 320000
IN_FEAT = 128
OUT_FEAT = 128


def setup_inputs(seed: int = 0) -> dict:
    key = jax.random.key(seed)
    k1, k2, k3 = jax.random.split(key, 3)
    feat = jax.random.normal(k1, (N, IN_FEAT), dtype=jnp.float32)
    # graph represented as edge_index [2, E]: row 0 = src, row 1 = dst
    graph = jax.random.randint(k2, (2, E), 0, N, dtype=jnp.int32)
    # GraphConv learned parameters (glorot-ish init) + bias
    W = jax.random.normal(k3, (IN_FEAT, OUT_FEAT), dtype=jnp.float32) * (1.0 / np.sqrt(IN_FEAT))
    b = jnp.zeros((OUT_FEAT,), dtype=jnp.float32)
    return {"graph": graph, "feat": feat, "W": W, "b": b}


def reference(graph, feat, W, b):
    # DGL GraphConv(norm='right', allow_zero_in_degree=True):
    # in_feats == out_feats -> aggregate first, then apply weight.
    src = graph[0]
    dst = graph[1]
    msg = jnp.take(feat, src, axis=0)                      # gather src features [E, IN]
    agg = jax.ops.segment_sum(msg, dst, num_segments=N)    # scatter-add to dst  [N, IN]
    deg = jax.ops.segment_sum(jnp.ones((E,), jnp.float32), dst, num_segments=N)
    deg = jnp.clip(deg, 1.0, None)                         # clamp(min=1) for zero in-degree
    agg = agg / deg[:, None]                               # norm='right'
    out = agg @ W + b
    return out

if __name__ == "__main__":
    import jax
    _d = setup_inputs()
    print(jax.jit(kernel)(*tuple(_d.values())))

</pallas_src>

<mosaic_0001>
#map = affine_map<(d0, d1) -> (0, 0, 0)>
#map1 = affine_map<(d0, d1) -> (0, 0)>
module attributes {stable_mosaic.version = 14 : i64} {
  func.func @_sc_body(%arg0: i32, %arg1: i32, %arg2: memref<32x125x80xi32, #tpu.memory_space<hbm>>, %arg3: memref<10000x128xf32, #tpu.memory_space<hbm>>, %arg4: memref<2x10000x128xf32, #tpu.memory_space<hbm>>, %arg5: memref<2x10240xf32, #tpu.memory_space<hbm>>, %arg6: memref<10000x128xf32, #tpu.memory_space<vmem_shared>>, %arg7: memref<10240xf32, #tpu.memory_space<vmem_shared>>, %arg8: memref<80x128xf32, #tpu.memory_space<vmem>>, %arg9: memref<80x128xf32, #tpu.memory_space<vmem>>, %arg10: memref<80x128xf32, #tpu.memory_space<vmem>>, %arg11: memref<80x128xf32, #tpu.memory_space<vmem>>, %arg12: memref<2x80xi32, #tpu.memory_space<vmem>>, %arg13: memref<2x80xi32, #tpu.memory_space<vmem>>, %arg14: memref<2x80xi32, #tpu.memory_space<vmem>>, %arg15: memref<2x80xi32, #tpu.memory_space<vmem>>, %arg16: memref<2x80xi32, #tpu.memory_space<vmem>>, %arg17: memref<2x80xi32, #tpu.memory_space<vmem>>, %arg18: memref<2x80xi32, #tpu.memory_space<vmem>>, %arg19: memref<2x80xi32, #tpu.memory_space<vmem>>, %arg20: memref<2x80xi32, #tpu.memory_space<vmem>>, %arg21: memref<2x80xi32, #tpu.memory_space<vmem>>, %arg22: memref<2x80xi32, #tpu.memory_space<vmem>>, %arg23: memref<2x80xi32, #tpu.memory_space<vmem>>, %arg24: memref<640xf32, #tpu.memory_space<vmem>>, %arg25: memref<80xf32, #tpu.memory_space<vmem>>, %arg26: memref<!tpu.dma_semaphore, #tpu.memory_space<semaphore_mem>>, %arg27: memref<!tpu.dma_semaphore, #tpu.memory_space<semaphore_mem>>, %arg28: memref<!tpu.dma_semaphore, #tpu.memory_space<semaphore_mem>>, %arg29: memref<!tpu.dma_semaphore, #tpu.memory_space<semaphore_mem>>, %arg30: memref<!tpu.dma_semaphore, #tpu.memory_space<semaphore_mem>>, %arg31: memref<!tpu.dma_semaphore, #tpu.memory_space<semaphore_mem>>, %arg32: memref<!tpu.dma_semaphore, #tpu.memory_space<semaphore_mem>>, %arg33: memref<!tpu.dma_semaphore, #tpu.memory_space<semaphore_mem>>, %arg34: memref<!tpu.dma_semaphore, #tpu.memory_space<semaphore_mem>>, %arg35: memref<!tpu.dma_semaphore, #tpu.memory_space<semaphore_mem>>, %arg36: memref<!tpu.dma_semaphore, #tpu.memory_space<semaphore_mem>>, %arg37: memref<!tpu.dma_semaphore, #tpu.memory_space<semaphore_mem>>, %arg38: memref<!tpu.dma_semaphore, #tpu.memory_space<semaphore_mem>>, %arg39: memref<!tpu.dma_semaphore, #tpu.memory_space<semaphore_mem>>, %arg40: memref<!tpu.dma_semaphore, #tpu.memory_space<semaphore_mem>>, %arg41: memref<!tpu.dma_semaphore, #tpu.memory_space<semaphore_mem>>, %arg42: memref<!tpu.dma_semaphore, #tpu.memory_space<semaphore_mem>>) attributes {dimension_semantics = [#tpu.dimension_semantics<core_parallel>, #tpu.dimension_semantics<subcore_parallel>], iteration_bounds = array<i64: 2, 16>, scalar_prefetch = 0 : i64, scratch_operands = 37 : i64, tpu.core_type = #tpu.core_type<sc_vector_subcore>, window_params = [{transform_indices = #map}, {transform_indices = #map1}, {transform_indices = #map}, {transform_indices = #map1}]} {
    %mul3A = arith.constant 16 : i32
    %mul3A_0 = arith.muli %arg0, %mul3A : i32
    %add3A = arith.addi %mul3A_0, %arg1 : i32
    %broadcast_in_dim3A = arith.constant 0.000000e+00 : f32
    %broadcast_in_dim3A_1 = vector.broadcast %broadcast_in_dim3A : f32 to vector<16xf32>
    %broadcast_in_dim3A_2 = arith.constant 1.000000e+00 : f32
    %broadcast_in_dim3A_3 = vector.broadcast %broadcast_in_dim3A_2 : f32 to vector<16xf32>
    %dma_start3A = arith.constant 0 : i32
    %dma_start3A_4 = arith.constant 0 : i32
    %dma_start3A_5 = arith.constant 0 : i32
    %dma_start3A_6 = tpu.memref_slice %arg12[%dma_start3A_4, %dma_start3A_5] : memref<2x80xi32, #tpu.memory_space<vmem>> -> memref<1x80xi32, #tpu.memory_space<vmem>>
    %dma_start3A_7 = tpu.memref_squeeze %dma_start3A_6 : memref<1x80xi32, #tpu.memory_space<vmem>> -> memref<80xi32, #tpu.memory_space<vmem>>
    %dma_start3A_8 = arith.constant 0 : i32
    %dma_start3A_9 = tpu.memref_slice %arg2[%add3A, %dma_start3A, %dma_start3A_8] : memref<32x125x80xi32, #tpu.memory_space<hbm>> -> memref<1x1x80xi32, #tpu.memory_space<hbm>>
    %dma_start3A_10 = tpu.memref_squeeze %dma_start3A_9 : memref<1x1x80xi32, #tpu.memory_space<hbm>> -> memref<80xi32, #tpu.memory_space<hbm>>
    %dma_start3A_11 = arith.constant 0 : i32
    %dma_start3A_12 = tpu.memref_slice %arg12[%dma_start3A_4, %dma_start3A_11] : memref<2x80xi32, #tpu.memory_space<vmem>> -> memref<1x80xi32, #tpu.memory_space<vmem>>
    %dma_start3A_13 = tpu.memref_squeeze %dma_start3A_12 : memref<1x80xi32, #tpu.memory_space<vmem>> -> memref<80xi32, #tpu.memory_space<vmem>>
    %dma_start3A_14 = arith.constant 0 : i32
    %dma_start3A_15 = tpu.memref_slice %arg2[%add3A, %dma_start3A, %dma_start3A_14] : memref<32x125x80xi32, #tpu.memory_space<hbm>> -> memref<1x1x80xi32, #tpu.memory_space<hbm>>
    %dma_start3A_16 = tpu.memref_squeeze %dma_start3A_15 : memref<1x1x80xi32, #tpu.memory_space<hbm>> -> memref<80xi32, #tpu.memory_space<hbm>>
    tpu.enqueue_dma source(%dma_start3A_16 : memref<80xi32, #tpu.memory_space<hbm>>) target(%dma_start3A_13 : memref<80xi32, #tpu.memory_space<vmem>>) target_semaphore(%arg26 : memref<!tpu.dma_semaphore, #tpu.memory_space<semaphore_mem>>)
    %dma_start3A_17 = arith.constant 1 : i32
    %dma_start3A_18 = arith.constant 0 : i32
    %dma_start3A_19 = arith.constant 0 : i32
    %dma_start3A_20 = tpu.memref_slice %arg13[%dma_start3A_18, %dma_start3A_19] : memref<2x80xi32, #tpu.memory_space<vmem>> -> memref<1x80xi32, #tpu.memory_space<vmem>>
    %dma_start3A_21 = tpu.memref_squeeze %dma_start3A_20 : memref<1x80xi32, #tpu.memory_space<vmem>> -> memref<80xi32, #tpu.memory_space<vmem>>
    %dma_start3A_22 = arith.constant 0 : i32
    %dma_start3A_23 = tpu.memref_slice %arg2[%add3A, %dma_start3A_17, %dma_start3A_22] : memref<32x125x80xi32, #tpu.memory_space<hbm>> -> memref<1x1x80xi32, #tpu.memory_space<hbm>>
    %dma_start3A_24 = tpu.memref_squeeze %dma_start3A_23 : memref<1x1x80xi32, #tpu.memory_space<hbm>> -> memref<80xi32, #tpu.memory_space<hbm>>
    %dma_start3A_25 = arith.constant 0 : i32
    %dma_start3A_26 = tpu.memref_slice %arg13[%dma_start3A_18, %dma_start3A_25] : memref<2x80xi32, #tpu.memory_space<vmem>> -> memref<1x80xi32, #tpu.memory_space<vmem>>
    %dma_start3A_27 = tpu.memref_squeeze %dma_start3A_26 : memref<1x80xi32, #tpu.memory_space<vmem>> -> memref<80xi32, #tpu.memory_space<vmem>>
    %dma_start3A_28 = arith.constant 0 : i32
    %dma_start3A_29 = tpu.memref_slice %arg2[%add3A, %dma_start3A_17, %dma_start3A_28] : memref<32x125x80xi32, #tpu.memory_space<hbm>> -> memref<1x1x80xi32, #tpu.memory_space<hbm>>
    %dma_start3A_30 = tpu.memref_squeeze %dma_start3A_29 : memref<1x1x80xi32, #tpu.memory_space<hbm>> -> memref<80xi32, #tpu.memory_space<hbm>>
    tpu.enqueue_dma source(%dma_start3A_30 : memref<80xi32, #tpu.memory_space<hbm>>) target(%dma_start3A_27 : memref<80xi32, #tpu.memory_space<vmem>>) target_semaphore(%arg28 : memref<!tpu.dma_semaphore, #tpu.memory_space<semaphore_mem>>)
    %dma_start3A_31 = arith.constant 2 : i32
    %dma_start3A_32 = arith.constant 0 : i32
    %dma_start3A_33 = arith.constant 0 : i32
    %dma_start3A_34 = tpu.memref_slice %arg14[%dma_start3A_32, %dma_start3A_33] : memref<2x80xi32, #tpu.memory_space<vmem>> -> memref<1x80xi32, #tpu.memory_space<vmem>>
    %dma_start3A_35 = tpu.memref_squeeze %dma_start3A_34 : memref<1x80xi32, #tpu.memory_space<vmem>> -> memref<80xi32, #tpu.memory_space<vmem>>
    %dma_start3A_36 = arith.constant 0 : i32
    %dma_start3A_37 = tpu.memref_slice %arg2[%add3A, %dma_start3A_31, %dma_start3A_36] : memref<32x125x80xi32, #tpu.memory_space<hbm>> -> memref<1x1x80xi32, #tpu.memory_space<hbm>>
    %dma_start3A_38 = tpu.memref_squeeze %dma_start3A_37 : memref<1x1x80xi32, #tpu.memory_space<hbm>> -> memref<80xi32, #tpu.memory_space<hbm>>
    %dma_start3A_39 = arith.constant 0 : i32
    %dma_start3A_40 = tpu.memref_slice %arg14[%dma_start3A_32, %dma_start3A_39] : memref<2x80xi32, #tpu.memory_space<vmem>> -> memref<1x80xi32, #tpu.memory_space<vmem>>
    %dma_start3A_41 = tpu.memref_squeeze %dma_start3A_40 : memref<1x80xi32, #tpu.memory_space<vmem>> -> memref<80xi32, #tpu.memory_space<vmem>>
    %dma_start3A_42 = arith.constant 0 : i32
    %dma_start3A_43 = tpu.memref_slice %arg2[%add3A, %dma_start3A_31, %dma_start3A_42] : memref<32x125x80xi32, #tpu.memory_space<hbm>> -> memref<1x1x80xi32, #tpu.memory_space<hbm>>
    %dma_start3A_44 = tpu.memref_squeeze %dma_start3A_43 : memref<1x1x80xi32, #tpu.memory_space<hbm>> -> memref<80xi32, #tpu.memory_space<hbm>>
    tpu.enqueue_dma source(%dma_start3A_44 : memref<80xi32, #tpu.memory_space<hbm>>) target(%dma_start3A_41 : memref<80xi32, #tpu.memory_space<vmem>>) target_semaphore(%arg30 : memref<!tpu.dma_semaphore, #tpu.memory_space<semaphore_mem>>)
    %dma_start3A_45 = arith.constant 3 : i32
    %dma_start3A_46 = arith.constant 0 : i32
    %dma_start3A_47 = arith.constant 0 : i32
    %dma_start3A_48 = tpu.memref_slice %arg15[%dma_start3A_46, %dma_start3A_47] : memref<2x80xi32, #tpu.memory_space<vmem>> -> memref<1x80xi32, #tpu.memory_space<vmem>>
    %dma_start3A_49 = tpu.memref_squeeze %dma_start3A_48 : memref<1x80xi32, #tpu.memory_space<vmem>> -> memref<80xi32, #tpu.memory_space<vmem>>
    %dma_start3A_50 = arith.constant 0 : i32
    %dma_start3A_51 = tpu.memref_slice %arg2[%add3A, %dma_start3A_45, %dma_start3A_50] : memref<32x125x80xi32, #tpu.memory_space<hbm>> -> memref<1x1x80xi32, #tpu.memory_space<hbm>>
    %dma_start3A_52 = tpu.memref_squeeze %dma_start3A_51 : memref<1x1x80xi32, #tpu.memory_space<hbm>> -> memref<80xi32, #tpu.memory_space<hbm>>
    %dma_start3A_53 = arith.constant 0 : i32
    %dma_start3A_54 = tpu.memref_slice %arg15[%dma_start3A_46, %dma_start3A_53] : memref<2x80xi32, #tpu.memory_space<vmem>> -> memref<1x80xi32, #tpu.memory_space<vmem>>
    %dma_start3A_55 = tpu.memref_squeeze %dma_start3A_54 : memref<1x80xi32, #tpu.memory_space<vmem>> -> memref<80xi32, #tpu.memory_space<vmem>>
    %dma_start3A_56 = arith.constant 0 : i32
    %dma_start3A_57 = tpu.memref_slice %arg2[%add3A, %dma_start3A_45, %dma_start3A_56] : memref<32x125x80xi32, #tpu.memory_space<hbm>> -> memref<1x1x80xi32, #tpu.memory_space<hbm>>
    %dma_start3A_58 = tpu.memref_squeeze %dma_start3A_57 : memref<1x1x80xi32, #tpu.memory_space<hbm>> -> memref<80xi32, #tpu.memory_space<hbm>>
    tpu.enqueue_dma source(%dma_start3A_58 : memref<80xi32, #tpu.memory_space<hbm>>) target(%dma_start3A_55 : memref<80xi32, #tpu.memory_space<vmem>>) target_semaphore(%arg32 : memref<!tpu.dma_semaphore, #tpu.memory_space<semaphore_mem>>)
    %dma_start3A_59 = arith.constant 4 : i32
    %dma_start3A_60 = arith.constant 1 : i32
    %dma_start3A_61 = arith.constant 0 : i32
    %dma_start3A_62 = tpu.memref_slice %arg12[%dma_start3A_60, %dma_start3A_61] : memref<2x80xi32, #tpu.memory_space<vmem>> -> memref<1x80xi32, #tpu.memory_space<vmem>>
    %dma_start3A_63 = tpu.memref_squeeze %dma_start3A_62 : memref<1x80xi32, #tpu.memory_space<vmem>> -> memref<80xi32, #tpu.memory_space<vmem>>
    %dma_start3A_64 = arith.constant 0 : i32
    %dma_start3A_65 = tpu.memref_slice %arg2[%add3A, %dma_start3A_59, %dma_start3A_64] : memref<32x125x80xi32, #tpu.memory_space<hbm>> -> memref<1x1x80xi32, #tpu.memory_space<hbm>>
    %dma_start3A_66 = tpu.memref_squeeze %dma_start3A_65 : memref<1x1x80xi32, #tpu.memory_space<hbm>> -> memref<80xi32, #tpu.memory_space<hbm>>
    %dma_start3A_67 = arith.constant 0 : i32
    %dma_start3A_68 = tpu.memref_slice %arg12[%dma_start3A_60, %dma_start3A_67] : memref<2x80xi32, #tpu.memory_space<vmem>> -> memref<1x80xi32, #tpu.memory_space<vmem>>
    %dma_start3A_69 = tpu.memref_squeeze %dma_start3A_68 : memref<1x80xi32, #tpu.memory_space<vmem>> -> memref<80xi32, #tpu.memory_space<vmem>>
    %dma_start3A_70 = arith.constant 0 : i32
    %dma_start3A_71 = tpu.memref_slice %arg2[%add3A, %dma_start3A_59, %dma_start3A_70] : memref<32x125x80xi32, #tpu.memory_space<hbm>> -> memref<1x1x80xi32, #tpu.memory_space<hbm>>
    %dma_start3A_72 = tpu.memref_squeeze %dma_start3A_71 : memref<1x1x80xi32, #tpu.memory_space<hbm>> -> memref<80xi32, #tpu.memory_space<hbm>>
    tpu.enqueue_dma source(%dma_start3A_72 : memref<80xi32, #tpu.memory_space<hbm>>) target(%dma_start3A_69 : memref<80xi32, #tpu.memory_space<vmem>>) target_semaphore(%arg27 : memref<!tpu.dma_semaphore, #tpu.memory_space<semaphore_mem>>)
    %dma_start3A_73 = arith.constant 5 : i32
    %dma_start3A_74 = arith.constant 1 : i32
    %dma_start3A_75 = arith.constant 0 : i32
    %dma_start3A_76 = tpu.memref_slice %arg13[%dma_start3A_74, %dma_start3A_75] : memref<2x80xi32, #tpu.memory_space<vmem>> -> memref<1x80xi32, #tpu.memory_space<vmem>>
    %dma_start3A_77 = tpu.memref_squeeze %dma_start3A_76 : memref<1x80xi32, #tpu.memory_space<vmem>> -> memref<80xi32, #tpu.memory_space<vmem>>
    %dma_start3A_78 = arith.constant 0 : i32
    %dma_start3A_79 = tpu.memref_slice %arg2[%add3A, %dma_start3A_73, %dma_start3A_78] : memref<32x125x80xi32, #tpu.memory_space<hbm>> -> memref<1x1x80xi32, #tpu.memory_space<hbm>>
    %dma_start3A_80 = tpu.memref_squeeze %dma_start3A_79 : memref<1x1x80xi32, #tpu.memory_space<hbm>> -> memref<80xi32, #tpu.memory_space<hbm>>
    %dma_start3A_81 = arith.constant 0 : i32
    %dma_start3A_82 = tpu.memref_slice %arg13[%dma_start3A_74, %dma_start3A_81] : memref<2x80xi32, #tpu.memory_space<vmem>> -> memref<1x80xi32, #tpu.memory_space<vmem>>
    %dma_start3A_83 = tpu.memref_squeeze %dma_start3A_82 : memref<1x80xi32, #tpu.memory_space<vmem>> -> memref<80xi32, #tpu.memory_space<vmem>>
    %dma_start3A_84 = arith.constant 0 : i32
    %dma_start3A_85 = tpu.memref_slice %arg2[%add3A, %dma_start3A_73, %dma_start3A_84] : memref<32x125x80xi32, #tpu.memory_space<hbm>> -> memref<1x1x80xi32, #tpu.memory_space<hbm>>
    %dma_start3A_86 = tpu.memref_squeeze %dma_start3A_85 : memref<1x1x80xi32, #tpu.memory_space<hbm>> -> memref<80xi32, #tpu.memory_space<hbm>>
    tpu.enqueue_dma source(%dma_start3A_86 : memref<80xi32, #tpu.memory_space<hbm>>) target(%dma_start3A_83 : memref<80xi32, #tpu.memory_space<vmem>>) target_semaphore(%arg29 : memref<!tpu.dma_semaphore, #tpu.memory_space<semaphore_mem>>)
    %dma_start3A_87 = arith.constant 6 : i32
    %dma_start3A_88 = arith.constant 1 : i32
    %dma_start3A_89 = arith.constant 0 : i32
    %dma_start3A_90 = tpu.memref_slice %arg14[%dma_start3A_88, %dma_start3A_89] : memref<2x80xi32, #tpu.memory_space<vmem>> -> memref<1x80xi32, #tpu.memory_space<vmem>>
    %dma_start3A_91 = tpu.memref_squeeze %dma_start3A_90 : memref<1x80xi32, #tpu.memory_space<vmem>> -> memref<80xi32, #tpu.memory_space<vmem>>
    %dma_start3A_92 = arith.constant 0 : i32
    %dma_start3A_93 = tpu.memref_slice %arg2[%add3A, %dma_start3A_87, %dma_start3A_92] : memref<32x125x80xi32, #tpu.memory_space<hbm>> -> memref<1x1x80xi32, #tpu.memory_space<hbm>>
    %dma_start3A_94 = tpu.memref_squeeze %dma_start3A_93 : memref<1x1x80xi32, #tpu.memory_space<hbm>> -> memref<80xi32, #tpu.memory_space<hbm>>
    %dma_start3A_95 = arith.constant 0 : i32
    %dma_start3A_96 = tpu.memref_slice %arg14[%dma_start3A_88, %dma_start3A_95] : memref<2x80xi32, #tpu.memory_space<vmem>> -> memref<1x80xi32, #tpu.memory_space<vmem>>
    %dma_start3A_97 = tpu.memref_squeeze %dma_start3A_96 : memref<1x80xi32, #tpu.memory_space<vmem>> -> memref<80xi32, #tpu.memory_space<vmem>>
    %dma_start3A_98 = arith.constant 0 : i32
    %dma_start3A_99 = tpu.memref_slice %arg2[%add3A, %dma_start3A_87, %dma_start3A_98] : memref<32x125x80xi32, #tpu.memory_space<hbm>> -> memref<1x1x80xi32, #tpu.memory_space<hbm>>
    %dma_start3A_100 = tpu.memref_squeeze %dma_start3A_99 : memref<1x1x80xi32, #tpu.memory_space<hbm>> -> memref<80xi32, #tpu.memory_space<hbm>>
    tpu.enqueue_dma source(%dma_start3A_100 : memref<80xi32, #tpu.memory_space<hbm>>) target(%dma_start3A_97 : memref<80xi32, #tpu.memory_space<vmem>>) target_semaphore(%arg31 : memref<!tpu.dma_semaphore, #tpu.memory_space<semaphore_mem>>)
    %dma_start3A_101 = arith.constant 7 : i32
    %dma_start3A_102 = arith.constant 1 : i32
    %dma_start3A_103 = arith.constant 0 : i32
    %dma_start3A_104 = tpu.memref_slice %arg15[%dma_start3A_102, %dma_start3A_103] : memref<2x80xi32, #tpu.memory_space<vmem>> -> memref<1x80xi32, #tpu.memory_space<vmem>>
    %dma_start3A_105 = tpu.memref_squeeze %dma_start3A_104 : memref<1x80xi32, #tpu.memory_space<vmem>> -> memref<80xi32, #tpu.memory_space<vmem>>
    %dma_start3A_106 = arith.constant 0 : i32
    %dma_start3A_107 = tpu.memref_slice %arg2[%add3A, %dma_start3A_101, %dma_start3A_106] : memref<32x125x80xi32, #tpu.memory_space<hbm>> -> memref<1x1x80xi32, #tpu.memory_space<hbm>>
    %dma_start3A_108 = tpu.memref_squeeze %dma_start3A_107 : memref<1x1x80xi32, #tpu.memory_space<hbm>> -> memref<80xi32, #tpu.memory_space<hbm>>
    %dma_start3A_109 = arith.constant 0 : i32
    %dma_start3A_110 = tpu.memref_slice %arg15[%dma_start3A_102, %dma_start3A_109] : memref<2x80xi32, #tpu.memory_space<vmem>> -> memref<1x80xi32, #tpu.memory_space<vmem>>
    %dma_start3A_111 = tpu.memref_squeeze %dma_start3A_110 : memref<1x80xi32, #tpu.memory_space<vmem>> -> memref<80xi32, #tpu.memory_space<vmem>>
    %dma_start3A_112 = arith.constant 0 : i32
    %dma_start3A_113 = tpu.memref_slice %arg2[%add3A, %dma_start3A_101, %dma_start3A_112] : memref<32x125x80xi32, #tpu.memory_space<hbm>> -> memref<1x1x80xi32, #tpu.memory_space<hbm>>
    %dma_start3A_114 = tpu.memref_squeeze %dma_start3A_113 : memref<1x1x80xi32, #tpu.memory_space<hbm>> -> memref<80xi32, #tpu.memory_space<hbm>>
    tpu.enqueue_dma source(%dma_start3A_114 : memref<80xi32, #tpu.memory_space<hbm>>) target(%dma_start3A_111 : memref<80xi32, #tpu.memory_space<vmem>>) target_semaphore(%arg33 : memref<!tpu.dma_semaphore, #tpu.memory_space<semaphore_mem>>)
    %scan3A = arith.constant 0 : i32
    %scan3A_115 = arith.constant 0 : i32
    %scan3A_116 = arith.constant 80 : i32
    %scan3A_117 = arith.addi %scan3A_115, %scan3A_116 : i32
    %scan3A_118 = arith.constant 1 : i32
    scf.for %scan3A_1168 = %scan3A_115 to %scan3A_117 step %scan3A_118  : i32 {
      %swap3A_1169 = arith.index_cast %scan3A_1168 : i32 to index
      %swap3A_1170 = arith.constant 0 : index
      %swap3A_1171 = tpu.vector_load %arg8[%swap3A_1169, %swap3A_1170] {strides = array<i32>} : memref<80x128xf32, #tpu.memory_space<vmem>>, vector<1x16xf32>,
      %swap3A_1172 = vector.shape_cast %swap3A_1171 : vector<1x16xf32> to vector<16xf32>
      %swap3A_1173 = vector.shape_cast %broadcast_in_dim3A_1 : vector<16xf32> to vector<1x16xf32>
      tpu.vector_store %arg8[%swap3A_1169, %swap3A_1170], %swap3A_1173 {strides = array<i32>} : memref<80x128xf32, #tpu.memory_space<vmem>>, vector<1x16xf32>,
      %swap3A_1174 = arith.index_cast %scan3A_1168 : i32 to index
      %swap3A_1175 = arith.constant 16 : index
      %swap3A_1176 = tpu.vector_load %arg8[%swap3A_1174, %swap3A_1175] {strides = array<i32>} : memref<80x128xf32, #tpu.memory_space<vmem>>, vector<1x16xf32>,
      %swap3A_1177 = vector.shape_cast %swap3A_1176 : vector<1x16xf32> to vector<16xf32>
      %swap3A_1178 = vector.shape_cast %broadcast_in_dim3A_1 : vector<16xf32> to vector<1x16xf32>
      tpu.vector_store %arg8[%swap3A_1174, %swap3A_1175], %swap3A_1178 {strides = array<i32>} : memref<80x128xf32, #tpu.memory_space<vmem>>, vector<1x16xf32>,
      %swap3A_1179 = arith.index_cast %scan3A_1168 : i32 to index
      %swap3A_1180 = arith.constant 32 : index
      %swap3A_1181 = tpu.vector_load %arg8[%swap3A_1179, %swap3A_1180] {strides = array<i32>} : memref<80x128xf32, #tpu.memory_space<vmem>>, vector<1x16xf32>,
      %swap3A_1182 = vector.shape_cast %swap3A_1181 : vector<1x16xf32> to vector<16xf32>
      %swap3A_1183 = vector.shape_cast %broadcast_in_dim3A_1 : vector<16xf32> to vector<1x16xf32>
      tpu.vector_store %arg8[%swap3A_1179, %swap3A_1180], %swap3A_1183 {strides = array<i32>} : memref<80x128xf32, #tpu.memory_space<vmem>>, vector<1x16xf32>,
      %swap3A_1184 = arith.index_cast %scan3A_1168 : i32 to index
      %swap3A_1185 = arith.constant 48 : index
      %swap3A_1186 = tpu.vector_load %arg8[%swap3A_1184, %swap3A_1185] {strides = array<i32>} : memref<80x128xf32, #tpu.memory_space<vmem>>, vector<1x16xf32>,
      %swap3A_1187 = vector.shape_cast %swap3A_1186 : vector<1x16xf32> to vector<16xf32>
      %swap3A_1188 = vector.shape_cast %broadcast_in_dim3A_1 : vector<16xf32> to vector<1x16xf32>
      tpu.vector_store %arg8[%swap3A_1184, %swap3A_1185], %swap3A_1188 {strides = array<i32>} : memref<80x128xf32, #tpu.memory_space<vmem>>, vector<1x16xf32>,
      %swap3A_1189 = arith.index_cast %scan3A_1168 : i32 to index
      %swap3A_1190 = arith.constant 64 : index
      %swap3A_1191 = tpu.vector_load %arg8[%swap3A_1189, %swap3A_1190] {strides = array<i32>} : memref<80x128xf32, #tpu.memory_space<vmem>>, vector<1x16xf32>,
      %swap3A_1192 = vector.shape_cast %swap3A_1191 : vector<1x16xf32> to vector<16xf32>
      %swap3A_1193 = vector.shape_cast %broadcast_in_dim3A_1 : vector<16xf32> to vector<1x16xf32>
      tpu.vector_store %arg8[%swap3A_1189, %swap3A_1190], %swap3A_1193 {strides = array<i32>} : memref<80x128xf32, #tpu.memory_space<vmem>>, vector<1x16xf32>,
      %swap3A_1194 = arith.index_cast %scan3A_1168 : i32 to index
      %swap3A_1195 = arith.constant 80 : index
      %swap3A_1196 = tpu.vector_load %arg8[%swap3A_1194, %swap3A_1195] {strides = array<i32>} : memref<80x128xf32, #tpu.memory_space<vmem>>, vector<1x16xf32>,
      %swap3A_1197 = vector.shape_cast %swap3A_1196 : vector<1x16xf32> to vector<16xf32>
      %swap3A_1198 = vector.shape_cast %broadcast_in_dim3A_1 : vector<16xf32> to vector<1x16xf32>
      tpu.vector_store %arg8[%swap3A_1194, %swap3A_1195], %swap3A_1198 {strides = array<i32>} : memref<80x128xf32, #tpu.memory_space<vmem>>, vector<1x16xf32>,
      %swap3A_1199 = arith.index_cast %scan3A_1168 : i32 to index
      %swap3A_1200 = arith.constant 96 : index
      %swap3A_1201 = tpu.vector_load %arg8[%swap3A_1199, %swap3A_1200] {strides = array<i32>} : memref<80x128xf32, #tpu.memory_space<vmem>>, vector<1x16xf32>,
      %swap3A_1202 = vector.shape_cast %swap3A_1201 : vector<1x16xf32> to vector<16xf32>
      %swap3A_1203 = vector.shape_cast %broadcast_in_dim3A_1 : vector<16xf32> to vector<1x16xf32>
      tpu.vector_store %arg8[%swap3A_1199, %swap3A_1200], %swap3A_1203 {strides = array<i32>} : memref<80x128xf32, #tpu.memory_space<vmem>>, vector<1x16xf32>,
      %swap3A_1204 = arith.index_cast %scan3A_1168 : i32 to index
      %swap3A_1205 = arith.constant 112 : index
      %swap3A_1206 = tpu.vector_load %arg8[%swap3A_1204, %swap3A_1205] {strides = array<i32>} : memref<80x128xf32, #tpu.memory_space<vmem>>, vector<1x16xf32>,
      %swap3A_1207 = vector.shape_cast %swap3A_1206 : vector<1x16xf32> to vector<16xf32>
      %swap3A_1208 = vector.shape_cast %broadcast_in_dim3A_1 : vector<16xf32> to vector<1x16xf32>
      tpu.vector_store %arg8[%swap3A_1204, %swap3A_1205], %swap3A_1208 {strides = array<i32>} : memref<80x128xf32, #tpu.memory_space<vmem>>, vector<1x16xf32>,
    }
    %scan3A_119 = arith.constant 80 : i32
    %scan3A_120 = arith.constant 0 : i32
    %scan3A_121 = arith.constant 0 : i32
    %scan3A_122 = arith.constant 40 : i32
    %scan3A_123 = arith.addi %scan3A_121, %scan3A_122 : i32
    %scan3A_124 = arith.constant 1 : i32
    scf.for %scan3A_1168 = %scan3A_121 to %scan3A_123 step %scan3A_124  : i32 {
      %mul3A_1169 = arith.constant 16 : i32
      %mul3A_1170 = arith.muli %scan3A_1168, %mul3A_1169 : i32
      %swap3A_1171 = arith.index_cast %mul3A_1170 : i32 to index
      %swap3A_1172 = tpu.vector_load %arg24[%swap3A_1171] {strides = array<i32>} : memref<640xf32, #tpu.memory_space<vmem>>, vector<16xf32>,
      %swap3A_1173 = vector.shape_cast %swap3A_1172 : vector<16xf32> to vector<16xf32>
      %swap3A_1174 = vector.shape_cast %broadcast_in_dim3A_1 : vector<16xf32> to vector<16xf32>
      tpu.vector_store %arg24[%swap3A_1171], %swap3A_1174 {strides = array<i32>} : memref<640xf32, #tpu.memory_space<vmem>>, vector<16xf32>,
    }
    %scan3A_125 = arith.constant 40 : i32
    %swap3A = arith.constant 0 : index
    %swap3A_126 = tpu.vector_load %arg25[%swap3A] {strides = array<i32>} : memref<80xf32, #tpu.memory_space<vmem>>, vector<16xf32>,
    %swap3A_127 = vector.shape_cast %swap3A_126 : vector<16xf32> to vector<16xf32>
    %swap3A_128 = vector.shape_cast %broadcast_in_dim3A_3 : vector<16xf32> to vector<16xf32>
    tpu.vector_store %arg25[%swap3A], %swap3A_128 {strides = array<i32>} : memref<80xf32, #tpu.memory_space<vmem>>, vector<16xf32>,
    %swap3A_129 = arith.constant 16 : index
    %swap3A_130 = tpu.vector_load %arg25[%swap3A_129] {strides = array<i32>} : memref<80xf32, #tpu.memory_space<vmem>>, vector<16xf32>,
    %swap3A_131 = vector.shape_cast %swap3A_130 : vector<16xf32> to vector<16xf32>
    %swap3A_132 = vector.shape_cast %broadcast_in_dim3A_3 : vector<16xf32> to vector<16xf32>
    tpu.vector_store %arg25[%swap3A_129], %swap3A_132 {strides = array<i32>} : memref<80xf32, #tpu.memory_space<vmem>>, vector<16xf32>,
    %swap3A_133 = arith.constant 32 : index
    %swap3A_134 = tpu.vector_load %arg25[%swap3A_133] {strides = array<i32>} : memref<80xf32, #tpu.memory_space<vmem>>, vector<16xf32>,
    %swap3A_135 = vector.shape_cast %swap3A_134 : vector<16xf32> to vector<16xf32>
    %swap3A_136 = vector.shape_cast %broadcast_in_dim3A_3 : vector<16xf32> to vector<16xf32>
    tpu.vector_store %arg25[%swap3A_133], %swap3A_136 {strides = array<i32>} : memref<80xf32, #tpu.memory_space<vmem>>, vector<16xf32>,
    %swap3A_137 = arith.constant 48 : index
    %swap3A_138 = tpu.vector_load %arg25[%swap3A_137] {strides = array<i32>} : memref<80xf32, #tpu.memory_space<vmem>>, vector<16xf32>,
    %swap3A_139 = vector.shape_cast %swap3A_138 : vector<16xf32> to vector<16xf32>
    %swap3A_140 = vector.shape_cast %broadcast_in_dim3A_3 : vector<16xf32> to vector<16xf32>
    tpu.vector_store %arg25[%swap3A_137], %swap3A_140 {strides = array<i32>} : memref<80xf32, #tpu.memory_space<vmem>>, vector<16xf32>,
    %swap3A_141 = arith.constant 64 : index
    %swap3A_142 = tpu.vector_load %arg25[%swap3A_141] {strides = array<i32>} : memref<80xf32, #tpu.memory_space<vmem>>, vector<16xf32>,
    %swap3A_143 = vector.shape_cast %swap3A_142 : vector<16xf32> to vector<16xf32>
    %swap3A_144 = vector.shape_cast %broadcast_in_dim3A_3 : vector<16xf32> to vector<16xf32>
    tpu.vector_store %arg25[%swap3A_141], %swap3A_144 {strides = array<i32>} : memref<80xf32, #tpu.memory_space<vmem>>, vector<16xf32>,
    %mul3A_145 = arith.constant 640 : i32
    %mul3A_146 = arith.muli %arg1, %mul3A_145 : i32
    %add3A_147 = arith.constant 0 : i32
    %add3A_148 = arith.addi %mul3A_146, %add3A_147 : i32
    %lt3A = arith.constant 10000 : i32
    %lt3A_149 = arith.cmpi slt, %add3A_148, %lt3A : i32
    %convert_element_type3A = arith.extui %lt3A_149 : i1 to i32
    %cond3A = arith.constant 0 : i32
    %cond3A_150 = arith.cmpi ne, %convert_element_type3A, %cond3A : i32
    scf.if %cond3A_150 {
      %dma_start3A_1168 = arith.constant 0 : i32
      %dma_start3A_1169 = tpu.memref_slice %arg6[%add3A_148, %dma_start3A_1168] : memref<10000x128xf32, #tpu.memory_space<vmem_shared>> -> memref<80x128xf32, #tpu.memory_space<vmem_shared>>
      %dma_start3A_1170 = arith.constant 0 : i32
      %dma_start3A_1171 = tpu.memref_slice %arg6[%add3A_148, %dma_start3A_1170] : memref<10000x128xf32, #tpu.memory_space<vmem_shared>> -> memref<80x128xf32, #tpu.memory_space<vmem_shared>>
      tpu.enqueue_dma source(%arg8 : memref<80x128xf32, #tpu.memory_space<vmem>>) target(%dma_start3A_1171 : memref<80x128xf32, #tpu.memory_space<vmem_shared>>) target_semaphore(%arg42 : memref<!tpu.dma_semaphore, #tpu.memory_space<semaphore_mem>>)
    } else {
    }
    %mul3A_151 = arith.constant 640 : i32
    %mul3A_152 = arith.muli %arg1, %mul3A_151 : i32
    %add3A_153 = arith.constant 80 : i32
    %add3A_154 = arith.addi %mul3A_152, %add3A_153 : i32
    %lt3A_155 = arith.constant 10000 : i32
    %lt3A_156 = arith.cmpi slt, %add3A_154, %lt3A_155 : i32
    %convert_element_type3A_157 = arith.extui %lt3A_156 : i1 to i32
    %cond3A_158 = arith.constant 0 : i32
    %cond3A_159 = arith.cmpi ne, %convert_element_type3A_157, %cond3A_158 : i32
    scf.if %cond3A_159 {
      %dma_start3A_1168 = arith.constant 0 : i32
      %dma_start3A_1169 = tpu.memref_slice %arg6[%add3A_154, %dma_start3A_1168] : memref<10000x128xf32, #tpu.memory_space<vmem_shared>> -> memref<80x128xf32, #tpu.memory_space<vmem_shared>>
      %dma_start3A_1170 = arith.constant 0 : i32
      %dma_start3A_1171 = tpu.memref_slice %arg6[%add3A_154, %dma_start3A_1170] : memref<10000x128xf32, #tpu.memory_space<vmem_shared>> -> memref<80x128xf32, #tpu.memory_space<vmem_shared>>
      tpu.enqueue_dma source(%arg8 : memref<80x128xf32, #tpu.memory_space<vmem>>) target(%dma_start3A_1171 : memref<80x128xf32, #tpu.memory_space<vmem_shared>>) target_semaphore(%arg42 : memref<!tpu.dma_semaphore, #tpu.memory_space<semaphore_mem>>)
    } else {
    }
    %mul3A_160 = arith.constant 640 : i32
    %mul3A_161 = arith.muli %arg1, %mul3A_160 : i32
    %add3A_162 = arith.constant 160 : i32
    %add3A_163 = arith.addi %mul3A_161, %add3A_162 : i32
    %lt3A_164 = arith.constant 10000 : i32
    %lt3A_165 = arith.cmpi slt, %add3A_163, %lt3A_164 : i32
    %convert_element_type3A_166 = arith.extui %lt3A_165 : i1 to i32
    %cond3A_167 = arith.constant 0 : i32
    %cond3A_168 = arith.cmpi ne, %convert_element_type3A_166, %cond3A_167 : i32
    scf.if %cond3A_168 {
      %dma_start3A_1168 = arith.constant 0 : i32
      %dma_start3A_1169 = tpu.memref_slice %arg6[%add3A_163, %dma_start3A_1168] : memref<10000x128xf32, #tpu.memory_space<vmem_shared>> -> memref<80x128xf32, #tpu.memory_space<vmem_shared>>
      %dma_start3A_1170 = arith.constant 0 : i32
      %dma_start3A_1171 = tpu.memref_slice %arg6[%add3A_163, %dma_start3A_1170] : memref<10000x128xf32, #tpu.memory_space<vmem_shared>> -> memref<80x128xf32, #tpu.memory_space<vmem_shared>>
      tpu.enqueue_dma source(%arg8 : memref<80x128xf32, #tpu.memory_space<vmem>>) target(%dma_start3A_1171 : memref<80x128xf32, #tpu.memory_space<vmem_shared>>) target_semaphore(%arg42 : memref<!tpu.dma_semaphore, #tpu.memory_space<semaphore_mem>>)
    } else {
    }
    %mul3A_169 = arith.constant 640 : i32
    %mul3A_170 = arith.muli %arg1, %mul3A_169 : i32
    %add3A_171 = arith.constant 240 : i32
    %add3A_172 = arith.addi %mul3A_170, %add3A_171 : i32
    %lt3A_173 = arith.constant 10000 : i32
    %lt3A_174 = arith.cmpi slt, %add3A_172, %lt3A_173 : i32
    %convert_element_type3A_175 = arith.extui %lt3A_174 : i1 to i32
    %cond3A_176 = arith.constant 0 : i32
    %cond3A_177 = arith.cmpi ne, %convert_element_type3A_175, %cond3A_176 : i32
    scf.if %cond3A_177 {
      %dma_start3A_1168 = arith.constant 0 : i32
      %dma_start3A_1169 = tpu.memref_slice %arg6[%add3A_172, %dma_start3A_1168] : memref<10000x128xf32, #tpu.memory_space<vmem_shared>> -> memref<80x128xf32, #tpu.memory_space<vmem_shared>>
      %dma_start3A_1170 = arith.constant 0 : i32
      %dma_start3A_1171 = tpu.memref_slice %arg6[%add3A_172, %dma_start3A_1170] : memref<10000x128xf32, #tpu.memory_space<vmem_shared>> -> memref<80x128xf32, #tpu.memory_space<vmem_shared>>
      tpu.enqueue_dma source(%arg8 : memref<80x128xf32, #tpu.memory_space<vmem>>) target(%dma_start3A_1171 : memref<80x128xf32, #tpu.memory_space<vmem_shared>>) target_semaphore(%arg42 : memref<!tpu.dma_semaphore, #tpu.memory_space<semaphore_mem>>)
    } else {
    }
    %mul3A_178 = arith.constant 640 : i32
    %mul3A_179 = arith.muli %arg1, %mul3A_178 : i32
    %add3A_180 = arith.constant 320 : i32
    %add3A_181 = arith.addi %mul3A_179, %add3A_180 : i32
    %lt3A_182 = arith.constant 10000 : i32
    %lt3A_183 = arith.cmpi slt, %add3A_181, %lt3A_182 : i32
    %convert_element_type3A_184 = arith.extui %lt3A_183 : i1 to i32
    %cond3A_185 = arith.constant 0 : i32
    %cond3A_186 = arith.cmpi ne, %convert_element_type3A_184, %cond3A_185 : i32
    scf.if %cond3A_186 {
      %dma_start3A_1168 = arith.constant 0 : i32
      %dma_start3A_1169 = tpu.memref_slice %arg6[%add3A_181, %dma_start3A_1168] : memref<10000x128xf32, #tpu.memory_space<vmem_shared>> -> memref<80x128xf32, #tpu.memory_space<vmem_shared>>
      %dma_start3A_1170 = arith.constant 0 : i32
      %dma_start3A_1171 = tpu.memref_slice %arg6[%add3A_181, %dma_start3A_1170] : memref<10000x128xf32, #tpu.memory_space<vmem_shared>> -> memref<80x128xf32, #tpu.memory_space<vmem_shared>>
      tpu.enqueue_dma source(%arg8 : memref<80x128xf32, #tpu.memory_space<vmem>>) target(%dma_start3A_1171 : memref<80x128xf32, #tpu.memory_space<vmem_shared>>) target_semaphore(%arg42 : memref<!tpu.dma_semaphore, #tpu.memory_space<semaphore_mem>>)
    } else {
    }
    %mul3A_187 = arith.constant 640 : i32
    %mul3A_188 = arith.muli %arg1, %mul3A_187 : i32
    %add3A_189 = arith.constant 400 : i32
    %add3A_190 = arith.addi %mul3A_188, %add3A_189 : i32
    %lt3A_191 = arith.constant 10000 : i32
    %lt3A_192 = arith.cmpi slt, %add3A_190, %lt3A_191 : i32
    %convert_element_type3A_193 = arith.extui %lt3A_192 : i1 to i32
    %cond3A_194 = arith.constant 0 : i32
    %cond3A_195 = arith.cmpi ne, %convert_element_type3A_193, %cond3A_194 : i32
    scf.if %cond3A_195 {
      %dma_start3A_1168 = arith.constant 0 : i32
      %dma_start3A_1169 = tpu.memref_slice %arg6[%add3A_190, %dma_start3A_1168] : memref<10000x128xf32, #tpu.memory_space<vmem_shared>> -> memref<80x128xf32, #tpu.memory_space<vmem_shared>>
      %dma_start3A_1170 = arith.constant 0 : i32
      %dma_start3A_1171 = tpu.memref_slice %arg6[%add3A_190, %dma_start3A_1170] : memref<10000x128xf32, #tpu.memory_space<vmem_shared>> -> memref<80x128xf32, #tpu.memory_space<vmem_shared>>
      tpu.enqueue_dma source(%arg8 : memref<80x128xf32, #tpu.memory_space<vmem>>) target(%dma_start3A_1171 : memref<80x128xf32, #tpu.memory_space<vmem_shared>>) target_semaphore(%arg42 : memref<!tpu.dma_semaphore, #tpu.memory_space<semaphore_mem>>)
    } else {
    }
    %mul3A_196 = arith.constant 640 : i32
    %mul3A_197 = arith.muli %arg1, %mul3A_196 : i32
    %add3A_198 = arith.constant 480 : i32
    %add3A_199 = arith.addi %mul3A_197, %add3A_198 : i32
    %lt3A_200 = arith.constant 10000 : i32
    %lt3A_201 = arith.cmpi slt, %add3A_199, %lt3A_200 : i32
    %convert_element_type3A_202 = arith.extui %lt3A_201 : i1 to i32
    %cond3A_203 = arith.constant 0 : i32
    %cond3A_204 = arith.cmpi ne, %convert_element_type3A_202, %cond3A_203 : i32
    scf.if %cond3A_204 {
      %dma_start3A_1168 = arith.constant 0 : i32
      %dma_start3A_1169 = tpu.memref_slice %arg6[%add3A_199, %dma_start3A_1168] : memref<10000x128xf32, #tpu.memory_space<vmem_shared>> -> memref<80x128xf32, #tpu.memory_space<vmem_shared>>
      %dma_start3A_1170 = arith.constant 0 : i32
      %dma_start3A_1171 = tpu.memref_slice %arg6[%add3A_199, %dma_start3A_1170] : memref<10000x128xf32, #tpu.memory_space<vmem_shared>> -> memref<80x128xf32, #tpu.memory_space<vmem_shared>>
      tpu.enqueue_dma source(%arg8 : memref<80x128xf32, #tpu.memory_space<vmem>>) target(%dma_start3A_1171 : memref<80x128xf32, #tpu.memory_space<vmem_shared>>) target_semaphore(%arg42 : memref<!tpu.dma_semaphore, #tpu.memory_space<semaphore_mem>>)
    } else {
    }
    %mul3A_205 = arith.constant 640 : i32
    %mul3A_206 = arith.muli %arg1, %mul3A_205 : i32
    %add3A_207 = arith.constant 560 : i32
    %add3A_208 = arith.addi %mul3A_206, %add3A_207 : i32
    %lt3A_209 = arith.constant 10000 : i32
    %lt3A_210 = arith.cmpi slt, %add3A_208, %lt3A_209 : i32
    %convert_element_type3A_211 = arith.extui %lt3A_210 : i1 to i32
    %cond3A_212 = arith.constant 0 : i32
    %cond3A_213 = arith.cmpi ne, %convert_element_type3A_211, %cond3A_212 : i32
    scf.if %cond3A_213 {
      %dma_start3A_1168 = arith.constant 0 : i32
      %dma_start3A_1169 = tpu.memref_slice %arg6[%add3A_208, %dma_start3A_1168] : memref<10000x128xf32, #tpu.memory_space<vmem_shared>> -> memref<80x128xf32, #tpu.memory_space<vmem_shared>>
      %dma_start3A_1170 = arith.constant 0 : i32
      %dma_start3A_1171 = tpu.memref_slice %arg6[%add3A_208, %dma_start3A_1170] : memref<10000x128xf32, #tpu.memory_space<vmem_shared>> -> memref<80x128xf32, #tpu.memory_space<vmem_shared>>
      tpu.enqueue_dma source(%arg8 : memref<80x128xf32, #tpu.memory_space<vmem>>) target(%dma_start3A_1171 : memref<80x128xf32, #tpu.memory_space<vmem_shared>>) target_semaphore(%arg42 : memref<!tpu.dma_semaphore, #tpu.memory_space<semaphore_mem>>)
    } else {
    }
    %mul3A_214 = arith.constant 640 : i32
    %mul3A_215 = arith.muli %arg1, %mul3A_214 : i32
    "tpu.region"() ({
      %run_scoped3A_1168 = tpu.sem_alloc : memref<!tpu.dma_semaphore, #tpu.memory_space<semaphore_mem>>
      %dma_start3A_1169 = tpu.memref_slice %arg7[%mul3A_215] : memref<10240xf32, #tpu.memory_space<vmem_shared>> -> memref<640xf32, #tpu.memory_space<vmem_shared>>
      %dma_start3A_1170 = tpu.memref_slice %arg7[%mul3A_215] : memref<10240xf32, #tpu.memory_space<vmem_shared>> -> memref<640xf32, #tpu.memory_space<vmem_shared>>
      tpu.enqueue_dma source(%arg24 : memref<640xf32, #tpu.memory_space<vmem>>) target(%dma_start3A_1170 : memref<640xf32, #tpu.memory_space<vmem_shared>>) target_semaphore(%run_scoped3A_1168 : memref<!tpu.dma_semaphore, #tpu.memory_space<semaphore_mem>>)
      %dma_wait3A_1171 = tpu.memref_slice %arg7[%mul3A_215] : memref<10240xf32, #tpu.memory_space<vmem_shared>> -> memref<640xf32, #tpu.memory_space<vmem_shared>>
      %dma_wait3A_1172 = tpu.memref_slice %arg7[%mul3A_215] : memref<10240xf32, #tpu.memory_space<vmem_shared>> -> memref<640xf32, #tpu.memory_space<vmem_shared>>
      tpu.wait_dma2 semaphore(%run_scoped3A_1168 : memref<!tpu.dma_semaphore, #tpu.memory_space<semaphore_mem>>) src(%arg24 : memref<640xf32, #tpu.memory_space<vmem>>) dst(%dma_wait3A_1172 : memref<640xf32, #tpu.memory_space<vmem_shared>>)
      tpu.yield
    }) : () -> ()
    %mul3A_216 = arith.constant 640 : i32
    %mul3A_217 = arith.muli %arg1, %mul3A_216 : i32
    %add3A_218 = arith.constant 0 : i32
    %add3A_219 = arith.addi %mul3A_217, %add3A_218 : i32
    %lt3A_220 = arith.constant 10000 : i32
    %lt3A_221 = arith.cmpi slt, %add3A_219, %lt3A_220 : i32
    %convert_element_type3A_222 = arith.extui %lt3A_221 : i1 to i32
    %cond3A_223 = arith.constant 0 : i32
    %cond3A_224 = arith.cmpi ne, %convert_element_type3A_222, %cond3A_223 : i32
    scf.if %cond3A_224 {
      %dma_wait3A_1168 = arith.constant 0 : i32
      %dma_wait3A_1169 = arith.constant 0 : i32
      %dma_wait3A_1170 = tpu.memref_slice %arg3[%dma_wait3A_1168, %dma_wait3A_1169] : memref<10000x128xf32, #tpu.memory_space<hbm>> -> memref<80x128xf32, #tpu.memory_space<hbm>>
      %dma_wait3A_1171 = arith.constant 0 : i32
      %dma_wait3A_1172 = arith.constant 0 : i32
      %dma_wait3A_1173 = tpu.memref_slice %arg3[%dma_wait3A_1171, %dma_wait3A_1172] : memref<10000x128xf32, #tpu.memory_space<hbm>> -> memref<80x128xf32, #tpu.memory_space<hbm>>
      tpu.wait_dma2 semaphore(%arg42 : memref<!tpu.dma_semaphore, #tpu.memory_space<semaphore_mem>>) src(%dma_wait3A_1173 : memref<80x128xf32, #tpu.memory_space<hbm>>) dst(%arg8 : memref<80x128xf32, #tpu.memory_space<vmem>>)
    } else {
    }
    %mul3A_225 = arith.constant 640 : i32
    %mul3A_226 = arith.muli %arg1, %mul3A_225 : i32
    %add3A_227 = arith.constant 80 : i32
    %add3A_228 = arith.addi %mul3A_226, %add3A_227 : i32
    %lt3A_229 = arith.constant 10000 : i32
    %lt3A_230 = arith.cmpi slt, %add3A_228, %lt3A_229 : i32
    %convert_element_type3A_231 = arith.extui %lt3A_230 : i1 to i32
    %cond3A_232 = arith.constant 0 : i32
    %cond3A_233 = arith.cmpi ne, %convert_element_type3A_231, %cond3A_232 : i32
    scf.if %cond3A_233 {
      %dma_wait3A_1168 = arith.constant 0 : i32
      %dma_wait3A_1169 = arith.constant 0 : i32
      %dma_wait3A_1170 = tpu.memref_slice %arg3[%dma_wait3A_1168, %dma_wait3A_1169] : memref<10000x128xf32, #tpu.memory_space<hbm>> -> memref<80x128xf32, #tpu.memory_space<hbm>>
      %dma_wait3A_1171 = arith.constant 0 : i32
      %dma_wait3A_1172 = arith.constant 0 : i32
      %dma_wait3A_1173 = tpu.memref_slice %arg3[%dma_wait3A_1171, %dma_wait3A_1172] : memref<10000x128xf32, #tpu.memory_space<hbm>> -> memref<80x128xf32, #tpu.memory_space<hbm>>
      tpu.wait_dma2 semaphore(%arg42 : memref<!tpu.dma_semaphore, #tpu.memory_space<semaphore_mem>>) src(%dma_wait3A_1173 : memref<80x128xf32, #tpu.memory_space<hbm>>) dst(%arg8 : memref<80x128xf32, #tpu.memory_space<vmem>>)
    } else {
    }
    %mul3A_234 = arith.constant 640 : i32
    %mul3A_235 = arith.muli %arg1, %mul3A_234 : i32
    %add3A_236 = arith.constant 160 : i32
    %add3A_237 = arith.addi %mul3A_235, %add3A_236 : i32
    %lt3A_238 = arith.constant 10000 : i32
    %lt3A_239 = arith.cmpi slt, %add3A_237, %lt3A_238 : i32
    %convert_element_type3A_240 = arith.extui %lt3A_239 : i1 to i32
    %cond3A_241 = arith.constant 0 : i32
    %cond3A_242 = arith.cmpi ne, %convert_element_type3A_240, %cond3A_241 : i32
    scf.if %cond3A_242 {
      %dma_wait3A_1168 = arith.constant 0 : i32
      %dma_wait3A_1169 = arith.constant 0 : i32
      %dma_wait3A_1170 = tpu.memref_slice %arg3[%dma_wait3A_1168, %dma_wait3A_1169] : memref<10000x128xf32, #tpu.memory_space<hbm>> -> memref<80x128xf32, #tpu.memory_space<hbm>>
      %dma_wait3A_1171 = arith.constant 0 : i32
      %dma_wait3A_1172 = arith.constant 0 : i32
      %dma_wait3A_1173 = tpu.memref_slice %arg3[%dma_wait3A_1171, %dma_wait3A_1172] : memref<10000x128xf32, #tpu.memory_space<hbm>> -> memref<80x128xf32, #tpu.memory_space<hbm>>
      tpu.wait_dma2 semaphore(%arg42 : memref<!tpu.dma_semaphore, #tpu.memory_space<semaphore_mem>>) src(%dma_wait3A_1173 : memref<80x128xf32, #tpu.memory_space<hbm>>) dst(%arg8 : memref<80x128xf32, #tpu.memory_space<vmem>>)
    } else {
    }
    %mul3A_243 = arith.constant 640 : i32
    %mul3A_244 = arith.muli %arg1, %mul3A_243 : i32
    %add3A_245 = arith.constant 240 : i32
    %add3A_246 = arith.addi %mul3A_244, %add3A_245 : i32
    %lt3A_247 = arith.constant 10000 : i32
    %lt3A_248 = arith.cmpi slt, %add3A_246, %lt3A_247 : i32
    %convert_element_type3A_249 = arith.extui %lt3A_248 : i1 to i32
    %cond3A_250 = arith.constant 0 : i32
    %cond3A_251 = arith.cmpi ne, %convert_element_type3A_249, %cond3A_250 : i32
    scf.if %cond3A_251 {
      %dma_wait3A_1168 = arith.constant 0 : i32
      %dma_wait3A_1169 = arith.constant 0 : i32
      %dma_wait3A_1170 = tpu.memref_slice %arg3[%dma_wait3A_1168, %dma_wait3A_1169] : memref<10000x128xf32, #tpu.memory_space<hbm>> -> memref<80x128xf32, #tpu.memory_space<hbm>>
      %dma_wait3A_1171 = arith.constant 0 : i32
      %dma_wait3A_1172 = arith.constant 0 : i32
      %dma_wait3A_1173 = tpu.memref_slice %arg3[%dma_wait3A_1171, %dma_wait3A_1172] : memref<10000x128xf32, #tpu.memory_space<hbm>> -> memref<80x128xf32, #tpu.memory_space<hbm>>
      tpu.wait_dma2 semaphore(%arg42 : memref<!tpu.dma_semaphore, #tpu.memory_space<semaphore_mem>>) src(%dma_wait3A_1173 : memref<80x128xf32, #tpu.memory_space<hbm>>) dst(%arg8 : memref<80x128xf32, #tpu.memory_space<vmem>>)
    } else {
    }
    %mul3A_252 = arith.constant 640 : i32
    %mul3A_253 = arith.muli %arg1, %mul3A_252 : i32
    %add3A_254 = arith.constant 320 : i32
    %add3A_255 = arith.addi %mul3A_253, %add3A_254 : i32
    %lt3A_256 = arith.constant 10000 : i32
    %lt3A_257 = arith.cmpi slt, %add3A_255, %lt3A_256 : i32
    %convert_element_type3A_258 = arith.extui %lt3A_257 : i1 to i32
    %cond3A_259 = arith.constant 0 : i32
    %cond3A_260 = arith.cmpi ne, %convert_element_type3A_258, %cond3A_259 : i32
    scf.if %cond3A_260 {
      %dma_wait3A_1168 = arith.constant 0 : i32
      %dma_wait3A_1169 = arith.constant 0 : i32
      %dma_wait3A_1170 = tpu.memref_slice %arg3[%dma_wait3A_1168, %dma_wait3A_1169] : memref<10000x128xf32, #tpu.memory_space<hbm>> -> memref<80x128xf32, #tpu.memory_space<hbm>>
      %dma_wait3A_1171 = arith.constant 0 : i32
      %dma_wait3A_1172 = arith.constant 0 : i32
      %dma_wait3A_1173 = tpu.memref_slice %arg3[%dma_wait3A_1171, %dma_wait3A_1172] : memref<10000x128xf32, #tpu.memory_space<hbm>> -> memref<80x128xf32, #tpu.memory_space<hbm>>
      tpu.wait_dma2 semaphore(%arg42 : memref<!tpu.dma_semaphore, #tpu.memory_space<semaphore_mem>>) src(%dma_wait3A_1173 : memref<80x128xf32, #tpu.memory_space<hbm>>) dst(%arg8 : memref<80x128xf32, #tpu.memory_space<vmem>>)
    } else {
    }
    %mul3A_261 = arith.constant 640 : i32
    %mul3A_262 = arith.muli %arg1, %mul3A_261 : i32
    %add3A_263 = arith.constant 400 : i32
    %add3A_264 = arith.addi %mul3A_262, %add3A_263 : i32
    %lt3A_265 = arith.constant 10000 : i32
    %lt3A_266 = arith.cmpi slt, %add3A_264, %lt3A_265 : i32
    %convert_element_type3A_267 = arith.extui %lt3A_266 : i1 to i32
    %cond3A_268 = arith.constant 0 : i32
    %cond3A_269 = arith.cmpi ne, %convert_element_type3A_267, %cond3A_268 : i32
    scf.if %cond3A_269 {
      %dma_wait3A_1168 = arith.constant 0 : i32
      %dma_wait3A_1169 = arith.constant 0 : i32
      %dma_wait3A_1170 = tpu.memref_slice %arg3[%dma_wait3A_1168, %dma_wait3A_1169] : memref<10000x128xf32, #tpu.memory_space<hbm>> -> memref<80x128xf32, #tpu.memory_space<hbm>>
      %dma_wait3A_1171 = arith.constant 0 : i32
      %dma_wait3A_1172 = arith.constant 0 : i32
      %dma_wait3A_1173 = tpu.memref_slice %arg3[%dma_wait3A_1171, %dma_wait3A_1172] : memref<10000x128xf32, #tpu.memory_space<hbm>> -> memref<80x128xf32, #tpu.memory_space<hbm>>
      tpu.wait_dma2 semaphore(%arg42 : memref<!tpu.dma_semaphore, #tpu.memory_space<semaphore_mem>>) src(%dma_wait3A_1173 : memref<80x128xf32, #tpu.memory_space<hbm>>) dst(%arg8 : memref<80x128xf32, #tpu.memory_space<vmem>>)
    } else {
    }
    %mul3A_270 = arith.constant 640 : i32
    %mul3A_271 = arith.muli %arg1, %mul3A_270 : i32
    %add3A_272 = arith.constant 480 : i32
    %add3A_273 = arith.addi %mul3A_271, %add3A_272 : i32
    %lt3A_274 = arith.constant 10000 : i32
    %lt3A_275 = arith.cmpi slt, %add3A_273, %lt3A_274 : i32
    %convert_element_type3A_276 = arith.extui %lt3A_275 : i1 to i32
    %cond3A_277 = arith.constant 0 : i32
    %cond3A_278 = arith.cmpi ne, %convert_element_type3A_276, %cond3A_277 : i32
    scf.if %cond3A_278 {
      %dma_wait3A_1168 = arith.constant 0 : i32
      %dma_wait3A_1169 = arith.constant 0 : i32
      %dma_wait3A_1170 = tpu.memref_slice %arg3[%dma_wait3A_1168, %dma_wait3A_1169] : memref<10000x128xf32, #tpu.memory_space<hbm>> -> memref<80x128xf32, #tpu.memory_space<hbm>>
      %dma_wait3A_1171 = arith.constant 0 : i32
      %dma_wait3A_1172 = arith.constant 0 : i32
      %dma_wait3A_1173 = tpu.memref_slice %arg3[%dma_wait3A_1171, %dma_wait3A_1172] : memref<10000x128xf32, #tpu.memory_space<hbm>> -> memref<80x128xf32, #tpu.memory_space<hbm>>
      tpu.wait_dma2 semaphore(%arg42 : memref<!tpu.dma_semaphore, #tpu.memory_space<semaphore_mem>>) src(%dma_wait3A_1173 : memref<80x128xf32, #tpu.memory_space<hbm>>) dst(%arg8 : memref<80x128xf32, #tpu.memory_space<vmem>>)
    } else {
    }
    %mul3A_279 = arith.constant 640 : i32
    %mul3A_280 = arith.muli %arg1, %mul3A_279 : i32
    %add3A_281 = arith.constant 560 : i32
    %add3A_282 = arith.addi %mul3A_280, %add3A_281 : i32
    %lt3A_283 = arith.constant 10000 : i32
    %lt3A_284 = arith.cmpi slt, %add3A_282, %lt3A_283 : i32
    %convert_element_type3A_285 = arith.extui %lt3A_284 : i1 to i32
    %cond3A_286 = arith.constant 0 : i32
    %cond3A_287 = arith.cmpi ne, %convert_element_type3A_285, %cond3A_286 : i32
    scf.if %cond3A_287 {
      %dma_wait3A_1168 = arith.constant 0 : i32
      %dma_wait3A_1169 = arith.constant 0 : i32
      %dma_wait3A_1170 = tpu.memref_slice %arg3[%dma_wait3A_1168, %dma_wait3A_1169] : memref<10000x128xf32, #tpu.memory_space<hbm>> -> memref<80x128xf32, #tpu.memory_space<hbm>>
      %dma_wait3A_1171 = arith.constant 0 : i32
      %dma_wait3A_1172 = arith.constant 0 : i32
      %dma_wait3A_1173 = tpu.memref_slice %arg3[%dma_wait3A_1171, %dma_wait3A_1172] : memref<10000x128xf32, #tpu.memory_space<hbm>> -> memref<80x128xf32, #tpu.memory_space<hbm>>
      tpu.wait_dma2 semaphore(%arg42 : memref<!tpu.dma_semaphore, #tpu.memory_space<semaphore_mem>>) src(%dma_wait3A_1173 : memref<80x128xf32, #tpu.memory_space<hbm>>) dst(%arg8 : memref<80x128xf32, #tpu.memory_space<vmem>>)
    } else {
    }
    %dma_wait3A = arith.constant 0 : i32
    %dma_wait3A_288 = arith.constant 0 : i32
    %dma_wait3A_289 = arith.constant 0 : i32
    %dma_wait3A_290 = tpu.memref_slice %arg12[%dma_wait3A_288, %dma_wait3A_289] : memref<2x80xi32, #tpu.memory_space<vmem>> -> memref<1x80xi32, #tpu.memory_space<vmem>>
    %dma_wait3A_291 = tpu.memref_squeeze %dma_wait3A_290 : memref<1x80xi32, #tpu.memory_space<vmem>> -> memref<80xi32, #tpu.memory_space<vmem>>
    %dma_wait3A_292 = arith.constant 0 : i32
    %dma_wait3A_293 = tpu.memref_slice %arg2[%add3A, %dma_wait3A, %dma_wait3A_292] : memref<32x125x80xi32, #tpu.memory_space<hbm>> -> memref<1x1x80xi32, #tpu.memory_space<hbm>>
    %dma_wait3A_294 = tpu.memref_squeeze %dma_wait3A_293 : memref<1x1x80xi32, #tpu.memory_space<hbm>> -> memref<80xi32, #tpu.memory_space<hbm>>
    %dma_wait3A_295 = arith.constant 0 : i32
    %dma_wait3A_296 = tpu.memref_slice %arg12[%dma_wait3A_288, %dma_wait3A_295] : memref<2x80xi32, #tpu.memory_space<vmem>> -> memref<1x80xi32, #tpu.memory_space<vmem>>
    %dma_wait3A_297 = tpu.memref_squeeze %dma_wait3A_296 : memref<1x80xi32, #tpu.memory_space<vmem>> -> memref<80xi32, #tpu.memory_space<vmem>>
    %dma_wait3A_298 = arith.constant 0 : i32
    %dma_wait3A_299 = tpu.memref_slice %arg2[%add3A, %dma_wait3A, %dma_wait3A_298] : memref<32x125x80xi32, #tpu.memory_space<hbm>> -> memref<1x1x80xi32, #tpu.memory_space<hbm>>
    %dma_wait3A_300 = tpu.memref_squeeze %dma_wait3A_299 : memref<1x1x80xi32, #tpu.memory_space<hbm>> -> memref<80xi32, #tpu.memory_space<hbm>>
    tpu.wait_dma2 semaphore(%arg26 : memref<!tpu.dma_semaphore, #tpu.memory_space<semaphore_mem>>) src(%dma_wait3A_300 : memref<80xi32, #tpu.memory_space<hbm>>) dst(%dma_wait3A_297 : memref<80xi32, #tpu.memory_space<vmem>>)
    %get3A = arith.constant 0 : i32
    %get3A_301 = arith.index_cast %get3A : i32 to index
    %get3A_302 = arith.constant 0 : index
    %get3A_303 = tpu.vector_load %arg12[%get3A_301, %get3A_302] {strides = array<i32>} : memref<2x80xi32, #tpu.memory_space<vmem>>, vector<1x16xi32>,
    %get3A_304 = vector.shape_cast %get3A_303 : vector<1x16xi32> to vector<16xi32>
    %and3A = arith.constant 16383 : i32
    %and3A_305 = vector.broadcast %and3A : i32 to vector<16xi32>
    %and3A_306 = arith.andi %get3A_304, %and3A_305 : vector<16xi32>
    %swap3A_307 = arith.constant 0 : i32
    %swap3A_308 = arith.index_cast %swap3A_307 : i32 to index
    %swap3A_309 = arith.constant 0 : index
    %swap3A_310 = tpu.vector_load %arg16[%swap3A_308, %swap3A_309] {strides = array<i32>} : memref<2x80xi32, #tpu.memory_space<vmem>>, vector<1x16xi32>,
    %swap3A_311 = vector.shape_cast %swap3A_310 : vector<1x16xi32> to vector<16xi32>
    %swap3A_312 = vector.shape_cast %and3A_306 : vector<16xi32> to vector<1x16xi32>
    tpu.vector_store %arg16[%swap3A_308, %swap3A_309], %swap3A_312 {strides = array<i32>} : memref<2x80xi32, #tpu.memory_space<vmem>>, vector<1x16xi32>,
    %shift_right_arithmetic3A = arith.constant 14 : i32
    %shift_right_arithmetic3A_313 = vector.broadcast %shift_right_arithmetic3A : i32 to vector<16xi32>
    %shift_right_arithmetic3A_314 = arith.shrsi %get3A_304, %shift_right_arithmetic3A_313 : vector<16xi32>
    %swap3A_315 = arith.constant 0 : i32
    %swap3A_316 = arith.index_cast %swap3A_315 : i32 to index
    %swap3A_317 = arith.constant 0 : index
    %swap3A_318 = tpu.vector_load %arg20[%swap3A_316, %swap3A_317] {strides = array<i32>} : memref<2x80xi32, #tpu.memory_space<vmem>>, vector<1x16xi32>,
    %swap3A_319 = vector.shape_cast %swap3A_318 : vector<1x16xi32> to vector<16xi32>
    %swap3A_320 = vector.shape_cast %shift_right_arithmetic3A_314 : vector<16xi32> to vector<1x16xi32>
    tpu.vector_store %arg20[%swap3A_316, %swap3A_317], %swap3A_320 {strides = array<i32>} : memref<2x80xi32, #tpu.memory_space<vmem>>, vector<1x16xi32>,
    %get3A_321 = arith.constant 0 : i32
    %get3A_322 = arith.index_cast %get3A_321 : i32 to index
    %get3A_323 = arith.constant 16 : index
    %get3A_324 = tpu.vector_load %arg12[%get3A_322, %get3A_323] {strides = array<i32>} : memref<2x80xi32, #tpu.memory_space<vmem>>, vector<1x16xi32>,
    %get3A_325 = vector.shape_cast %get3A_324 : vector<1x16xi32> to vector<16xi32>
    %and3A_326 = arith.constant 16383 : i32
    %and3A_327 = vector.broadcast %and3A_326 : i32 to vector<16xi32>
    %and3A_328 = arith.andi %get3A_325, %and3A_327 : vector<16xi32>
    %swap3A_329 = arith.constant 0 : i32
    %swap3A_330 = arith.index_cast %swap3A_329 : i32 to index
    %swap3A_331 = arith.constant 16 : index
    %swap3A_332 = tpu.vector_load %arg16[%swap3A_330, %swap3A_331] {strides = array<i32>} : memref<2x80xi32, #tpu.memory_space<vmem>>, vector<1x16xi32>,
    %swap3A_333 = vector.shape_cast %swap3A_332 : vector<1x16xi32> to vector<16xi32>
    %swap3A_334 = vector.shape_cast %and3A_328 : vector<16xi32> to vector<1x16xi32>
    tpu.vector_store %arg16[%swap3A_330, %swap3A_331], %swap3A_334 {strides = array<i32>} : memref<2x80xi32, #tpu.memory_space<vmem>>, vector<1x16xi32>,
    %shift_right_arithmetic3A_335 = arith.constant 14 : i32
    %shift_right_arithmetic3A_336 = vector.broadcast %shift_right_arithmetic3A_335 : i32 to vector<16xi32>
    %shift_right_arithmetic3A_337 = arith.shrsi %get3A_325, %shift_right_arithmetic3A_336 : vector<16xi32>
    %swap3A_338 = arith.constant 0 : i32
    %swap3A_339 = arith.index_cast %swap3A_338 : i32 to index
    %swap3A_340 = arith.constant 16 : index
    %swap3A_341 = tpu.vector_load %arg20[%swap3A_339, %swap3A_340] {strides = array<i32>} : memref<2x80xi32, #tpu.memory_space<vmem>>, vector<1x16xi32>,
    %swap3A_342 = vector.shape_cast %swap3A_341 : vector<1x16xi32> to vector<16xi32>
    %swap3A_343 = vector.shape_cast %shift_right_arithmetic3A_337 : vector<16xi32> to vector<1x16xi32>
    tpu.vector_store %arg20[%swap3A_339, %swap3A_340], %swap3A_343 {strides = array<i32>} : memref<2x80xi32, #tpu.memory_space<vmem>>, vector<1x16xi32>,
    %get3A_344 = arith.constant 0 : i32
    %get3A_345 = arith.index_cast %get3A_344 : i32 to index
    %get3A_346 = arith.constant 32 : index
    %get3A_347 = tpu.vector_load %arg12[%get3A_345, %get3A_346] {strides = array<i32>} : memref<2x80xi32, #tpu.memory_space<vmem>>, vector<1x16xi32>,
    %get3A_348 = vector.shape_cast %get3A_347 : vector<1x16xi32> to vector<16xi32>
    %and3A_349 = arith.constant 16383 : i32
    %and3A_350 = vector.broadcast %and3A_349 : i32 to vector<16xi32>
    %and3A_351 = arith.andi %get3A_348, %and3A_350 : vector<16xi32>
    %swap3A_352 = arith.constant 0 : i32
    %swap3A_353 = arith.index_cast %swap3A_352 : i32 to index
    %swap3A_354 = arith.constant 32 : index
    %swap3A_355 = tpu.vector_load %arg16[%swap3A_353, %swap3A_354] {strides = array<i32>} : memref<2x80xi32, #tpu.memory_space<vmem>>, vector<1x16xi32>,
    %swap3A_356 = vector.shape_cast %swap3A_355 : vector<1x16xi32> to vector<16xi32>
    %swap3A_357 = vector.shape_cast %and3A_351 : vector<16xi32> to vector<1x16xi32>
    tpu.vector_store %arg16[%swap3A_353, %swap3A_354], %swap3A_357 {strides = array<i32>} : memref<2x80xi32, #tpu.memory_space<vmem>>, vector<1x16xi32>,
    %shift_right_arithmetic3A_358 = arith.constant 14 : i32
    %shift_right_arithmetic3A_359 = vector.broadcast %shift_right_arithmetic3A_358 : i32 to vector<16xi32>
    %shift_right_arithmetic3A_360 = arith.shrsi %get3A_348, %shift_right_arithmetic3A_359 : vector<16xi32>
    %swap3A_361 = arith.constant 0 : i32
    %swap3A_362 = arith.index_cast %swap3A_361 : i32 to index
    %swap3A_363 = arith.constant 32 : index
    %swap3A_364 = tpu.vector_load %arg20[%swap3A_362, %swap3A_363] {strides = array<i32>} : memref<2x80xi32, #tpu.memory_space<vmem>>, vector<1x16xi32>,
    %swap3A_365 = vector.shape_cast %swap3A_364 : vector<1x16xi32> to vector<16xi32>
    %swap3A_366 = vector.shape_cast %shift_right_arithmetic3A_360 : vector<16xi32> to vector<1x16xi32>
    tpu.vector_store %arg20[%swap3A_362, %swap3A_363], %swap3A_366 {strides = array<i32>} : memref<2x80xi32, #tpu.memory_space<vmem>>, vector<1x16xi32>,
    %get3A_367 = arith.constant 0 : i32
    %get3A_368 = arith.index_cast %get3A_367 : i32 to index
    %get3A_369 = arith.constant 48 : index
    %get3A_370 = tpu.vector_load %arg12[%get3A_368, %get3A_369] {strides = array<i32>} : memref<2x80xi32, #tpu.memory_space<vmem>>, vector<1x16xi32>,
    %get3A_371 = vector.shape_cast %get3A_370 : vector<1x16xi32> to vector<16xi32>
    %and3A_372 = arith.constant 16383 : i32
    %and3A_373 = vector.broadcast %and3A_372 : i32 to vector<16xi32>
    %and3A_374 = arith.andi %get3A_371, %and3A_373 : vector<16xi32>
    %swap3A_375 = arith.constant 0 : i32
    %swap3A_376 = arith.index_cast %swap3A_375 : i32 to index
    %swap3A_377 = arith.constant 48 : index
    %swap3A_378 = tpu.vector_load %arg16[%swap3A_376, %swap3A_377] {strides = array<i32>} : memref<2x80xi32, #tpu.memory_space<vmem>>, vector<1x16xi32>,
    %swap3A_379 = vector.shape_cast %swap3A_378 : vector<1x16xi32> to vector<16xi32>
    %swap3A_380 = vector.shape_cast %and3A_374 : vector<16xi32> to vector<1x16xi32>
    tpu.vector_store %arg16[%swap3A_376, %swap3A_377], %swap3A_380 {strides = array<i32>} : memref<2x80xi32, #tpu.memory_space<vmem>>, vector<1x16xi32>,
    %shift_right_arithmetic3A_381 = arith.constant 14 : i32
    %shift_right_arithmetic3A_382 = vector.broadcast %shift_right_arithmetic3A_381 : i32 to vector<16xi32>
    %shift_right_arithmetic3A_383 = arith.shrsi %get3A_371, %shift_right_arithmetic3A_382 : vector<16xi32>
    %swap3A_384 = arith.constant 0 : i32
    %swap3A_385 = arith.index_cast %swap3A_384 : i32 to index
    %swap3A_386 = arith.constant 48 : index
    %swap3A_387 = tpu.vector_load %arg20[%swap3A_385, %swap3A_386] {strides = array<i32>} : memref<2x80xi32, #tpu.memory_space<vmem>>, vector<1x16xi32>,
    %swap3A_388 = vector.shape_cast %swap3A_387 : vector<1x16xi32> to vector<16xi32>
    %swap3A_389 = vector.shape_cast %shift_right_arithmetic3A_383 : vector<16xi32> to vector<1x16xi32>
    tpu.vector_store %arg20[%swap3A_385, %swap3A_386], %swap3A_389 {strides = array<i32>} : memref<2x80xi32, #tpu.memory_space<vmem>>, vector<1x16xi32>,
    %get3A_390 = arith.constant 0 : i32
    %get3A_391 = arith.index_cast %get3A_390 : i32 to index
    %get3A_392 = arith.constant 64 : index
    %get3A_393 = tpu.vector_load %arg12[%get3A_391, %get3A_392] {strides = array<i32>} : memref<2x80xi32, #tpu.memory_space<vmem>>, vector<1x16xi32>,
    %get3A_394 = vector.shape_cast %get3A_393 : vector<1x16xi32> to vector<16xi32>
    %and3A_395 = arith.constant 16383 : i32
    %and3A_396 = vector.broadcast %and3A_395 : i32 to vector<16xi32>
    %and3A_397 = arith.andi %get3A_394, %and3A_396 : vector<16xi32>
    %swap3A_398 = arith.constant 0 : i32
    %swap3A_399 = arith.index_cast %swap3A_398 : i32 to index
    %swap3A_400 = arith.constant 64 : index
    %swap3A_401 = tpu.vector_load %arg16[%swap3A_399, %swap3A_400] {strides = array<i32>} : memref<2x80xi32, #tpu.memory_space<vmem>>, vector<1x16xi32>,
    %swap3A_402 = vector.shape_cast %swap3A_401 : vector<1x16xi32> to vector<16xi32>
    %swap3A_403 = vector.shape_cast %and3A_397 : vector<16xi32> to vector<1x16xi32>
    tpu.vector_store %arg16[%swap3A_399, %swap3A_400], %swap3A_403 {strides = array<i32>} : memref<2x80xi32, #tpu.memory_space<vmem>>, vector<1x16xi32>,
    %shift_right_arithmetic3A_404 = arith.constant 14 : i32
    %shift_right_arithmetic3A_405 = vector.broadcast %shift_right_arithmetic3A_404 : i32 to vector<16xi32>
    %shift_right_arithmetic3A_406 = arith.shrsi %get3A_394, %shift_right_arithmetic3A_405 : vector<16xi32>
    %swap3A_407 = arith.constant 0 : i32
    %swap3A_408 = arith.index_cast %swap3A_407 : i32 to index
    %swap3A_409 = arith.constant 64 : index
    %swap3A_410 = tpu.vector_load %arg20[%swap3A_408, %swap3A_409] {strides = array<i32>} : memref<2x80xi32, #tpu.memory_space<vmem>>, vector<1x16xi32>,
    %swap3A_411 = vector.shape_cast %swap3A_410 : vector<1x16xi32> to vector<16xi32>
    %swap3A_412 = vector.shape_cast %shift_right_arithmetic3A_406 : vector<16xi32> to vector<1x16xi32>
    tpu.vector_store %arg20[%swap3A_408, %swap3A_409], %swap3A_412 {strides = array<i32>} : memref<2x80xi32, #tpu.memory_space<vmem>>, vector<1x16xi32>,
    %dma_start3A_413 = arith.constant 0 : i32
    %dma_start3A_414 = arith.constant 0 : i32
    %dma_start3A_415 = tpu.memref_slice %arg16[%dma_start3A_413, %dma_start3A_414] : memref<2x80xi32, #tpu.memory_space<vmem>> -> memref<1x80xi32, #tpu.memory_space<vmem>>
    %dma_start3A_416 = tpu.memref_squeeze %dma_start3A_415 : memref<1x80xi32, #tpu.memory_space<vmem>> -> memref<80xi32, #tpu.memory_space<vmem>>
    %dma_start3A_417 = arith.constant 0 : i32
    %dma_start3A_418 = arith.constant 0 : i32
    %dma_start3A_419 = tpu.memref_slice %arg3[%dma_start3A_417, %dma_start3A_418] : memref<10000x128xf32, #tpu.memory_space<hbm>> -> memref<10000x128xf32, #tpu.memory_space<hbm>>
    tpu.enqueue_indirect_dma source(%dma_start3A_419 : memref<10000x128xf32, #tpu.memory_space<hbm>>) target(%arg8 : memref<80x128xf32, #tpu.memory_space<vmem>>) offsets(%dma_start3A_416 : memref<80xi32, #tpu.memory_space<vmem>>) semaphore(%arg34 : memref<!tpu.dma_semaphore, #tpu.memory_space<semaphore_mem>>)
    %dma_wait3A_420 = arith.constant 0 : i32
    %dma_wait3A_421 = arith.constant 0 : i32
    %dma_wait3A_422 = arith.constant 0 : i32
    %dma_wait3A_423 = tpu.memref_slice %arg13[%dma_wait3A_421, %dma_wait3A_422] : memref<2x80xi32, #tpu.memory_space<vmem>> -> memref<1x80xi32, #tpu.memory_space<vmem>>
    %dma_wait3A_424 = tpu.memref_squeeze %dma_wait3A_423 : memref<1x80xi32, #tpu.memory_space<vmem>> -> memref<80xi32, #tpu.memory_space<vmem>>
    %dma_wait3A_425 = arith.constant 0 : i32
    %dma_wait3A_426 = tpu.memref_slice %arg2[%add3A, %dma_wait3A_420, %dma_wait3A_425] : memref<32x125x80xi32, #tpu.memory_space<hbm>> -> memref<1x1x80xi32, #tpu.memory_space<hbm>>
    %dma_wait3A_427 = tpu.memref_squeeze %dma_wait3A_426 : memref<1x1x80xi32, #tpu.memory_space<hbm>> -> memref<80xi32, #tpu.memory_space<hbm>>
    %dma_wait3A_428 = arith.constant 0 : i32
    %dma_wait3A_429 = tpu.memref_slice %arg13[%dma_wait3A_421, %dma_wait3A_428] : memref<2x80xi32, #tpu.memory_space<vmem>> -> memref<1x80xi32, #tpu.memory_space<vmem>>
    %dma_wait3A_430 = tpu.memref_squeeze %dma_wait3A_429 : memref<1x80xi32, #tpu.memory_space<vmem>> -> memref<80xi32, #tpu.memory_space<vmem>>
    %dma_wait3A_431 = arith.constant 0 : i32
    %dma_wait3A_432 = tpu.memref_slice %arg2[%add3A, %dma_wait3A_420, %dma_wait3A_431] : memref<32x125x80xi32, #tpu.memory_space<hbm>> -> memref<1x1x80xi32, #tpu.memory_space<hbm>>
    %dma_wait3A_433 = tpu.memref_squeeze %dma_wait3A_432 : memref<1x1x80xi32, #tpu.memory_space<hbm>> -> memref<80xi32, #tpu.memory_space<hbm>>
    tpu.wait_dma2 semaphore(%arg28 : memref<!tpu.dma_semaphore, #tpu.memory_space<semaphore_mem>>) src(%dma_wait3A_433 : memref<80xi32, #tpu.memory_space<hbm>>) dst(%dma_wait3A_430 : memref<80xi32, #tpu.memory_space<vmem>>)
    %get3A_434 = arith.constant 0 : i32
    %get3A_435 = arith.index_cast %get3A_434 : i32 to index
    %get3A_436 = arith.constant 0 : index
    %get3A_437 = tpu.vector_load %arg13[%get3A_435, %get3A_436] {strides = array<i32>} : memref<2x80xi32, #tpu.memory_space<vmem>>, vector<1x16xi32>,
    %get3A_438 = vector.shape_cast %get3A_437 : vector<1x16xi32> to vector<16xi32>
    %and3A_439 = arith.constant 16383 : i32
    %and3A_440 = vector.broadcast %and3A_439 : i32 to vector<16xi32>
    %and3A_441 = arith.andi %get3A_438, %and3A_440 : vector<16xi32>
    %swap3A_442 = arith.constant 0 : i32
    %swap3A_443 = arith.index_cast %swap3A_442 : i32 to index
    %swap3A_444 = arith.constant 0 : index
    %swap3A_445 = tpu.vector_load %arg17[%swap3A_443, %swap3A_444] {strides = array<i32>} : memref<2x80xi32, #tpu.memory_space<vmem>>, vector<1x16xi32>,
    %swap3A_446 = vector.shape_cast %swap3A_445 : vector<1x16xi32> to vector<16xi32>
    %swap3A_447 = vector.shape_cast %and3A_441 : vector<16xi32> to vector<1x16xi32>
    tpu.vector_store %arg17[%swap3A_443, %swap3A_444], %swap3A_447 {strides = array<i32>} : memref<2x80xi32, #tpu.memory_space<vmem>>, vector<1x16xi32>,
    %shift_right_arithmetic3A_448 = arith.constant 14 : i32
    %shift_right_arithmetic3A_449 = vector.broadcast %shift_right_arithmetic3A_448 : i32 to vector<16xi32>
    %shift_right_arithmetic3A_450 = arith.shrsi %get3A_438, %shift_right_arithmetic3A_449 : vector<16xi32>
    %swap3A_451 = arith.constant 0 : i32
    %swap3A_452 = arith.index_cast %swap3A_451 : i32 to index
    %swap3A_453 = arith.constant 0 : index
    %swap3A_454 = tpu.vector_load %arg21[%swap3A_452, %swap3A_453] {strides = array<i32>} : memref<2x80xi32, #tpu.memory_space<vmem>>, vector<1x16xi32>,
    %swap3A_455 = vector.shape_cast %swap3A_454 : vector<1x16xi32> to vector<16xi32>
    %swap3A_456 = vector.shape_cast %shift_right_arithmetic3A_450 : vector<16xi32> to vector<1x16xi32>
    tpu.vector_store %arg21[%swap3A_452, %swap3A_453], %swap3A_456 {strides = array<i32>} : memref<2x80xi32, #tpu.memory_space<vmem>>, vector<1x16xi32>,
    %get3A_457 = arith.constant 0 : i32
    %get3A_458 = arith.index_cast %get3A_457 : i32 to index
    %get3A_459 = arith.constant 16 : index
    %get3A_460 = tpu.vector_load %arg13[%get3A_458, %get3A_459] {strides = array<i32>} : memref<2x80xi32, #tpu.memory_space<vmem>>, vector<1x16xi32>,
    %get3A_461 = vector.shape_cast %get3A_460 : vector<1x16xi32> to vector<16xi32>
    %and3A_462 = arith.constant 16383 : i32
    %and3A_463 = vector.broadcast %and3A_462 : i32 to vector<16xi32>
    %and3A_464 = arith.andi %get3A_461, %and3A_463 : vector<16xi32>
    %swap3A_465 = arith.constant 0 : i32
    %swap3A_466 = arith.index_cast %swap3A_465 : i32 to index
    %swap3A_467 = arith.constant 16 : index
    %swap3A_468 = tpu.vector_load %arg17[%swap3A_466, %swap3A_467] {strides = array<i32>} : memref<2x80xi32, #tpu.memory_space<vmem>>, vector<1x16xi32>,
    %swap3A_469 = vector.shape_cast %swap3A_468 : vector<1x16xi32> to vector<16xi32>
    %swap3A_470 = vector.shape_cast %and3A_464 : vector<16xi32> to vector<1x16xi32>
    tpu.vector_store %arg17[%swap3A_466, %swap3A_467], %swap3A_470 {strides = array<i32>} : memref<2x80xi32, #tpu.memory_space<vmem>>, vector<1x16xi32>,
    %shift_right_arithmetic3A_471 = arith.constant 14 : i32
    %shift_right_arithmetic3A_472 = vector.broadcast %shift_right_arithmetic3A_471 : i32 to vector<16xi32>
    %shift_right_arithmetic3A_473 = arith.shrsi %get3A_461, %shift_right_arithmetic3A_472 : vector<16xi32>
    %swap3A_474 = arith.constant 0 : i32
    %swap3A_475 = arith.index_cast %swap3A_474 : i32 to index
    %swap3A_476 = arith.constant 16 : index
    %swap3A_477 = tpu.vector_load %arg21[%swap3A_475, %swap3A_476] {strides = array<i32>} : memref<2x80xi32, #tpu.memory_space<vmem>>, vector<1x16xi32>,
    %swap3A_478 = vector.shape_cast %swap3A_477 : vector<1x16xi32> to vector<16xi32>
    %swap3A_479 = vector.shape_cast %shift_right_arithmetic3A_473 : vector<16xi32> to vector<1x16xi32>
    tpu.vector_store %arg21[%swap3A_475, %swap3A_476], %swap3A_479 {strides = array<i32>} : memref<2x80xi32, #tpu.memory_space<vmem>>, vector<1x16xi32>,
    %get3A_480 = arith.constant 0 : i32
    %get3A_481 = arith.index_cast %get3A_480 : i32 to index
    %get3A_482 = arith.constant 32 : index
    %get3A_483 = tpu.vector_load %arg13[%get3A_481, %get3A_482] {strides = array<i32>} : memref<2x80xi32, #tpu.memory_space<vmem>>, vector<1x16xi32>,
    %get3A_484 = vector.shape_cast %get3A_483 : vector<1x16xi32> to vector<16xi32>
    %and3A_485 = arith.constant 16383 : i32
    %and3A_486 = vector.broadcast %and3A_485 : i32 to vector<16xi32>
    %and3A_487 = arith.andi %get3A_484, %and3A_486 : vector<16xi32>
    %swap3A_488 = arith.constant 0 : i32
    %swap3A_489 = arith.index_cast %swap3A_488 : i32 to index
    %swap3A_490 = arith.constant 32 : index
    %swap3A_491 = tpu.vector_load %arg17[%swap3A_489, %swap3A_490] {strides = array<i32>} : memref<2x80xi32, #tpu.memory_space<vmem>>, vector<1x16xi32>,
    %swap3A_492 = vector.shape_cast %swap3A_491 : vector<1x16xi32> to vector<16xi32>
    %swap3A_493 = vector.shape_cast %and3A_487 : vector<16xi32> to vector<1x16xi32>
    tpu.vector_store %arg17[%swap3A_489, %swap3A_490], %swap3A_493 {strides = array<i32>} : memref<2x80xi32, #tpu.memory_space<vmem>>, vector<1x16xi32>,
    %shift_right_arithmetic3A_494 = arith.constant 14 : i32
    %shift_right_arithmetic3A_495 = vector.broadcast %shift_right_arithmetic3A_494 : i32 to vector<16xi32>
    %shift_right_arithmetic3A_496 = arith.shrsi %get3A_484, %shift_right_arithmetic3A_495 : vector<16xi32>
    %swap3A_497 = arith.constant 0 : i32
    %swap3A_498 = arith.index_cast %swap3A_497 : i32 to index
    %swap3A_499 = arith.constant 32 : index
    %swap3A_500 = tpu.vector_load %arg21[%swap3A_498, %swap3A_499] {strides = array<i32>} : memref<2x80xi32, #tpu.memory_space<vmem>>, vector<1x16xi32>,
    %swap3A_501 = vector.shape_cast %swap3A_500 : vector<1x16xi32> to vector<16xi32>
    %swap3A_502 = vector.shape_cast %shift_right_arithmetic3A_496 : vector<16xi32> to vector<1x16xi32>
    tpu.vector_store %arg21[%swap3A_498, %swap3A_499], %swap3A_502 {strides = array<i32>} : memref<2x80xi32, #tpu.memory_space<vmem>>, vector<1x16xi32>,
    %get3A_503 = arith.constant 0 : i32
    %get3A_504 = arith.index_cast %get3A_503 : i32 to index
    %get3A_505 = arith.constant 48 : index
    %get3A_506 = tpu.vector_load %arg13[%get3A_504, %get3A_505] {strides = array<i32>} : memref<2x80xi32, #tpu.memory_space<vmem>>, vector<1x16xi32>,
    %get3A_507 = vector.shape_cast %get3A_506 : vector<1x16xi32> to vector<16xi32>
    %and3A_508 = arith.constant 16383 : i32
    %and3A_509 = vector.broadcast %and3A_508 : i32 to vector<16xi32>
    %and3A_510 = arith.andi %get3A_507, %and3A_509 : vector<16xi32>
    %swap3A_511 = arith.constant 0 : i32
    %swap3A_512 = arith.index_cast %swap3A_511 : i32 to index
    %swap3A_513 = arith.constant 48 : index
    %swap3A_514 = tpu.vector_load %arg17[%swap3A_512, %swap3A_513] {strides = array<i32>} : memref<2x80xi32, #tpu.memory_space<vmem>>, vector<1x16xi32>,
    %swap3A_515 = vector.shape_cast %swap3A_514 : vector<1x16xi32> to vector<16xi32>
    %swap3A_516 = vector.shape_cast %and3A_510 : vector<16xi32> to vector<1x16xi32>
    tpu.vector_store %arg17[%swap3A_512, %swap3A_513], %swap3A_516 {strides = array<i32>} : memref<2x80xi32, #tpu.memory_space<vmem>>, vector<1x16xi32>,
    %shift_right_arithmetic3A_517 = arith.constant 14 : i32
    %shift_right_arithmetic3A_518 = vector.broadcast %shift_right_arithmetic3A_517 : i32 to vector<16xi32>
    %shift_right_arithmetic3A_519 = arith.shrsi %get3A_507, %shift_right_arithmetic3A_518 : vector<16xi32>
    %swap3A_520 = arith.constant 0 : i32
    %swap3A_521 = arith.index_cast %swap3A_520 : i32 to index
    %swap3A_522 = arith.constant 48 : index
    %swap3A_523 = tpu.vector_load %arg21[%swap3A_521, %swap3A_522] {strides = array<i32>} : memref<2x80xi32, #tpu.memory_space<vmem>>, vector<1x16xi32>,
    %swap3A_524 = vector.shape_cast %swap3A_523 : vector<1x16xi32> to vector<16xi32>
    %swap3A_525 = vector.shape_cast %shift_right_arithmetic3A_519 : vector<16xi32> to vector<1x16xi32>
    tpu.vector_store %arg21[%swap3A_521, %swap3A_522], %swap3A_525 {strides = array<i32>} : memref<2x80xi32, #tpu.memory_space<vmem>>, vector<1x16xi32>,
    %get3A_526 = arith.constant 0 : i32
    %get3A_527 = arith.index_cast %get3A_526 : i32 to index
    %get3A_528 = arith.constant 64 : index
    %get3A_529 = tpu.vector_load %arg13[%get3A_527, %get3A_528] {strides = array<i32>} : memref<2x80xi32, #tpu.memory_space<vmem>>, vector<1x16xi32>,
    %get3A_530 = vector.shape_cast %get3A_529 : vector<1x16xi32> to vector<16xi32>
    %and3A_531 = arith.constant 16383 : i32
    %and3A_532 = vector.broadcast %and3A_531 : i32 to vector<16xi32>
    %and3A_533 = arith.andi %get3A_530, %and3A_532 : vector<16xi32>
    %swap3A_534 = arith.constant 0 : i32
    %swap3A_535 = arith.index_cast %swap3A_534 : i32 to index
    %swap3A_536 = arith.constant 64 : index
    %swap3A_537 = tpu.vector_load %arg17[%swap3A_535, %swap3A_536] {strides = array<i32>} : memref<2x80xi32, #tpu.memory_space<vmem>>, vector<1x16xi32>,
    %swap3A_538 = vector.shape_cast %swap3A_537 : vector<1x16xi32> to vector<16xi32>
    %swap3A_539 = vector.shape_cast %and3A_533 : vector<16xi32> to vector<1x16xi32>
    tpu.vector_store %arg17[%swap3A_535, %swap3A_536], %swap3A_539 {strides = array<i32>} : memref<2x80xi32, #tpu.memory_space<vmem>>, vector<1x16xi32>,
    %shift_right_arithmetic3A_540 = arith.constant 14 : i32
    %shift_right_arithmetic3A_541 = vector.broadcast %shift_right_arithmetic3A_540 : i32 to vector<16xi32>
    %shift_right_arithmetic3A_542 = arith.shrsi %get3A_530, %shift_right_arithmetic3A_541 : vector<16xi32>
    %swap3A_543 = arith.constant 0 : i32
    %swap3A_544 = arith.index_cast %swap3A_543 : i32 to index
    %swap3A_545 = arith.constant 64 : index
    %swap3A_546 = tpu.vector_load %arg21[%swap3A_544, %swap3A_545] {strides = array<i32>} : memref<2x80xi32, #tpu.memory_space<vmem>>, vector<1x16xi32>,
    %swap3A_547 = vector.shape_cast %swap3A_546 : vector<1x16xi32> to vector<16xi32>
    %swap3A_548 = vector.shape_cast %shift_right_arithmetic3A_542 : vector<16xi32> to vector<1x16xi32>
    tpu.vector_store %arg21[%swap3A_544, %swap3A_545], %swap3A_548 {strides = array<i32>} : memref<2x80xi32, #tpu.memory_space<vmem>>, vector<1x16xi32>,
    %dma_start3A_549 = arith.constant 0 : i32
    %dma_start3A_550 = arith.constant 0 : i32
    %dma_start3A_551 = tpu.memref_slice %arg17[%dma_start3A_549, %dma_start3A_550] : memref<2x80xi32, #tpu.memory_space<vmem>> -> memref<1x80xi32, #tpu.memory_space<vmem>>
    %dma_start3A_552 = tpu.memref_squeeze %dma_start3A_551 : memref<1x80xi32, #tpu.memory_space<vmem>> -> memref<80xi32, #tpu.memory_space<vmem>>
    %dma_start3A_553 = arith.constant 0 : i32
    %dma_start3A_554 = arith.constant 0 : i32
    %dma_start3A_555 = tpu.memref_slice %arg3[%dma_start3A_553, %dma_start3A_554] : memref<10000x128xf32, #tpu.memory_space<hbm>> -> memref<10000x128xf32, #tpu.memory_space<hbm>>
    tpu.enqueue_indirect_dma source(%dma_start3A_555 : memref<10000x128xf32, #tpu.memory_space<hbm>>) target(%arg9 : memref<80x128xf32, #tpu.memory_space<vmem>>) offsets(%dma_start3A_552 : memref<80xi32, #tpu.memory_space<vmem>>) semaphore(%arg35 : memref<!tpu.dma_semaphore, #tpu.memory_space<semaphore_mem>>)
    %dma_wait3A_556 = arith.constant 0 : i32
    %dma_wait3A_557 = arith.constant 0 : i32
    %dma_wait3A_558 = arith.constant 0 : i32
    %dma_wait3A_559 = tpu.memref_slice %arg14[%dma_wait3A_557, %dma_wait3A_558] : memref<2x80xi32, #tpu.memory_space<vmem>> -> memref<1x80xi32, #tpu.memory_space<vmem>>
    %dma_wait3A_560 = tpu.memref_squeeze %dma_wait3A_559 : memref<1x80xi32, #tpu.memory_space<vmem>> -> memref<80xi32, #tpu.memory_space<vmem>>
    %dma_wait3A_561 = arith.constant 0 : i32
    %dma_wait3A_562 = tpu.memref_slice %arg2[%add3A, %dma_wait3A_556, %dma_wait3A_561] : memref<32x125x80xi32, #tpu.memory_space<hbm>> -> memref<1x1x80xi32, #tpu.memory_space<hbm>>
    %dma_wait3A_563 = tpu.memref_squeeze %dma_wait3A_562 : memref<1x1x80xi32, #tpu.memory_space<hbm>> -> memref<80xi32, #tpu.memory_space<hbm>>
    %dma_wait3A_564 = arith.constant 0 : i32
    %dma_wait3A_565 = tpu.memref_slice %arg14[%dma_wait3A_557, %dma_wait3A_564] : memref<2x80xi32, #tpu.memory_space<vmem>> -> memref<1x80xi32, #tpu.memory_space<vmem>>
    %dma_wait3A_566 = tpu.memref_squeeze %dma_wait3A_565 : memref<1x80xi32, #tpu.memory_space<vmem>> -> memref<80xi32, #tpu.memory_space<vmem>>
    %dma_wait3A_567 = arith.constant 0 : i32
    %dma_wait3A_568 = tpu.memref_slice %arg2[%add3A, %dma_wait3A_556, %dma_wait3A_567] : memref<32x125x80xi32, #tpu.memory_space<hbm>> -> memref<1x1x80xi32, #tpu.memory_space<hbm>>
    %dma_wait3A_569 = tpu.memref_squeeze %dma_wait3A_568 : memref<1x1x80xi32, #tpu.memory_space<hbm>> -> memref<80xi32, #tpu.memory_space<hbm>>
    tpu.wait_dma2 semaphore(%arg30 : memref<!tpu.dma_semaphore, #tpu.memory_space<semaphore_mem>>) src(%dma_wait3A_569 : memref<80xi32, #tpu.memory_space<hbm>>) dst(%dma_wait3A_566 : memref<80xi32, #tpu.memory_space<vmem>>)
    %get3A_570 = arith.constant 0 : i32
    %get3A_571 = arith.index_cast %get3A_570 : i32 to index
    %get3A_572 = arith.constant 0 : index
    %get3A_573 = tpu.vector_load %arg14[%get3A_571, %get3A_572] {strides = array<i32>} : memref<2x80xi32, #tpu.memory_space<vmem>>, vector<1x16xi32>,
    %get3A_574 = vector.shape_cast %get3A_573 : vector<1x16xi32> to vector<16xi32>
    %and3A_575 = arith.constant 16383 : i32
    %and3A_576 = vector.broadcast %and3A_575 : i32 to vector<16xi32>
    %and3A_577 = arith.andi %get3A_574, %and3A_576 : vector<16xi32>
    %swap3A_578 = arith.constant 0 : i32
    %swap3A_579 = arith.index_cast %swap3A_578 : i32 to index
    %swap3A_580 = arith.constant 0 : index
    %swap3A_581 = tpu.vector_load %arg18[%swap3A_579, %swap3A_580] {strides = array<i32>} : memref<2x80xi32, #tpu.memory_space<vmem>>, vector<1x16xi32>,
    %swap3A_582 = vector.shape_cast %swap3A_581 : vector<1x16xi32> to vector<16xi32>
    %swap3A_583 = vector.shape_cast %and3A_577 : vector<16xi32> to vector<1x16xi32>
    tpu.vector_store %arg18[%swap3A_579, %swap3A_580], %swap3A_583 {strides = array<i32>} : memref<2x80xi32, #tpu.memory_space<vmem>>, vector<1x16xi32>,
    %shift_right_arithmetic3A_584 = arith.constant 14 : i32
    %shift_right_arithmetic3A_585 = vector.broadcast %shift_right_arithmetic3A_584 : i32 to vector<16xi32>
    %shift_right_arithmetic3A_586 = arith.shrsi %get3A_574, %shift_right_arithmetic3A_585 : vector<16xi32>
    %swap3A_587 = arith.constant 0 : i32
    %swap3A_588 = arith.index_cast %swap3A_587 : i32 to index
    %swap3A_589 = arith.constant 0 : index
    %swap3A_590 = tpu.vector_load %arg22[%swap3A_588, %swap3A_589] {strides = array<i32>} : memref<2x80xi32, #tpu.memory_space<vmem>>, vector<1x16xi32>,
    %swap3A_591 = vector.shape_cast %swap3A_590 : vector<1x16xi32> to vector<16xi32>
    %swap3A_592 = vector.shape_cast %shift_right_arithmetic3A_586 : vector<16xi32> to vector<1x16xi32>
    tpu.vector_store %arg22[%swap3A_588, %swap3A_589], %swap3A_592 {strides = array<i32>} : memref<2x80xi32, #tpu.memory_space<vmem>>, vector<1x16xi32>,
    %get3A_593 = arith.constant 0 : i32
    %get3A_594 = arith.index_cast %get3A_593 : i32 to index
    %get3A_595 = arith.constant 16 : index
    %get3A_596 = tpu.vector_load %arg14[%get3A_594, %get3A_595] {strides = array<i32>} : memref<2x80xi32, #tpu.memory_space<vmem>>, vector<1x16xi32>,
    %get3A_597 = vector.shape_cast %get3A_596 : vector<1x16xi32> to vector<16xi32>
    %and3A_598 = arith.constant 16383 : i32
    %and3A_599 = vector.broadcast %and3A_598 : i32 to vector<16xi32>
    %and3A_600 = arith.andi %get3A_597, %and3A_599 : vector<16xi32>
    %swap3A_601 = arith.constant 0 : i32
    %swap3A_602 = arith.index_cast %swap3A_601 : i32 to index
    %swap3A_603 = arith.constant 16 : index
    %swap3A_604 = tpu.vector_load %arg18[%swap3A_602, %swap3A_603] {strides = array<i32>} : memref<2x80xi32, #tpu.memory_space<vmem>>, vector<1x16xi32>,
    %swap3A_605 = vector.shape_cast %swap3A_604 : vector<1x16xi32> to vector<16xi32>
    %swap3A_606 = vector.shape_cast %and3A_600 : vector<16xi32> to vector<1x16xi32>
    tpu.vector_store %arg18[%swap3A_602, %swap3A_603], %swap3A_606 {strides = array<i32>} : memref<2x80xi32, #tpu.memory_space<vmem>>, vector<1x16xi32>,
    %shift_right_arithmetic3A_607 = arith.constant 14 : i32
    %shift_right_arithmetic3A_608 = vector.broadcast %shift_right_arithmetic3A_607 : i32 to vector<16xi32>
    %shift_right_arithmetic3A_609 = arith.shrsi %get3A_597, %shift_right_arithmetic3A_608 : vector<16xi32>
    %swap3A_610 = arith.constant 0 : i32
    %swap3A_611 = arith.index_cast %swap3A_610 : i32 to index
    %swap3A_612 = arith.constant 16 : index
    %swap3A_613 = tpu.vector_load %arg22[%swap3A_611, %swap3A_612] {strides = array<i32>} : memref<2x80xi32, #tpu.memory_space<vmem>>, vector<1x16xi32>,
    %swap3A_614 = vector.shape_cast %swap3A_613 : vector<1x16xi32> to vector<16xi32>
    %swap3A_615 = vector.shape_cast %shift_right_arithmetic3A_609 : vector<16xi32> to vector<1x16xi32>
    tpu.vector_store %arg22[%swap3A_611, %swap3A_612], %swap3A_615 {strides = array<i32>} : memref<2x80xi32, #tpu.memory_space<vmem>>, vector<1x16xi32>,
    %get3A_616 = arith.constant 0 : i32
    %get3A_617 = arith.index_cast %get3A_616 : i32 to index
    %get3A_618 = arith.constant 32 : index
    %get3A_619 = tpu.vector_load %arg14[%get3A_617, %get3A_618] {strides = array<i32>} : memref<2x80xi32, #tpu.memory_space<vmem>>, vector<1x16xi32>,
    %get3A_620 = vector.shape_cast %get3A_619 : vector<1x16xi32> to vector<16xi32>
    %and3A_621 = arith.constant 16383 : i32
    %and3A_622 = vector.broadcast %and3A_621 : i32 to vector<16xi32>
    %and3A_623 = arith.andi %get3A_620, %and3A_622 : vector<16xi32>
    %swap3A_624 = arith.constant 0 : i32
    %swap3A_625 = arith.index_cast %swap3A_624 : i32 to index
    %swap3A_626 = arith.constant 32 : index
    %swap3A_627 = tpu.vector_load %arg18[%swap3A_625, %swap3A_626] {strides = array<i32>} : memref<2x80xi32, #tpu.memory_space<vmem>>, vector<1x16xi32>,
    %swap3A_628 = vector.shape_cast %swap3A_627 : vector<1x16xi32> to vector<16xi32>
    %swap3A_629 = vector.shape_cast %and3A_623 : vector<16xi32> to vector<1x16xi32>
    tpu.vector_store %arg18[%swap3A_625, %swap3A_626], %swap3A_629 {strides = array<i32>} : memref<2x80xi32, #tpu.memory_space<vmem>>, vector<1x16xi32>,
    %shift_right_arithmetic3A_630 = arith.constant 14 : i32
    %shift_right_arithmetic3A_631 = vector.broadcast %shift_right_arithmetic3A_630 : i32 to vector<16xi32>
    %shift_right_arithmetic3A_632 = arith.shrsi %get3A_620, %shift_right_arithmetic3A_631 : vector<16xi32>
    %swap3A_633 = arith.constant 0 : i32
    %swap3A_634 = arith.index_cast %swap3A_633 : i32 to index
    %swap3A_635 = arith.constant 32 : index
    %swap3A_636 = tpu.vector_load %arg22[%swap3A_634, %swap3A_635] {strides = array<i32>} : memref<2x80xi32, #tpu.memory_space<vmem>>, vector<1x16xi32>,
    %swap3A_637 = vector.shape_cast %swap3A_636 : vector<1x16xi32> to vector<16xi32>
    %swap3A_638 = vector.shape_cast %shift_right_arithmetic3A_632 : vector<16xi32> to vector<1x16xi32>
    tpu.vector_store %arg22[%swap3A_634, %swap3A_635], %swap3A_638 {strides = array<i32>} : memref<2x80xi32, #tpu.memory_space<vmem>>, vector<1x16xi32>,
    %get3A_639 = arith.constant 0 : i32
    %get3A_640 = arith.index_cast %get3A_639 : i32 to index
    %get3A_641 = arith.constant 48 : index
    %get3A_642 = tpu.vector_load %arg14[%get3A_640, %get3A_641] {strides = array<i32>} : memref<2x80xi32, #tpu.memory_space<vmem>>, vector<1x16xi32>,
    %get3A_643 = vector.shape_cast %get3A_642 : vector<1x16xi32> to vector<16xi32>
    %and3A_644 = arith.constant 16383 : i32
    %and3A_645 = vector.broadcast %and3A_644 : i32 to vector<16xi32>
    %and3A_646 = arith.andi %get3A_643, %and3A_645 : vector<16xi32>
    %swap3A_647 = arith.constant 0 : i32
    %swap3A_648 = arith.index_cast %swap3A_647 : i32 to index
    %swap3A_649 = arith.constant 48 : index
    %swap3A_650 = tpu.vector_load %arg18[%swap3A_648, %swap3A_649] {strides = array<i32>} : memref<2x80xi32, #tpu.memory_space<vmem>>, vector<1x16xi32>,
    %swap3A_651 = vector.shape_cast %swap3A_650 : vector<1x16xi32> to vector<16xi32>
    %swap3A_652 = vector.shape_cast %and3A_646 : vector<16xi32> to vector<1x16xi32>
    tpu.vector_store %arg18[%swap3A_648, %swap3A_649], %swap3A_652 {strides = array<i32>} : memref<2x80xi32, #tpu.memory_space<vmem>>, vector<1x16xi32>,
    %shift_right_arithmetic3A_653 = arith.constant 14 : i32
    %shift_right_arithmetic3A_654 = vector.broadcast %shift_right_arithmetic3A_653 : i32 to vector<16xi32>
    %shift_right_arithmetic3A_655 = arith.shrsi %get3A_643, %shift_right_arithmetic3A_654 : vector<16xi32>
    %swap3A_656 = arith.constant 0 : i32
    %swap3A_657 = arith.index_cast %swap3A_656 : i32 to index
    %swap3A_658 = arith.constant 48 : index
    %swap3A_659 = tpu.vector_load %arg22[%swap3A_657, %swap3A_658] {strides = array<i32>} : memref<2x80xi32, #tpu.memory_space<vmem>>, vector<1x16xi32>,
    %swap3A_660 = vector.shape_cast %swap3A_659 : vector<1x16xi32> to vector<16xi32>
    %swap3A_661 = vector.shape_cast %shift_right_arithmetic3A_655 : vector<16xi32> to vector<1x16xi32>
    tpu.vector_store %arg22[%swap3A_657, %swap3A_658], %swap3A_661 {strides = array<i32>} : memref<2x80xi32, #tpu.memory_space<vmem>>, vector<1x16xi32>,
    %get3A_662 = arith.constant 0 : i32
    %get3A_663 = arith.index_cast %get3A_662 : i32 to index
    %get3A_664 = arith.constant 64 : index
    %get3A_665 = tpu.vector_load %arg14[%get3A_663, %get3A_664] {strides = array<i32>} : memref<2x80xi32, #tpu.memory_space<vmem>>, vector<1x16xi32>,
    %get3A_666 = vector.shape_cast %get3A_665 : vector<1x16xi32> to vector<16xi32>
    %and3A_667 = arith.constant 16383 : i32
    %and3A_668 = vector.broadcast %and3A_667 : i32 to vector<16xi32>
    %and3A_669 = arith.andi %get3A_666, %and3A_668 : vector<16xi32>
    %swap3A_670 = arith.constant 0 : i32
    %swap3A_671 = arith.index_cast %swap3A_670 : i32 to index
    %swap3A_672 = arith.constant 64 : index
    %swap3A_673 = tpu.vector_load %arg18[%swap3A_671, %swap3A_672] {strides = array<i32>} : memref<2x80xi32, #tpu.memory_space<vmem>>, vector<1x16xi32>,
    %swap3A_674 = vector.shape_cast %swap3A_673 : vector<1x16xi32> to vector<16xi32>
    %swap3A_675 = vector.shape_cast %and3A_669 : vector<16xi32> to vector<1x16xi32>
    tpu.vector_store %arg18[%swap3A_671, %swap3A_672], %swap3A_675 {strides = array<i32>} : memref<2x80xi32, #tpu.memory_space<vmem>>, vector<1x16xi32>,
    %shift_right_arithmetic3A_676 = arith.constant 14 : i32
    %shift_right_arithmetic3A_677 = vector.broadcast %shift_right_arithmetic3A_676 : i32 to vector<16xi32>
    %shift_right_arithmetic3A_678 = arith.shrsi %get3A_666, %shift_right_arithmetic3A_677 : vector<16xi32>
    %swap3A_679 = arith.constant 0 : i32
    %swap3A_680 = arith.index_cast %swap3A_679 : i32 to index
    %swap3A_681 = arith.constant 64 : index
    %swap3A_682 = tpu.vector_load %arg22[%swap3A_680, %swap3A_681] {strides = array<i32>} : memref<2x80xi32, #tpu.memory_space<vmem>>, vector<1x16xi32>,
    %swap3A_683 = vector.shape_cast %swap3A_682 : vector<1x16xi32> to vector<16xi32>
    %swap3A_684 = vector.shape_cast %shift_right_arithmetic3A_678 : vector<16xi32> to vector<1x16xi32>
    tpu.vector_store %arg22[%swap3A_680, %swap3A_681], %swap3A_684 {strides = array<i32>} : memref<2x80xi32, #tpu.memory_space<vmem>>, vector<1x16xi32>,
    %dma_start3A_685 = arith.constant 0 : i32
    %dma_start3A_686 = arith.constant 0 : i32
    %dma_start3A_687 = tpu.memref_slice %arg18[%dma_start3A_685, %dma_start3A_686] : memref<2x80xi32, #tpu.memory_space<vmem>> -> memref<1x80xi32, #tpu.memory_space<vmem>>
    %dma_start3A_688 = tpu.memref_squeeze %dma_start3A_687 : memref<1x80xi32, #tpu.memory_space<vmem>> -> memref<80xi32, #tpu.memory_space<vmem>>
    %dma_start3A_689 = arith.constant 0 : i32
    %dma_start3A_690 = arith.constant 0 : i32
    %dma_start3A_691 = tpu.memref_slice %arg3[%dma_start3A_689, %dma_start3A_690] : memref<10000x128xf32, #tpu.memory_space<hbm>> -> memref<10000x128xf32, #tpu.memory_space<hbm>>
    tpu.enqueue_indirect_dma source(%dma_start3A_691 : memref<10000x128xf32, #tpu.memory_space<hbm>>) target(%arg10 : memref<80x128xf32, #tpu.memory_space<vmem>>) offsets(%dma_start3A_688 : memref<80xi32, #tpu.memory_space<vmem>>) semaphore(%arg36 : memref<!tpu.dma_semaphore, #tpu.memory_space<semaphore_mem>>)
    %dma_wait3A_692 = arith.constant 0 : i32
    %dma_wait3A_693 = arith.constant 0 : i32
    %dma_wait3A_694 = arith.constant 0 : i32
    %dma_wait3A_695 = tpu.memref_slice %arg15[%dma_wait3A_693, %dma_wait3A_694] : memref<2x80xi32, #tpu.memory_space<vmem>> -> memref<1x80xi32, #tpu.memory_space<vmem>>
    %dma_wait3A_696 = tpu.memref_squeeze %dma_wait3A_695 : memref<1x80xi32, #tpu.memory_space<vmem>> -> memref<80xi32, #tpu.memory_space<vmem>>
    %dma_wait3A_697 = arith.constant 0 : i32
    %dma_wait3A_698 = tpu.memref_slice %arg2[%add3A, %dma_wait3A_692, %dma_wait3A_697] : memref<32x125x80xi32, #tpu.memory_space<hbm>> -> memref<1x1x80xi32, #tpu.memory_space<hbm>>
    %dma_wait3A_699 = tpu.memref_squeeze %dma_wait3A_698 : memref<1x1x80xi32, #tpu.memory_space<hbm>> -> memref<80xi32, #tpu.memory_space<hbm>>
    %dma_wait3A_700 = arith.constant 0 : i32
    %dma_wait3A_701 = tpu.memref_slice %arg15[%dma_wait3A_693, %dma_wait3A_700] : memref<2x80xi32, #tpu.memory_space<vmem>> -> memref<1x80xi32, #tpu.memory_space<vmem>>
    %dma_wait3A_702 = tpu.memref_squeeze %dma_wait3A_701 : memref<1x80xi32, #tpu.memory_space<vmem>> -> memref<80xi32, #tpu.memory_space<vmem>>
    %dma_wait3A_703 = arith.constant 0 : i32
    %dma_wait3A_704 = tpu.memref_slice %arg2[%add3A, %dma_wait3A_692, %dma_wait3A_703] : memref<32x125x80xi32, #tpu.memory_space<hbm>> -> memref<1x1x80xi32, #tpu.memory_space<hbm>>
    %dma_wait3A_705 = tpu.memref_squeeze %dma_wait3A_704 : memref<1x1x80xi32, #tpu.memory_space<hbm>> -> memref<80xi32, #tpu.memory_space<hbm>>
    tpu.wait_dma2 semaphore(%arg32 : memref<!tpu.dma_semaphore, #tpu.memory_space<semaphore_mem>>) src(%dma_wait3A_705 : memref<80xi32, #tpu.memory_space<hbm>>) dst(%dma_wait3A_702 : memref<80xi32, #tpu.memory_space<vmem>>)
    %get3A_706 = arith.constant 0 : i32
    %get3A_707 = arith.index_cast %get3A_706 : i32 to index
    %get3A_708 = arith.constant 0 : index
    %get3A_709 = tpu.vector_load %arg15[%get3A_707, %get3A_708] {strides = array<i32>} : memref<2x80xi32, #tpu.memory_space<vmem>>, vector<1x16xi32>,
    %get3A_710 = vector.shape_cast %get3A_709 : vector<1x16xi32> to vector<16xi32>
    %and3A_711 = arith.constant 16383 : i32
    %and3A_712 = vector.broadcast %and3A_711 : i32 to vector<16xi32>
    %and3A_713 = arith.andi %get3A_710, %and3A_712 : vector<16xi32>
    %swap3A_714 = arith.constant 0 : i32
    %swap3A_715 = arith.index_cast %swap3A_714 : i32 to index
    %swap3A_716 = arith.constant 0 : index
    %swap3A_717 = tpu.vector_load %arg19[%swap3A_715, %swap3A_716] {strides = array<i32>} : memref<2x80xi32, #tpu.memory_space<vmem>>, vector<1x16xi32>,
    %swap3A_718 = vector.shape_cast %swap3A_717 : vector<1x16xi32> to vector<16xi32>
    %swap3A_719 = vector.shape_cast %and3A_713 : vector<16xi32> to vector<1x16xi32>
    tpu.vector_store %arg19[%swap3A_715, %swap3A_716], %swap3A_719 {strides = array<i32>} : memref<2x80xi32, #tpu.memory_space<vmem>>, vector<1x16xi32>,
    %shift_right_arithmetic3A_720 = arith.constant 14 : i32
    %shift_right_arithmetic3A_721 = vector.broadcast %shift_right_arithmetic3A_720 : i32 to vector<16xi32>
    %shift_right_arithmetic3A_722 = arith.shrsi %get3A_710, %shift_right_arithmetic3A_721 : vector<16xi32>
    %swap3A_723 = arith.constant 0 : i32
    %swap3A_724 = arith.index_cast %swap3A_723 : i32 to index
    %swap3A_725 = arith.constant 0 : index
    %swap3A_726 = tpu.vector_load %arg23[%swap3A_724, %swap3A_725] {strides = array<i32>} : memref<2x80xi32, #tpu.memory_space<vmem>>, vector<1x16xi32>,
    %swap3A_727 = vector.shape_cast %swap3A_726 : vector<1x16xi32> to vector<16xi32>
    %swap3A_728 = vector.shape_cast %shift_right_arithmetic3A_722 : vector<16xi32> to vector<1x16xi32>
    tpu.vector_store %arg23[%swap3A_724, %swap3A_725], %swap3A_728 {strides = array<i32>} : memref<2x80xi32, #tpu.memory_space<vmem>>, vector<1x16xi32>,
    %get3A_729 = arith.constant 0 : i32
    %get3A_730 = arith.index_cast %get3A_729 : i32 to index
    %get3A_731 = arith.constant 16 : index
    %get3A_732 = tpu.vector_load %arg15[%get3A_730, %get3A_731] {strides = array<i32>} : memref<2x80xi32, #tpu.memory_space<vmem>>, vector<1x16xi32>,
    %get3A_733 = vector.shape_cast %get3A_732 : vector<1x16xi32> to vector<16xi32>
    %and3A_734 = arith.constant 16383 : i32
    %and3A_735 = vector.broadcast %and3A_734 : i32 to vector<16xi32>
    %and3A_736 = arith.andi %get3A_733, %and3A_735 : vector<16xi32>
    %swap3A_737 = arith.constant 0 : i32
    %swap3A_738 = arith.index_cast %swap3A_737 : i32 to index
    %swap3A_739 = arith.constant 16 : index
    %swap3A_740 = tpu.vector_load %arg19[%swap3A_738, %swap3A_739] {strides = array<i32>} : memref<2x80xi32, #tpu.memory_space<vmem>>, vector<1x16xi32>,
    %swap3A_741 = vector.shape_cast %swap3A_740 : vector<1x16xi32> to vector<16xi32>
    %swap3A_742 = vector.shape_cast %and3A_736 : vector<16xi32> to vector<1x16xi32>
    tpu.vector_store %arg19[%swap3A_738, %swap3A_739], %swap3A_742 {strides = array<i32>} : memref<2x80xi32, #tpu.memory_space<vmem>>, vector<1x16xi32>,
    %shift_right_arithmetic3A_743 = arith.constant 14 : i32
    %shift_right_arithmetic3A_744 = vector.broadcast %shift_right_arithmetic3A_743 : i32 to vector<16xi32>
    %shift_right_arithmetic3A_745 = arith.shrsi %get3A_733, %shift_right_arithmetic3A_744 : vector<16xi32>
    %swap3A_746 = arith.constant 0 : i32
    %swap3A_747 = arith.index_cast %swap3A_746 : i32 to index
    %swap3A_748 = arith.constant 16 : index
    %swap3A_749 = tpu.vector_load %arg23[%swap3A_747, %swap3A_748] {strides = array<i32>} : memref<2x80xi32, #tpu.memory_space<vmem>>, vector<1x16xi32>,
    %swap3A_750 = vector.shape_cast %swap3A_749 : vector<1x16xi32> to vector<16xi32>
    %swap3A_751 = vector.shape_cast %shift_right_arithmetic3A_745 : vector<16xi32> to vector<1x16xi32>
    tpu.vector_store %arg23[%swap3A_747, %swap3A_748], %swap3A_751 {strides = array<i32>} : memref<2x80xi32, #tpu.memory_space<vmem>>, vector<1x16xi32>,
    %get3A_752 = arith.constant 0 : i32
    %get3A_753 = arith.index_cast %get3A_752 : i32 to index
    %get3A_754 = arith.constant 32 : index
    %get3A_755 = tpu.vector_load %arg15[%get3A_753, %get3A_754] {strides = array<i32>} : memref<2x80xi32, #tpu.memory_space<vmem>>, vector<1x16xi32>,
    %get3A_756 = vector.shape_cast %get3A_755 : vector<1x16xi32> to vector<16xi32>
    %and3A_757 = arith.constant 16383 : i32
    %and3A_758 = vector.broadcast %and3A_757 : i32 to vector<16xi32>
    %and3A_759 = arith.andi %get3A_756, %and3A_758 : vector<16xi32>
    %swap3A_760 = arith.constant 0 : i32
    %swap3A_761 = arith.index_cast %swap3A_760 : i32 to index
    %swap3A_762 = arith.constant 32 : index
    %swap3A_763 = tpu.vector_load %arg19[%swap3A_761, %swap3A_762] {strides = array<i32>} : memref<2x80xi32, #tpu.memory_space<vmem>>, vector<1x16xi32>,
    %swap3A_764 = vector.shape_cast %swap3A_763 : vector<1x16xi32> to vector<16xi32>
    %swap3A_765 = vector.shape_cast %and3A_759 : vector<16xi32> to vector<1x16xi32>
    tpu.vector_store %arg19[%swap3A_761, %swap3A_762], %swap3A_765 {strides = array<i32>} : memref<2x80xi32, #tpu.memory_space<vmem>>, vector<1x16xi32>,
    %shift_right_arithmetic3A_766 = arith.constant 14 : i32
    %shift_right_arithmetic3A_767 = vector.broadcast %shift_right_arithmetic3A_766 : i32 to vector<16xi32>
    %shift_right_arithmetic3A_768 = arith.shrsi %get3A_756, %shift_right_arithmetic3A_767 : vector<16xi32>
    %swap3A_769 = arith.constant 0 : i32
    %swap3A_770 = arith.index_cast %swap3A_769 : i32 to index
    %swap3A_771 = arith.constant 32 : index
    %swap3A_772 = tpu.vector_load %arg23[%swap3A_770, %swap3A_771] {strides = array<i32>} : memref<2x80xi32, #tpu.memory_space<vmem>>, vector<1x16xi32>,
    %swap3A_773 = vector.shape_cast %swap3A_772 : vector<1x16xi32> to vector<16xi32>
    %swap3A_774 = vector.shape_cast %shift_right_arithmetic3A_768 : vector<16xi32> to vector<1x16xi32>
    tpu.vector_store %arg23[%swap3A_770, %swap3A_771], %swap3A_774 {strides = array<i32>} : memref<2x80xi32, #tpu.memory_space<vmem>>, vector<1x16xi32>,
    %get3A_775 = arith.constant 0 : i32
    %get3A_776 = arith.index_cast %get3A_775 : i32 to index
    %get3A_777 = arith.constant 48 : index
    %get3A_778 = tpu.vector_load %arg15[%get3A_776, %get3A_777] {strides = array<i32>} : memref<2x80xi32, #tpu.memory_space<vmem>>, vector<1x16xi32>,
    %get3A_779 = vector.shape_cast %get3A_778 : vector<1x16xi32> to vector<16xi32>
    %and3A_780 = arith.constant 16383 : i32
    %and3A_781 = vector.broadcast %and3A_780 : i32 to vector<16xi32>
    %and3A_782 = arith.andi %get3A_779, %and3A_781 : vector<16xi32>
    %swap3A_783 = arith.constant 0 : i32
    %swap3A_784 = arith.index_cast %swap3A_783 : i32 to index
    %swap3A_785 = arith.constant 48 : index
    %swap3A_786 = tpu.vector_load %arg19[%swap3A_784, %swap3A_785] {strides = array<i32>} : memref<2x80xi32, #tpu.memory_space<vmem>>, vector<1x16xi32>,
    %swap3A_787 = vector.shape_cast %swap3A_786 : vector<1x16xi32> to vector<16xi32>
    %swap3A_788 = vector.shape_cast %and3A_782 : vector<16xi32> to vector<1x16xi32>
    tpu.vector_store %arg19[%swap3A_784, %swap3A_785], %swap3A_788 {strides = array<i32>} : memref<2x80xi32, #tpu.memory_space<vmem>>, vector<1x16xi32>,
    %shift_right_arithmetic3A_789 = arith.constant 14 : i32
    %shift_right_arithmetic3A_790 = vector.broadcast %shift_right_arithmetic3A_789 : i32 to vector<16xi32>
    %shift_right_arithmetic3A_791 = arith.shrsi %get3A_779, %shift_right_arithmetic3A_790 : vector<16xi32>
    %swap3A_792 = arith.constant 0 : i32
    %swap3A_793 = arith.index_cast %swap3A_792 : i32 to index
    %swap3A_794 = arith.constant 48 : index
    %swap3A_795 = tpu.vector_load %arg23[%swap3A_793, %swap3A_794] {strides = array<i32>} : memref<2x80xi32, #tpu.memory_space<vmem>>, vector<1x16xi32>,
    %swap3A_796 = vector.shape_cast %swap3A_795 : vector<1x16xi32> to vector<16xi32>
    %swap3A_797 = vector.shape_cast %shift_right_arithmetic3A_791 : vector<16xi32> to vector<1x16xi32>
    tpu.vector_store %arg23[%swap3A_793, %swap3A_794], %swap3A_797 {strides = array<i32>} : memref<2x80xi32, #tpu.memory_space<vmem>>, vector<1x16xi32>,
    %get3A_798 = arith.constant 0 : i32
    %get3A_799 = arith.index_cast %get3A_798 : i32 to index
    %get3A_800 = arith.constant 64 : index
    %get3A_801 = tpu.vector_load %arg15[%get3A_799, %get3A_800] {strides = array<i32>} : memref<2x80xi32, #tpu.memory_space<vmem>>, vector<1x16xi32>,
    %get3A_802 = vector.shape_cast %get3A_801 : vector<1x16xi32> to vector<16xi32>
    %and3A_803 = arith.constant 16383 : i32
    %and3A_804 = vector.broadcast %and3A_803 : i32 to vector<16xi32>
    %and3A_805 = arith.andi %get3A_802, %and3A_804 : vector<16xi32>
    %swap3A_806 = arith.constant 0 : i32
    %swap3A_807 = arith.index_cast %swap3A_806 : i32 to index
    %swap3A_808 = arith.constant 64 : index
    %swap3A_809 = tpu.vector_load %arg19[%swap3A_807, %swap3A_808] {strides = array<i32>} : memref<2x80xi32, #tpu.memory_space<vmem>>, vector<1x16xi32>,
    %swap3A_810 = vector.shape_cast %swap3A_809 : vector<1x16xi32> to vector<16xi32>
    %swap3A_811 = vector.shape_cast %and3A_805 : vector<16xi32> to vector<1x16xi32>
    tpu.vector_store %arg19[%swap3A_807, %swap3A_808], %swap3A_811 {strides = array<i32>} : memref<2x80xi32, #tpu.memory_space<vmem>>, vector<1x16xi32>,
    %shift_right_arithmetic3A_812 = arith.constant 14 : i32
    %shift_right_arithmetic3A_813 = vector.broadcast %shift_right_arithmetic3A_812 : i32 to vector<16xi32>
    %shift_right_arithmetic3A_814 = arith.shrsi %get3A_802, %shift_right_arithmetic3A_813 : vector<16xi32>
    %swap3A_815 = arith.constant 0 : i32
    %swap3A_816 = arith.index_cast %swap3A_815 : i32 to index
    %swap3A_817 = arith.constant 64 : index
    %swap3A_818 = tpu.vector_load %arg23[%swap3A_816, %swap3A_817] {strides = array<i32>} : memref<2x80xi32, #tpu.memory_space<vmem>>, vector<1x16xi32>,
    %swap3A_819 = vector.shape_cast %swap3A_818 : vector<1x16xi32> to vector<16xi32>
    %swap3A_820 = vector.shape_cast %shift_right_arithmetic3A_814 : vector<16xi32> to vector<1x16xi32>
    tpu.vector_store %arg23[%swap3A_816, %swap3A_817], %swap3A_820 {strides = array<i32>} : memref<2x80xi32, #tpu.memory_space<vmem>>, vector<1x16xi32>,
    %dma_start3A_821 = arith.constant 0 : i32
    %dma_start3A_822 = arith.constant 0 : i32
    %dma_start3A_823 = tpu.memref_slice %arg19[%dma_start3A_821, %dma_start3A_822] : memref<2x80xi32, #tpu.memory_space<vmem>> -> memref<1x80xi32, #tpu.memory_space<vmem>>
    %dma_start3A_824 = tpu.memref_squeeze %dma_start3A_823 : memref<1x80xi32, #tpu.memory_space<vmem>> -> memref<80xi32, #tpu.memory_space<vmem>>
    %dma_start3A_825 = arith.constant 0 : i32
    %dma_start3A_826 = arith.constant 0 : i32
    %dma_start3A_827 = tpu.memref_slice %arg3[%dma_start3A_825, %dma_start3A_826] : memref<10000x128xf32, #tpu.memory_space<hbm>> -> memref<10000x128xf32, #tpu.memory_space<hbm>>
    tpu.enqueue_indirect_dma source(%dma_start3A_827 : memref<10000x128xf32, #tpu.memory_space<hbm>>) target(%arg11 : memref<80x128xf32, #tpu.memory_space<vmem>>) offsets(%dma_start3A_824 : memref<80xi32, #tpu.memory_space<vmem>>) semaphore(%arg37 : memref<!tpu.dma_semaphore, #tpu.memory_space<semaphore_mem>>)
    %barrier3A = arith.constant 0 : index
    tpu.barrier barrier_id(%barrier3A)
    %scan3A_828 = arith.constant 0 : i32
    %scan3A_829 = arith.constant 0 : i32
    %scan3A_830 = arith.constant 15 : i32
    %scan3A_831 = arith.addi %scan3A_829, %scan3A_830 : i32
    %scan3A_832 = arith.constant 1 : i32
    scf.for %scan3A_1168 = %scan3A_829 to %scan3A_831 step %scan3A_832  : i32 {
      %mul3A_1169 = arith.constant 8 : i32
      %mul3A_1170 = arith.muli %scan3A_1168, %mul3A_1169 : i32
      %add3A_1171 = arith.constant 0 : i32
      %add3A_1172 = arith.addi %mul3A_1170, %add3A_1171 : i32
      %dma_wait3A_1173 = arith.constant 0 : i32
      %dma_wait3A_1174 = arith.constant 0 : i32
      %dma_wait3A_1175 = tpu.memref_slice %arg3[%dma_wait3A_1173, %dma_wait3A_1174] : memref<10000x128xf32, #tpu.memory_space<hbm>> -> memref<80x128xf32, #tpu.memory_space<hbm>>
      %dma_wait3A_1176 = arith.constant 0 : i32
      %dma_wait3A_1177 = arith.constant 0 : i32
      %dma_wait3A_1178 = tpu.memref_slice %arg3[%dma_wait3A_1176, %dma_wait3A_1177] : memref<10000x128xf32, #tpu.memory_space<hbm>> -> memref<80x128xf32, #tpu.memory_space<hbm>>
      tpu.wait_dma2 semaphore(%arg34 : memref<!tpu.dma_semaphore, #tpu.memory_space<semaphore_mem>>) src(%dma_wait3A_1178 : memref<80x128xf32, #tpu.memory_space<hbm>>) dst(%arg8 : memref<80x128xf32, #tpu.memory_space<vmem>>)
      %dma_start3A_1179 = arith.constant 0 : i32
      %dma_start3A_1180 = arith.constant 0 : i32
      %dma_start3A_1181 = tpu.memref_slice %arg20[%dma_start3A_1179, %dma_start3A_1180] : memref<2x80xi32, #tpu.memory_space<vmem>> -> memref<1x80xi32, #tpu.memory_space<vmem>>
      %dma_start3A_1182 = tpu.memref_squeeze %dma_start3A_1181 : memref<1x80xi32, #tpu.memory_space<vmem>> -> memref<80xi32, #tpu.memory_space<vmem>>
      %dma_start3A_1183 = arith.constant 0 : i32
      %dma_start3A_1184 = arith.constant 0 : i32
      %dma_start3A_1185 = tpu.memref_slice %arg6[%dma_start3A_1183, %dma_start3A_1184] : memref<10000x128xf32, #tpu.memory_space<vmem_shared>> -> memref<10000x128xf32, #tpu.memory_space<vmem_shared>>
      tpu.enqueue_indirect_dma source(%arg8 : memref<80x128xf32, #tpu.memory_space<vmem>>) target(%dma_start3A_1185 : memref<10000x128xf32, #tpu.memory_space<vmem_shared>>) offsets(%dma_start3A_1182 : memref<80xi32, #tpu.memory_space<vmem>>) semaphore(%arg38 : memref<!tpu.dma_semaphore, #tpu.memory_space<semaphore_mem>>) {add = true}
      %run_scoped3A_1186 = arith.constant 0 : i32
      "tpu.region"() ({
        %run_scoped3A_1473 = tpu.sem_alloc : memref<!tpu.dma_semaphore, #tpu.memory_space<semaphore_mem>>
        %dma_start3A_1474 = arith.constant 0 : i32
        %dma_start3A_1475 = tpu.memref_slice %arg20[%run_scoped3A_1186, %dma_start3A_1474] : memref<2x80xi32, #tpu.memory_space<vmem>> -> memref<1x80xi32, #tpu.memory_space<vmem>>
        %dma_start3A_1476 = tpu.memref_squeeze %dma_start3A_1475 : memref<1x80xi32, #tpu.memory_space<vmem>> -> memref<80xi32, #tpu.memory_space<vmem>>
        %dma_start3A_1477 = arith.constant 0 : i32
        %dma_start3A_1478 = tpu.memref_slice %arg7[%dma_start3A_1477] : memref<10240xf32, #tpu.memory_space<vmem_shared>> -> memref<10240xf32, #tpu.memory_space<vmem_shared>>
        tpu.enqueue_indirect_dma source(%arg25 : memref<80xf32, #tpu.memory_space<vmem>>) target(%dma_start3A_1478 : memref<10240xf32, #tpu.memory_space<vmem_shared>>) offsets(%dma_start3A_1476 : memref<80xi32, #tpu.memory_space<vmem>>) semaphore(%run_scoped3A_1473 : memref<!tpu.dma_semaphore, #tpu.memory_space<semaphore_mem>>) {add = true}
        %dma_wait3A_1479 = arith.constant 0 : i32
        %dma_wait3A_1480 = tpu.memref_slice %arg20[%run_scoped3A_1186, %dma_wait3A_1479] : memref<2x80xi32, #tpu.memory_space<vmem>> -> memref<1x80xi32, #tpu.memory_space<vmem>>
        %dma_wait3A_1481 = tpu.memref_squeeze %dma_wait3A_1480 : memref<1x80xi32, #tpu.memory_space<vmem>> -> memref<80xi32, #tpu.memory_space<vmem>>
        %dma_wait3A_1482 = arith.constant 0 : i32
        %dma_wait3A_1483 = tpu.memref_slice %arg7[%dma_wait3A_1482] : memref<10240xf32, #tpu.memory_space<vmem_shared>> -> memref<10240xf32, #tpu.memory_space<vmem_shared>>
        tpu.wait_indirect_dma semaphore(%run_scoped3A_1473 : memref<!tpu.dma_semaphore, #tpu.memory_space<semaphore_mem>>) src(%arg25 : memref<80xf32, #tpu.memory_space<vmem>>) dst(%dma_wait3A_1483 : memref<10240xf32, #tpu.memory_space<vmem_shared>>)
        tpu.yield
      }) : () -> ()
      %dma_wait3A_1187 = arith.constant 0 : i32
      %dma_wait3A_1188 = arith.constant 0 : i32
      %dma_wait3A_1189 = tpu.memref_slice %arg3[%dma_wait3A_1187, %dma_wait3A_1188] : memref<10000x128xf32, #tpu.memory_space<hbm>> -> memref<80x128xf32, #tpu.memory_space<hbm>>
      %dma_wait3A_1190 = arith.constant 0 : i32
      %dma_wait3A_1191 = arith.constant 0 : i32
      %dma_wait3A_1192 = tpu.memref_slice %arg3[%dma_wait3A_1190, %dma_wait3A_1191] : memref<10000x128xf32, #tpu.memory_space<hbm>> -> memref<80x128xf32, #tpu.memory_space<hbm>>
      tpu.wait_dma2 semaphore(%arg38 : memref<!tpu.dma_semaphore, #tpu.memory_space<semaphore_mem>>) src(%dma_wait3A_1192 : memref<80x128xf32, #tpu.memory_space<hbm>>) dst(%arg8 : memref<80x128xf32, #tpu.memory_space<vmem>>)
      %add3A_1193 = arith.constant 4 : i32
      %add3A_1194 = arith.addi %add3A_1172, %add3A_1193 : i32
      %lt3A_1195 = arith.constant 125 : i32
      %lt3A_1196 = arith.cmpi slt, %add3A_1194, %lt3A_1195 : i32
      %convert_element_type3A_1197 = arith.extui %lt3A_1196 : i1 to i32
      %cond3A_1198 = arith.constant 0 : i32
      %cond3A_1199 = arith.cmpi ne, %convert_element_type3A_1197, %cond3A_1198 : i32
      scf.if %cond3A_1199 {
        %dma_wait3A_1473 = arith.constant 0 : i32
        %dma_wait3A_1474 = arith.constant 1 : i32
        %dma_wait3A_1475 = arith.constant 0 : i32
        %dma_wait3A_1476 = tpu.memref_slice %arg12[%dma_wait3A_1474, %dma_wait3A_1475] : memref<2x80xi32, #tpu.memory_space<vmem>> -> memref<1x80xi32, #tpu.memory_space<vmem>>
        %dma_wait3A_1477 = tpu.memref_squeeze %dma_wait3A_1476 : memref<1x80xi32, #tpu.memory_space<vmem>> -> memref<80xi32, #tpu.memory_space<vmem>>
        %dma_wait3A_1478 = arith.constant 0 : i32
        %dma_wait3A_1479 = tpu.memref_slice %arg2[%add3A, %dma_wait3A_1473, %dma_wait3A_1478] : memref<32x125x80xi32, #tpu.memory_space<hbm>> -> memref<1x1x80xi32, #tpu.memory_space<hbm>>
        %dma_wait3A_1480 = tpu.memref_squeeze %dma_wait3A_1479 : memref<1x1x80xi32, #tpu.memory_space<hbm>> -> memref<80xi32, #tpu.memory_space<hbm>>
        %dma_wait3A_1481 = arith.constant 0 : i32
        %dma_wait3A_1482 = tpu.memref_slice %arg12[%dma_wait3A_1474, %dma_wait3A_1481] : memref<2x80xi32, #tpu.memory_space<vmem>> -> memref<1x80xi32, #tpu.memory_space<vmem>>
        %dma_wait3A_1483 = tpu.memref_squeeze %dma_wait3A_1482 : memref<1x80xi32, #tpu.memory_space<vmem>> -> memref<80xi32, #tpu.memory_space<vmem>>
        %dma_wait3A_1484 = arith.constant 0 : i32
        %dma_wait3A_1485 = tpu.memref_slice %arg2[%add3A, %dma_wait3A_1473, %dma_wait3A_1484] : memref<32x125x80xi32, #tpu.memory_space<hbm>> -> memref<1x1x80xi32, #tpu.memory_space<hbm>>
        %dma_wait3A_1486 = tpu.memref_squeeze %dma_wait3A_1485 : memref<1x1x80xi32, #tpu.memory_space<hbm>> -> memref<80xi32, #tpu.memory_space<hbm>>
        tpu.wait_dma2 semaphore(%arg27 : memref<!tpu.dma_semaphore, #tpu.memory_space<semaphore_mem>>) src(%dma_wait3A_1486 : memref<80xi32, #tpu.memory_space<hbm>>) dst(%dma_wait3A_1483 : memref<80xi32, #tpu.memory_space<vmem>>)
        %get3A_1487 = arith.constant 1 : i32
        %get3A_1488 = arith.index_cast %get3A_1487 : i32 to index
        %get3A_1489 = arith.constant 0 : index
        %get3A_1490 = tpu.vector_load %arg12[%get3A_1488, %get3A_1489] {strides = array<i32>} : memref<2x80xi32, #tpu.memory_space<vmem>>, vector<1x16xi32>,
        %get3A_1491 = vector.shape_cast %get3A_1490 : vector<1x16xi32> to vector<16xi32>
        %and3A_1492 = arith.constant 16383 : i32
        %and3A_1493 = vector.broadcast %and3A_1492 : i32 to vector<16xi32>
        %and3A_1494 = arith.andi %get3A_1491, %and3A_1493 : vector<16xi32>
        %swap3A_1495 = arith.constant 1 : i32
        %swap3A_1496 = arith.index_cast %swap3A_1495 : i32 to index
        %swap3A_1497 = arith.constant 0 : index
        %swap3A_1498 = tpu.vector_load %arg16[%swap3A_1496, %swap3A_1497] {strides = array<i32>} : memref<2x80xi32, #tpu.memory_space<vmem>>, vector<1x16xi32>,
        %swap3A_1499 = vector.shape_cast %swap3A_1498 : vector<1x16xi32> to vector<16xi32>
        %swap3A_1500 = vector.shape_cast %and3A_1494 : vector<16xi32> to vector<1x16xi32>
        tpu.vector_store %arg16[%swap3A_1496, %swap3A_1497], %swap3A_1500 {strides = array<i32>} : memref<2x80xi32, #tpu.memory_space<vmem>>, vector<1x16xi32>,
        %shift_right_arithmetic3A_1501 = arith.constant 14 : i32
        %shift_right_arithmetic3A_1502 = vector.broadcast %shift_right_arithmetic3A_1501 : i32 to vector<16xi32>
        %shift_right_arithmetic3A_1503 = arith.shrsi %get3A_1491, %shift_right_arithmetic3A_1502 : vector<16xi32>
        %swap3A_1504 = arith.constant 1 : i32
        %swap3A_1505 = arith.index_cast %swap3A_1504 : i32 to index
        %swap3A_1506 = arith.constant 0 : index
        %swap3A_1507 = tpu.vector_load %arg20[%swap3A_1505, %swap3A_1506] {strides = array<i32>} : memref<2x80xi32, #tpu.memory_space<vmem>>, vector<1x16xi32>,
        %swap3A_1508 = vector.shape_cast %swap3A_1507 : vector<1x16xi32> to vector<16xi32>
        %swap3A_1509 = vector.shape_cast %shift_right_arithmetic3A_1503 : vector<16xi32> to vector<1x16xi32>
        tpu.vector_store %arg20[%swap3A_1505, %swap3A_1506], %swap3A_1509 {strides = array<i32>} : memref<2x80xi32, #tpu.memory_space<vmem>>, vector<1x16xi32>,
        %get3A_1510 = arith.constant 1 : i32
        %get3A_1511 = arith.index_cast %get3A_1510 : i32 to index
        %get3A_1512 = arith.constant 16 : index
        %get3A_1513 = tpu.vector_load %arg12[%get3A_1511, %get3A_1512] {strides = array<i32>} : memref<2x80xi32, #tpu.memory_space<vmem>>, vector<1x16xi32>,
        %get3A_1514 = vector.shape_cast %get3A_1513 : vector<1x16xi32> to vector<16xi32>
        %and3A_1515 = arith.constant 16383 : i32
        %and3A_1516 = vector.broadcast %and3A_1515 : i32 to vector<16xi32>
        %and3A_1517 = arith.andi %get3A_1514, %and3A_1516 : vector<16xi32>
        %swap3A_1518 = arith.constant 1 : i32
        %swap3A_1519 = arith.index_cast %swap3A_1518 : i32 to index
        %swap3A_1520 = arith.constant 16 : index
        %swap3A_1521 = tpu.vector_load %arg16[%swap3A_1519, %swap3A_1520] {strides = array<i32>} : memref<2x80xi32, #tpu.memory_space<vmem>>, vector<1x16xi32>,
        %swap3A_1522 = vector.shape_cast %swap3A_1521 : vector<1x16xi32> to vector<16xi32>
        %swap3A_1523 = vector.shape_cast %and3A_1517 : vector<16xi32> to vector<1x16xi32>
        tpu.vector_store %arg16[%swap3A_1519, %swap3A_1520], %swap3A_1523 {strides = array<i32>} : memref<2x80xi32, #tpu.memory_space<vmem>>, vector<1x16xi32>,
        %shift_right_arithmetic3A_1524 = arith.constant 14 : i32
        %shift_right_arithmetic3A_1525 = vector.broadcast %shift_right_arithmetic3A_1524 : i32 to vector<16xi32>
        %shift_right_arithmetic3A_1526 = arith.shrsi %get3A_1514, %shift_right_arithmetic3A_1525 : vector<16xi32>
        %swap3A_1527 = arith.constant 1 : i32
        %swap3A_1528 = arith.index_cast %swap3A_1527 : i32 to index
        %swap3A_1529 = arith.constant 16 : index
        %swap3A_1530 = tpu.vector_load %arg20[%swap3A_1528, %swap3A_1529] {strides = array<i32>} : memref<2x80xi32, #tpu.memory_space<vmem>>, vector<1x16xi32>,
        %swap3A_1531 = vector.shape_cast %swap3A_1530 : vector<1x16xi32> to vector<16xi32>
        %swap3A_1532 = vector.shape_cast %shift_right_arithmetic3A_1526 : vector<16xi32> to vector<1x16xi32>
        tpu.vector_store %arg20[%swap3A_1528, %swap3A_1529], %swap3A_1532 {strides = array<i32>} : memref<2x80xi32, #tpu.memory_space<vmem>>, vector<1x16xi32>,
        %get3A_1533 = arith.constant 1 : i32
        %get3A_1534 = arith.index_cast %get3A_1533 : i32 to index
        %get3A_1535 = arith.constant 32 : index
        %get3A_1536 = tpu.vector_load %arg12[%get3A_1534, %get3A_1535] {strides = array<i32>} : memref<2x80xi32, #tpu.memory_space<vmem>>, vector<1x16xi32>,
        %get3A_1537 = vector.shape_cast %get3A_1536 : vector<1x16xi32> to vector<16xi32>
        %and3A_1538 = arith.constant 16383 : i32
        %and3A_1539 = vector.broadcast %and3A_1538 : i32 to vector<16xi32>
        %and3A_1540 = arith.andi %get3A_1537, %and3A_1539 : vector<16xi32>
        %swap3A_1541 = arith.constant 1 : i32
        %swap3A_1542 = arith.index_cast %swap3A_1541 : i32 to index
        %swap3A_1543 = arith.constant 32 : index
        %swap3A_1544 = tpu.vector_load %arg16[%swap3A_1542, %swap3A_1543] {strides = array<i32>} : memref<2x80xi32, #tpu.memory_space<vmem>>, vector<1x16xi32>,
        %swap3A_1545 = vector.shape_cast %swap3A_1544 : vector<1x16xi32> to vector<16xi32>
        %swap3A_1546 = vector.shape_cast %and3A_1540 : vector<16xi32> to vector<1x16xi32>
        tpu.vector_store %arg16[%swap3A_1542, %swap3A_1543], %swap3A_1546 {strides = array<i32>} : memref<2x80xi32, #tpu.memory_space<vmem>>, vector<1x16xi32>,
        %shift_right_arithmetic3A_1547 = arith.constant 14 : i32
        %shift_right_arithmetic3A_1548 = vector.broadcast %shift_right_arithmetic3A_1547 : i32 to vector<16xi32>
        %shift_right_arithmetic3A_1549 = arith.shrsi %get3A_1537, %shift_right_arithmetic3A_1548 : vector<16xi32>
        %swap3A_1550 = arith.constant 1 : i32
        %swap3A_1551 = arith.index_cast %swap3A_1550 : i32 to index
        %swap3A_1552 = arith.constant 32 : index
        %swap3A_1553 = tpu.vector_load %arg20[%swap3A_1551, %swap3A_1552] {strides = array<i32>} : memref<2x80xi32, #tpu.memory_space<vmem>>, vector<1x16xi32>,
        %swap3A_1554 = vector.shape_cast %swap3A_1553 : vector<1x16xi32> to vector<16xi32>
        %swap3A_1555 = vector.shape_cast %shift_right_arithmetic3A_1549 : vector<16xi32> to vector<1x16xi32>
        tpu.vector_store %arg20[%swap3A_1551, %swap3A_1552], %swap3A_1555 {strides = array<i32>} : memref<2x80xi32, #tpu.memory_space<vmem>>, vector<1x16xi32>,
        %get3A_1556 = arith.constant 1 : i32
        %get3A_1557 = arith.index_cast %get3A_1556 : i32 to index
        %get3A_1558 = arith.constant 48 : index
        %get3A_1559 = tpu.vector_load %arg12[%get3A_1557, %get3A_1558] {strides = array<i32>} : memref<2x80xi32, #tpu.memory_space<vmem>>, vector<1x16xi32>,
        %get3A_1560 = vector.shape_cast %get3A_1559 : vector<1x16xi32> to vector<16xi32>
        %and3A_1561 = arith.constant 16383 : i32
        %and3A_1562 = vector.broadcast %and3A_1561 : i32 to vector<16xi32>
        %and3A_1563 = arith.andi %get3A_1560, %and3A_1562 : vector<16xi32>
        %swap3A_1564 = arith.constant 1 : i32
        %swap3A_1565 = arith.index_cast %swap3A_1564 : i32 to index
        %swap3A_1566 = arith.constant 48 : index
        %swap3A_1567 = tpu.vector_load %arg16[%swap3A_1565, %swap3A_1566] {strides = array<i32>} : memref<2x80xi32, #tpu.memory_space<vmem>>, vector<1x16xi32>,
        %swap3A_1568 = vector.shape_cast %swap3A_1567 : vector<1x16xi32> to vector<16xi32>
        %swap3A_1569 = vector.shape_cast %and3A_1563 : vector<16xi32> to vector<1x16xi32>
        tpu.vector_store %arg16[%swap3A_1565, %swap3A_1566], %swap3A_1569 {strides = array<i32>} : memref<2x80xi32, #tpu.memory_space<vmem>>, vector<1x16xi32>,
        %shift_right_arithmetic3A_1570 = arith.constant 14 : i32
        %shift_right_arithmetic3A_1571 = vector.broadcast %shift_right_arithmetic3A_1570 : i32 to vector<16xi32>
        %shift_right_arithmetic3A_1572 = arith.shrsi %get3A_1560, %shift_right_arithmetic3A_1571 : vector<16xi32>
        %swap3A_1573 = arith.constant 1 : i32
        %swap3A_1574 = arith.index_cast %swap3A_1573 : i32 to index
        %swap3A_1575 = arith.constant 48 : index
        %swap3A_1576 = tpu.vector_load %arg20[%swap3A_1574, %swap3A_1575] {strides = array<i32>} : memref<2x80xi32, #tpu.memory_space<vmem>>, vector<1x16xi32>,
        %swap3A_1577 = vector.shape_cast %swap3A_1576 : vector<1x16xi32> to vector<16xi32>
        %swap3A_1578 = vector.shape_cast %shift_right_arithmetic3A_1572 : vector<16xi32> to vector<1x16xi32>
        tpu.vector_store %arg20[%swap3A_1574, %swap3A_1575], %swap3A_1578 {strides = array<i32>} : memref<2x80xi32, #tpu.memory_space<vmem>>, vector<1x16xi32>,
        %get3A_1579 = arith.constant 1 : i32
        %get3A_1580 = arith.index_cast %get3A_1579 : i32 to index
        %get3A_1581 = arith.constant 64 : index
        %get3A_1582 = tpu.vector_load %arg12[%get3A_1580, %get3A_1581] {strides = array<i32>} : memref<2x80xi32, #tpu.memory_space<vmem>>, vector<1x16xi32>,
        %get3A_1583 = vector.shape_cast %get3A_1582 : vector<1x16xi32> to vector<16xi32>
        %and3A_1584 = arith.constant 16383 : i32
        %and3A_1585 = vector.broadcast %and3A_1584 : i32 to vector<16xi32>
        %and3A_1586 = arith.andi %get3A_1583, %and3A_1585 : vector<16xi32>
        %swap3A_1587 = arith.constant 1 : i32
        %swap3A_1588 = arith.index_cast %swap3A_1587 : i32 to index
        %swap3A_1589 = arith.constant 64 : index
        %swap3A_1590 = tpu.vector_load %arg16[%swap3A_1588, %swap3A_1589] {strides = array<i32>} : memref<2x80xi32, #tpu.memory_space<vmem>>, vector<1x16xi32>,
        %swap3A_1591 = vector.shape_cast %swap3A_1590 : vector<1x16xi32> to vector<16xi32>
        %swap3A_1592 = vector.shape_cast %and3A_1586 : vector<16xi32> to vector<1x16xi32>
        tpu.vector_store %arg16[%swap3A_1588, %swap3A_1589], %swap3A_1592 {strides = array<i32>} : memref<2x80xi32, #tpu.memory_space<vmem>>, vector<1x16xi32>,
        %shift_right_arithmetic3A_1593 = arith.constant 14 : i32
        %shift_right_arithmetic3A_1594 = vector.broadcast %shift_right_arithmetic3A_1593 : i32 to vector<16xi32>
        %shift_right_arithmetic3A_1595 = arith.shrsi %get3A_1583, %shift_right_arithmetic3A_1594 : vector<16xi32>
        %swap3A_1596 = arith.constant 1 : i32
        %swap3A_1597 = arith.index_cast %swap3A_1596 : i32 to index
        %swap3A_1598 = arith.constant 64 : index
        %swap3A_1599 = tpu.vector_load %arg20[%swap3A_1597, %swap3A_1598] {strides = array<i32>} : memref<2x80xi32, #tpu.memory_space<vmem>>, vector<1x16xi32>,
        %swap3A_1600 = vector.shape_cast %swap3A_1599 : vector<1x16xi32> to vector<16xi32>
        %swap3A_1601 = vector.shape_cast %shift_right_arithmetic3A_1595 : vector<16xi32> to vector<1x16xi32>
        tpu.vector_store %arg20[%swap3A_1597, %swap3A_1598], %swap3A_1601 {strides = array<i32>} : memref<2x80xi32, #tpu.memory_space<vmem>>, vector<1x16xi32>,
        %dma_start3A_1602 = arith.constant 1 : i32
        %dma_start3A_1603 = arith.constant 0 : i32
        %dma_start3A_1604 = tpu.memref_slice %arg16[%dma_start3A_1602, %dma_start3A_1603] : memref<2x80xi32, #tpu.memory_space<vmem>> -> memref<1x80xi32, #tpu.memory_space<vmem>>
        %dma_start3A_1605 = tpu.memref_squeeze %dma_start3A_1604 : memref<1x80xi32, #tpu.memory_space<vmem>> -> memref<80xi32, #tpu.memory_space<vmem>>
        %dma_start3A_1606 = arith.constant 0 : i32
        %dma_start3A_1607 = arith.constant 0 : i32
        %dma_start3A_1608 = tpu.memref_slice %arg3[%dma_start3A_1606, %dma_start3A_1607] : memref<10000x128xf32, #tpu.memory_space<hbm>> -> memref<10000x128xf32, #tpu.memory_space<hbm>>
        tpu.enqueue_indirect_dma source(%dma_start3A_1608 : memref<10000x128xf32, #tpu.memory_space<hbm>>) target(%arg8 : memref<80x128xf32, #tpu.memory_space<vmem>>) offsets(%dma_start3A_1605 : memref<80xi32, #tpu.memory_space<vmem>>) semaphore(%arg34 : memref<!tpu.dma_semaphore, #tpu.memory_space<semaphore_mem>>)
      } else {
      }
      %add3A_1200 = arith.constant 8 : i32
      %add3A_1201 = arith.addi %add3A_1172, %add3A_1200 : i32
      %lt3A_1202 = arith.constant 125 : i32
      %lt3A_1203 = arith.cmpi slt, %add3A_1201, %lt3A_1202 : i32
      %convert_element_type3A_1204 = arith.extui %lt3A_1203 : i1 to i32
      %cond3A_1205 = arith.constant 0 : i32
      %cond3A_1206 = arith.cmpi ne, %convert_element_type3A_1204, %cond3A_1205 : i32
      scf.if %cond3A_1206 {
        %dma_start3A_1473 = arith.constant 0 : i32
        %dma_start3A_1474 = arith.constant 0 : i32
        %dma_start3A_1475 = tpu.memref_slice %arg12[%dma_start3A_1473, %dma_start3A_1474] : memref<2x80xi32, #tpu.memory_space<vmem>> -> memref<1x80xi32, #tpu.memory_space<vmem>>
        %dma_start3A_1476 = tpu.memref_squeeze %dma_start3A_1475 : memref<1x80xi32, #tpu.memory_space<vmem>> -> memref<80xi32, #tpu.memory_space<vmem>>
        %dma_start3A_1477 = arith.constant 0 : i32
        %dma_start3A_1478 = tpu.memref_slice %arg2[%add3A, %add3A_1201, %dma_start3A_1477] : memref<32x125x80xi32, #tpu.memory_space<hbm>> -> memref<1x1x80xi32, #tpu.memory_space<hbm>>
        %dma_start3A_1479 = tpu.memref_squeeze %dma_start3A_1478 : memref<1x1x80xi32, #tpu.memory_space<hbm>> -> memref<80xi32, #tpu.memory_space<hbm>>
        %dma_start3A_1480 = arith.constant 0 : i32
        %dma_start3A_1481 = tpu.memref_slice %arg12[%dma_start3A_1473, %dma_start3A_1480] : memref<2x80xi32, #tpu.memory_space<vmem>> -> memref<1x80xi32, #tpu.memory_space<vmem>>
        %dma_start3A_1482 = tpu.memref_squeeze %dma_start3A_1481 : memref<1x80xi32, #tpu.memory_space<vmem>> -> memref<80xi32, #tpu.memory_space<vmem>>
        %dma_start3A_1483 = arith.constant 0 : i32
        %dma_start3A_1484 = tpu.memref_slice %arg2[%add3A, %add3A_1201, %dma_start3A_1483] : memref<32x125x80xi32, #tpu.memory_space<hbm>> -> memref<1x1x80xi32, #tpu.memory_space<hbm>>
        %dma_start3A_1485 = tpu.memref_squeeze %dma_start3A_1484 : memref<1x1x80xi32, #tpu.memory_space<hbm>> -> memref<80xi32, #tpu.memory_space<hbm>>
        tpu.enqueue_dma source(%dma_start3A_1485 : memref<80xi32, #tpu.memory_space<hbm>>) target(%dma_start3A_1482 : memref<80xi32, #tpu.memory_space<vmem>>) target_semaphore(%arg26 : memref<!tpu.dma_semaphore, #tpu.memory_space<semaphore_mem>>)
      } else {
      }
      %mul3A_1207 = arith.constant 8 : i32
      %mul3A_1208 = arith.muli %scan3A_1168, %mul3A_1207 : i32
      %add3A_1209 = arith.constant 1 : i32
      %add3A_1210 = arith.addi %mul3A_1208, %add3A_1209 : i32
      %dma_wait3A_1211 = arith.constant 0 : i32
      %dma_wait3A_1212 = arith.constant 0 : i32
      %dma_wait3A_1213 = tpu.memref_slice %arg3[%dma_wait3A_1211, %dma_wait3A_1212] : memref<10000x128xf32, #tpu.memory_space<hbm>> -> memref<80x128xf32, #tpu.memory_space<hbm>>
      %dma_wait3A_1214 = arith.constant 0 : i32
      %dma_wait3A_1215 = arith.constant 0 : i32
      %dma_wait3A_1216 = tpu.memref_slice %arg3[%dma_wait3A_1214, %dma_wait3A_1215] : memref<10000x128xf32, #tpu.memory_space<hbm>> -> memref<80x128xf32, #tpu.memory_space<hbm>>
      tpu.wait_dma2 semaphore(%arg35 : memref<!tpu.dma_semaphore, #tpu.memory_space<semaphore_mem>>) src(%dma_wait3A_1216 : memref<80x128xf32, #tpu.memory_space<hbm>>) dst(%arg9 : memref<80x128xf32, #tpu.memory_space<vmem>>)
      %dma_start3A_1217 = arith.constant 0 : i32
      %dma_start3A_1218 = arith.constant 0 : i32
      %dma_start3A_1219 = tpu.memref_slice %arg21[%dma_start3A_1217, %dma_start3A_1218] : memref<2x80xi32, #tpu.memory_space<vmem>> -> memref<1x80xi32, #tpu.memory_space<vmem>>
      %dma_start3A_1220 = tpu.memref_squeeze %dma_start3A_1219 : memref<1x80xi32, #tpu.memory_space<vmem>> -> memref<80xi32, #tpu.memory_space<vmem>>
      %dma_start3A_1221 = arith.constant 0 : i32
      %dma_start3A_1222 = arith.constant 0 : i32
      %dma_start3A_1223 = tpu.memref_slice %arg6[%dma_start3A_1221, %dma_start3A_1222] : memref<10000x128xf32, #tpu.memory_space<vmem_shared>> -> memref<10000x128xf32, #tpu.memory_space<vmem_shared>>
      tpu.enqueue_indirect_dma source(%arg9 : memref<80x128xf32, #tpu.memory_space<vmem>>) target(%dma_start3A_1223 : memref<10000x128xf32, #tpu.memory_space<vmem_shared>>) offsets(%dma_start3A_1220 : memref<80xi32, #tpu.memory_space<vmem>>) semaphore(%arg39 : memref<!tpu.dma_semaphore, #tpu.memory_space<semaphore_mem>>) {add = true}
      %run_scoped3A_1224 = arith.constant 0 : i32
      "tpu.region"() ({
        %run_scoped3A_1473 = tpu.sem_alloc : memref<!tpu.dma_semaphore, #tpu.memory_space<semaphore_mem>>
        %dma_start3A_1474 = arith.constant 0 : i32
        %dma_start3A_1475 = tpu.memref_slice %arg21[%run_scoped3A_1224, %dma_start3A_1474] : memref<2x80xi32, #tpu.memory_space<vmem>> -> memref<1x80xi32, #tpu.memory_space<vmem>>
        %dma_start3A_1476 = tpu.memref_squeeze %dma_start3A_1475 : memref<1x80xi32, #tpu.memory_space<vmem>> -> memref<80xi32, #tpu.memory_space<vmem>>
        %dma_start3A_1477 = arith.constant 0 : i32
        %dma_start3A_1478 = tpu.memref_slice %arg7[%dma_start3A_1477] : memref<10240xf32, #tpu.memory_space<vmem_shared>> -> memref<10240xf32, #tpu.memory_space<vmem_shared>>
        tpu.enqueue_indirect_dma source(%arg25 : memref<80xf32, #tpu.memory_space<vmem>>) target(%dma_start3A_1478 : memref<10240xf32, #tpu.memory_space<vmem_shared>>) offsets(%dma_start3A_1476 : memref<80xi32, #tpu.memory_space<vmem>>) semaphore(%run_scoped3A_1473 : memref<!tpu.dma_semaphore, #tpu.memory_space<semaphore_mem>>) {add = true}
        %dma_wait3A_1479 = arith.constant 0 : i32
        %dma_wait3A_1480 = tpu.memref_slice %arg21[%run_scoped3A_1224, %dma_wait3A_1479] : memref<2x80xi32, #tpu.memory_space<vmem>> -> memref<1x80xi32, #tpu.memory_space<vmem>>
        %dma_wait3A_1481 = tpu.memref_squeeze %dma_wait3A_1480 : memref<1x80xi32, #tpu.memory_space<vmem>> -> memref<80xi32, #tpu.memory_space<vmem>>
        %dma_wait3A_1482 = arith.constant 0 : i32
        %dma_wait3A_1483 = tpu.memref_slice %arg7[%dma_wait3A_1482] : memref<10240xf32, #tpu.memory_space<vmem_shared>> -> memref<10240xf32, #tpu.memory_space<vmem_shared>>
        tpu.wait_indirect_dma semaphore(%run_scoped3A_1473 : memref<!tpu.dma_semaphore, #tpu.memory_space<semaphore_mem>>) src(%arg25 : memref<80xf32, #tpu.memory_space<vmem>>) dst(%dma_wait3A_1483 : memref<10240xf32, #tpu.memory_space<vmem_shared>>)
        tpu.yield
      }) : () -> ()
      %dma_wait3A_1225 = arith.constant 0 : i32
      %dma_wait3A_1226 = arith.constant 0 : i32
      %dma_wait3A_1227 = tpu.memref_slice %arg3[%dma_wait3A_1225, %dma_wait3A_1226] : memref<10000x128xf32, #tpu.memory_space<hbm>> -> memref<80x128xf32, #tpu.memory_space<hbm>>
      %dma_wait3A_1228 = arith.constant 0 : i32
      %dma_wait3A_1229 = arith.constant 0 : i32
      %dma_wait3A_1230 = tpu.memref_slice %arg3[%dma_wait3A_1228, %dma_wait3A_1229] : memref<10000x128xf32, #tpu.memory_space<hbm>> -> memref<80x128xf32, #tpu.memory_space<hbm>>
      tpu.wait_dma2 semaphore(%arg39 : memref<!tpu.dma_semaphore, #tpu.memory_space<semaphore_mem>>) src(%dma_wait3A_1230 : memref<80x128xf32, #tpu.memory_space<hbm>>) dst(%arg9 : memref<80x128xf32, #tpu.memory_space<vmem>>)
      %add3A_1231 = arith.constant 4 : i32
      %add3A_1232 = arith.addi %add3A_1210, %add3A_1231 : i32
      %lt3A_1233 = arith.constant 125 : i32
      %lt3A_1234 = arith.cmpi slt, %add3A_1232, %lt3A_1233 : i32
      %convert_element_type3A_1235 = arith.extui %lt3A_1234 : i1 to i32
      %cond3A_1236 = arith.constant 0 : i32
      %cond3A_1237 = arith.cmpi ne, %convert_element_type3A_1235, %cond3A_1236 : i32
      scf.if %cond3A_1237 {
        %dma_wait3A_1473 = arith.constant 0 : i32
        %dma_wait3A_1474 = arith.constant 1 : i32
        %dma_wait3A_1475 = arith.constant 0 : i32
        %dma_wait3A_1476 = tpu.memref_slice %arg13[%dma_wait3A_1474, %dma_wait3A_1475] : memref<2x80xi32, #tpu.memory_space<vmem>> -> memref<1x80xi32, #tpu.memory_space<vmem>>
        %dma_wait3A_1477 = tpu.memref_squeeze %dma_wait3A_1476 : memref<1x80xi32, #tpu.memory_space<vmem>> -> memref<80xi32, #tpu.memory_space<vmem>>
        %dma_wait3A_1478 = arith.constant 0 : i32
        %dma_wait3A_1479 = tpu.memref_slice %arg2[%add3A, %dma_wait3A_1473, %dma_wait3A_1478] : memref<32x125x80xi32, #tpu.memory_space<hbm>> -> memref<1x1x80xi32, #tpu.memory_space<hbm>>
        %dma_wait3A_1480 = tpu.memref_squeeze %dma_wait3A_1479 : memref<1x1x80xi32, #tpu.memory_space<hbm>> -> memref<80xi32, #tpu.memory_space<hbm>>
        %dma_wait3A_1481 = arith.constant 0 : i32
        %dma_wait3A_1482 = tpu.memref_slice %arg13[%dma_wait3A_1474, %dma_wait3A_1481] : memref<2x80xi32, #tpu.memory_space<vmem>> -> memref<1x80xi32, #tpu.memory_space<vmem>>
        %dma_wait3A_1483 = tpu.memref_squeeze %dma_wait3A_1482 : memref<1x80xi32, #tpu.memory_space<vmem>> -> memref<80xi32, #tpu.memory_space<vmem>>
        %dma_wait3A_1484 = arith.constant 0 : i32
        %dma_wait3A_1485 = tpu.memref_slice %arg2[%add3A, %dma_wait3A_1473, %dma_wait3A_1484] : memref<32x125x80xi32, #tpu.memory_space<hbm>> -> memref<1x1x80xi32, #tpu.memory_space<hbm>>
        %dma_wait3A_1486 = tpu.memref_squeeze %dma_wait3A_1485 : memref<1x1x80xi32, #tpu.memory_space<hbm>> -> memref<80xi32, #tpu.memory_space<hbm>>
        tpu.wait_dma2 semaphore(%arg29 : memref<!tpu.dma_semaphore, #tpu.memory_space<semaphore_mem>>) src(%dma_wait3A_1486 : memref<80xi32, #tpu.memory_space<hbm>>) dst(%dma_wait3A_1483 : memref<80xi32, #tpu.memory_space<vmem>>)
        %get3A_1487 = arith.constant 1 : i32
        %get3A_1488 = arith.index_cast %get3A_1487 : i32 to index
        %get3A_1489 = arith.constant 0 : index
        %get3A_1490 = tpu.vector_load %arg13[%get3A_1488, %get3A_1489] {strides = array<i32>} : memref<2x80xi32, #tpu.memory_space<vmem>>, vector<1x16xi32>,
        %get3A_1491 = vector.shape_cast %get3A_1490 : vector<1x16xi32> to vector<16xi32>
        %and3A_1492 = arith.constant 16383 : i32
        %and3A_1493 = vector.broadcast %and3A_1492 : i32 to vector<16xi32>
        %and3A_1494 = arith.andi %get3A_1491, %and3A_1493 : vector<16xi32>
        %swap3A_1495 = arith.constant 1 : i32
        %swap3A_1496 = arith.index_cast %swap3A_1495 : i32 to index
        %swap3A_1497 = arith.constant 0 : index
        %swap3A_1498 = tpu.vector_load %arg17[%swap3A_1496, %swap3A_1497] {strides = array<i32>} : memref<2x80xi32, #tpu.memory_space<vmem>>, vector<1x16xi32>,
        %swap3A_1499 = vector.shape_cast %swap3A_1498 : vector<1x16xi32> to vector<16xi32>
        %swap3A_1500 = vector.shape_cast %and3A_1494 : vector<16xi32> to vector<1x16xi32>
        tpu.vector_store %arg17[%swap3A_1496, %swap3A_1497], %swap3A_1500 {strides = array<i32>} : memref<2x80xi32, #tpu.memory_space<vmem>>, vector<1x16xi32>,
        %shift_right_arithmetic3A_1501 = arith.constant 14 : i32
        %shift_right_arithmetic3A_1502 = vector.broadcast %shift_right_arithmetic3A_1501 : i32 to vector<16xi32>
        %shift_right_arithmetic3A_1503 = arith.shrsi %get3A_1491, %shift_right_arithmetic3A_1502 : vector<16xi32>
        %swap3A_1504 = arith.constant 1 : i32
        %swap3A_1505 = arith.index_cast %swap3A_1504 : i32 to index
        %swap3A_1506 = arith.constant 0 : index
        %swap3A_1507 = tpu.vector_load %arg21[%swap3A_1505, %swap3A_1506] {strides = array<i32>} : memref<2x80xi32, #tpu.memory_space<vmem>>, vector<1x16xi32>,
        %swap3A_1508 = vector.shape_cast %swap3A_1507 : vector<1x16xi32> to vector<16xi32>
        %swap3A_1509 = vector.shape_cast %shift_right_arithmetic3A_1503 : vector<16xi32> to vector<1x16xi32>
        tpu.vector_store %arg21[%swap3A_1505, %swap3A_1506], %swap3A_1509 {strides = array<i32>} : memref<2x80xi32, #tpu.memory_space<vmem>>, vector<1x16xi32>,
        %get3A_1510 = arith.constant 1 : i32
        %get3A_1511 = arith.index_cast %get3A_1510 : i32 to index
        %get3A_1512 = arith.constant 16 : index
        %get3A_1513 = tpu.vector_load %arg13[%get3A_1511, %get3A_1512] {strides = array<i32>} : memref<2x80xi32, #tpu.memory_space<vmem>>, vector<1x16xi32>,
        %get3A_1514 = vector.shape_cast %get3A_1513 : vector<1x16xi32> to vector<16xi32>
        %and3A_1515 = arith.constant 16383 : i32
        %and3A_1516 = vector.broadcast %and3A_1515 : i32 to vector<16xi32>
        %and3A_1517 = arith.andi %get3A_1514, %and3A_1516 : vector<16xi32>
        %swap3A_1518 = arith.constant 1 : i32
        %swap3A_1519 = arith.index_cast %swap3A_1518 : i32 to index
        %swap3A_1520 = arith.constant 16 : index
        %swap3A_1521 = tpu.vector_load %arg17[%swap3A_1519, %swap3A_1520] {strides = array<i32>} : memref<2x80xi32, #tpu.memory_space<vmem>>, vector<1x16xi32>,
        %swap3A_1522 = vector.shape_cast %swap3A_1521 : vector<1x16xi32> to vector<16xi32>
        %swap3A_1523 = vector.shape_cast %and3A_1517 : vector<16xi32> to vector<1x16xi32>
        tpu.vector_store %arg17[%swap3A_1519, %swap3A_1520], %swap3A_1523 {strides = array<i32>} : memref<2x80xi32, #tpu.memory_space<vmem>>, vector<1x16xi32>,
        %shift_right_arithmetic3A_1524 = arith.constant 14 : i32
        %shift_right_arithmetic3A_1525 = vector.broadcast %shift_right_arithmetic3A_1524 : i32 to vector<16xi32>
        %shift_right_arithmetic3A_1526 = arith.shrsi %get3A_1514, %shift_right_arithmetic3A_1525 : vector<16xi32>
        %swap3A_1527 = arith.constant 1 : i32
        %swap3A_1528 = arith.index_cast %swap3A_1527 : i32 to index
        %swap3A_1529 = arith.constant 16 : index
        %swap3A_1530 = tpu.vector_load %arg21[%swap3A_1528, %swap3A_1529] {strides = array<i32>} : memref<2x80xi32, #tpu.memory_space<vmem>>, vector<1x16xi32>,
        %swap3A_1531 = vector.shape_cast %swap3A_1530 : vector<1x16xi32> to vector<16xi32>
        %swap3A_1532 = vector.shape_cast %shift_right_arithmetic3A_1526 : vector<16xi32> to vector<1x16xi32>
        tpu.vector_store %arg21[%swap3A_1528, %swap3A_1529], %swap3A_1532 {strides = array<i32>} : memref<2x80xi32, #tpu.memory_space<vmem>>, vector<1x16xi32>,
        %get3A_1533 = arith.constant 1 : i32
        %get3A_1534 = arith.index_cast %get3A_1533 : i32 to index
        %get3A_1535 = arith.constant 32 : index
        %get3A_1536 = tpu.vector_load %arg13[%get3A_1534, %get3A_1535] {strides = array<i32>} : memref<2x80xi32, #tpu.memory_space<vmem>>, vector<1x16xi32>,
        %get3A_1537 = vector.shape_cast %get3A_1536 : vector<1x16xi32> to vector<16xi32>
        %and3A_1538 = arith.constant 16383 : i32
        %and3A_1539 = vector.broadcast %and3A_1538 : i32 to vector<16xi32>
        %and3A_1540 = arith.andi %get3A_1537, %and3A_1539 : vector<16xi32>
        %swap3A_1541 = arith.constant 1 : i32
        %swap3A_1542 = arith.index_cast %swap3A_1541 : i32 to index
        %swap3A_1543 = arith.constant 32 : index
        %swap3A_1544 = tpu.vector_load %arg17[%swap3A_1542, %swap3A_1543] {strides = array<i32>} : memref<2x80xi32, #tpu.memory_space<vmem>>, vector<1x16xi32>,
        %swap3A_1545 = vector.shape_cast %swap3A_1544 : vector<1x16xi32> to vector<16xi32>
        %swap3A_1546 = vector.shape_cast %and3A_1540 : vector<16xi32> to vector<1x16xi32>
        tpu.vector_store %arg17[%swap3A_1542, %swap3A_1543], %swap3A_1546 {strides = array<i32>} : memref<2x80xi32, #tpu.memory_space<vmem>>, vector<1x16xi32>,
        %shift_right_arithmetic3A_1547 = arith.constant 14 : i32
        %shift_right_arithmetic3A_1548 = vector.broadcast %shift_right_arithmetic3A_1547 : i32 to vector<16xi32>
        %shift_right_arithmetic3A_1549 = arith.shrsi %get3A_1537, %shift_right_arithmetic3A_1548 : vector<16xi32>
        %swap3A_1550 = arith.constant 1 : i32
        %swap3A_1551 = arith.index_cast %swap3A_1550 : i32 to index
        %swap3A_1552 = arith.constant 32 : index
        %swap3A_1553 = tpu.vector_load %arg21[%swap3A_1551, %swap3A_1552] {strides = array<i32>} : memref<2x80xi32, #tpu.memory_space<vmem>>, vector<1x16xi32>,
        %swap3A_1554 = vector.shape_cast %swap3A_1553 : vector<1x16xi32> to vector<16xi32>
        %swap3A_1555 = vector.shape_cast %shift_right_arithmetic3A_1549 : vector<16xi32> to vector<1x16xi32>
        tpu.vector_store %arg21[%swap3A_1551, %swap3A_1552], %swap3A_1555 {strides = array<i32>} : memref<2x80xi32, #tpu.memory_space<vmem>>, vector<1x16xi32>,
        %get3A_1556 = arith.constant 1 : i32
        %get3A_1557 = arith.index_cast %get3A_1556 : i32 to index
        %get3A_1558 = arith.constant 48 : index
        %get3A_1559 = tpu.vector_load %arg13[%get3A_1557, %get3A_1558] {strides = array<i32>} : memref<2x80xi32, #tpu.memory_space<vmem>>, vector<1x16xi32>,
        %get3A_1560 = vector.shape_cast %get3A_1559 : vector<1x16xi32> to vector<16xi32>
        %and3A_1561 = arith.constant 16383 : i32
        %and3A_1562 = vector.broadcast %and3A_1561 : i32 to vector<16xi32>
        %and3A_1563 = arith.andi %get3A_1560, %and3A_1562 : vector<16xi32>
        %swap3A_1564 = arith.constant 1 : i32
        %swap3A_1565 = arith.index_cast %swap3A_1564 : i32 to index
        %swap3A_1566 = arith.constant 48 : index
        %swap3A_1567 = tpu.vector_load %arg17[%swap3A_1565, %swap3A_1566] {strides = array<i32>} : memref<2x80xi32, #tpu.memory_space<vmem>>, vector<1x16xi32>,
        %swap3A_1568 = vector.shape_cast %swap3A_1567 : vector<1x16xi32> to vector<16xi32>
        %swap3A_1569 = vector.shape_cast %and3A_1563 : vector<16xi32> to vector<1x16xi32>
        tpu.vector_store %arg17[%swap3A_1565, %swap3A_1566], %swap3A_1569 {strides = array<i32>} : memref<2x80xi32, #tpu.memory_space<vmem>>, vector<1x16xi32>,
        %shift_right_arithmetic3A_1570 = arith.constant 14 : i32
        %shift_right_arithmetic3A_1571 = vector.broadcast %shift_right_arithmetic3A_1570 : i32 to vector<16xi32>
        %shift_right_arithmetic3A_1572 = arith.shrsi %get3A_1560, %shift_right_arithmetic3A_1571 : vector<16xi32>
        %swap3A_1573 = arith.constant 1 : i32
        %swap3A_1574 = arith.index_cast %swap3A_1573 : i32 to index
        %swap3A_1575 = arith.constant 48 : index
        %swap3A_1576 = tpu.vector_load %arg21[%swap3A_1574, %swap3A_1575] {strides = array<i32>} : memref<2x80xi32, #tpu.memory_space<vmem>>, vector<1x16xi32>,
        %swap3A_1577 = vector.shape_cast %swap3A_1576 : vector<1x16xi32> to vector<16xi32>
        %swap3A_1578 = vector.shape_cast %shift_right_arithmetic3A_1572 : vector<16xi32> to vector<1x16xi32>
        tpu.vector_store %arg21[%swap3A_1574, %swap3A_1575], %swap3A_1578 {strides = array<i32>} : memref<2x80xi32, #tpu.memory_space<vmem>>, vector<1x16xi32>,
        %get3A_1579 = arith.constant 1 : i32
        %get3A_1580 = arith.index_cast %get3A_1579 : i32 to index
        %get3A_1581 = arith.constant 64 : index
        %get3A_1582 = tpu.vector_load %arg13[%get3A_1580, %get3A_1581] {strides = array<i32>} : memref<2x80xi32, #tpu.memory_space<vmem>>, vector<1x16xi32>,
        %get3A_1583 = vector.shape_cast %get3A_1582 : vector<1x16xi32> to vector<16xi32>
        %and3A_1584 = arith.constant 16383 : i32
        %and3A_1585 = vector.broadcast %and3A_1584 : i32 to vector<16xi32>
        %and3A_1586 = arith.andi %get3A_1583, %and3A_1585 : vector<16xi32>
        %swap3A_1587 = arith.constant 1 : i32
        %swap3A_1588 = arith.index_cast %swap3A_1587 : i32 to index
        %swap3A_1589 = arith.constant 64 : index
        %swap3A_1590 = tpu.vector_load %arg17[%swap3A_1588, %swap3A_1589] {strides = array<i32>} : memref<2x80xi32, #tpu.memory_space<vmem>>, vector<1x16xi32>,
        %swap3A_1591 = vector.shape_cast %swap3A_1590 : vector<1x16xi32> to vector<16xi32>
        %swap3A_1592 = vector.shape_cast %and3A_1586 : vector<16xi32> to vector<1x16xi32>
        tpu.vector_store %arg17[%swap3A_1588, %swap3A_1589], %swap3A_1592 {strides = array<i32>} : memref<2x80xi32, #tpu.memory_space<vmem>>, vector<1x16xi32>,
        %shift_right_arithmetic3A_1593 = arith.constant 14 : i32
        %shift_right_arithmetic3A_1594 = vector.broadcast %shift_right_arithmetic3A_1593 : i32 to vector<16xi32>
        %shift_right_arithmetic3A_1595 = arith.shrsi %get3A_1583, %shift_right_arithmetic3A_1594 : vector<16xi32>
        %swap3A_1596 = arith.constant 1 : i32
        %swap3A_1597 = arith.index_cast %swap3A_1596 : i32 to index
        %swap3A_1598 = arith.constant 64 : index
        %swap3A_1599 = tpu.vector_load %arg21[%swap3A_1597, %swap3A_1598] {strides = array<i32>} : memref<2x80xi32, #tpu.memory_space<vmem>>, vector<1x16xi32>,
        %swap3A_1600 = vector.shape_cast %swap3A_1599 : vector<1x16xi32> to vector<16xi32>
        %swap3A_1601 = vector.shape_cast %shift_right_arithmetic3A_1595 : vector<16xi32> to vector<1x16xi32>
        tpu.vector_store %arg21[%swap3A_1597, %swap3A_1598], %swap3A_1601 {strides = array<i32>} : memref<2x80xi32, #tpu.memory_space<vmem>>, vector<1x16xi32>,
        %dma_start3A_1602 = arith.constant 1 : i32
        %dma_start3A_1603 = arith.constant 0 : i32
        %dma_start3A_1604 = tpu.memref_slice %arg17[%dma_start3A_1602, %dma_start3A_1603] : memref<2x80xi32, #tpu.memory_space<vmem>> -> memref<1x80xi32, #tpu.memory_space<vmem>>
        %dma_start3A_1605 = tpu.memref_squeeze %dma_start3A_1604 : memref<1x80xi32, #tpu.memory_space<vmem>> -> memref<80xi32, #tpu.memory_space<vmem>>
        %dma_start3A_1606 = arith.constant 0 : i32
        %dma_start3A_1607 = arith.constant 0 : i32
        %dma_start3A_1608 = tpu.memref_slice %arg3[%dma_start3A_1606, %dma_start3A_1607] : memref<10000x128xf32, #tpu.memory_space<hbm>> -> memref<10000x128xf32, #tpu.memory_space<hbm>>
        tpu.enqueue_indirect_dma source(%dma_start3A_1608 : memref<10000x128xf32, #tpu.memory_space<hbm>>) target(%arg9 : memref<80x128xf32, #tpu.memory_space<vmem>>) offsets(%dma_start3A_1605 : memref<80xi32, #tpu.memory_space<vmem>>) semaphore(%arg35 : memref<!tpu.dma_semaphore, #tpu.memory_space<semaphore_mem>>)
      } else {
      }
      %add3A_1238 = arith.constant 8 : i32
      %add3A_1239 = arith.addi %add3A_1210, %add3A_1238 : i32
      %lt3A_1240 = arith.constant 125 : i32
      %lt3A_1241 = arith.cmpi slt, %add3A_1239, %lt3A_1240 : i32
      %convert_element_type3A_1242 = arith.extui %lt3A_1241 : i1 to i32
      %cond3A_1243 = arith.constant 0 : i32
      %cond3A_1244 = arith.cmpi ne, %convert_element_type3A_1242, %cond3A_1243 : i32
      scf.if %cond3A_1244 {
        %dma_start3A_1473 = arith.constant 0 : i32
        %dma_start3A_1474 = arith.constant 0 : i32
        %dma_start3A_1475 = tpu.memref_slice %arg13[%dma_start3A_1473, %dma_start3A_1474] : memref<2x80xi32, #tpu.memory_space<vmem>> -> memref<1x80xi32, #tpu.memory_space<vmem>>
        %dma_start3A_1476 = tpu.memref_squeeze %dma_start3A_1475 : memref<1x80xi32, #tpu.memory_space<vmem>> -> memref<80xi32, #tpu.memory_space<vmem>>
        %dma_start3A_1477 = arith.constant 0 : i32
        %dma_start3A_1478 = tpu.memref_slice %arg2[%add3A, %add3A_1239, %dma_start3A_1477] : memref<32x125x80xi32, #tpu.memory_space<hbm>> -> memref<1x1x80xi32, #tpu.memory_space<hbm>>
        %dma_start3A_1479 = tpu.memref_squeeze %dma_start3A_1478 : memref<1x1x80xi32, #tpu.memory_space<hbm>> -> memref<80xi32, #tpu.memory_space<hbm>>
        %dma_start3A_1480 = arith.constant 0 : i32
        %dma_start3A_1481 = tpu.memref_slice %arg13[%dma_start3A_1473, %dma_start3A_1480] : memref<2x80xi32, #tpu.memory_space<vmem>> -> memref<1x80xi32, #tpu.memory_space<vmem>>
        %dma_start3A_1482 = tpu.memref_squeeze %dma_start3A_1481 : memref<1x80xi32, #tpu.memory_space<vmem>> -> memref<80xi32, #tpu.memory_space<vmem>>
        %dma_start3A_1483 = arith.constant 0 : i32
        %dma_start3A_1484 = tpu.memref_slice %arg2[%add3A, %add3A_1239, %dma_start3A_1483] : memref<32x125x80xi32, #tpu.memory_space<hbm>> -> memref<1x1x80xi32, #tpu.memory_space<hbm>>
        %dma_start3A_1485 = tpu.memref_squeeze %dma_start3A_1484 : memref<1x1x80xi32, #tpu.memory_space<hbm>> -> memref<80xi32, #tpu.memory_space<hbm>>
        tpu.enqueue_dma source(%dma_start3A_1485 : memref<80xi32, #tpu.memory_space<hbm>>) target(%dma_start3A_1482 : memref<80xi32, #tpu.memory_space<vmem>>) target_semaphore(%arg28 : memref<!tpu.dma_semaphore, #tpu.memory_space<semaphore_mem>>)
      } else {
      }
      %mul3A_1245 = arith.constant 8 : i32
      %mul3A_1246 = arith.muli %scan3A_1168, %mul3A_1245 : i32
      %add3A_1247 = arith.constant 2 : i32
      %add3A_1248 = arith.addi %mul3A_1246, %add3A_1247 : i32
      %dma_wait3A_1249 = arith.constant 0 : i32
      %dma_wait3A_1250 = arith.constant 0 : i32
      %dma_wait3A_1251 = tpu.memref_slice %arg3[%dma_wait3A_1249, %dma_wait3A_1250] : memref<10000x128xf32, #tpu.memory_space<hbm>> -> memref<80x128xf32, #tpu.memory_space<hbm>>
      %dma_wait3A_1252 = arith.constant 0 : i32
      %dma_wait3A_1253 = arith.constant 0 : i32
      %dma_wait3A_1254 = tpu.memref_slice %arg3[%dma_wait3A_1252, %dma_wait3A_1253] : memref<10000x128xf32, #tpu.memory_space<hbm>> -> memref<80x128xf32, #tpu.memory_space<hbm>>
      tpu.wait_dma2 semaphore(%arg36 : memref<!tpu.dma_semaphore, #tpu.memory_space<semaphore_mem>>) src(%dma_wait3A_1254 : memref<80x128xf32, #tpu.memory_space<hbm>>) dst(%arg10 : memref<80x128xf32, #tpu.memory_space<vmem>>)
      %dma_start3A_1255 = arith.constant 0 : i32
      %dma_start3A_1256 = arith.constant 0 : i32
      %dma_start3A_1257 = tpu.memref_slice %arg22[%dma_start3A_1255, %dma_start3A_1256] : memref<2x80xi32, #tpu.memory_space<vmem>> -> memref<1x80xi32, #tpu.memory_space<vmem>>
      %dma_start3A_1258 = tpu.memref_squeeze %dma_start3A_1257 : memref<1x80xi32, #tpu.memory_space<vmem>> -> memref<80xi32, #tpu.memory_space<vmem>>
      %dma_start3A_1259 = arith.constant 0 : i32
      %dma_start3A_1260 = arith.constant 0 : i32
      %dma_start3A_1261 = tpu.memref_slice %arg6[%dma_start3A_1259, %dma_start3A_1260] : memref<10000x128xf32, #tpu.memory_space<vmem_shared>> -> memref<10000x128xf32, #tpu.memory_space<vmem_shared>>
      tpu.enqueue_indirect_dma source(%arg10 : memref<80x128xf32, #tpu.memory_space<vmem>>) target(%dma_start3A_1261 : memref<10000x128xf32, #tpu.memory_space<vmem_shared>>) offsets(%dma_start3A_1258 : memref<80xi32, #tpu.memory_space<vmem>>) semaphore(%arg40 : memref<!tpu.dma_semaphore, #tpu.memory_space<semaphore_mem>>) {add = true}
      %run_scoped3A_1262 = arith.constant 0 : i32
      "tpu.region"() ({
        %run_scoped3A_1473 = tpu.sem_alloc : memref<!tpu.dma_semaphore, #tpu.memory_space<semaphore_mem>>
        %dma_start3A_1474 = arith.constant 0 : i32
        %dma_start3A_1475 = tpu.memref_slice %arg22[%run_scoped3A_1262, %dma_start3A_1474] : memref<2x80xi32, #tpu.memory_space<vmem>> -> memref<1x80xi32, #tpu.memory_space<vmem>>
        %dma_start3A_1476 = tpu.memref_squeeze %dma_start3A_1475 : memref<1x80xi32, #tpu.memory_space<vmem>> -> memref<80xi32, #tpu.memory_space<vmem>>
        %dma_start3A_1477 = arith.constant 0 : i32
        %dma_start3A_1478 = tpu.memref_slice %arg7[%dma_start3A_1477] : memref<10240xf32, #tpu.memory_space<vmem_shared>> -> memref<10240xf32, #tpu.memory_space<vmem_shared>>
        tpu.enqueue_indirect_dma source(%arg25 : memref<80xf32, #tpu.memory_space<vmem>>) target(%dma_start3A_1478 : memref<10240xf32, #tpu.memory_space<vmem_shared>>) offsets(%dma_start3A_1476 : memref<80xi32, #tpu.memory_space<vmem>>) semaphore(%run_scoped3A_1473 : memref<!tpu.dma_semaphore, #tpu.memory_space<semaphore_mem>>) {add = true}
        %dma_wait3A_1479 = arith.constant 0 : i32
        %dma_wait3A_1480 = tpu.memref_slice %arg22[%run_scoped3A_1262, %dma_wait3A_1479] : memref<2x80xi32, #tpu.memory_space<vmem>> -> memref<1x80xi32, #tpu.memory_space<vmem>>
        %dma_wait3A_1481 = tpu.memref_squeeze %dma_wait3A_1480 : memref<1x80xi32, #tpu.memory_space<vmem>> -> memref<80xi32, #tpu.memory_space<vmem>>
        %dma_wait3A_1482 = arith.constant 0 : i32
        %dma_wait3A_1483 = tpu.memref_slice %arg7[%dma_wait3A_1482] : memref<10240xf32, #tpu.memory_space<vmem_shared>> -> memref<10240xf32, #tpu.memory_space<vmem_shared>>
        tpu.wait_indirect_dma semaphore(%run_scoped3A_1473 : memref<!tpu.dma_semaphore, #tpu.memory_space<semaphore_mem>>) src(%arg25 : memref<80xf32, #tpu.memory_space<vmem>>) dst(%dma_wait3A_1483 : memref<10240xf32, #tpu.memory_space<vmem_shared>>)
        tpu.yield
      }) : () -> ()
      %dma_wait3A_1263 = arith.constant 0 : i32
      %dma_wait3A_1264 = arith.constant 0 : i32
      %dma_wait3A_1265 = tpu.memref_slice %arg3[%dma_wait3A_1263, %dma_wait3A_1264] : memref<10000x128xf32, #tpu.memory_space<hbm>> -> memref<80x128xf32, #tpu.memory_space<hbm>>
      %dma_wait3A_1266 = arith.constant 0 : i32
      %dma_wait3A_1267 = arith.constant 0 : i32
      %dma_wait3A_1268 = tpu.memref_slice %arg3[%dma_wait3A_1266, %dma_wait3A_1267] : memref<10000x128xf32, #tpu.memory_space<hbm>> -> memref<80x128xf32, #tpu.memory_space<hbm>>
      tpu.wait_dma2 semaphore(%arg40 : memref<!tpu.dma_semaphore, #tpu.memory_space<semaphore_mem>>) src(%dma_wait3A_1268 : memref<80x128xf32, #tpu.memory_space<hbm>>) dst(%arg10 : memref<80x128xf32, #tpu.memory_space<vmem>>)
      %add3A_1269 = arith.constant 4 : i32
      %add3A_1270 = arith.addi %add3A_1248, %add3A_1269 : i32
      %lt3A_1271 = arith.constant 125 : i32
      %lt3A_1272 = arith.cmpi slt, %add3A_1270, %lt3A_1271 : i32
      %convert_element_type3A_1273 = arith.extui %lt3A_1272 : i1 to i32
      %cond3A_1274 = arith.constant 0 : i32
      %cond3A_1275 = arith.cmpi ne, %convert_element_type3A_1273, %cond3A_1274 : i32
      scf.if %cond3A_1275 {
        %dma_wait3A_1473 = arith.constant 0 : i32
        %dma_wait3A_1474 = arith.constant 1 : i32
        %dma_wait3A_1475 = arith.constant 0 : i32
        %dma_wait3A_1476 = tpu.memref_slice %arg14[%dma_wait3A_1474, %dma_wait3A_1475] : memref<2x80xi32, #tpu.memory_space<vmem>> -> memref<1x80xi32, #tpu.memory_space<vmem>>
        %dma_wait3A_1477 = tpu.memref_squeeze %dma_wait3A_1476 : memref<1x80xi32, #tpu.memory_space<vmem>> -> memref<80xi32, #tpu.memory_space<vmem>>
        %dma_wait3A_1478 = arith.constant 0 : i32
        %dma_wait3A_1479 = tpu.memref_slice %arg2[%add3A, %dma_wait3A_1473, %dma_wait3A_1478] : memref<32x125x80xi32, #tpu.memory_space<hbm>> -> memref<1x1x80xi32, #tpu.memory_space<hbm>>
        %dma_wait3A_1480 = tpu.memref_squeeze %dma_wait3A_1479 : memref<1x1x80xi32, #tpu.memory_space<hbm>> -> memref<80xi32, #tpu.memory_space<hbm>>
        %dma_wait3A_1481 = arith.constant 0 : i32
        %dma_wait3A_1482 = tpu.memref_slice %arg14[%dma_wait3A_1474, %dma_wait3A_1481] : memref<2x80xi32, #tpu.memory_space<vmem>> -> memref<1x80xi32, #tpu.memory_space<vmem>>
        %dma_wait3A_1483 = tpu.memref_squeeze %dma_wait3A_1482 : memref<1x80xi32, #tpu.memory_space<vmem>> -> memref<80xi32, #tpu.memory_space<vmem>>
        %dma_wait3A_1484 = arith.constant 0 : i32
        %dma_wait3A_1485 = tpu.memref_slice %arg2[%add3A, %dma_wait3A_1473, %dma_wait3A_1484] : memref<32x125x80xi32, #tpu.memory_space<hbm>> -> memref<1x1x80xi32, #tpu.memory_space<hbm>>
        %dma_wait3A_1486 = tpu.memref_squeeze %dma_wait3A_1485 : memref<1x1x80xi32, #tpu.memory_space<hbm>> -> memref<80xi32, #tpu.memory_space<hbm>>
        tpu.wait_dma2 semaphore(%arg31 : memref<!tpu.dma_semaphore, #tpu.memory_space<semaphore_mem>>) src(%dma_wait3A_1486 : memref<80xi32, #tpu.memory_space<hbm>>) dst(%dma_wait3A_1483 : memref<80xi32, #tpu.memory_space<vmem>>)
        %get3A_1487 = arith.constant 1 : i32
        %get3A_1488 = arith.index_cast %get3A_1487 : i32 to index
        %get3A_1489 = arith.constant 0 : index
        %get3A_1490 = tpu.vector_load %arg14[%get3A_1488, %get3A_1489] {strides = array<i32>} : memref<2x80xi32, #tpu.memory_space<vmem>>, vector<1x16xi32>,
        %get3A_1491 = vector.shape_cast %get3A_1490 : vector<1x16xi32> to vector<16xi32>
        %and3A_1492 = arith.constant 16383 : i32
        %and3A_1493 = vector.broadcast %and3A_1492 : i32 to vector<16xi32>
        %and3A_1494 = arith.andi %get3A_1491, %and3A_1493 : vector<16xi32>
        %swap3A_1495 = arith.constant 1 : i32
        %swap3A_1496 = arith.index_cast %swap3A_1495 : i32 to index
        %swap3A_1497 = arith.constant 0 : index
        %swap3A_1498 = tpu.vector_load %arg18[%swap3A_1496, %swap3A_1497] {strides = array<i32>} : memref<2x80xi32, #tpu.memory_space<vmem>>, vector<1x16xi32>,
        %swap3A_1499 = vector.shape_cast %swap3A_1498 : vector<1x16xi32> to vector<16xi32>
        %swap3A_1500 = vector.shape_cast %and3A_1494 : vector<16xi32> to vector<1x16xi32>
        tpu.vector_store %arg18[%swap3A_1496, %swap3A_1497], %swap3A_1500 {strides = array<i32>} : memref<2x80xi32, #tpu.memory_space<vmem>>, vector<1x16xi32>,
        %shift_right_arithmetic3A_1501 = arith.constant 14 : i32
        %shift_right_arithmetic3A_1502 = vector.broadcast %shift_right_arithmetic3A_1501 : i32 to vector<16xi32>
        %shift_right_arithmetic3A_1503 = arith.shrsi %get3A_1491, %shift_right_arithmetic3A_1502 : vector<16xi32>
        %swap3A_1504 = arith.constant 1 : i32
        %swap3A_1505 = arith.index_cast %swap3A_1504 : i32 to index
        %swap3A_1506 = arith.constant 0 : index
        %swap3A_1507 = tpu.vector_load %arg22[%swap3A_1505, %swap3A_1506] {strides = array<i32>} : memref<2x80xi32, #tpu.memory_space<vmem>>, vector<1x16xi32>,
        %swap3A_1508 = vector.shape_cast %swap3A_1507 : vector<1x16xi32> to vector<16xi32>
        %swap3A_1509 = vector.shape_cast %shift_right_arithmetic3A_1503 : vector<16xi32> to vector<1x16xi32>
        tpu.vector_store %arg22[%swap3A_1505, %swap3A_1506], %swap3A_1509 {strides = array<i32>} : memref<2x80xi32, #tpu.memory_space<vmem>>, vector<1x16xi32>,
        %get3A_1510 = arith.constant 1 : i32
        %get3A_1511 = arith.index_cast %get3A_1510 : i32 to index
        %get3A_1512 = arith.constant 16 : index
        %get3A_1513 = tpu.vector_load %arg14[%get3A_1511, %get3A_1512] {strides = array<i32>} : memref<2x80xi32, #tpu.memory_space<vmem>>, vector<1x16xi32>,
        %get3A_1514 = vector.shape_cast %get3A_1513 : vector<1x16xi32> to vector<16xi32>
        %and3A_1515 = arith.constant 16383 : i32
        %and3A_1516 = vector.broadcast %and3A_1515 : i32 to vector<16xi32>
        %and3A_1517 = arith.andi %get3A_1514, %and3A_1516 : vector<16xi32>
        %swap3A_1518 = arith.constant 1 : i32
        %swap3A_1519 = arith.index_cast %swap3A_1518 : i32 to index
        %swap3A_1520 = arith.constant 16 : index
        %swap3A_1521 = tpu.vector_load %arg18[%swap3A_1519, %swap3A_1520] {strides = array<i32>} : memref<2x80xi32, #tpu.memory_space<vmem>>, vector<1x16xi32>,
        %swap3A_1522 = vector.shape_cast %swap3A_1521 : vector<1x16xi32> to vector<16xi32>
        %swap3A_1523 = vector.shape_cast %and3A_1517 : vector<16xi32> to vector<1x16xi32>
        tpu.vector_store %arg18[%swap3A_1519, %swap3A_1520], %swap3A_1523 {strides = array<i32>} : memref<2x80xi32, #tpu.memory_space<vmem>>, vector<1x16xi32>,
        %shift_right_arithmetic3A_1524 = arith.constant 14 : i32
        %shift_right_arithmetic3A_1525 = vector.broadcast %shift_right_arithmetic3A_1524 : i32 to vector<16xi32>
        %shift_right_arithmetic3A_1526 = arith.shrsi %get3A_1514, %shift_right_arithmetic3A_1525 : vector<16xi32>
        %swap3A_1527 = arith.constant 1 : i32
        %swap3A_1528 = arith.index_cast %swap3A_1527 : i32 to index
        %swap3A_1529 = arith.constant 16 : index
        %swap3A_1530 = tpu.vector_load %arg22[%swap3A_1528, %swap3A_1529] {strides = array<i32>} : memref<2x80xi32, #tpu.memory_space<vmem>>, vector<1x16xi32>,
        %swap3A_1531 = vector.shape_cast %swap3A_1530 : vector<1x16xi32> to vector<16xi32>
        %swap3A_1532 = vector.shape_cast %shift_right_arithmetic3A_1526 : vector<16xi32> to vector<1x16xi32>
        tpu.vector_store %arg22[%swap3A_1528, %swap3A_1529], %swap3A_1532 {strides = array<i32>} : memref<2x80xi32, #tpu.memory_space<vmem>>, vector<1x16xi32>,
        %get3A_1533 = arith.constant 1 : i32
        %get3A_1534 = arith.index_cast %get3A_1533 : i32 to index
        %get3A_1535 = arith.constant 32 : index
        %get3A_1536 = tpu.vector_load %arg14[%get3A_1534, %get3A_1535] {strides = array<i32>} : memref<2x80xi32, #tpu.memory_space<vmem>>, vector<1x16xi32>,
        %get3A_1537 = vector.shape_cast %get3A_1536 : vector<1x16xi32> to vector<16xi32>
        %and3A_1538 = arith.constant 16383 : i32
        %and3A_1539 = vector.broadcast %and3A_1538 : i32 to vector<16xi32>
        %and3A_1540 = arith.andi %get3A_1537, %and3A_1539 : vector<16xi32>
        %swap3A_1541 = arith.constant 1 : i32
        %swap3A_1542 = arith.index_cast %swap3A_1541 : i32 to index
        %swap3A_1543 = arith.constant 32 : index
        %swap3A_1544 = tpu.vector_load %arg18[%swap3A_1542, %swap3A_1543] {strides = array<i32>} : memref<2x80xi32, #tpu.memory_space<vmem>>, vector<1x16xi32>,
        %swap3A_1545 = vector.shape_cast %swap3A_1544 : vector<1x16xi32> to vector<16xi32>
        %swap3A_1546 = vector.shape_cast %and3A_1540 : vector<16xi32> to vector<1x16xi32>
        tpu.vector_store %arg18[%swap3A_1542, %swap3A_1543], %swap3A_1546 {strides = array<i32>} : memref<2x80xi32, #tpu.memory_space<vmem>>, vector<1x16xi32>,
        %shift_right_arithmetic3A_1547 = arith.constant 14 : i32
        %shift_right_arithmetic3A_1548 = vector.broadcast %shift_right_arithmetic3A_1547 : i32 to vector<16xi32>
        %shift_right_arithmetic3A_1549 = arith.shrsi %get3A_1537, %shift_right_arithmetic3A_1548 : vector<16xi32>
        %swap3A_1550 = arith.constant 1 : i32
        %swap3A_1551 = arith.index_cast %swap3A_1550 : i32 to index
        %swap3A_1552 = arith.constant 32 : index
        %swap3A_1553 = tpu.vector_load %arg22[%swap3A_1551, %swap3A_1552] {strides = array<i32>} : memref<2x80xi32, #tpu.memory_space<vmem>>, vector<1x16xi32>,
        %swap3A_1554 = vector.shape_cast %swap3A_1553 : vector<1x16xi32> to vector<16xi32>
        %swap3A_1555 = vector.shape_cast %shift_right_arithmetic3A_1549 : vector<16xi32> to vector<1x16xi32>
        tpu.vector_store %arg22[%swap3A_1551, %swap3A_1552], %swap3A_1555 {strides = array<i32>} : memref<2x80xi32, #tpu.memory_space<vmem>>, vector<1x16xi32>,
        %get3A_1556 = arith.constant 1 : i32
        %get3A_1557 = arith.index_cast %get3A_1556 : i32 to index
        %get3A_1558 = arith.constant 48 : index
        %get3A_1559 = tpu.vector_load %arg14[%get3A_1557, %get3A_1558] {strides = array<i32>} : memref<2x80xi32, #tpu.memory_space<vmem>>, vector<1x16xi32>,
        %get3A_1560 = vector.shape_cast %get3A_1559 : vector<1x16xi32> to vector<16xi32>
        %and3A_1561 = arith.constant 16383 : i32
        %and3A_1562 = vector.broadcast %and3A_1561 : i32 to vector<16xi32>
        %and3A_1563 = arith.andi %get3A_1560, %and3A_1562 : vector<16xi32>
        %swap3A_1564 = arith.constant 1 : i32
        %swap3A_1565 = arith.index_cast %swap3A_1564 : i32 to index
        %swap3A_1566 = arith.constant 48 : index
        %swap3A_1567 = tpu.vector_load %arg18[%swap3A_1565, %swap3A_1566] {strides = array<i32>} : memref<2x80xi32, #tpu.memory_space<vmem>>, vector<1x16xi32>,
        %swap3A_1568 = vector.shape_cast %swap3A_1567 : vector<1x16xi32> to vector<16xi32>
        %swap3A_1569 = vector.shape_cast %and3A_1563 : vector<16xi32> to vector<1x16xi32>
        tpu.vector_store %arg18[%swap3A_1565, %swap3A_1566], %swap3A_1569 {strides = array<i32>} : memref<2x80xi32, #tpu.memory_space<vmem>>, vector<1x16xi32>,
        %shift_right_arithmetic3A_1570 = arith.constant 14 : i32
        %shift_right_arithmetic3A_1571 = vector.broadcast %shift_right_arithmetic3A_1570 : i32 to vector<16xi32>
        %shift_right_arithmetic3A_1572 = arith.shrsi %get3A_1560, %shift_right_arithmetic3A_1571 : vector<16xi32>
        %swap3A_1573 = arith.constant 1 : i32
        %swap3A_1574 = arith.index_cast %swap3A_1573 : i32 to index
        %swap3A_1575 = arith.constant 48 : index
        %swap3A_1576 = tpu.vector_load %arg22[%swap3A_1574, %swap3A_1575] {strides = array<i32>} : memref<2x80xi32, #tpu.memory_space<vmem>>, vector<1x16xi32>,
        %swap3A_1577 = vector.shape_cast %swap3A_1576 : vector<1x16xi32> to vector<16xi32>
        %swap3A_1578 = vector.shape_cast %shift_right_arithmetic3A_1572 : vector<16xi32> to vector<1x16xi32>
        tpu.vector_store %arg22[%swap3A_1574, %swap3A_1575], %swap3A_1578 {strides = array<i32>} : memref<2x80xi32, #tpu.memory_space<vmem>>, vector<1x16xi32>,
        %get3A_1579 = arith.constant 1 : i32
        %get3A_1580 = arith.index_cast %get3A_1579 : i32 to index
        %get3A_1581 = arith.constant 64 : index
        %get3A_1582 = tpu.vector_load %arg14[%get3A_1580, %get3A_1581] {strides = array<i32>} : memref<2x80xi32, #tpu.memory_space<vmem>>, vector<1x16xi32>,
        %get3A_1583 = vector.shape_cast %get3A_1582 : vector<1x16xi32> to vector<16xi32>
        %and3A_1584 = arith.constant 16383 : i32
        %and3A_1585 = vector.broadcast %and3A_1584 : i32 to vector<16xi32>
        %and3A_1586 = arith.andi %get3A_1583, %and3A_1585 : vector<16xi32>
        %swap3A_1587 = arith.constant 1 : i32
        %swap3A_1588 = arith.index_cast %swap3A_1587 : i32 to index
        %swap3A_1589 = arith.constant 64 : index
        %swap3A_1590 = tpu.vector_load %arg18[%swap3A_1588, %swap3A_1589] {strides = array<i32>} : memref<2x80xi32, #tpu.memory_space<vmem>>, vector<1x16xi32>,
        %swap3A_1591 = vector.shape_cast %swap3A_1590 : vector<1x16xi32> to vector<16xi32>
        %swap3A_1592 = vector.shape_cast %and3A_1586 : vector<16xi32> to vector<1x16xi32>
        tpu.vector_store %arg18[%swap3A_1588, %swap3A_1589], %swap3A_1592 {strides = array<i32>} : memref<2x80xi32, #tpu.memory_space<vmem>>, vector<1x16xi32>,
        %shift_right_arithmetic3A_1593 = arith.constant 14 : i32
        %shift_right_arithmetic3A_1594 = vector.broadcast %shift_right_arithmetic3A_1593 : i32 to vector<16xi32>
        %shift_right_arithmetic3A_1595 = arith.shrsi %get3A_1583, %shift_right_arithmetic3A_1594 : vector<16xi32>
        %swap3A_1596 = arith.constant 1 : i32
        %swap3A_1597 = arith.index_cast %swap3A_1596 : i32 to index
        %swap3A_1598 = arith.constant 64 : index
        %swap3A_1599 = tpu.vector_load %arg22[%swap3A_1597, %swap3A_1598] {strides = array<i32>} : memref<2x80xi32, #tpu.memory_space<vmem>>, vector<1x16xi32>,
        %swap3A_1600 = vector.shape_cast %swap3A_1599 : vector<1x16xi32> to vector<16xi32>
        %swap3A_1601 = vector.shape_cast %shift_right_arithmetic3A_1595 : vector<16xi32> to vector<1x16xi32>
        tpu.vector_store %arg22[%swap3A_1597, %swap3A_1598], %swap3A_1601 {strides = array<i32>} : memref<2x80xi32, #tpu.memory_space<vmem>>, vector<1x16xi32>,
        %dma_start3A_1602 = arith.constant 1 : i32
        %dma_start3A_1603 = arith.constant 0 : i32
        %dma_start3A_1604 = tpu.memref_slice %arg18[%dma_start3A_1602, %dma_start3A_1603] : memref<2x80xi32, #tpu.memory_space<vmem>> -> memref<1x80xi32, #tpu.memory_space<vmem>>
        %dma_start3A_1605 = tpu.memref_squeeze %dma_start3A_1604 : memref<1x80xi32, #tpu.memory_space<vmem>> -> memref<80xi32, #tpu.memory_space<vmem>>
        %dma_start3A_1606 = arith.constant 0 : i32
        %dma_start3A_1607 = arith.constant 0 : i32
        %dma_start3A_1608 = tpu.memref_slice %arg3[%dma_start3A_1606, %dma_start3A_1607] : memref<10000x128xf32, #tpu.memory_space<hbm>> -> memref<10000x128xf32, #tpu.memory_space<hbm>>
        tpu.enqueue_indirect_dma source(%dma_start3A_1608 : memref<10000x128xf32, #tpu.memory_space<hbm>>) target(%arg10 : memref<80x128xf32, #tpu.memory_space<vmem>>) offsets(%dma_start3A_1605 : memref<80xi32, #tpu.memory_space<vmem>>) semaphore(%arg36 : memref<!tpu.dma_semaphore, #tpu.memory_space<semaphore_mem>>)
      } else {
      }
      %add3A_1276 = arith.constant 8 : i32
      %add3A_1277 = arith.addi %add3A_1248, %add3A_1276 : i32
      %lt3A_1278 = arith.constant 125 : i32
      %lt3A_1279 = arith.cmpi slt, %add3A_1277, %lt3A_1278 : i32
      %convert_element_type3A_1280 = arith.extui %lt3A_1279 : i1 to i32
      %cond3A_1281 = arith.constant 0 : i32
      %cond3A_1282 = arith.cmpi ne, %convert_element_type3A_1280, %cond3A_1281 : i32
      scf.if %cond3A_1282 {
        %dma_start3A_1473 = arith.constant 0 : i32
        %dma_start3A_1474 = arith.constant 0 : i32
        %dma_start3A_1475 = tpu.memref_slice %arg14[%dma_start3A_1473, %dma_start3A_1474] : memref<2x80xi32, #tpu.memory_space<vmem>> -> memref<1x80xi32, #tpu.memory_space<vmem>>
        %dma_start3A_1476 = tpu.memref_squeeze %dma_start3A_1475 : memref<1x80xi32, #tpu.memory_space<vmem>> -> memref<80xi32, #tpu.memory_space<vmem>>
        %dma_start3A_1477 = arith.constant 0 : i32
        %dma_start3A_1478 = tpu.memref_slice %arg2[%add3A, %add3A_1277, %dma_start3A_1477] : memref<32x125x80xi32, #tpu.memory_space<hbm>> -> memref<1x1x80xi32, #tpu.memory_space<hbm>>
        %dma_start3A_1479 = tpu.memref_squeeze %dma_start3A_1478 : memref<1x1x80xi32, #tpu.memory_space<hbm>> -> memref<80xi32, #tpu.memory_space<hbm>>
        %dma_start3A_1480 = arith.constant 0 : i32
        %dma_start3A_1481 = tpu.memref_slice %arg14[%dma_start3A_1473, %dma_start3A_1480] : memref<2x80xi32, #tpu.memory_space<vmem>> -> memref<1x80xi32, #tpu.memory_space<vmem>>
        %dma_start3A_1482 = tpu.memref_squeeze %dma_start3A_1481 : memref<1x80xi32, #tpu.memory_space<vmem>> -> memref<80xi32, #tpu.memory_space<vmem>>
        %dma_start3A_1483 = arith.constant 0 : i32
        %dma_start3A_1484 = tpu.memref_slice %arg2[%add3A, %add3A_1277, %dma_start3A_1483] : memref<32x125x80xi32, #tpu.memory_space<hbm>> -> memref<1x1x80xi32, #tpu.memory_space<hbm>>
        %dma_start3A_1485 = tpu.memref_squeeze %dma_start3A_1484 : memref<1x1x80xi32, #tpu.memory_space<hbm>> -> memref<80xi32, #tpu.memory_space<hbm>>
        tpu.enqueue_dma source(%dma_start3A_1485 : memref<80xi32, #tpu.memory_space<hbm>>) target(%dma_start3A_1482 : memref<80xi32, #tpu.memory_space<vmem>>) target_semaphore(%arg30 : memref<!tpu.dma_semaphore, #tpu.memory_space<semaphore_mem>>)
      } else {
      }
      %mul3A_1283 = arith.constant 8 : i32
      %mul3A_1284 = arith.muli %scan3A_1168, %mul3A_1283 : i32
      %add3A_1285 = arith.constant 3 : i32
      %add3A_1286 = arith.addi %mul3A_1284, %add3A_1285 : i32
      %dma_wait3A_1287 = arith.constant 0 : i32
      %dma_wait3A_1288 = arith.constant 0 : i32
      %dma_wait3A_1289 = tpu.memref_slice %arg3[%dma_wait3A_1287, %dma_wait3A_1288] : memref<10000x128xf32, #tpu.memory_space<hbm>> -> memref<80x128xf32, #tpu.memory_space<hbm>>
      %dma_wait3A_1290 = arith.constant 0 : i32
      %dma_wait3A_1291 = arith.constant 0 : i32
      %dma_wait3A_1292 = tpu.memref_slice %arg3[%dma_wait3A_1290, %dma_wait3A_1291] : memref<10000x128xf32, #tpu.memory_space<hbm>> -> memref<80x128xf32, #tpu.memory_space<hbm>>
      tpu.wait_dma2 semaphore(%arg37 : memref<!tpu.dma_semaphore, #tpu.memory_space<semaphore_mem>>) src(%dma_wait3A_1292 : memref<80x128xf32, #tpu.memory_space<hbm>>) dst(%arg11 : memref<80x128xf32, #tpu.memory_space<vmem>>)
      %dma_start3A_1293 = arith.constant 0 : i32
      %dma_start3A_1294 = arith.constant 0 : i32
      %dma_start3A_1295 = tpu.memref_slice %arg23[%dma_start3A_1293, %dma_start3A_1294] : memref<2x80xi32, #tpu.memory_space<vmem>> -> memref<1x80xi32, #tpu.memory_space<vmem>>
      %dma_start3A_1296 = tpu.memref_squeeze %dma_start3A_1295 : memref<1x80xi32, #tpu.memory_space<vmem>> -> memref<80xi32, #tpu.memory_space<vmem>>
      %dma_start3A_1297 = arith.constant 0 : i32
      %dma_start3A_1298 = arith.constant 0 : i32
      %dma_start3A_1299 = tpu.memref_slice %arg6[%dma_start3A_1297, %dma_start3A_1298] : memref<10000x128xf32, #tpu.memory_space<vmem_shared>> -> memref<10000x128xf32, #tpu.memory_space<vmem_shared>>
      tpu.enqueue_indirect_dma source(%arg11 : memref<80x128xf32, #tpu.memory_space<vmem>>) target(%dma_start3A_1299 : memref<10000x128xf32, #tpu.memory_space<vmem_shared>>) offsets(%dma_start3A_1296 : memref<80xi32, #tpu.memory_space<vmem>>) semaphore(%arg41 : memref<!tpu.dma_semaphore, #tpu.memory_space<semaphore_mem>>) {add = true}
      %run_scoped3A_1300 = arith.constant 0 : i32
      "tpu.region"() ({
        %run_scoped3A_1473 = tpu.sem_alloc : memref<!tpu.dma_semaphore, #tpu.memory_space<semaphore_mem>>
        %dma_start3A_1474 = arith.constant 0 : i32
        %dma_start3A_1475 = tpu.memref_slice %arg23[%run_scoped3A_1300, %dma_start3A_1474] : memref<2x80xi32, #tpu.memory_space<vmem>> -> memref<1x80xi32, #tpu.memory_space<vmem>>
        %dma_start3A_1476 = tpu.memref_squeeze %dma_start3A_1475 : memref<1x80xi32, #tpu.memory_space<vmem>> -> memref<80xi32, #tpu.memory_space<vmem>>
        %dma_start3A_1477 = arith.constant 0 : i32
        %dma_start3A_1478 = tpu.memref_slice %arg7[%dma_start3A_1477] : memref<10240xf32, #tpu.memory_space<vmem_shared>> -> memref<10240xf32, #tpu.memory_space<vmem_shared>>
        tpu.enqueue_indirect_dma source(%arg25 : memref<80xf32, #tpu.memory_space<vmem>>) target(%dma_start3A_1478 : memref<10240xf32, #tpu.memory_space<vmem_shared>>) offsets(%dma_start3A_1476 : memref<80xi32, #tpu.memory_space<vmem>>) semaphore(%run_scoped3A_1473 : memref<!tpu.dma_semaphore, #tpu.memory_space<semaphore_mem>>) {add = true}
        %dma_wait3A_1479 = arith.constant 0 : i32
        %dma_wait3A_1480 = tpu.memref_slice %arg23[%run_scoped3A_1300, %dma_wait3A_1479] : memref<2x80xi32, #tpu.memory_space<vmem>> -> memref<1x80xi32, #tpu.memory_space<vmem>>
        %dma_wait3A_1481 = tpu.memref_squeeze %dma_wait3A_1480 : memref<1x80xi32, #tpu.memory_space<vmem>> -> memref<80xi32, #tpu.memory_space<vmem>>
        %dma_wait3A_1482 = arith.constant 0 : i32
        %dma_wait3A_1483 = tpu.memref_slice %arg7[%dma_wait3A_1482] : memref<10240xf32, #tpu.memory_space<vmem_shared>> -> memref<10240xf32, #tpu.memory_space<vmem_shared>>
        tpu.wait_indirect_dma semaphore(%run_scoped3A_1473 : memref<!tpu.dma_semaphore, #tpu.memory_space<semaphore_mem>>) src(%arg25 : memref<80xf32, #tpu.memory_space<vmem>>) dst(%dma_wait3A_1483 : memref<10240xf32, #tpu.memory_space<vmem_shared>>)
        tpu.yield
      }) : () -> ()
      %dma_wait3A_1301 = arith.constant 0 : i32
      %dma_wait3A_1302 = arith.constant 0 : i32
      %dma_wait3A_1303 = tpu.memref_slice %arg3[%dma_wait3A_1301, %dma_wait3A_1302] : memref<10000x128xf32, #tpu.memory_space<hbm>> -> memref<80x128xf32, #tpu.memory_space<hbm>>
      %dma_wait3A_1304 = arith.constant 0 : i32
      %dma_wait3A_1305 = arith.constant 0 : i32
      %dma_wait3A_1306 = tpu.memref_slice %arg3[%dma_wait3A_1304, %dma_wait3A_1305] : memref<10000x128xf32, #tpu.memory_space<hbm>> -> memref<80x128xf32, #tpu.memory_space<hbm>>
      tpu.wait_dma2 semaphore(%arg41 : memref<!tpu.dma_semaphore, #tpu.memory_space<semaphore_mem>>) src(%dma_wait3A_1306 : memref<80x128xf32, #tpu.memory_space<hbm>>) dst(%arg11 : memref<80x128xf32, #tpu.memory_space<vmem>>)
      %add3A_1307 = arith.constant 4 : i32
      %add3A_1308 = arith.addi %add3A_1286, %add3A_1307 : i32
      %lt3A_1309 = arith.constant 125 : i32
      %lt3A_1310 = arith.cmpi slt, %add3A_1308, %lt3A_1309 : i32
      %convert_element_type3A_1311 = arith.extui %lt3A_1310 : i1 to i32
      %cond3A_1312 = arith.constant 0 : i32
      %cond3A_1313 = arith.cmpi ne, %convert_element_type3A_1311, %cond3A_1312 : i32
      scf.if %cond3A_1313 {
        %dma_wait3A_1473 = arith.constant 0 : i32
        %dma_wait3A_1474 = arith.constant 1 : i32
        %dma_wait3A_1475 = arith.constant 0 : i32
        %dma_wait3A_1476 = tpu.memref_slice %arg15[%dma_wait3A_1474, %dma_wait3A_1475] : memref<2x80xi32, #tpu.memory_space<vmem>> -> memref<1x80xi32, #tpu.memory_space<vmem>>
        %dma_wait3A_1477 = tpu.memref_squeeze %dma_wait3A_1476 : memref<1x80xi32, #tpu.memory_space<vmem>> -> memref<80xi32, #tpu.memory_space<vmem>>
        %dma_wait3A_1478 = arith.constant 0 : i32
        %dma_wait3A_1479 = tpu.memref_slice %arg2[%add3A, %dma_wait3A_1473, %dma_wait3A_1478] : memref<32x125x80xi32, #tpu.memory_space<hbm>> -> memref<1x1x80xi32, #tpu.memory_space<hbm>>
        %dma_wait3A_1480 = tpu.memref_squeeze %dma_wait3A_1479 : memref<1x1x80xi32, #tpu.memory_space<hbm>> -> memref<80xi32, #tpu.memory_space<hbm>>
        %dma_wait3A_1481 = arith.constant 0 : i32
        %dma_wait3A_1482 = tpu.memref_slice %arg15[%dma_wait3A_1474, %dma_wait3A_1481] : memref<2x80xi32, #tpu.memory_space<vmem>> -> memref<1x80xi32, #tpu.memory_space<vmem>>
        %dma_wait3A_1483 = tpu.memref_squeeze %dma_wait3A_1482 : memref<1x80xi32, #tpu.memory_space<vmem>> -> memref<80xi32, #tpu.memory_space<vmem>>
        %dma_wait3A_1484 = arith.constant 0 : i32
        %dma_wait3A_1485 = tpu.memref_slice %arg2[%add3A, %dma_wait3A_1473, %dma_wait3A_1484] : memref<32x125x80xi32, #tpu.memory_space<hbm>> -> memref<1x1x80xi32, #tpu.memory_space<hbm>>
        %dma_wait3A_1486 = tpu.memref_squeeze %dma_wait3A_1485 : memref<1x1x80xi32, #tpu.memory_space<hbm>> -> memref<80xi32, #tpu.memory_space<hbm>>
        tpu.wait_dma2 semaphore(%arg33 : memref<!tpu.dma_semaphore, #tpu.memory_space<semaphore_mem>>) src(%dma_wait3A_1486 : memref<80xi32, #tpu.memory_space<hbm>>) dst(%dma_wait3A_1483 : memref<80xi32, #tpu.memory_space<vmem>>)
        %get3A_1487 = arith.constant 1 : i32
        %get3A_1488 = arith.index_cast %get3A_1487 : i32 to index
        %get3A_1489 = arith.constant 0 : index
        %get3A_1490 = tpu.vector_load %arg15[%get3A_1488, %get3A_1489] {strides = array<i32>} : memref<2x80xi32, #tpu.memory_space<vmem>>, vector<1x16xi32>,
        %get3A_1491 = vector.shape_cast %get3A_1490 : vector<1x16xi32> to vector<16xi32>
        %and3A_1492 = arith.constant 16383 : i32
        %and3A_1493 = vector.broadcast %and3A_1492 : i32 to vector<16xi32>
        %and3A_1494 = arith.andi %get3A_1491, %and3A_1493 : vector<16xi32>
        %swap3A_1495 = arith.constant 1 : i32
        %swap3A_1496 = arith.index_cast %swap3A_1495 : i32 to index
        %swap3A_1497 = arith.constant 0 : index
        %swap3A_1498 = tpu.vector_load %arg19[%swap3A_1496, %swap3A_1497] {strides = array<i32>} : memref<2x80xi32, #tpu.memory_space<vmem>>, vector<1x16xi32>,
        %swap3A_1499 = vector.shape_cast %swap3A_1498 : vector<1x16xi32> to vector<16xi32>
        %swap3A_1500 = vector.shape_cast %and3A_1494 : vector<16xi32> to vector<1x16xi32>
        tpu.vector_store %arg19[%swap3A_1496, %swap3A_1497], %swap3A_1500 {strides = array<i32>} : memref<2x80xi32, #tpu.memory_space<vmem>>, vector<1x16xi32>,
        %shift_right_arithmetic3A_1501 = arith.constant 14 : i32
        %shift_right_arithmetic3A_1502 = vector.broadcast %shift_right_arithmetic3A_1501 : i32 to vector<16xi32>
        %shift_right_arithmetic3A_1503 = arith.shrsi %get3A_1491, %shift_right_arithmetic3A_1502 : vector<16xi32>
        %swap3A_1504 = arith.constant 1 : i32
        %swap3A_1505 = arith.index_cast %swap3A_1504 : i32 to index
        %swap3A_1506 = arith.constant 0 : index
        %swap3A_1507 = tpu.vector_load %arg23[%swap3A_1505, %swap3A_1506] {strides = array<i32>} : memref<2x80xi32, #tpu.memory_space<vmem>>, vector<1x16xi32>,
        %swap3A_1508 = vector.shape_cast %swap3A_1507 : vector<1x16xi32> to vector<16xi32>
        %swap3A_1509 = vector.shape_cast %shift_right_arithmetic3A_1503 : vector<16xi32> to vector<1x16xi32>
        tpu.vector_store %arg23[%swap3A_1505, %swap3A_1506], %swap3A_1509 {strides = array<i32>} : memref<2x80xi32, #tpu.memory_space<vmem>>, vector<1x16xi32>,
        %get3A_1510 = arith.constant 1 : i32
        %get3A_1511 = arith.index_cast %get3A_1510 : i32 to index
        %get3A_1512 = arith.constant 16 : index
        %get3A_1513 = tpu.vector_load %arg15[%get3A_1511, %get3A_1512] {strides = array<i32>} : memref<2x80xi32, #tpu.memory_space<vmem>>, vector<1x16xi32>,
        %get3A_1514 = vector.shape_cast %get3A_1513 : vector<1x16xi32> to vector<16xi32>
        %and3A_1515 = arith.constant 16383 : i32
        %and3A_1516 = vector.broadcast %and3A_1515 : i32 to vector<16xi32>
        %and3A_1517 = arith.andi %get3A_1514, %and3A_1516 : vector<16xi32>
        %swap3A_1518 = arith.constant 1 : i32
        %swap3A_1519 = arith.index_cast %swap3A_1518 : i32 to index
        %swap3A_1520 = arith.constant 16 : index
        %swap3A_1521 = tpu.vector_load %arg19[%swap3A_1519, %swap3A_1520] {strides = array<i32>} : memref<2x80xi32, #tpu.memory_space<vmem>>, vector<1x16xi32>,
        %swap3A_1522 = vector.shape_cast %swap3A_1521 : vector<1x16xi32> to vector<16xi32>
        %swap3A_1523 = vector.shape_cast %and3A_1517 : vector<16xi32> to vector<1x16xi32>
        tpu.vector_store %arg19[%swap3A_1519, %swap3A_1520], %swap3A_1523 {strides = array<i32>} : memref<2x80xi32, #tpu.memory_space<vmem>>, vector<1x16xi32>,
        %shift_right_arithmetic3A_1524 = arith.constant 14 : i32
        %shift_right_arithmetic3A_1525 = vector.broadcast %shift_right_arithmetic3A_1524 : i32 to vector<16xi32>
        %shift_right_arithmetic3A_1526 = arith.shrsi %get3A_1514, %shift_right_arithmetic3A_1525 : vector<16xi32>
        %swap3A_1527 = arith.constant 1 : i32
        %swap3A_1528 = arith.index_cast %swap3A_1527 : i32 to index
        %swap3A_1529 = arith.constant 16 : index
        %swap3A_1530 = tpu.vector_load %arg23[%swap3A_1528, %swap3A_1529] {strides = array<i32>} : memref<2x80xi32, #tpu.memory_space<vmem>>, vector<1x16xi32>,
        %swap3A_1531 = vector.shape_cast %swap3A_1530 : vector<1x16xi32> to vector<16xi32>
        %swap3A_1532 = vector.shape_cast %shift_right_arithmetic3A_1526 : vector<16xi32> to vector<1x16xi32>
        tpu.vector_store %arg23[%swap3A_1528, %swap3A_1529], %swap3A_1532 {strides = array<i32>} : memref<2x80xi32, #tpu.memory_space<vmem>>, vector<1x16xi32>,
        %get3A_1533 = arith.constant 1 : i32
        %get3A_1534 = arith.index_cast %get3A_1533 : i32 to index
        %get3A_1535 = arith.constant 32 : index
        %get3A_1536 = tpu.vector_load %arg15[%get3A_1534, %get3A_1535] {strides = array<i32>} : memref<2x80xi32, #tpu.memory_space<vmem>>, vector<1x16xi32>,
        %get3A_1537 = vector.shape_cast %get3A_1536 : vector<1x16xi32> to vector<16xi32>
        %and3A_1538 = arith.constant 16383 : i32
        %and3A_1539 = vector.broadcast %and3A_1538 : i32 to vector<16xi32>
        %and3A_1540 = arith.andi %get3A_1537, %and3A_1539 : vector<16xi32>
        %swap3A_1541 = arith.constant 1 : i32
        %swap3A_1542 = arith.index_cast %swap3A_1541 : i32 to index
        %swap3A_1543 = arith.constant 32 : index
        %swap3A_1544 = tpu.vector_load %arg19[%swap3A_1542, %swap3A_1543] {strides = array<i32>} : memref<2x80xi32, #tpu.memory_space<vmem>>, vector<1x16xi32>,
        %swap3A_1545 = vector.shape_cast %swap3A_1544 : vector<1x16xi32> to vector<16xi32>
        %swap3A_1546 = vector.shape_cast %and3A_1540 : vector<16xi32> to vector<1x16xi32>
        tpu.vector_store %arg19[%swap3A_1542, %swap3A_1543], %swap3A_1546 {strides = array<i32>} : memref<2x80xi32, #tpu.memory_space<vmem>>, vector<1x16xi32>,
        %shift_right_arithmetic3A_1547 = arith.constant 14 : i32
        %shift_right_arithmetic3A_1548 = vector.broadcast %shift_right_arithmetic3A_1547 : i32 to vector<16xi32>
        %shift_right_arithmetic3A_1549 = arith.shrsi %get3A_1537, %shift_right_arithmetic3A_1548 : vector<16xi32>
        %swap3A_1550 = arith.constant 1 : i32
        %swap3A_1551 = arith.index_cast %swap3A_1550 : i32 to index
        %swap3A_1552 = arith.constant 32 : index
        %swap3A_1553 = tpu.vector_load %arg23[%swap3A_1551, %swap3A_1552] {strides = array<i32>} : memref<2x80xi32, #tpu.memory_space<vmem>>, vector<1x16xi32>,
        %swap3A_1554 = vector.shape_cast %swap3A_1553 : vector<1x16xi32> to vector<16xi32>
        %swap3A_1555 = vector.shape_cast %shift_right_arithmetic3A_1549 : vector<16xi32> to vector<1x16xi32>
        tpu.vector_store %arg23[%swap3A_1551, %swap3A_1552], %swap3A_1555 {strides = array<i32>} : memref<2x80xi32, #tpu.memory_space<vmem>>, vector<1x16xi32>,
        %get3A_1556 = arith.constant 1 : i32
        %get3A_1557 = arith.index_cast %get3A_1556 : i32 to index
        %get3A_1558 = arith.constant 48 : index
        %get3A_1559 = tpu.vector_load %arg15[%get3A_1557, %get3A_1558] {strides = array<i32>} : memref<2x80xi32, #tpu.memory_space<vmem>>, vector<1x16xi32>,
        %get3A_1560 = vector.shape_cast %get3A_1559 : vector<1x16xi32> to vector<16xi32>
        %and3A_1561 = arith.constant 16383 : i32
        %and3A_1562 = vector.broadcast %and3A_1561 : i32 to vector<16xi32>
        %and3A_1563 = arith.andi %get3A_1560, %and3A_1562 : vector<16xi32>
        %swap3A_1564 = arith.constant 1 : i32
        %swap3A_1565 = arith.index_cast %swap3A_1564 : i32 to index
        %swap3A_1566 = arith.constant 48 : index
        %swap3A_1567 = tpu.vector_load %arg19[%swap3A_1565, %swap3A_1566] {strides = array<i32>} : memref<2x80xi32, #tpu.memory_space<vmem>>, vector<1x16xi32>,
        %swap3A_1568 = vector.shape_cast %swap3A_1567 : vector<1x16xi32> to vector<16xi32>
        %swap3A_1569 = vector.shape_cast %and3A_1563 : vector<16xi32> to vector<1x16xi32>
        tpu.vector_store %arg19[%swap3A_1565, %swap3A_1566], %swap3A_1569 {strides = array<i32>} : memref<2x80xi32, #tpu.memory_space<vmem>>, vector<1x16xi32>,
        %shift_right_arithmetic3A_1570 = arith.constant 14 : i32
        %shift_right_arithmetic3A_1571 = vector.broadcast %shift_right_arithmetic3A_1570 : i32 to vector<16xi32>
        %shift_right_arithmetic3A_1572 = arith.shrsi %get3A_1560, %shift_right_arithmetic3A_1571 : vector<16xi32>
        %swap3A_1573 = arith.constant 1 : i32
        %swap3A_1574 = arith.index_cast %swap3A_1573 : i32 to index
        %swap3A_1575 = arith.constant 48 : index
        %swap3A_1576 = tpu.vector_load %arg23[%swap3A_1574, %swap3A_1575] {strides = array<i32>} : memref<2x80xi32, #tpu.memory_space<vmem>>, vector<1x16xi32>,
        %swap3A_1577 = vector.shape_cast %swap3A_1576 : vector<1x16xi32> to vector<16xi32>
        %swap3A_1578 = vector.shape_cast %shift_right_arithmetic3A_1572 : vector<16xi32> to vector<1x16xi32>
        tpu.vector_store %arg23[%swap3A_1574, %swap3A_1575], %swap3A_1578 {strides = array<i32>} : memref<2x80xi32, #tpu.memory_space<vmem>>, vector<1x16xi32>,
        %get3A_1579 = arith.constant 1 : i32
        %get3A_1580 = arith.index_cast %get3A_1579 : i32 to index
        %get3A_1581 = arith.constant 64 : index
        %get3A_1582 = tpu.vector_load %arg15[%get3A_1580, %get3A_1581] {strides = array<i32>} : memref<2x80xi32, #tpu.memory_space<vmem>>, vector<1x16xi32>,
        %get3A_1583 = vector.shape_cast %get3A_1582 : vector<1x16xi32> to vector<16xi32>
        %and3A_1584 = arith.constant 16383 : i32
        %and3A_1585 = vector.broadcast %and3A_1584 : i32 to vector<16xi32>
        %and3A_1586 = arith.andi %get3A_1583, %and3A_1585 : vector<16xi32>
        %swap3A_1587 = arith.constant 1 : i32
        %swap3A_1588 = arith.index_cast %swap3A_1587 : i32 to index
        %swap3A_1589 = arith.constant 64 : index
        %swap3A_1590 = tpu.vector_load %arg19[%swap3A_1588, %swap3A_1589] {strides = array<i32>} : memref<2x80xi32, #tpu.memory_space<vmem>>, vector<1x16xi32>,
        %swap3A_1591 = vector.shape_cast %swap3A_1590 : vector<1x16xi32> to vector<16xi32>
        %swap3A_1592 = vector.shape_cast %and3A_1586 : vector<16xi32> to vector<1x16xi32>
        tpu.vector_store %arg19[%swap3A_1588, %swap3A_1589], %swap3A_1592 {strides = array<i32>} : memref<2x80xi32, #tpu.memory_space<vmem>>, vector<1x16xi32>,
        %shift_right_arithmetic3A_1593 = arith.constant 14 : i32
        %shift_right_arithmetic3A_1594 = vector.broadcast %shift_right_arithmetic3A_1593 : i32 to vector<16xi32>
        %shift_right_arithmetic3A_1595 = arith.shrsi %get3A_1583, %shift_right_arithmetic3A_1594 : vector<16xi32>
        %swap3A_1596 = arith.constant 1 : i32
        %swap3A_1597 = arith.index_cast %swap3A_1596 : i32 to index
        %swap3A_1598 = arith.constant 64 : index
        %swap3A_1599 = tpu.vector_load %arg23[%swap3A_1597, %swap3A_1598] {strides = array<i32>} : memref<2x80xi32, #tpu.memory_space<vmem>>, vector<1x16xi32>,
        %swap3A_1600 = vector.shape_cast %swap3A_1599 : vector<1x16xi32> to vector<16xi32>
        %swap3A_1601 = vector.shape_cast %shift_right_arithmetic3A_1595 : vector<16xi32> to vector<1x16xi32>
        tpu.vector_store %arg23[%swap3A_1597, %swap3A_1598], %swap3A_1601 {strides = array<i32>} : memref<2x80xi32, #tpu.memory_space<vmem>>, vector<1x16xi32>,
        %dma_start3A_1602 = arith.constant 1 : i32
        %dma_start3A_1603 = arith.constant 0 : i32
        %dma_start3A_1604 = tpu.memref_slice %arg19[%dma_start3A_1602, %dma_start3A_1603] : memref<2x80xi32, #tpu.memory_space<vmem>> -> memref<1x80xi32, #tpu.memory_space<vmem>>
        %dma_start3A_1605 = tpu.memref_squeeze %dma_start3A_1604 : memref<1x80xi32, #tpu.memory_space<vmem>> -> memref<80xi32, #tpu.memory_space<vmem>>
        %dma_start3A_1606 = arith.constant 0 : i32
        %dma_start3A_1607 = arith.constant 0 : i32
        %dma_start3A_1608 = tpu.memref_slice %arg3[%dma_start3A_1606, %dma_start3A_1607] : memref<10000x128xf32, #tpu.memory_space<hbm>> -> memref<10000x128xf32, #tpu.memory_space<hbm>>
        tpu.enqueue_indirect_dma source(%dma_start3A_1608 : memref<10000x128xf32, #tpu.memory_space<hbm>>) target(%arg11 : memref<80x128xf32, #tpu.memory_space<vmem>>) offsets(%dma_start3A_1605 : memref<80xi32, #tpu.memory_space<vmem>>) semaphore(%arg37 : memref<!tpu.dma_semaphore, #tpu.memory_space<semaphore_mem>>)
      } else {
      }
      %add3A_1314 = arith.constant 8 : i32
      %add3A_1315 = arith.addi %add3A_1286, %add3A_1314 : i32
      %lt3A_1316 = arith.constant 125 : i32
      %lt3A_1317 = arith.cmpi slt, %add3A_1315, %lt3A_1316 : i32
      %convert_element_type3A_1318 = arith.extui %lt3A_1317 : i1 to i32
      %cond3A_1319 = arith.constant 0 : i32
      %cond3A_1320 = arith.cmpi ne, %convert_element_type3A_1318, %cond3A_1319 : i32
      scf.if %cond3A_1320 {
        %dma_start3A_1473 = arith.constant 0 : i32
        %dma_start3A_1474 = arith.constant 0 : i32
        %dma_start3A_1475 = tpu.memref_slice %arg15[%dma_start3A_1473, %dma_start3A_1474] : memref<2x80xi32, #tpu.memory_space<vmem>> -> memref<1x80xi32, #tpu.memory_space<vmem>>
        %dma_start3A_1476 = tpu.memref_squeeze %dma_start3A_1475 : memref<1x80xi32, #tpu.memory_space<vmem>> -> memref<80xi32, #tpu.memory_space<vmem>>
        %dma_start3A_1477 = arith.constant 0 : i32
        %dma_start3A_1478 = tpu.memref_slice %arg2[%add3A, %add3A_1315, %dma_start3A_1477] : memref<32x125x80xi32, #tpu.memory_space<hbm>> -> memref<1x1x80xi32, #tpu.memory_space<hbm>>
        %dma_start3A_1479 = tpu.memref_squeeze %dma_start3A_1478 : memref<1x1x80xi32, #tpu.memory_space<hbm>> -> memref<80xi32, #tpu.memory_space<hbm>>
        %dma_start3A_1480 = arith.constant 0 : i32
        %dma_start3A_1481 = tpu.memref_slice %arg15[%dma_start3A_1473, %dma_start3A_1480] : memref<2x80xi32, #tpu.memory_space<vmem>> -> memref<1x80xi32, #tpu.memory_space<vmem>>
        %dma_start3A_1482 = tpu.memref_squeeze %dma_start3A_1481 : memref<1x80xi32, #tpu.memory_space<vmem>> -> memref<80xi32, #tpu.memory_space<vmem>>
        %dma_start3A_1483 = arith.constant 0 : i32
        %dma_start3A_1484 = tpu.memref_slice %arg2[%add3A, %add3A_1315, %dma_start3A_1483] : memref<32x125x80xi32, #tpu.memory_space<hbm>> -> memref<1x1x80xi32, #tpu.memory_space<hbm>>
        %dma_start3A_1485 = tpu.memref_squeeze %dma_start3A_1484 : memref<1x1x80xi32, #tpu.memory_space<hbm>> -> memref<80xi32, #tpu.memory_space<hbm>>
        tpu.enqueue_dma source(%dma_start3A_1485 : memref<80xi32, #tpu.memory_space<hbm>>) target(%dma_start3A_1482 : memref<80xi32, #tpu.memory_space<vmem>>) target_semaphore(%arg32 : memref<!tpu.dma_semaphore, #tpu.memory_space<semaphore_mem>>)
      } else {
      }
      %mul3A_1321 = arith.constant 8 : i32
      %mul3A_1322 = arith.muli %scan3A_1168, %mul3A_1321 : i32
      %add3A_1323 = arith.constant 4 : i32
      %add3A_1324 = arith.addi %mul3A_1322, %add3A_1323 : i32
      %dma_wait3A_1325 = arith.constant 0 : i32
      %dma_wait3A_1326 = arith.constant 0 : i32
      %dma_wait3A_1327 = tpu.memref_slice %arg3[%dma_wait3A_1325, %dma_wait3A_1326] : memref<10000x128xf32, #tpu.memory_space<hbm>> -> memref<80x128xf32, #tpu.memory_space<hbm>>
      %dma_wait3A_1328 = arith.constant 0 : i32
      %dma_wait3A_1329 = arith.constant 0 : i32
      %dma_wait3A_1330 = tpu.memref_slice %arg3[%dma_wait3A_1328, %dma_wait3A_1329] : memref<10000x128xf32, #tpu.memory_space<hbm>> -> memref<80x128xf32, #tpu.memory_space<hbm>>
      tpu.wait_dma2 semaphore(%arg34 : memref<!tpu.dma_semaphore, #tpu.memory_space<semaphore_mem>>) src(%dma_wait3A_1330 : memref<80x128xf32, #tpu.memory_space<hbm>>) dst(%arg8 : memref<80x128xf32, #tpu.memory_space<vmem>>)
      %dma_start3A_1331 = arith.constant 1 : i32
      %dma_start3A_1332 = arith.constant 0 : i32
      %dma_start3A_1333 = tpu.memref_slice %arg20[%dma_start3A_1331, %dma_start3A_1332] : memref<2x80xi32, #tpu.memory_space<vmem>> -> memref<1x80xi32, #tpu.memory_space<vmem>>
      %dma_start3A_1334 = tpu.memref_squeeze %dma_start3A_1333 : memref<1x80xi32, #tpu.memory_space<vmem>> -> memref<80xi32, #tpu.memory_space<vmem>>
      %dma_start3A_1335 = arith.constant 0 : i32
      %dma_start3A_1336 = arith.constant 0 : i32
      %dma_start3A_1337 = tpu.memref_slice %arg6[%dma_start3A_1335, %dma_start3A_1336] : memref<10000x128xf32, #tpu.memory_space<vmem_shared>> -> memref<10000x128xf32, #tpu.memory_space<vmem_shared>>
      tpu.enqueue_indirect_dma source(%arg8 : memref<80x128xf32, #tpu.memory_space<vmem>>) target(%dma_start3A_1337 : memref<10000x128xf32, #tpu.memory_space<vmem_shared>>) offsets(%dma_start3A_1334 : memref<80xi32, #tpu.memory_space<vmem>>) semaphore(%arg38 : memref<!tpu.dma_semaphore, #tpu.memory_space<semaphore_mem>>) {add = true}
      %run_scoped3A_1338 = arith.constant 1 : i32
      "tpu.region"() ({
        %run_scoped3A_1473 = tpu.sem_alloc : memref<!tpu.dma_semaphore, #tpu.memory_space<semaphore_mem>>
        %dma_start3A_1474 = arith.constant 0 : i32
        %dma_start3A_1475 = tpu.memref_slice %arg20[%run_scoped3A_1338, %dma_start3A_1474] : memref<2x80xi32, #tpu.memory_space<vmem>> -> memref<1x80xi32, #tpu.memory_space<vmem>>
        %dma_start3A_1476 = tpu.memref_squeeze %dma_start3A_1475 : memref<1x80xi32, #tpu.memory_space<vmem>> -> memref<80xi32, #tpu.memory_space<vmem>>
        %dma_start3A_1477 = arith.constant 0 : i32
        %dma_start3A_1478 = tpu.memref_slice %arg7[%dma_start3A_1477] : memref<10240xf32, #tpu.memory_space<vmem_shared>> -> memref<10240xf32, #tpu.memory_space<vmem_shared>>
        tpu.enqueue_indirect_dma source(%arg25 : memref<80xf32, #tpu.memory_space<vmem>>) target(%dma_start3A_1478 : memref<10240xf32, #tpu.memory_space<vmem_shared>>) offsets(%dma_start3A_1476 : memref<80xi32, #tpu.memory_space<vmem>>) semaphore(%run_scoped3A_1473 : memref<!tpu.dma_semaphore, #tpu.memory_space<semaphore_mem>>) {add = true}
        %dma_wait3A_1479 = arith.constant 0 : i32
        %dma_wait3A_1480 = tpu.memref_slice %arg20[%run_scoped3A_1338, %dma_wait3A_1479] : memref<2x80xi32, #tpu.memory_space<vmem>> -> memref<1x80xi32, #tpu.memory_space<vmem>>
        %dma_wait3A_1481 = tpu.memref_squeeze %dma_wait3A_1480 : memref<1x80xi32, #tpu.memory_space<vmem>> -> memref<80xi32, #tpu.memory_space<vmem>>
        %dma_wait3A_1482 = arith.constant 0 : i32
        %dma_wait3A_1483 = tpu.memref_slice %arg7[%dma_wait3A_1482] : memref<10240xf32, #tpu.memory_space<vmem_shared>> -> memref<10240xf32, #tpu.memory_space<vmem_shared>>
        tpu.wait_indirect_dma semaphore(%run_scoped3A_1473 : memref<!tpu.dma_semaphore, #tpu.memory_space<semaphore_mem>>) src(%arg25 : memref<80xf32, #tpu.memory_space<vmem>>) dst(%dma_wait3A_1483 : memref<10240xf32, #tpu.memory_space<vmem_shared>>)
        tpu.yield
      }) : () -> ()
      %dma_wait3A_1339 = arith.constant 0 : i32
      %dma_wait3A_1340 = arith.constant 0 : i32
      %dma_wait3A_1341 = tpu.memref_slice %arg3[%dma_wait3A_1339, %dma_wait3A_1340] : memref<10000x128xf32, #tpu.memory_space<hbm>> -> memref<80x128xf32, #tpu.memory_space<hbm>>
      %dma_wait3A_1342 = arith.constant 0 : i32
      %dma_wait3A_1343 = arith.constant 0 : i32
      %dma_wait3A_1344 = tpu.memref_slice %arg3[%dma_wait3A_1342, %dma_wait3A_1343] : memref<10000x128xf32, #tpu.memory_space<hbm>> -> memref<80x128xf32, #tpu.memory_space<hbm>>
      tpu.wait_dma2 semaphore(%arg38 : memref<!tpu.dma_semaphore, #tpu.memory_space<semaphore_mem>>) src(%dma_wait3A_1344 : memref<80x128xf32, #tpu.memory_space<hbm>>) dst(%arg8 : memref<80x128xf32, #tpu.memory_space<vmem>>)
      %add3A_1345 = arith.constant 4 : i32
      %add3A_1346 = arith.addi %add3A_1324, %add3A_1345 : i32
      %lt3A_1347 = arith.constant 125 : i32
      %lt3A_1348 = arith.cmpi slt, %add3A_1346, %lt3A_1347 : i32
      %convert_element_type3A_1349 = arith.extui %lt3A_1348 : i1 to i32
      %cond3A_1350 = arith.constant 0 : i32
      %cond3A_1351 = arith.cmpi ne, %convert_element_type3A_1349, %cond3A_1350 : i32
      scf.if %cond3A_1351 {
        %dma_wait3A_1473 = arith.constant 0 : i32
        %dma_wait3A_1474 = arith.constant 0 : i32
        %dma_wait3A_1475 = arith.constant 0 : i32
        %dma_wait3A_1476 = tpu.memref_slice %arg12[%dma_wait3A_1474, %dma_wait3A_1475] : memref<2x80xi32, #tpu.memory_space<vmem>> -> memref<1x80xi32, #tpu.memory_space<vmem>>
        %dma_wait3A_1477 = tpu.memref_squeeze %dma_wait3A_1476 : memref<1x80xi32, #tpu.memory_space<vmem>> -> memref<80xi32, #tpu.memory_space<vmem>>
        %dma_wait3A_1478 = arith.constant 0 : i32
        %dma_wait3A_1479 = tpu.memref_slice %arg2[%add3A, %dma_wait3A_1473, %dma_wait3A_1478] : memref<32x125x80xi32, #tpu.memory_space<hbm>> -> memref<1x1x80xi32, #tpu.memory_space<hbm>>
        %dma_wait3A_1480 = tpu.memref_squeeze %dma_wait3A_1479 : memref<1x1x80xi32, #tpu.memory_space<hbm>> -> memref<80xi32, #tpu.memory_space<hbm>>
        %dma_wait3A_1481 = arith.constant 0 : i32
        %dma_wait3A_1482 = tpu.memref_slice %arg12[%dma_wait3A_1474, %dma_wait3A_1481] : memref<2x80xi32, #tpu.memory_space<vmem>> -> memref<1x80xi32, #tpu.memory_space<vmem>>
        %dma_wait3A_1483 = tpu.memref_squeeze %dma_wait3A_1482 : memref<1x80xi32, #tpu.memory_space<vmem>> -> memref<80xi32, #tpu.memory_space<vmem>>
        %dma_wait3A_1484 = arith.constant 0 : i32
        %dma_wait3A_1485 = tpu.memref_slice %arg2[%add3A, %dma_wait3A_1473, %dma_wait3A_1484] : memref<32x125x80xi32, #tpu.memory_space<hbm>> -> memref<1x1x80xi32, #tpu.memory_space<hbm>>
        %dma_wait3A_1486 = tpu.memref_squeeze %dma_wait3A_1485 : memref<1x1x80xi32, #tpu.memory_space<hbm>> -> memref<80xi32, #tpu.memory_space<hbm>>
        tpu.wait_dma2 semaphore(%arg26 : memref<!tpu.dma_semaphore, #tpu.memory_space<semaphore_mem>>) src(%dma_wait3A_1486 : memref<80xi32, #tpu.memory_space<hbm>>) dst(%dma_wait3A_1483 : memref<80xi32, #tpu.memory_space<vmem>>)
        %get3A_1487 = arith.constant 0 : i32
        %get3A_1488 = arith.index_cast %get3A_1487 : i32 to index
        %get3A_1489 = arith.constant 0 : index
        %get3A_1490 = tpu.vector_load %arg12[%get3A_1488, %get3A_1489] {strides = array<i32>} : memref<2x80xi32, #tpu.memory_space<vmem>>, vector<1x16xi32>,
        %get3A_1491 = vector.shape_cast %get3A_1490 : vector<1x16xi32> to vector<16xi32>
        %and3A_1492 = arith.constant 16383 : i32
        %and3A_1493 = vector.broadcast %and3A_1492 : i32 to vector<16xi32>
        %and3A_1494 = arith.andi %get3A_1491, %and3A_1493 : vector<16xi32>
        %swap3A_1495 = arith.constant 0 : i32
        %swap3A_1496 = arith.index_cast %swap3A_1495 : i32 to index
        %swap3A_1497 = arith.constant 0 : index
        %swap3A_1498 = tpu.vector_load %arg16[%swap3A_1496, %swap3A_1497] {strides = array<i32>} : memref<2x80xi32, #tpu.memory_space<vmem>>, vector<1x16xi32>,
        %swap3A_1499 = vector.shape_cast %swap3A_1498 : vector<1x16xi32> to vector<16xi32>
        %swap3A_1500 = vector.shape_cast %and3A_1494 : vector<16xi32> to vector<1x16xi32>
        tpu.vector_store %arg16[%swap3A_1496, %swap3A_1497], %swap3A_1500 {strides = array<i32>} : memref<2x80xi32, #tpu.memory_space<vmem>>, vector<1x16xi32>,
        %shift_right_arithmetic3A_1501 = arith.constant 14 : i32
        %shift_right_arithmetic3A_1502 = vector.broadcast %shift_right_arithmetic3A_1501 : i32 to vector<16xi32>
        %shift_right_arithmetic3A_1503 = arith.shrsi %get3A_1491, %shift_right_arithmetic3A_1502 : vector<16xi32>
        %swap3A_1504 = arith.constant 0 : i32
        %swap3A_1505 = arith.index_cast %swap3A_1504 : i32 to index
        %swap3A_1506 = arith.constant 0 : index
        %swap3A_1507 = tpu.vector_load %arg20[%swap3A_1505, %swap3A_1506] {strides = array<i32>} : memref<2x80xi32, #tpu.memory_space<vmem>>, vector<1x16xi32>,
        %swap3A_1508 = vector.shape_cast %swap3A_1507 : vector<1x16xi32> to vector<16xi32>
        %swap3A_1509 = vector.shape_cast %shift_right_arithmetic3A_1503 : vector<16xi32> to vector<1x16xi32>
        tpu.vector_store %arg20[%swap3A_1505, %swap3A_1506], %swap3A_1509 {strides = array<i32>} : memref<2x80xi32, #tpu.memory_space<vmem>>, vector<1x16xi32>,
        %get3A_1510 = arith.constant 0 : i32
        %get3A_1511 = arith.index_cast %get3A_1510 : i32 to index
        %get3A_1512 = arith.constant 16 : index
        %get3A_1513 = tpu.vector_load %arg12[%get3A_1511, %get3A_1512] {strides = array<i32>} : memref<2x80xi32, #tpu.memory_space<vmem>>, vector<1x16xi32>,
        %get3A_1514 = vector.shape_cast %get3A_1513 : vector<1x16xi32> to vector<16xi32>
        %and3A_1515 = arith.constant 16383 : i32
        %and3A_1516 = vector.broadcast %and3A_1515 : i32 to vector<16xi32>
        %and3A_1517 = arith.andi %get3A_1514, %and3A_1516 : vector<16xi32>
        %swap3A_1518 = arith.constant 0 : i32
        %swap3A_1519 = arith.index_cast %swap3A_1518 : i32 to index
        %swap3A_1520 = arith.constant 16 : index
        %swap3A_1521 = tpu.vector_load %arg16[%swap3A_1519, %swap3A_1520] {strides = array<i32>} : memref<2x80xi32, #tpu.memory_space<vmem>>, vector<1x16xi32>,
        %swap3A_1522 = vector.shape_cast %swap3A_1521 : vector<1x16xi32> to vector<16xi32>
        %swap3A_1523 = vector.shape_cast %and3A_1517 : vector<16xi32> to vector<1x16xi32>
        tpu.vector_store %arg16[%swap3A_1519, %swap3A_1520], %swap3A_1523 {strides = array<i32>} : memref<2x80xi32, #tpu.memory_space<vmem>>, vector<1x16xi32>,
        %shift_right_arithmetic3A_1524 = arith.constant 14 : i32
        %shift_right_arithmetic3A_1525 = vector.broadcast %shift_right_arithmetic3A_1524 : i32 to vector<16xi32>
        %shift_right_arithmetic3A_1526 = arith.shrsi %get3A_1514, %shift_right_arithmetic3A_1525 : vector<16xi32>
        %swap3A_1527 = arith.constant 0 : i32
        %swap3A_1528 = arith.index_cast %swap3A_1527 : i32 to index
        %swap3A_1529 = arith.constant 16 : index
        %swap3A_1530 = tpu.vector_load %arg20[%swap3A_1528, %swap3A_1529] {strides = array<i32>} : memref<2x80xi32, #tpu.memory_space<vmem>>, vector<1x16xi32>,
        %swap3A_1531 = vector.shape_cast %swap3A_1530 : vector<1x16xi32> to vector<16xi32>
        %swap3A_1532 = vector.shape_cast %shift_right_arithmetic3A_1526 : vector<16xi32> to vector<1x16xi32>
        tpu.vector_store %arg20[%swap3A_1528, %swap3A_1529], %swap3A_1532 {strides = array<i32>} : memref<2x80xi32, #tpu.memory_space<vmem>>, vector<1x16xi32>,
        %get3A_1533 = arith.constant 0 : i32
        %get3A_1534 = arith.index_cast %get3A_1533 : i32 to index
        %get3A_1535 = arith.constant 32 : index
        %get3A_1536 = tpu.vector_load %arg12[%get3A_1534, %get3A_1535] {strides = array<i32>} : memref<2x80xi32, #tpu.memory_space<vmem>>, vector<1x16xi32>,
        %get3A_1537 = vector.shape_cast %get3A_1536 : vector<1x16xi32> to vector<16xi32>
        %and3A_1538 = arith.constant 16383 : i32
        %and3A_1539 = vector.broadcast %and3A_1538 : i32 to vector<16xi32>
        %and3A_1540 = arith.andi %get3A_1537, %and3A_1539 : vector<16xi32>
        %swap3A_1541 = arith.constant 0 : i32
        %swap3A_1542 = arith.index_cast %swap3A_1541 : i32 to index
        %swap3A_1543 = arith.constant 32 : index
        %swap3A_1544 = tpu.vector_load %arg16[%swap3A_1542, %swap3A_1543] {strides = array<i32>} : memref<2x80xi32, #tpu.memory_space<vmem>>, vector<1x16xi32>,
        %swap3A_1545 = vector.shape_cast %swap3A_1544 : vector<1x16xi32> to vector<16xi32>
        %swap3A_1546 = vector.shape_cast %and3A_1540 : vector<16xi32> to vector<1x16xi32>
        tpu.vector_store %arg16[%swap3A_1542, %swap3A_1543], %swap3A_1546 {strides = array<i32>} : memref<2x80xi32, #tpu.memory_space<vmem>>, vector<1x16xi32>,
        %shift_right_arithmetic3A_1547 = arith.constant 14 : i32
        %shift_right_arithmetic3A_1548 = vector.broadcast %shift_right_arithmetic3A_1547 : i32 to vector<16xi32>
        %shift_right_arithmetic3A_1549 = arith.shrsi %get3A_1537, %shift_right_arithmetic3A_1548 : vector<16xi32>
        %swap3A_1550 = arith.constant 0 : i32
        %swap3A_1551 = arith.index_cast %swap3A_1550 : i32 to index
        %swap3A_1552 = arith.constant 32 : index
        %swap3A_1553 = tpu.vector_load %arg20[%swap3A_1551, %swap3A_1552] {strides = array<i32>} : memref<2x80xi32, #tpu.memory_space<vmem>>, vector<1x16xi32>,
        %swap3A_1554 = vector.shape_cast %swap3A_1553 : vector<1x16xi32> to vector<16xi32>
        %swap3A_1555 = vector.shape_cast %shift_right_arithmetic3A_1549 : vector<16xi32> to vector<1x16xi32>
        tpu.vector_store %arg20[%swap3A_1551, %swap3A_1552], %swap3A_1555 {strides = array<i32>} : memref<2x80xi32, #tpu.memory_space<vmem>>, vector<1x16xi32>,
        %get3A_1556 = arith.constant 0 : i32
        %get3A_1557 = arith.index_cast %get3A_1556 : i32 to index
        %get3A_1558 = arith.constant 48 : index
        %get3A_1559 = tpu.vector_load %arg12[%get3A_1557, %get3A_1558] {strides = array<i32>} : memref<2x80xi32, #tpu.memory_space<vmem>>, vector<1x16xi32>,
        %get3A_1560 = vector.shape_cast %get3A_1559 : vector<1x16xi32> to vector<16xi32>
        %and3A_1561 = arith.constant 16383 : i32
        %and3A_1562 = vector.broadcast %and3A_1561 : i32 to vector<16xi32>
        %and3A_1563 = arith.andi %get3A_1560, %and3A_1562 : vector<16xi32>
        %swap3A_1564 = arith.constant 0 : i32
        %swap3A_1565 = arith.index_cast %swap3A_1564 : i32 to index
        %swap3A_1566 = arith.constant 48 : index
        %swap3A_1567 = tpu.vector_load %arg16[%swap3A_1565, %swap3A_1566] {strides = array<i32>} : memref<2x80xi32, #tpu.memory_space<vmem>>, vector<1x16xi32>,
        %swap3A_1568 = vector.shape_cast %swap3A_1567 : vector<1x16xi32> to vector<16xi32>
        %swap3A_1569 = vector.shape_cast %and3A_1563 : vector<16xi32> to vector<1x16xi32>
        tpu.vector_store %arg16[%swap3A_1565, %swap3A_1566], %swap3A_1569 {strides = array<i32>} : memref<2x80xi32, #tpu.memory_space<vmem>>, vector<1x16xi32>,
        %shift_right_arithmetic3A_1570 = arith.constant 14 : i32
        %shift_right_arithmetic3A_1571 = vector.broadcast %shift_right_arithmetic3A_1570 : i32 to vector<16xi32>
        %shift_right_arithmetic3A_1572 = arith.shrsi %get3A_1560, %shift_right_arithmetic3A_1571 : vector<16xi32>
        %swap3A_1573 = arith.constant 0 : i32
        %swap3A_1574 = arith.index_cast %swap3A_1573 : i32 to index
        %swap3A_1575 = arith.constant 48 : index
        %swap3A_1576 = tpu.vector_load %arg20[%swap3A_1574, %swap3A_1575] {strides = array<i32>} : memref<2x80xi32, #tpu.memory_space<vmem>>, vector<1x16xi32>,
        %swap3A_1577 = vector.shape_cast %swap3A_1576 : vector<1x16xi32> to vector<16xi32>
        %swap3A_1578 = vector.shape_cast %shift_right_arithmetic3A_1572 : vector<16xi32> to vector<1x16xi32>
        tpu.vector_store %arg20[%swap3A_1574, %swap3A_1575], %swap3A_1578 {strides = array<i32>} : memref<2x80xi32, #tpu.memory_space<vmem>>, vector<1x16xi32>,
        %get3A_1579 = arith.constant 0 : i32
        %get3A_1580 = arith.index_cast %get3A_1579 : i32 to index
        %get3A_1581 = arith.constant 64 : index
        %get3A_1582 = tpu.vector_load %arg12[%get3A_1580, %get3A_1581] {strides = array<i32>} : memref<2x80xi32, #tpu.memory_space<vmem>>, vector<1x16xi32>,
        %get3A_1583 = vector.shape_cast %get3A_1582 : vector<1x16xi32> to vector<16xi32>
        %and3A_1584 = arith.constant 16383 : i32
        %and3A_1585 = vector.broadcast %and3A_1584 : i32 to vector<16xi32>
        %and3A_1586 = arith.andi %get3A_1583, %and3A_1585 : vector<16xi32>
        %swap3A_1587 = arith.constant 0 : i32
        %swap3A_1588 = arith.index_cast %swap3A_1587 : i32 to index
        %swap3A_1589 = arith.constant 64 : index
        %swap3A_1590 = tpu.vector_load %arg16[%swap3A_1588, %swap3A_1589] {strides = array<i32>} : memref<2x80xi32, #tpu.memory_space<vmem>>, vector<1x16xi32>,
        %swap3A_1591 = vector.shape_cast %swap3A_1590 : vector<1x16xi32> to vector<16xi32>
        %swap3A_1592 = vector.shape_cast %and3A_1586 : vector<16xi32> to vector<1x16xi32>
        tpu.vector_store %arg16[%swap3A_1588, %swap3A_1589], %swap3A_1592 {strides = array<i32>} : memref<2x80xi32, #tpu.memory_space<vmem>>, vector<1x16xi32>,
        %shift_right_arithmetic3A_1593 = arith.constant 14 : i32
        %shift_right_arithmetic3A_1594 = vector.broadcast %shift_right_arithmetic3A_1593 : i32 to vector<16xi32>
        %shift_right_arithmetic3A_1595 = arith.shrsi %get3A_1583, %shift_right_arithmetic3A_1594 : vector<16xi32>
        %swap3A_1596 = arith.constant 0 : i32
        %swap3A_1597 = arith.index_cast %swap3A_1596 : i32 to index
        %swap3A_1598 = arith.constant 64 : index
        %swap3A_1599 = tpu.vector_load %arg20[%swap3A_1597, %swap3A_1598] {strides = array<i32>} : memref<2x80xi32, #tpu.memory_space<vmem>>, vector<1x16xi32>,
        %swap3A_1600 = vector.shape_cast %swap3A_1599 : vector<1x16xi32> to vector<16xi32>
        %swap3A_1601 = vector.shape_cast %shift_right_arithmetic3A_1595 : vector<16xi32> to vector<1x16xi32>
        tpu.vector_store %arg20[%swap3A_1597, %swap3A_1598], %swap3A_1601 {strides = array<i32>} : memref<2x80xi32, #tpu.memory_space<vmem>>, vector<1x16xi32>,
        %dma_start3A_1602 = arith.constant 0 : i32
        %dma_start3A_1603 = arith.constant 0 : i32
        %dma_start3A_1604 = tpu.memref_slice %arg16[%dma_start3A_1602, %dma_start3A_1603] : memref<2x80xi32, #tpu.memory_space<vmem>> -> memref<1x80xi32, #tpu.memory_space<vmem>>
        %dma_start3A_1605 = tpu.memref_squeeze %dma_start3A_1604 : memref<1x80xi32, #tpu.memory_space<vmem>> -> memref<80xi32, #tpu.memory_space<vmem>>
        %dma_start3A_1606 = arith.constant 0 : i32
        %dma_start3A_1607 = arith.constant 0 : i32
        %dma_start3A_1608 = tpu.memref_slice %arg3[%dma_start3A_1606, %dma_start3A_1607] : memref<10000x128xf32, #tpu.memory_space<hbm>> -> memref<10000x128xf32, #tpu.memory_space<hbm>>
        tpu.enqueue_indirect_dma source(%dma_start3A_1608 : memref<10000x128xf32, #tpu.memory_space<hbm>>) target(%arg8 : memref<80x128xf32, #tpu.memory_space<vmem>>) offsets(%dma_start3A_1605 : memref<80xi32, #tpu.memory_space<vmem>>) semaphore(%arg34 : memref<!tpu.dma_semaphore, #tpu.memory_space<semaphore_mem>>)
      } else {
      }
      %add3A_1352 = arith.constant 8 : i32
      %add3A_1353 = arith.addi %add3A_1324, %add3A_1352 : i32
      %lt3A_1354 = arith.constant 125 : i32
      %lt3A_1355 = arith.cmpi slt, %add3A_1353, %lt3A_1354 : i32
      %convert_element_type3A_1356 = arith.extui %lt3A_1355 : i1 to i32
      %cond3A_1357 = arith.constant 0 : i32
      %cond3A_1358 = arith.cmpi ne, %convert_element_type3A_1356, %cond3A_1357 : i32
      scf.if %cond3A_1358 {
        %dma_start3A_1473 = arith.constant 1 : i32
        %dma_start3A_1474 = arith.constant 0 : i32
        %dma_start3A_1475 = tpu.memref_slice %arg12[%dma_start3A_1473, %dma_start3A_1474] : memref<2x80xi32, #tpu.memory_space<vmem>> -> memref<1x80xi32, #tpu.memory_space<vmem>>
        %dma_start3A_1476 = tpu.memref_squeeze %dma_start3A_1475 : memref<1x80xi32, #tpu.memory_space<vmem>> -> memref<80xi32, #tpu.memory_space<vmem>>
        %dma_start3A_1477 = arith.constant 0 : i32
        %dma_start3A_1478 = tpu.memref_slice %arg2[%add3A, %add3A_1353, %dma_start3A_1477] : memref<32x125x80xi32, #tpu.memory_space<hbm>> -> memref<1x1x80xi32, #tpu.memory_space<hbm>>
        %dma_start3A_1479 = tpu.memref_squeeze %dma_start3A_1478 : memref<1x1x80xi32, #tpu.memory_space<hbm>> -> memref<80xi32, #tpu.memory_space<hbm>>
        %dma_start3A_1480 = arith.constant 0 : i32
        %dma_start3A_1481 = tpu.memref_slice %arg12[%dma_start3A_1473, %dma_start3A_1480] : memref<2x80xi32, #tpu.memory_space<vmem>> -> memref<1x80xi32, #tpu.memory_space<vmem>>
        %dma_start3A_1482 = tpu.memref_squeeze %dma_start3A_1481 : memref<1x80xi32, #tpu.memory_space<vmem>> -> memref<80xi32, #tpu.memory_space<vmem>>
        %dma_start3A_1483 = arith.constant 0 : i32
        %dma_start3A_1484 = tpu.memref_slice %arg2[%add3A, %add3A_1353, %dma_start3A_1483] : memref<32x125x80xi32, #tpu.memory_space<hbm>> -> memref<1x1x80xi32, #tpu.memory_space<hbm>>
        %dma_start3A_1485 = tpu.memref_squeeze %dma_start3A_1484 : memref<1x1x80xi32, #tpu.memory_space<hbm>> -> memref<80xi32, #tpu.memory_space<hbm>>
        tpu.enqueue_dma source(%dma_start3A_1485 : memref<80xi32, #tpu.memory_space<hbm>>) target(%dma_start3A_1482 : memref<80xi32, #tpu.memory_space<vmem>>) target_semaphore(%arg27 : memref<!tpu.dma_semaphore, #tpu.memory_space<semaphore_mem>>)
      } else {
      }
      %mul3A_1359 = arith.constant 8 : i32
      %mul3A_1360 = arith.muli %scan3A_1168, %mul3A_1359 : i32
      %add3A_1361 = arith.constant 5 : i32
      %add3A_1362 = arith.addi %mul3A_1360, %add3A_1361 : i32
      %dma_wait3A_1363 = arith.constant 0 : i32
      %dma_wait3A_1364 = arith.constant 0 : i32
      %dma_wait3A_1365 = tpu.memref_slice %arg3[%dma_wait3A_1363, %dma_wait3A_1364] : memref<10000x128xf32, #tpu.memory_space<hbm>> -> memref<80x128xf32, #tpu.memory_space<hbm>>
      %dma_wait3A_1366 = arith.constant 0 : i32
      %dma_wait3A_1367 = arith.constant 0 : i32
      %dma_wait3A_1368 = tpu.memref_slice %arg3[%dma_wait3A_1366, %dma_wait3A_1367] : memref<10000x128xf32, #tpu.memory_space<hbm>> -> memref<80x128xf32, #tpu.memory_space<hbm>>
      tpu.wait_dma2 semaphore(%arg35 : memref<!tpu.dma_semaphore, #tpu.memory_space<semaphore_mem>>) src(%dma_wait3A_1368 : memref<80x128xf32, #tpu.memory_space<hbm>>) dst(%arg9 : memref<80x128xf32, #tpu.memory_space<vmem>>)
      %dma_start3A_1369 = arith.constant 1 : i32
      %dma_start3A_1370 = arith.constant 0 : i32
      %dma_start3A_1371 = tpu.memref_slice %arg21[%dma_start3A_1369, %dma_start3A_1370] : memref<2x80xi32, #tpu.memory_space<vmem>> -> memref<1x80xi32, #tpu.memory_space<vmem>>
      %dma_start3A_1372 = tpu.memref_squeeze %dma_start3A_1371 : memref<1x80xi32, #tpu.memory_space<vmem>> -> memref<80xi32, #tpu.memory_space<vmem>>
      %dma_start3A_1373 = arith.constant 0 : i32
      %dma_start3A_1374 = arith.constant 0 : i32
      %dma_start3A_1375 = tpu.memref_slice %arg6[%dma_start3A_1373, %dma_start3A_1374] : memref<10000x128xf32, #tpu.memory_space<vmem_shared>> -> memref<10000x128xf32, #tpu.memory_space<vmem_shared>>
      tpu.enqueue_indirect_dma source(%arg9 : memref<80x128xf32, #tpu.memory_space<vmem>>) target(%dma_start3A_1375 : memref<10000x128xf32, #tpu.memory_space<vmem_shared>>) offsets(%dma_start3A_1372 : memref<80xi32, #tpu.memory_space<vmem>>) semaphore(%arg39 : memref<!tpu.dma_semaphore, #tpu.memory_space<semaphore_mem>>) {add = true}
      %run_scoped3A_1376 = arith.constant 1 : i32
      "tpu.region"() ({
        %run_scoped3A_1473 = tpu.sem_alloc : memref<!tpu.dma_semaphore, #tpu.memory_space<semaphore_mem>>
        %dma_start3A_1474 = arith.constant 0 : i32
        %dma_start3A_1475 = tpu.memref_slice %arg21[%run_scoped3A_1376, %dma_start3A_1474] : memref<2x80xi32, #tpu.memory_space<vmem>> -> memref<1x80xi32, #tpu.memory_space<vmem>>
        %dma_start3A_1476 = tpu.memref_squeeze %dma_start3A_1475 : memref<1x80xi32, #tpu.memory_space<vmem>> -> memref<80xi32, #tpu.memory_space<vmem>>
        %dma_start3A_1477 = arith.constant 0 : i32
        %dma_start3A_1478 = tpu.memref_slice %arg7[%dma_start3A_1477] : memref<10240xf32, #tpu.memory_space<vmem_shared>> -> memref<10240xf32, #tpu.memory_space<vmem_shared>>
        tpu.enqueue_indirect_dma source(%arg25 : memref<80xf32, #tpu.memory_space<vmem>>) target(%dma_start3A_1478 : memref<10240xf32, #tpu.memory_space<vmem_shared>>) offsets(%dma_start3A_1476 : memref<80xi32, #tpu.memory_space<vmem>>) semaphore(%run_scoped3A_1473 : memref<!tpu.dma_semaphore, #tpu.memory_space<semaphore_mem>>) {add = true}
        %dma_wait3A_1479 = arith.constant 0 : i32
        %dma_wait3A_1480 = tpu.memref_slice %arg21[%run_scoped3A_1376, %dma_wait3A_1479] : memref<2x80xi32, #tpu.memory_space<vmem>> -> memref<1x80xi32, #tpu.memory_space<vmem>>
        %dma_wait3A_1481 = tpu.memref_squeeze %dma_wait3A_1480 : memref<1x80xi32, #tpu.memory_space<vmem>> -> memref<80xi32, #tpu.memory_space<vmem>>
        %dma_wait3A_1482 = arith.constant 0 : i32
        %dma_wait3A_1483 = tpu.memref_slice %arg7[%dma_wait3A_1482] : memref<10240xf32, #tpu.memory_space<vmem_shared>> -> memref<10240xf32, #tpu.memory_space<vmem_shared>>
        tpu.wait_indirect_dma semaphore(%run_scoped3A_1473 : memref<!tpu.dma_semaphore, #tpu.memory_space<semaphore_mem>>) src(%arg25 : memref<80xf32, #tpu.memory_space<vmem>>) dst(%dma_wait3A_1483 : memref<10240xf32, #tpu.memory_space<vmem_shared>>)
        tpu.yield
      }) : () -> ()
      %dma_wait3A_1377 = arith.constant 0 : i32
      %dma_wait3A_1378 = arith.constant 0 : i32
      %dma_wait3A_1379 = tpu.memref_slice %arg3[%dma_wait3A_1377, %dma_wait3A_1378] : memref<10000x128xf32, #tpu.memory_space<hbm>> -> memref<80x128xf32, #tpu.memory_space<hbm>>
      %dma_wait3A_1380 = arith.constant 0 : i32
      %dma_wait3A_1381 = arith.constant 0 : i32
      %dma_wait3A_1382 = tpu.memref_slice %arg3[%dma_wait3A_1380, %dma_wait3A_1381] : memref<10000x128xf32, #tpu.memory_space<hbm>> -> memref<80x128xf32, #tpu.memory_space<hbm>>
      tpu.wait_dma2 semaphore(%arg39 : memref<!tpu.dma_semaphore, #tpu.memory_space<semaphore_mem>>) src(%dma_wait3A_1382 : memref<80x128xf32, #tpu.memory_space<hbm>>) dst(%arg9 : memref<80x128xf32, #tpu.memory_space<vmem>>)
      %add3A_1383 = arith.constant 4 : i32
      %add3A_1384 = arith.addi %add3A_1362, %add3A_1383 : i32
      %lt3A_1385 = arith.constant 125 : i32
      %lt3A_1386 = arith.cmpi slt, %add3A_1384, %lt3A_1385 : i32
      %convert_element_type3A_1387 = arith.extui %lt3A_1386 : i1 to i32
      %cond3A_1388 = arith.constant 0 : i32
      %cond3A_1389 = arith.cmpi ne, %convert_element_type3A_1387, %cond3A_1388 : i32
      scf.if %cond3A_1389 {
        %dma_wait3A_1473 = arith.constant 0 : i32
        %dma_wait3A_1474 = arith.constant 0 : i32
        %dma_wait3A_1475 = arith.constant 0 : i32
        %dma_wait3A_1476 = tpu.memref_slice %arg13[%dma_wait3A_1474, %dma_wait3A_1475] : memref<2x80xi32, #tpu.memory_space<vmem>> -> memref<1x80xi32, #tpu.memory_space<vmem>>
        %dma_wait3A_1477 = tpu.memref_squeeze %dma_wait3A_1476 : memref<1x80xi32, #tpu.memory_space<vmem>> -> memref<80xi32, #tpu.memory_space<vmem>>
        %dma_wait3A_1478 = arith.constant 0 : i32
        %dma_wait3A_1479 = tpu.memref_slice %arg2[%add3A, %dma_wait3A_1473, %dma_wait3A_1478] : memref<32x125x80xi32, #tpu.memory_space<hbm>> -> memref<1x1x80xi32, #tpu.memory_space<hbm>>
        %dma_wait3A_1480 = tpu.memref_squeeze %dma_wait3A_1479 : memref<1x1x80xi32, #tpu.memory_space<hbm>> -> memref<80xi32, #tpu.memory_space<hbm>>
        %dma_wait3A_1481 = arith.constant 0 : i32
        %dma_wait3A_1482 = tpu.memref_slice %arg13[%dma_wait3A_1474, %dma_wait3A_1481] : memref<2x80xi32, #tpu.memory_space<vmem>> -> memref<1x80xi32, #tpu.memory_space<vmem>>
        %dma_wait3A_1483 = tpu.memref_squeeze %dma_wait3A_1482 : memref<1x80xi32, #tpu.memory_space<vmem>> -> memref<80xi32, #tpu.memory_space<vmem>>
        %dma_wait3A_1484 = arith.constant 0 : i32
        %dma_wait3A_1485 = tpu.memref_slice %arg2[%add3A, %dma_wait3A_1473, %dma_wait3A_1484] : memref<32x125x80xi32, #tpu.memory_space<hbm>> -> memref<1x1x80xi32, #tpu.memory_space<hbm>>
        %dma_wait3A_1486 = tpu.memref_squeeze %dma_wait3A_1485 : memref<1x1x80xi32, #tpu.memory_space<hbm>> -> memref<80xi32, #tpu.memory_space<hbm>>
        tpu.wait_dma2 semaphore(%arg28 : memref<!tpu.dma_semaphore, #tpu.memory_space<semaphore_mem>>) src(%dma_wait3A_1486 : memref<80xi32, #tpu.memory_space<hbm>>) dst(%dma_wait3A_1483 : memref<80xi32, #tpu.memory_space<vmem>>)
        %get3A_1487 = arith.constant 0 : i32
        %get3A_1488 = arith.index_cast %get3A_1487 : i32 to index
        %get3A_1489 = arith.constant 0 : index
        %get3A_1490 = tpu.vector_load %arg13[%get3A_1488, %get3A_1489] {strides = array<i32>} : memref<2x80xi32, #tpu.memory_space<vmem>>, vector<1x16xi32>,
        %get3A_1491 = vector.shape_cast %get3A_1490 : vector<1x16xi32> to vector<16xi32>
        %and3A_1492 = arith.constant 16383 : i32
        %and3A_1493 = vector.broadcast %and3A_1492 : i32 to vector<16xi32>
        %and3A_1494 = arith.andi %get3A_1491, %and3A_1493 : vector<16xi32>
        %swap3A_1495 = arith.constant 0 : i32
        %swap3A_1496 = arith.index_cast %swap3A_1495 : i32 to index
        %swap3A_1497 = arith.constant 0 : index
        %swap3A_1498 = tpu.vector_load %arg17[%swap3A_1496, %swap3A_1497] {strides = array<i32>} : memref<2x80xi32, #tpu.memory_space<vmem>>, vector<1x16xi32>,
        %swap3A_1499 = vector.shape_cast %swap3A_1498 : vector<1x16xi32> to vector<16xi32>
        %swap3A_1500 = vector.shape_cast %and3A_1494 : vector<16xi32> to vector<1x16xi32>
        tpu.vector_store %arg17[%swap3A_1496, %swap3A_1497], %swap3A_1500 {strides = array<i32>} : memref<2x80xi32, #tpu.memory_space<vmem>>, vector<1x16xi32>,
        %shift_right_arithmetic3A_1501 = arith.constant 14 : i32
        %shift_right_arithmetic3A_1502 = vector.broadcast %shift_right_arithmetic3A_1501 : i32 to vector<16xi32>
        %shift_right_arithmetic3A_1503 = arith.shrsi %get3A_1491, %shift_right_arithmetic3A_1502 : vector<16xi32>
        %swap3A_1504 = arith.constant 0 : i32
        %swap3A_1505 = arith.index_cast %swap3A_1504 : i32 to index
        %swap3A_1506 = arith.constant 0 : index
        %swap3A_1507 = tpu.vector_load %arg21[%swap3A_1505, %swap3A_1506] {strides = array<i32>} : memref<2x80xi32, #tpu.memory_space<vmem>>, vector<1x16xi32>,
        %swap3A_1508 = vector.shape_cast %swap3A_1507 : vector<1x16xi32> to vector<16xi32>
        %swap3A_1509 = vector.shape_cast %shift_right_arithmetic3A_1503 : vector<16xi32> to vector<1x16xi32>
        tpu.vector_store %arg21[%swap3A_1505, %swap3A_1506], %swap3A_1509 {strides = array<i32>} : memref<2x80xi32, #tpu.memory_space<vmem>>, vector<1x16xi32>,
        %get3A_1510 = arith.constant 0 : i32
        %get3A_1511 = arith.index_cast %get3A_1510 : i32 to index
        %get3A_1512 = arith.constant 16 : index
        %get3A_1513 = tpu.vector_load %arg13[%get3A_1511, %get3A_1512] {strides = array<i32>} : memref<2x80xi32, #tpu.memory_space<vmem>>, vector<1x16xi32>,
        %get3A_1514 = vector.shape_cast %get3A_1513 : vector<1x16xi32> to vector<16xi32>
        %and3A_1515 = arith.constant 16383 : i32
        %and3A_1516 = vector.broadcast %and3A_1515 : i32 to vector<16xi32>
        %and3A_1517 = arith.andi %get3A_1514, %and3A_1516 : vector<16xi32>
        %swap3A_1518 = arith.constant 0 : i32
        %swap3A_1519 = arith.index_cast %swap3A_1518 : i32 to index
        %swap3A_1520 = arith.constant 16 : index
        %swap3A_1521 = tpu.vector_load %arg17[%swap3A_1519, %swap3A_1520] {strides = array<i32>} : memref<2x80xi32, #tpu.memory_space<vmem>>, vector<1x16xi32>,
        %swap3A_1522 = vector.shape_cast %swap3A_1521 : vector<1x16xi32> to vector<16xi32>
        %swap3A_1523 = vector.shape_cast %and3A_1517 : vector<16xi32> to vector<1x16xi32>
        tpu.vector_store %arg17[%swap3A_1519, %swap3A_1520], %swap3A_1523 {strides = array<i32>} : memref<2x80xi32, #tpu.memory_space<vmem>>, vector<1x16xi32>,
        %shift_right_arithmetic3A_1524 = arith.constant 14 : i32
        %shift_right_arithmetic3A_1525 = vector.broadcast %shift_right_arithmetic3A_1524 : i32 to vector<16xi32>
        %shift_right_arithmetic3A_1526 = arith.shrsi %get3A_1514, %shift_right_arithmetic3A_1525 : vector<16xi32>
        %swap3A_1527 = arith.constant 0 : i32
        %swap3A_1528 = arith.index_cast %swap3A_1527 : i32 to index
        %swap3A_1529 = arith.constant 16 : index
        %swap3A_1530 = tpu.vector_load %arg21[%swap3A_1528, %swap3A_1529] {strides = array<i32>} : memref<2x80xi32, #tpu.memory_space<vmem>>, vector<1x16xi32>,
        %swap3A_1531 = vector.shape_cast %swap3A_1530 : vector<1x16xi32> to vector<16xi32>
        %swap3A_1532 = vector.shape_cast %shift_right_arithmetic3A_1526 : vector<16xi32> to vector<1x16xi32>
        tpu.vector_store %arg21[%swap3A_1528, %swap3A_1529], %swap3A_1532 {strides = array<i32>} : memref<2x80xi32, #tpu.memory_space<vmem>>, vector<1x16xi32>,
        %get3A_1533 = arith.constant 0 : i32
        %get3A_1534 = arith.index_cast %get3A_1533 : i32 to index
        %get3A_1535 = arith.constant 32 : index
        %get3A_1536 = tpu.vector_load %arg13[%get3A_1534, %get3A_1535] {strides = array<i32>} : memref<2x80xi32, #tpu.memory_space<vmem>>, vector<1x16xi32>,
        %get3A_1537 = vector.shape_cast %get3A_1536 : vector<1x16xi32> to vector<16xi32>
        %and3A_1538 = arith.constant 16383 : i32
        %and3A_1539 = vector.broadcast %and3A_1538 : i32 to vector<16xi32>
        %and3A_1540 = arith.andi %get3A_1537, %and3A_1539 : vector<16xi32>
        %swap3A_1541 = arith.constant 0 : i32
        %swap3A_1542 = arith.index_cast %swap3A_1541 : i32 to index
        %swap3A_1543 = arith.constant 32 : index
        %swap3A_1544 = tpu.vector_load %arg17[%swap3A_1542, %swap3A_1543] {strides = array<i32>} : memref<2x80xi32, #tpu.memory_space<vmem>>, vector<1x16xi32>,
        %swap3A_1545 = vector.shape_cast %swap3A_1544 : vector<1x16xi32> to vector<16xi32>
        %swap3A_1546 = vector.shape_cast %and3A_1540 : vector<16xi32> to vector<1x16xi32>
        tpu.vector_store %arg17[%swap3A_1542, %swap3A_1543], %swap3A_1546 {strides = array<i32>} : memref<2x80xi32, #tpu.memory_space<vmem>>, vector<1x16xi32>,
        %shift_right_arithmetic3A_1547 = arith.constant 14 : i32
        %shift_right_arithmetic3A_1548 = vector.broadcast %shift_right_arithmetic3A_1547 : i32 to vector<16xi32>
        %shift_right_arithmetic3A_1549 = arith.shrsi %get3A_1537, %shift_right_arithmetic3A_1548 : vector<16xi32>
        %swap3A_1550 = arith.constant 0 : i32
        %swap3A_1551 = arith.index_cast %swap3A_1550 : i32 to index
        %swap3A_1552 = arith.constant 32 : index
        %swap3A_1553 = tpu.vector_load %arg21[%swap3A_1551, %swap3A_1552] {strides = array<i32>} : memref<2x80xi32, #tpu.memory_space<vmem>>, vector<1x16xi32>,
        %swap3A_1554 = vector.shape_cast %swap3A_1553 : vector<1x16xi32> to vector<16xi32>
        %swap3A_1555 = vector.shape_cast %shift_right_arithmetic3A_1549 : vector<16xi32> to vector<1x16xi32>
        tpu.vector_store %arg21[%swap3A_1551, %swap3A_1552], %swap3A_1555 {strides = array<i32>} : memref<2x80xi32, #tpu.memory_space<vmem>>, vector<1x16xi32>,
        %get3A_1556 = arith.constant 0 : i32
        %get3A_1557 = arith.index_cast %get3A_1556 : i32 to index
        %get3A_1558 = arith.constant 48 : index
        %get3A_1559 = tpu.vector_load %arg13[%get3A_1557, %get3A_1558] {strides = array<i32>} : memref<2x80xi32, #tpu.memory_space<vmem>>, vector<1x16xi32>,
        %get3A_1560 = vector.shape_cast %get3A_1559 : vector<1x16xi32> to vector<16xi32>
        %and3A_1561 = arith.constant 16383 : i32
        %and3A_1562 = vector.broadcast %and3A_1561 : i32 to vector<16xi32>
        %and3A_1563 = arith.andi %get3A_1560, %and3A_1562 : vector<16xi32>
        %swap3A_1564 = arith.constant 0 : i32
        %swap3A_1565 = arith.index_cast %swap3A_1564 : i32 to index
        %swap3A_1566 = arith.constant 48 : index
        %swap3A_1567 = tpu.vector_load %arg17[%swap3A_1565, %swap3A_1566] {strides = array<i32>} : memref<2x80xi32, #tpu.memory_space<vmem>>, vector<1x16xi32>,
        %swap3A_1568 = vector.shape_cast %swap3A_1567 : vector<1x16xi32> to vector<16xi32>
        %swap3A_1569 = vector.shape_cast %and3A_1563 : vector<16xi32> to vector<1x16xi32>
        tpu.vector_store %arg17[%swap3A_1565, %swap3A_1566], %swap3A_1569 {strides = array<i32>} : memref<2x80xi32, #tpu.memory_space<vmem>>, vector<1x16xi32>,
        %shift_right_arithmetic3A_1570 = arith.constant 14 : i32
        %shift_right_arithmetic3A_1571 = vector.broadcast %shift_right_arithmetic3A_1570 : i32 to vector<16xi32>
        %shift_right_arithmetic3A_1572 = arith.shrsi %get3A_1560, %shift_right_arithmetic3A_1571 : vector<16xi32>
        %swap3A_1573 = arith.constant 0 : i32
        %swap3A_1574 = arith.index_cast %swap3A_1573 : i32 to index
        %swap3A_1575 = arith.constant 48 : index
        %swap3A_1576 = tpu.vector_load %arg21[%swap3A_1574, %swap3A_1575] {strides = array<i32>} : memref<2x80xi32, #tpu.memory_space<vmem>>, vector<1x16xi32>,
        %swap3A_1577 = vector.shape_cast %swap3A_1576 : vector<1x16xi32> to vector<16xi32>
        %swap3A_1578 = vector.shape_cast %shift_right_arithmetic3A_1572 : vector<16xi32> to vector<1x16xi32>
        tpu.vector_store %arg21[%swap3A_1574, %swap3A_1575], %swap3A_1578 {strides = array<i32>} : memref<2x80xi32, #tpu.memory_space<vmem>>, vector<1x16xi32>,
        %get3A_1579 = arith.constant 0 : i32
        %get3A_1580 = arith.index_cast %get3A_1579 : i32 to index
        %get3A_1581 = arith.constant 64 : index
        %get3A_1582 = tpu.vector_load %arg13[%get3A_1580, %get3A_1581] {strides = array<i32>} : memref<2x80xi32, #tpu.memory_space<vmem>>, vector<1x16xi32>,
        %get3A_1583 = vector.shape_cast %get3A_1582 : vector<1x16xi32> to vector<16xi32>
        %and3A_1584 = arith.constant 16383 : i32
        %and3A_1585 = vector.broadcast %and3A_1584 : i32 to vector<16xi32>
        %and3A_1586 = arith.andi %get3A_1583, %and3A_1585 : vector<16xi32>
        %swap3A_1587 = arith.constant 0 : i32
        %swap3A_1588 = arith.index_cast %swap3A_1587 : i32 to index
        %swap3A_1589 = arith.constant 64 : index
        %swap3A_1590 = tpu.vector_load %arg17[%swap3A_1588, %swap3A_1589] {strides = array<i32>} : memref<2x80xi32, #tpu.memory_space<vmem>>, vector<1x16xi32>,
        %swap3A_1591 = vector.shape_cast %swap3A_1590 : vector<1x16xi32> to vector<16xi32>
        %swap3A_1592 = vector.shape_cast %and3A_1586 : vector<16xi32> to vector<1x16xi32>
        tpu.vector_store %arg17[%swap3A_1588, %swap3A_1589], %swap3A_1592 {strides = array<i32>} : memref<2x80xi32, #tpu.memory_space<vmem>>, vector<1x16xi32>,
        %shift_right_arithmetic3A_1593 = arith.constant 14 : i32
        %shift_right_arithmetic3A_1594 = vector.broadcast %shift_right_arithmetic3A_1593 : i32 to vector<16xi32>
        %shift_right_arithmetic3A_1595 = arith.shrsi %get3A_1583, %shift_right_arithmetic3A_1594 : vector<16xi32>
        %swap3A_1596 = arith.constant 0 : i32
        %swap3A_1597 = arith.index_cast %swap3A_1596 : i32 to index
        %swap3A_1598 = arith.constant 64 : index
        %swap3A_1599 = tpu.vector_load %arg21[%swap3A_1597, %swap3A_1598] {strides = array<i32>} : memref<2x80xi32, #tpu.memory_space<vmem>>, vector<1x16xi32>,
        %swap3A_1600 = vector.shape_cast %swap3A_1599 : vector<1x16xi32> to vector<16xi32>
        %swap3A_1601 = vector.shape_cast %shift_right_arithmetic3A_1595 : vector<16xi32> to vector<1x16xi32>
        tpu.vector_store %arg21[%swap3A_1597, %swap3A_1598], %swap3A_1601 {strides = array<i32>} : memref<2x80xi32, #tpu.memory_space<vmem>>, vector<1x16xi32>,
        %dma_start3A_1602 = arith.constant 0 : i32
        %dma_start3A_1603 = arith.constant 0 : i32
        %dma_start3A_1604 = tpu.memref_slice %arg17[%dma_start3A_1602, %dma_start3A_1603] : memref<2x80xi32, #tpu.memory_space<vmem>> -> memref<1x80xi32, #tpu.memory_space<vmem>>
        %dma_start3A_1605 = tpu.memref_squeeze %dma_start3A_1604 : memref<1x80xi32, #tpu.memory_space<vmem>> -> memref<80xi32, #tpu.memory_space<vmem>>
        %dma_start3A_1606 = arith.constant 0 : i32
        %dma_start3A_1607 = arith.constant 0 : i32
        %dma_start3A_1608 = tpu.memref_slice %arg3[%dma_start3A_1606, %dma_start3A_1607] : memref<10000x128xf32, #tpu.memory_space<hbm>> -> memref<10000x128xf32, #tpu.memory_space<hbm>>
        tpu.enqueue_indirect_dma source(%dma_start3A_1608 : memref<10000x128xf32, #tpu.memory_space<hbm>>) target(%arg9 : memref<80x128xf32, #tpu.memory_space<vmem>>) offsets(%dma_start3A_1605 : memref<80xi32, #tpu.memory_space<vmem>>) semaphore(%arg35 : memref<!tpu.dma_semaphore, #tpu.memory_space<semaphore_mem>>)
      } else {
      }
      %add3A_1390 = arith.constant 8 : i32
      %add3A_1391 = arith.addi %add3A_1362, %add3A_1390 : i32
      %lt3A_1392 = arith.constant 125 : i32
      %lt3A_1393 = arith.cmpi slt, %add3A_1391, %lt3A_1392 : i32
      %convert_element_type3A_1394 = arith.extui %lt3A_1393 : i1 to i32
      %cond3A_1395 = arith.constant 0 : i32
      %cond3A_1396 = arith.cmpi ne, %convert_element_type3A_1394, %cond3A_1395 : i32
      scf.if %cond3A_1396 {
        %dma_start3A_1473 = arith.constant 1 : i32
        %dma_start3A_1474 = arith.constant 0 : i32
        %dma_start3A_1475 = tpu.memref_slice %arg13[%dma_start3A_1473, %dma_start3A_1474] : memref<2x80xi32, #tpu.memory_space<vmem>> -> memref<1x80xi32, #tpu.memory_space<vmem>>
        %dma_start3A_1476 = tpu.memref_squeeze %dma_start3A_1475 : memref<1x80xi32, #tpu.memory_space<vmem>> -> memref<80xi32, #tpu.memory_space<vmem>>
        %dma_start3A_1477 = arith.constant 0 : i32
        %dma_start3A_1478 = tpu.memref_slice %arg2[%add3A, %add3A_1391, %dma_start3A_1477] : memref<32x125x80xi32, #tpu.memory_space<hbm>> -> memref<1x1x80xi32, #tpu.memory_space<hbm>>
        %dma_start3A_1479 = tpu.memref_squeeze %dma_start3A_1478 : memref<1x1x80xi32, #tpu.memory_space<hbm>> -> memref<80xi32, #tpu.memory_space<hbm>>
        %dma_start3A_1480 = arith.constant 0 : i32
        %dma_start3A_1481 = tpu.memref_slice %arg13[%dma_start3A_1473, %dma_start3A_1480] : memref<2x80xi32, #tpu.memory_space<vmem>> -> memref<1x80xi32, #tpu.memory_space<vmem>>
        %dma_start3A_1482 = tpu.memref_squeeze %dma_start3A_1481 : memref<1x80xi32, #tpu.memory_space<vmem>> -> memref<80xi32, #tpu.memory_space<vmem>>
        %dma_start3A_1483 = arith.constant 0 : i32
        %dma_start3A_1484 = tpu.memref_slice %arg2[%add3A, %add3A_1391, %dma_start3A_1483] : memref<32x125x80xi32, #tpu.memory_space<hbm>> -> memref<1x1x80xi32, #tpu.memory_space<hbm>>
        %dma_start3A_1485 = tpu.memref_squeeze %dma_start3A_1484 : memref<1x1x80xi32, #tpu.memory_space<hbm>> -> memref<80xi32, #tpu.memory_space<hbm>>
        tpu.enqueue_dma source(%dma_start3A_1485 : memref<80xi32, #tpu.memory_space<hbm>>) target(%dma_start3A_1482 : memref<80xi32, #tpu.memory_space<vmem>>) target_semaphore(%arg29 : memref<!tpu.dma_semaphore, #tpu.memory_space<semaphore_mem>>)
      } else {
      }
      %mul3A_1397 = arith.constant 8 : i32
      %mul3A_1398 = arith.muli %scan3A_1168, %mul3A_1397 : i32
      %add3A_1399 = arith.constant 6 : i32
      %add3A_1400 = arith.addi %mul3A_1398, %add3A_1399 : i32
      %dma_wait3A_1401 = arith.constant 0 : i32
      %dma_wait3A_1402 = arith.constant 0 : i32
      %dma_wait3A_1403 = tpu.memref_slice %arg3[%dma_wait3A_1401, %dma_wait3A_1402] : memref<10000x128xf32, #tpu.memory_space<hbm>> -> memref<80x128xf32, #tpu.memory_space<hbm>>
      %dma_wait3A_1404 = arith.constant 0 : i32
      %dma_wait3A_1405 = arith.constant 0 : i32
      %dma_wait3A_1406 = tpu.memref_slice %arg3[%dma_wait3A_1404, %dma_wait3A_1405] : memref<10000x128xf32, #tpu.memory_space<hbm>> -> memref<80x128xf32, #tpu.memory_space<hbm>>
      tpu.wait_dma2 semaphore(%arg36 : memref<!tpu.dma_semaphore, #tpu.memory_space<semaphore_mem>>) src(%dma_wait3A_1406 : memref<80x128xf32, #tpu.memory_space<hbm>>) dst(%arg10 : memref<80x128xf32, #tpu.memory_space<vmem>>)
      %dma_start3A_1407 = arith.constant 1 : i32
      %dma_start3A_1408 = arith.constant 0 : i32
      %dma_start3A_1409 = tpu.memref_slice %arg22[%dma_start3A_1407, %dma_start3A_1408] : memref<2x80xi32, #tpu.memory_space<vmem>> -> memref<1x80xi32, #tpu.memory_space<vmem>>
      %dma_start3A_1410 = tpu.memref_squeeze %dma_start3A_1409 : memref<1x80xi32, #tpu.memory_space<vmem>> -> memref<80xi32, #tpu.memory_space<vmem>>
      %dma_start3A_1411 = arith.constant 0 : i32
      %dma_start3A_1412 = arith.constant 0 : i32
      %dma_start3A_1413 = tpu.memref_slice %arg6[%dma_start3A_1411, %dma_start3A_1412] : memref<10000x128xf32, #tpu.memory_space<vmem_shared>> -> memref<10000x128xf32, #tpu.memory_space<vmem_shared>>
      tpu.enqueue_indirect_dma source(%arg10 : memref<80x128xf32, #tpu.memory_space<vmem>>) target(%dma_start3A_1413 : memref<10000x128xf32, #tpu.memory_space<vmem_shared>>) offsets(%dma_start3A_1410 : memref<80xi32, #tpu.memory_space<vmem>>) semaphore(%arg40 : memref<!tpu.dma_semaphore, #tpu.memory_space<semaphore_mem>>) {add = true}
      %run_scoped3A_1414 = arith.constant 1 : i32
      "tpu.region"() ({
        %run_scoped3A_1473 = tpu.sem_alloc : memref<!tpu.dma_semaphore, #tpu.memory_space<semaphore_mem>>
        %dma_start3A_1474 = arith.constant 0 : i32
        %dma_start3A_1475 = tpu.memref_slice %arg22[%run_scoped3A_1414, %dma_start3A_1474] : memref<2x80xi32, #tpu.memory_space<vmem>> -> memref<1x80xi32, #tpu.memory_space<vmem>>
        %dma_start3A_1476 = tpu.memref_squeeze %dma_start3A_1475 : memref<1x80xi32, #tpu.memory_space<vmem>> -> memref<80xi32, #tpu.memory_space<vmem>>
        %dma_start3A_1477 = arith.constant 0 : i32
        %dma_start3A_1478 = tpu.memref_slice %arg7[%dma_start3A_1477] : memref<10240xf32, #tpu.memory_space<vmem_shared>> -> memref<10240xf32, #tpu.memory_space<vmem_shared>>
        tpu.enqueue_indirect_dma source(%arg25 : memref<80xf32, #tpu.memory_space<vmem>>) target(%dma_start3A_1478 : memref<10240xf32, #tpu.memory_space<vmem_shared>>) offsets(%dma_start3A_1476 : memref<80xi32, #tpu.memory_space<vmem>>) semaphore(%run_scoped3A_1473 : memref<!tpu.dma_semaphore, #tpu.memory_space<semaphore_mem>>) {add = true}
        %dma_wait3A_1479 = arith.constant 0 : i32
        %dma_wait3A_1480 = tpu.memref_slice %arg22[%run_scoped3A_1414, %dma_wait3A_1479] : memref<2x80xi32, #tpu.memory_space<vmem>> -> memref<1x80xi32, #tpu.memory_space<vmem>>
        %dma_wait3A_1481 = tpu.memref_squeeze %dma_wait3A_1480 : memref<1x80xi32, #tpu.memory_space<vmem>> -> memref<80xi32, #tpu.memory_space<vmem>>
        %dma_wait3A_1482 = arith.constant 0 : i32
        %dma_wait3A_1483 = tpu.memref_slice %arg7[%dma_wait3A_1482] : memref<10240xf32, #tpu.memory_space<vmem_shared>> -> memref<10240xf32, #tpu.memory_space<vmem_shared>>
        tpu.wait_indirect_dma semaphore(%run_scoped3A_1473 : memref<!tpu.dma_semaphore, #tpu.memory_space<semaphore_mem>>) src(%arg25 : memref<80xf32, #tpu.memory_space<vmem>>) dst(%dma_wait3A_1483 : memref<10240xf32, #tpu.memory_space<vmem_shared>>)
        tpu.yield
      }) : () -> ()
      %dma_wait3A_1415 = arith.constant 0 : i32
      %dma_wait3A_1416 = arith.constant 0 : i32
      %dma_wait3A_1417 = tpu.memref_slice %arg3[%dma_wait3A_1415, %dma_wait3A_1416] : memref<10000x128xf32, #tpu.memory_space<hbm>> -> memref<80x128xf32, #tpu.memory_space<hbm>>
      %dma_wait3A_1418 = arith.constant 0 : i32
      %dma_wait3A_1419 = arith.constant 0 : i32
      %dma_wait3A_1420 = tpu.memref_slice %arg3[%dma_wait3A_1418, %dma_wait3A_1419] : memref<10000x128xf32, #tpu.memory_space<hbm>> -> memref<80x128xf32, #tpu.memory_space<hbm>>
      tpu.wait_dma2 semaphore(%arg40 : memref<!tpu.dma_semaphore, #tpu.memory_space<semaphore_mem>>) src(%dma_wait3A_1420 : memref<80x128xf32, #tpu.memory_space<hbm>>) dst(%arg10 : memref<80x128xf32, #tpu.memory_space<vmem>>)
      %add3A_1421 = arith.constant 4 : i32
      %add3A_1422 = arith.addi %add3A_1400, %add3A_1421 : i32
      %lt3A_1423 = arith.constant 125 : i32
      %lt3A_1424 = arith.cmpi slt, %add3A_1422, %lt3A_1423 : i32
      %convert_element_type3A_1425 = arith.extui %lt3A_1424 : i1 to i32
      %cond3A_1426 = arith.constant 0 : i32
      %cond3A_1427 = arith.cmpi ne, %convert_element_type3A_1425, %cond3A_1426 : i32
      scf.if %cond3A_1427 {
        %dma_wait3A_1473 = arith.constant 0 : i32
        %dma_wait3A_1474 = arith.constant 0 : i32
        %dma_wait3A_1475 = arith.constant 0 : i32
        %dma_wait3A_1476 = tpu.memref_slice %arg14[%dma_wait3A_1474, %dma_wait3A_1475] : memref<2x80xi32, #tpu.memory_space<vmem>> -> memref<1x80xi32, #tpu.memory_space<vmem>>
        %dma_wait3A_1477 = tpu.memref_squeeze %dma_wait3A_1476 : memref<1x80xi32, #tpu.memory_space<vmem>> -> memref<80xi32, #tpu.memory_space<vmem>>
        %dma_wait3A_1478 = arith.constant 0 : i32
        %dma_wait3A_1479 = tpu.memref_slice %arg2[%add3A, %dma_wait3A_1473, %dma_wait3A_1478] : memref<32x125x80xi32, #tpu.memory_space<hbm>> -> memref<1x1x80xi32, #tpu.memory_space<hbm>>
        %dma_wait3A_1480 = tpu.memref_squeeze %dma_wait3A_1479 : memref<1x1x80xi32, #tpu.memory_space<hbm>> -> memref<80xi32, #tpu.memory_space<hbm>>
        %dma_wait3A_1481 = arith.constant 0 : i32
        %dma_wait3A_1482 = tpu.memref_slice %arg14[%dma_wait3A_1474, %dma_wait3A_1481] : memref<2x80xi32, #tpu.memory_space<vmem>> -> memref<1x80xi32, #tpu.memory_space<vmem>>
        %dma_wait3A_1483 = tpu.memref_squeeze %dma_wait3A_1482 : memref<1x80xi32, #tpu.memory_space<vmem>> -> memref<80xi32, #tpu.memory_space<vmem>>
        %dma_wait3A_1484 = arith.constant 0 : i32
        %dma_wait3A_1485 = tpu.memref_slice %arg2[%add3A, %dma_wait3A_1473, %dma_wait3A_1484] : memref<32x125x80xi32, #tpu.memory_space<hbm>> -> memref<1x1x80xi32, #tpu.memory_space<hbm>>
        %dma_wait3A_1486 = tpu.memref_squeeze %dma_wait3A_1485 : memref<1x1x80xi32, #tpu.memory_space<hbm>> -> memref<80xi32, #tpu.memory_space<hbm>>
        tpu.wait_dma2 semaphore(%arg30 : memref<!tpu.dma_semaphore, #tpu.memory_space<semaphore_mem>>) src(%dma_wait3A_1486 : memref<80xi32, #tpu.memory_space<hbm>>) dst(%dma_wait3A_1483 : memref<80xi32, #tpu.memory_space<vmem>>)
        %get3A_1487 = arith.constant 0 : i32
        %get3A_1488 = arith.index_cast %get3A_1487 : i32 to index
        %get3A_1489 = arith.constant 0 : index
        %get3A_1490 = tpu.vector_load %arg14[%get3A_1488, %get3A_1489] {strides = array<i32>} : memref<2x80xi32, #tpu.memory_space<vmem>>, vector<1x16xi32>,
        %get3A_1491 = vector.shape_cast %get3A_1490 : vector<1x16xi32> to vector<16xi32>
        %and3A_1492 = arith.constant 16383 : i32
        %and3A_1493 = vector.broadcast %and3A_1492 : i32 to vector<16xi32>
        %and3A_1494 = arith.andi %get3A_1491, %and3A_1493 : vector<16xi32>
        %swap3A_1495 = arith.constant 0 : i32
        %swap3A_1496 = arith.index_cast %swap3A_1495 : i32 to index
        %swap3A_1497 = arith.constant 0 : index
        %swap3A_1498 = tpu.vector_load %arg18[%swap3A_1496, %swap3A_1497] {strides = array<i32>} : memref<2x80xi32, #tpu.memory_space<vmem>>, vector<1x16xi32>,
        %swap3A_1499 = vector.shape_cast %swap3A_1498 : vector<1x16xi32> to vector<16xi32>
        %swap3A_1500 = vector.shape_cast %and3A_1494 : vector<16xi32> to vector<1x16xi32>
        tpu.vector_store %arg18[%swap3A_1496, %swap3A_1497], %swap3A_1500 {strides = array<i32>} : memref<2x80xi32, #tpu.memory_space<vmem>>, vector<1x16xi32>,
        %shift_right_arithmetic3A_1501 = arith.constant 14 : i32
        %shift_right_arithmetic3A_1502 = vector.broadcast %shift_right_arithmetic3A_1501 : i32 to vector<16xi32>
        %shift_right_arithmetic3A_1503 = arith.shrsi %get3A_1491, %shift_right_arithmetic3A_1502 : vector<16xi32>
        %swap3A_1504 = arith.constant 0 : i32
        %swap3A_1505 = arith.index_cast %swap3A_1504 : i32 to index
        %swap3A_1506 = arith.constant 0 : index
        %swap3A_1507 = tpu.vector_load %arg22[%swap3A_1505, %swap3A_1506] {strides = array<i32>} : memref<2x80xi32, #tpu.memory_space<vmem>>, vector<1x16xi32>,
        %swap3A_1508 = vector.shape_cast %swap3A_1507 : vector<1x16xi32> to vector<16xi32>
        %swap3A_1509 = vector.shape_cast %shift_right_arithmetic3A_1503 : vector<16xi32> to vector<1x16xi32>
        tpu.vector_store %arg22[%swap3A_1505, %swap3A_1506], %swap3A_1509 {strides = array<i32>} : memref<2x80xi32, #tpu.memory_space<vmem>>, vector<1x16xi32>,
        %get3A_1510 = arith.constant 0 : i32
        %get3A_1511 = arith.index_cast %get3A_1510 : i32 to index
        %get3A_1512 = arith.constant 16 : index
        %get3A_1513 = tpu.vector_load %arg14[%get3A_1511, %get3A_1512] {strides = array<i32>} : memref<2x80xi32, #tpu.memory_space<vmem>>, vector<1x16xi32>,
        %get3A_1514 = vector.shape_cast %get3A_1513 : vector<1x16xi32> to vector<16xi32>
        %and3A_1515 = arith.constant 16383 : i32
        %and3A_1516 = vector.broadcast %and3A_1515 : i32 to vector<16xi32>
        %and3A_1517 = arith.andi %get3A_1514, %and3A_1516 : vector<16xi32>
        %swap3A_1518 = arith.constant 0 : i32
        %swap3A_1519 = arith.index_cast %swap3A_1518 : i32 to index
        %swap3A_1520 = arith.constant 16 : index
        %swap3A_1521 = tpu.vector_load %arg18[%swap3A_1519, %swap3A_1520] {strides = array<i32>} : memref<2x80xi32, #tpu.memory_space<vmem>>, vector<1x16xi32>,
        %swap3A_1522 = vector.shape_cast %swap3A_1521 : vector<1x16xi32> to vector<16xi32>
        %swap3A_1523 = vector.shape_cast %and3A_1517 : vector<16xi32> to vector<1x16xi32>
        tpu.vector_store %arg18[%swap3A_1519, %swap3A_1520], %swap3A_1523 {strides = array<i32>} : memref<2x80xi32, #tpu.memory_space<vmem>>, vector<1x16xi32>,
        %shift_right_arithmetic3A_1524 = arith.constant 14 : i32
        %shift_right_arithmetic3A_1525 = vector.broadcast %shift_right_arithmetic3A_1524 : i32 to vector<16xi32>
        %shift_right_arithmetic3A_1526 = arith.shrsi %get3A_1514, %shift_right_arithmetic3A_1525 : vector<16xi32>
        %swap3A_1527 = arith.constant 0 : i32
        %swap3A_1528 = arith.index_cast %swap3A_1527 : i32 to index
        %swap3A_1529 = arith.constant 16 : index
        %swap3A_1530 = tpu.vector_load %arg22[%swap3A_1528, %swap3A_1529] {strides = array<i32>} : memref<2x80xi32, #tpu.memory_space<vmem>>, vector<1x16xi32>,
        %swap3A_1531 = vector.shape_cast %swap3A_1530 : vector<1x16xi32> to vector<16xi32>
        %swap3A_1532 = vector.shape_cast %shift_right_arithmetic3A_1526 : vector<16xi32> to vector<1x16xi32>
        tpu.vector_store %arg22[%swap3A_1528, %swap3A_1529], %swap3A_1532 {strides = array<i32>} : memref<2x80xi32, #tpu.memory_space<vmem>>, vector<1x16xi32>,
        %get3A_1533 = arith.constant 0 : i32
        %get3A_1534 = arith.index_cast %get3A_1533 : i32 to index
        %get3A_1535 = arith.constant 32 : index
        %get3A_1536 = tpu.vector_load %arg14[%get3A_1534, %get3A_1535] {strides = array<i32>} : memref<2x80xi32, #tpu.memory_space<vmem>>, vector<1x16xi32>,
        %get3A_1537 = vector.shape_cast %get3A_1536 : vector<1x16xi32> to vector<16xi32>
        %and3A_1538 = arith.constant 16383 : i32
        %and3A_1539 = vector.broadcast %and3A_1538 : i32 to vector<16xi32>
        %and3A_1540 = arith.andi %get3A_1537, %and3A_1539 : vector<16xi32>
        %swap3A_1541 = arith.constant 0 : i32
        %swap3A_1542 = arith.index_cast %swap3A_1541 : i32 to index
        %swap3A_1543 = arith.constant 32 : index
        %swap3A_1544 = tpu.vector_load %arg18[%swap3A_1542, %swap3A_1543] {strides = array<i32>} : memref<2x80xi32, #tpu.memory_space<vmem>>, vector<1x16xi32>,
        %swap3A_1545 = vector.shape_cast %swap3A_1544 : vector<1x16xi32> to vector<16xi32>
        %swap3A_1546 = vector.shape_cast %and3A_1540 : vector<16xi32> to vector<1x16xi32>
        tpu.vector_store %arg18[%swap3A_1542, %swap3A_1543], %swap3A_1546 {strides = array<i32>} : memref<2x80xi32, #tpu.memory_space<vmem>>, vector<1x16xi32>,
        %shift_right_arithmetic3A_1547 = arith.constant 14 : i32
        %shift_right_arithmetic3A_1548 = vector.broadcast %shift_right_arithmetic3A_1547 : i32 to vector<16xi32>
        %shift_right_arithmetic3A_1549 = arith.shrsi %get3A_1537, %shift_right_arithmetic3A_1548 : vector<16xi32>
        %swap3A_1550 = arith.constant 0 : i32
        %swap3A_1551 = arith.index_cast %swap3A_1550 : i32 to index
        %swap3A_1552 = arith.constant 32 : index
        %swap3A_1553 = tpu.vector_load %arg22[%swap3A_1551, %swap3A_1552] {strides = array<i32>} : memref<2x80xi32, #tpu.memory_space<vmem>>, vector<1x16xi32>,
        %swap3A_1554 = vector.shape_cast %swap3A_1553 : vector<1x16xi32> to vector<16xi32>
        %swap3A_1555 = vector.shape_cast %shift_right_arithmetic3A_1549 : vector<16xi32> to vector<1x16xi32>
        tpu.vector_store %arg22[%swap3A_1551, %swap3A_1552], %swap3A_1555 {strides = array<i32>} : memref<2x80xi32, #tpu.memory_space<vmem>>, vector<1x16xi32>,
        %get3A_1556 = arith.constant 0 : i32
        %get3A_1557 = arith.index_cast %get3A_1556 : i32 to index
        %get3A_1558 = arith.constant 48 : index
        %get3A_1559 = tpu.vector_load %arg14[%get3A_1557, %get3A_1558] {strides = array<i32>} : memref<2x80xi32, #tpu.memory_space<vmem>>, vector<1x16xi32>,
        %get3A_1560 = vector.shape_cast %get3A_1559 : vector<1x16xi32> to vector<16xi32>
        %and3A_1561 = arith.constant 16383 : i32
        %and3A_1562 = vector.broadcast %and3A_1561 : i32 to vector<16xi32>
        %and3A_1563 = arith.andi %get3A_1560, %and3A_1562 : vector<16xi32>
        %swap3A_1564 = arith.constant 0 : i32
        %swap3A_1565 = arith.index_cast %swap3A_1564 : i32 to index
        %swap3A_1566 = arith.constant 48 : index
        %swap3A_1567 = tpu.vector_load %arg18[%swap3A_1565, %swap3A_1566] {strides = array<i32>} : memref<2x80xi32, #tpu.memory_space<vmem>>, vector<1x16xi32>,
        %swap3A_1568 = vector.shape_cast %swap3A_1567 : vector<1x16xi32> to vector<16xi32>
        %swap3A_1569 = vector.shape_cast %and3A_1563 : vector<16xi32> to vector<1x16xi32>
        tpu.vector_store %arg18[%swap3A_1565, %swap3A_1566], %swap3A_1569 {strides = array<i32>} : memref<2x80xi32, #tpu.memory_space<vmem>>, vector<1x16xi32>,
        %shift_right_arithmetic3A_1570 = arith.constant 14 : i32
        %shift_right_arithmetic3A_1571 = vector.broadcast %shift_right_arithmetic3A_1570 : i32 to vector<16xi32>
        %shift_right_arithmetic3A_1572 = arith.shrsi %get3A_1560, %shift_right_arithmetic3A_1571 : vector<16xi32>
        %swap3A_1573 = arith.constant 0 : i32
        %swap3A_1574 = arith.index_cast %swap3A_1573 : i32 to index
        %swap3A_1575 = arith.constant 48 : index
        %swap3A_1576 = tpu.vector_load %arg22[%swap3A_1574, %swap3A_1575] {strides = array<i32>} : memref<2x80xi32, #tpu.memory_space<vmem>>, vector<1x16xi32>,
        %swap3A_1577 = vector.shape_cast %swap3A_1576 : vector<1x16xi32> to vector<16xi32>
        %swap3A_1578 = vector.shape_cast %shift_right_arithmetic3A_1572 : vector<16xi32> to vector<1x16xi32>
        tpu.vector_store %arg22[%swap3A_1574, %swap3A_1575], %swap3A_1578 {strides = array<i32>} : memref<2x80xi32, #tpu.memory_space<vmem>>, vector<1x16xi32>,
        %get3A_1579 = arith.constant 0 : i32
        %get3A_1580 = arith.index_cast %get3A_1579 : i32 to index
        %get3A_1581 = arith.constant 64 : index
        %get3A_1582 = tpu.vector_load %arg14[%get3A_1580, %get3A_1581] {strides = array<i32>} : memref<2x80xi32, #tpu.memory_space<vmem>>, vector<1x16xi32>,
        %get3A_1583 = vector.shape_cast %get3A_1582 : vector<1x16xi32> to vector<16xi32>
        %and3A_1584 = arith.constant 16383 : i32
        %and3A_1585 = vector.broadcast %and3A_1584 : i32 to vector<16xi32>
        %and3A_1586 = arith.andi %get3A_1583, %and3A_1585 : vector<16xi32>
        %swap3A_1587 = arith.constant 0 : i32
        %swap3A_1588 = arith.index_cast %swap3A_1587 : i32 to index
        %swap3A_1589 = arith.constant 64 : index
        %swap3A_1590 = tpu.vector_load %arg18[%swap3A_1588, %swap3A_1589] {strides = array<i32>} : memref<2x80xi32, #tpu.memory_space<vmem>>, vector<1x16xi32>,
        %swap3A_1591 = vector.shape_cast %swap3A_1590 : vector<1x16xi32> to vector<16xi32>
        %swap3A_1592 = vector.shape_cast %and3A_1586 : vector<16xi32> to vector<1x16xi32>
        tpu.vector_store %arg18[%swap3A_1588, %swap3A_1589], %swap3A_1592 {strides = array<i32>} : memref<2x80xi32, #tpu.memory_space<vmem>>, vector<1x16xi32>,
        %shift_right_arithmetic3A_1593 = arith.constant 14 : i32
        %shift_right_arithmetic3A_1594 = vector.broadcast %shift_right_arithmetic3A_1593 : i32 to vector<16xi32>
        %shift_right_arithmetic3A_1595 = arith.shrsi %get3A_1583, %shift_right_arithmetic3A_1594 : vector<16xi32>
        %swap3A_1596 = arith.constant 0 : i32
        %swap3A_1597 = arith.index_cast %swap3A_1596 : i32 to index
        %swap3A_1598 = arith.constant 64 : index
        %swap3A_1599 = tpu.vector_load %arg22[%swap3A_1597, %swap3A_1598] {strides = array<i32>} : memref<2x80xi32, #tpu.memory_space<vmem>>, vector<1x16xi32>,
        %swap3A_1600 = vector.shape_cast %swap3A_1599 : vector<1x16xi32> to vector<16xi32>
        %swap3A_1601 = vector.shape_cast %shift_right_arithmetic3A_1595 : vector<16xi32> to vector<1x16xi32>
        tpu.vector_store %arg22[%swap3A_1597, %swap3A_1598], %swap3A_1601 {strides = array<i32>} : memref<2x80xi32, #tpu.memory_space<vmem>>, vector<1x16xi32>,
        %dma_start3A_1602 = arith.constant 0 : i32
        %dma_start3A_1603 = arith.constant 0 : i32
        %dma_start3A_1604 = tpu.memref_slice %arg18[%dma_start3A_1602, %dma_start3A_1603] : memref<2x80xi32, #tpu.memory_space<vmem>> -> memref<1x80xi32, #tpu.memory_space<vmem>>
        %dma_start3A_1605 = tpu.memref_squeeze %dma_start3A_1604 : memref<1x80xi32, #tpu.memory_space<vmem>> -> memref<80xi32, #tpu.memory_space<vmem>>
        %dma_start3A_1606 = arith.constant 0 : i32
        %dma_start3A_1607 = arith.constant 0 : i32
        %dma_start3A_1608 = tpu.memref_slice %arg3[%dma_start3A_1606, %dma_start3A_1607] : memref<10000x128xf32, #tpu.memory_space<hbm>> -> memref<10000x128xf32, #tpu.memory_space<hbm>>
        tpu.enqueue_indirect_dma source(%dma_start3A_1608 : memref<10000x128xf32, #tpu.memory_space<hbm>>) target(%arg10 : memref<80x128xf32, #tpu.memory_space<vmem>>) offsets(%dma_start3A_1605 : memref<80xi32, #tpu.memory_space<vmem>>) semaphore(%arg36 : memref<!tpu.dma_semaphore, #tpu.memory_space<semaphore_mem>>)
      } else {
      }
      %add3A_1428 = arith.constant 8 : i32
      %add3A_1429 = arith.addi %add3A_1400, %add3A_1428 : i32
      %lt3A_1430 = arith.constant 125 : i32
      %lt3A_1431 = arith.cmpi slt, %add3A_1429, %lt3A_1430 : i32
      %convert_element_type3A_1432 = arith.extui %lt3A_1431 : i1 to i32
      %cond3A_1433 = arith.constant 0 : i32
      %cond3A_1434 = arith.cmpi ne, %convert_element_type3A_1432, %cond3A_1433 : i32
      scf.if %cond3A_1434 {
        %dma_start3A_1473 = arith.constant 1 : i32
        %dma_start3A_1474 = arith.constant 0 : i32
        %dma_start3A_1475 = tpu.memref_slice %arg14[%dma_start3A_1473, %dma_start3A_1474] : memref<2x80xi32, #tpu.memory_space<vmem>> -> memref<1x80xi32, #tpu.memory_space<vmem>>
        %dma_start3A_1476 = tpu.memref_squeeze %dma_start3A_1475 : memref<1x80xi32, #tpu.memory_space<vmem>> -> memref<80xi32, #tpu.memory_space<vmem>>
        %dma_start3A_1477 = arith.constant 0 : i32
        %dma_start3A_1478 = tpu.memref_slice %arg2[%add3A, %add3A_1429, %dma_start3A_1477] : memref<32x125x80xi32, #tpu.memory_space<hbm>> -> memref<1x1x80xi32, #tpu.memory_space<hbm>>
        %dma_start3A_1479 = tpu.memref_squeeze %dma_start3A_1478 : memref<1x1x80xi32, #tpu.memory_space<hbm>> -> memref<80xi32, #tpu.memory_space<hbm>>
        %dma_start3A_1480 = arith.constant 0 : i32
        %dma_start3A_1481 = tpu.memref_slice %arg14[%dma_start3A_1473, %dma_start3A_1480] : memref<2x80xi32, #tpu.memory_space<vmem>> -> memref<1x80xi32, #tpu.memory_space<vmem>>
        %dma_start3A_1482 = tpu.memref_squeeze %dma_start3A_1481 : memref<1x80xi32, #tpu.memory_space<vmem>> -> memref<80xi32, #tpu.memory_space<vmem>>
        %dma_start3A_1483 = arith.constant 0 : i32
        %dma_start3A_1484 = tpu.memref_slice %arg2[%add3A, %add3A_1429, %dma_start3A_1483] : memref<32x125x80xi32, #tpu.memory_space<hbm>> -> memref<1x1x80xi32, #tpu.memory_space<hbm>>
        %dma_start3A_1485 = tpu.memref_squeeze %dma_start3A_1484 : memref<1x1x80xi32, #tpu.memory_space<hbm>> -> memref<80xi32, #tpu.memory_space<hbm>>
        tpu.enqueue_dma source(%dma_start3A_1485 : memref<80xi32, #tpu.memory_space<hbm>>) target(%dma_start3A_1482 : memref<80xi32, #tpu.memory_space<vmem>>) target_semaphore(%arg31 : memref<!tpu.dma_semaphore, #tpu.memory_space<semaphore_mem>>)
      } else {
      }
      %mul3A_1435 = arith.constant 8 : i32
      %mul3A_1436 = arith.muli %scan3A_1168, %mul3A_1435 : i32
      %add3A_1437 = arith.constant 7 : i32
      %add3A_1438 = arith.addi %mul3A_1436, %add3A_1437 : i32
      %dma_wait3A_1439 = arith.constant 0 : i32
      %dma_wait3A_1440 = arith.constant 0 : i32
      %dma_wait3A_1441 = tpu.memref_slice %arg3[%dma_wait3A_1439, %dma_wait3A_1440] : memref<10000x128xf32, #tpu.memory_space<hbm>> -> memref<80x128xf32, #tpu.memory_space<hbm>>
      %dma_wait3A_1442 = arith.constant 0 : i32
      %dma_wait3A_1443 = arith.constant 0 : i32
      %dma_wait3A_1444 = tpu.memref_slice %arg3[%dma_wait3A_1442, %dma_wait3A_1443] : memref<10000x128xf32, #tpu.memory_space<hbm>> -> memref<80x128xf32, #tpu.memory_space<hbm>>
      tpu.wait_dma2 semaphore(%arg37 : memref<!tpu.dma_semaphore, #tpu.memory_space<semaphore_mem>>) src(%dma_wait3A_1444 : memref<80x128xf32, #tpu.memory_space<hbm>>) dst(%arg11 : memref<80x128xf32, #tpu.memory_space<vmem>>)
      %dma_start3A_1445 = arith.constant 1 : i32
      %dma_start3A_1446 = arith.constant 0 : i32
      %dma_start3A_1447 = tpu.memref_slice %arg23[%dma_start3A_1445, %dma_start3A_1446] : memref<2x80xi32, #tpu.memory_space<vmem>> -> memref<1x80xi32, #tpu.memory_space<vmem>>
      %dma_start3A_1448 = tpu.memref_squeeze %dma_start3A_1447 : memref<1x80xi32, #tpu.memory_space<vmem>> -> memref<80xi32, #tpu.memory_space<vmem>>
      %dma_start3A_1449 = arith.constant 0 : i32
      %dma_start3A_1450 = arith.constant 0 : i32
      %dma_start3A_1451 = tpu.memref_slice %arg6[%dma_start3A_1449, %dma_start3A_1450] : memref<10000x128xf32, #tpu.memory_space<vmem_shared>> -> memref<10000x128xf32, #tpu.memory_space<vmem_shared>>
      tpu.enqueue_indirect_dma source(%arg11 : memref<80x128xf32, #tpu.memory_space<vmem>>) target(%dma_start3A_1451 : memref<10000x128xf32, #tpu.memory_space<vmem_shared>>) offsets(%dma_start3A_1448 : memref<80xi32, #tpu.memory_space<vmem>>) semaphore(%arg41 : memref<!tpu.dma_semaphore, #tpu.memory_space<semaphore_mem>>) {add = true}
      %run_scoped3A_1452 = arith.constant 1 : i32
      "tpu.region"() ({
        %run_scoped3A_1473 = tpu.sem_alloc : memref<!tpu.dma_semaphore, #tpu.memory_space<semaphore_mem>>
        %dma_start3A_1474 = arith.constant 0 : i32
        %dma_start3A_1475 = tpu.memref_slice %arg23[%run_scoped3A_1452, %dma_start3A_1474] : memref<2x80xi32, #tpu.memory_space<vmem>> -> memref<1x80xi32, #tpu.memory_space<vmem>>
        %dma_start3A_1476 = tpu.memref_squeeze %dma_start3A_1475 : memref<1x80xi32, #tpu.memory_space<vmem>> -> memref<80xi32, #tpu.memory_space<vmem>>
        %dma_start3A_1477 = arith.constant 0 : i32
        %dma_start3A_1478 = tpu.memref_slice %arg7[%dma_start3A_1477] : memref<10240xf32, #tpu.memory_space<vmem_shared>> -> memref<10240xf32, #tpu.memory_space<vmem_shared>>
        tpu.enqueue_indirect_dma source(%arg25 : memref<80xf32, #tpu.memory_space<vmem>>) target(%dma_start3A_1478 : memref<10240xf32, #tpu.memory_space<vmem_shared>>) offsets(%dma_start3A_1476 : memref<80xi32, #tpu.memory_space<vmem>>) semaphore(%run_scoped3A_1473 : memref<!tpu.dma_semaphore, #tpu.memory_space<semaphore_mem>>) {add = true}
        %dma_wait3A_1479 = arith.constant 0 : i32
        %dma_wait3A_1480 = tpu.memref_slice %arg23[%run_scoped3A_1452, %dma_wait3A_1479] : memref<2x80xi32, #tpu.memory_space<vmem>> -> memref<1x80xi32, #tpu.memory_space<vmem>>
        %dma_wait3A_1481 = tpu.memref_squeeze %dma_wait3A_1480 : memref<1x80xi32, #tpu.memory_space<vmem>> -> memref<80xi32, #tpu.memory_space<vmem>>
        %dma_wait3A_1482 = arith.constant 0 : i32
        %dma_wait3A_1483 = tpu.memref_slice %arg7[%dma_wait3A_1482] : memref<10240xf32, #tpu.memory_space<vmem_shared>> -> memref<10240xf32, #tpu.memory_space<vmem_shared>>
        tpu.wait_indirect_dma semaphore(%run_scoped3A_1473 : memref<!tpu.dma_semaphore, #tpu.memory_space<semaphore_mem>>) src(%arg25 : memref<80xf32, #tpu.memory_space<vmem>>) dst(%dma_wait3A_1483 : memref<10240xf32, #tpu.memory_space<vmem_shared>>)
        tpu.yield
      }) : () -> ()
      %dma_wait3A_1453 = arith.constant 0 : i32
      %dma_wait3A_1454 = arith.constant 0 : i32
      %dma_wait3A_1455 = tpu.memref_slice %arg3[%dma_wait3A_1453, %dma_wait3A_1454] : memref<10000x128xf32, #tpu.memory_space<hbm>> -> memref<80x128xf32, #tpu.memory_space<hbm>>
      %dma_wait3A_1456 = arith.constant 0 : i32
      %dma_wait3A_1457 = arith.constant 0 : i32
      %dma_wait3A_1458 = tpu.memref_slice %arg3[%dma_wait3A_1456, %dma_wait3A_1457] : memref<10000x128xf32, #tpu.memory_space<hbm>> -> memref<80x128xf32, #tpu.memory_space<hbm>>
      tpu.wait_dma2 semaphore(%arg41 : memref<!tpu.dma_semaphore, #tpu.memory_space<semaphore_mem>>) src(%dma_wait3A_1458 : memref<80x128xf32, #tpu.memory_space<hbm>>) dst(%arg11 : memref<80x128xf32, #tpu.memory_space<vmem>>)
      %add3A_1459 = arith.constant 4 : i32
      %add3A_1460 = arith.addi %add3A_1438, %add3A_1459 : i32
      %lt3A_1461 = arith.constant 125 : i32
      %lt3A_1462 = arith.cmpi slt, %add3A_1460, %lt3A_1461 : i32
      %convert_element_type3A_1463 = arith.extui %lt3A_1462 : i1 to i32
      %cond3A_1464 = arith.constant 0 : i32
      %cond3A_1465 = arith.cmpi ne, %convert_element_type3A_1463, %cond3A_1464 : i32
      scf.if %cond3A_1465 {
        %dma_wait3A_1473 = arith.constant 0 : i32
        %dma_wait3A_1474 = arith.constant 0 : i32
        %dma_wait3A_1475 = arith.constant 0 : i32
        %dma_wait3A_1476 = tpu.memref_slice %arg15[%dma_wait3A_1474, %dma_wait3A_1475] : memref<2x80xi32, #tpu.memory_space<vmem>> -> memref<1x80xi32, #tpu.memory_space<vmem>>
        %dma_wait3A_1477 = tpu.memref_squeeze %dma_wait3A_1476 : memref<1x80xi32, #tpu.memory_space<vmem>> -> memref<80xi32, #tpu.memory_space<vmem>>
        %dma_wait3A_1478 = arith.constant 0 : i32
        %dma_wait3A_1479 = tpu.memref_slice %arg2[%add3A, %dma_wait3A_1473, %dma_wait3A_1478] : memref<32x125x80xi32, #tpu.memory_space<hbm>> -> memref<1x1x80xi32, #tpu.memory_space<hbm>>
        %dma_wait3A_1480 = tpu.memref_squeeze %dma_wait3A_1479 : memref<1x1x80xi32, #tpu.memory_space<hbm>> -> memref<80xi32, #tpu.memory_space<hbm>>
        %dma_wait3A_1481 = arith.constant 0 : i32
        %dma_wait3A_1482 = tpu.memref_slice %arg15[%dma_wait3A_1474, %dma_wait3A_1481] : memref<2x80xi32, #tpu.memory_space<vmem>> -> memref<1x80xi32, #tpu.memory_space<vmem>>
        %dma_wait3A_1483 = tpu.memref_squeeze %dma_wait3A_1482 : memref<1x80xi32, #tpu.memory_space<vmem>> -> memref<80xi32, #tpu.memory_space<vmem>>
        %dma_wait3A_1484 = arith.constant 0 : i32
        %dma_wait3A_1485 = tpu.memref_slice %arg2[%add3A, %dma_wait3A_1473, %dma_wait3A_1484] : memref<32x125x80xi32, #tpu.memory_space<hbm>> -> memref<1x1x80xi32, #tpu.memory_space<hbm>>
        %dma_wait3A_1486 = tpu.memref_squeeze %dma_wait3A_1485 : memref<1x1x80xi32, #tpu.memory_space<hbm>> -> memref<80xi32, #tpu.memory_space<hbm>>
        tpu.wait_dma2 semaphore(%arg32 : memref<!tpu.dma_semaphore, #tpu.memory_space<semaphore_mem>>) src(%dma_wait3A_1486 : memref<80xi32, #tpu.memory_space<hbm>>) dst(%dma_wait3A_1483 : memref<80xi32, #tpu.memory_space<vmem>>)
        %get3A_1487 = arith.constant 0 : i32
        %get3A_1488 = arith.index_cast %get3A_1487 : i32 to index
        %get3A_1489 = arith.constant 0 : index
        %get3A_1490 = tpu.vector_load %arg15[%get3A_1488, %get3A_1489] {strides = array<i32>} : memref<2x80xi32, #tpu.memory_space<vmem>>, vector<1x16xi32>,
        %get3A_1491 = vector.shape_cast %get3A_1490 : vector<1x16xi32> to vector<16xi32>
        %and3A_1492 = arith.constant 16383 : i32
        %and3A_1493 = vector.broadcast %and3A_1492 : i32 to vector<16xi32>
        %and3A_1494 = arith.andi %get3A_1491, %and3A_1493 : vector<16xi32>
        %swap3A_1495 = arith.constant 0 : i32
        %swap3A_1496 = arith.index_cast %swap3A_1495 : i32 to index
        %swap3A_1497 = arith.constant 0 : index
        %swap3A_1498 = tpu.vector_load %arg19[%swap3A_1496, %swap3A_1497] {strides = array<i32>} : memref<2x80xi32, #tpu.memory_space<vmem>>, vector<1x16xi32>,
        %swap3A_1499 = vector.shape_cast %swap3A_1498 : vector<1x16xi32> to vector<16xi32>
        %swap3A_1500 = vector.shape_cast %and3A_1494 : vector<16xi32> to vector<1x16xi32>
        tpu.vector_store %arg19[%swap3A_1496, %swap3A_1497], %swap3A_1500 {strides = array<i32>} : memref<2x80xi32, #tpu.memory_space<vmem>>, vector<1x16xi32>,
        %shift_right_arithmetic3A_1501 = arith.constant 14 : i32
        %shift_right_arithmetic3A_1502 = vector.broadcast %shift_right_arithmetic3A_1501 : i32 to vector<16xi32>
        %shift_right_arithmetic3A_1503 = arith.shrsi %get3A_1491, %shift_right_arithmetic3A_1502 : vector<16xi32>
        %swap3A_1504 = arith.constant 0 : i32
        %swap3A_1505 = arith.index_cast %swap3A_1504 : i32 to index
        %swap3A_1506 = arith.constant 0 : index
        %swap3A_1507 = tpu.vector_load %arg23[%swap3A_1505, %swap3A_1506] {strides = array<i32>} : memref<2x80xi32, #tpu.memory_space<vmem>>, vector<1x16xi32>,
        %swap3A_1508 = vector.shape_cast %swap3A_1507 : vector<1x16xi32> to vector<16xi32>
        %swap3A_1509 = vector.shape_cast %shift_right_arithmetic3A_1503 : vector<16xi32> to vector<1x16xi32>
        tpu.vector_store %arg23[%swap3A_1505, %swap3A_1506], %swap3A_1509 {strides = array<i32>} : memref<2x80xi32, #tpu.memory_space<vmem>>, vector<1x16xi32>,
        %get3A_1510 = arith.constant 0 : i32
        %get3A_1511 = arith.index_cast %get3A_1510 : i32 to index
        %get3A_1512 = arith.constant 16 : index
        %get3A_1513 = tpu.vector_load %arg15[%get3A_1511, %get3A_1512] {strides = array<i32>} : memref<2x80xi32, #tpu.memory_space<vmem>>, vector<1x16xi32>,
        %get3A_1514 = vector.shape_cast %get3A_1513 : vector<1x16xi32> to vector<16xi32>
        %and3A_1515 = arith.constant 16383 : i32
        %and3A_1516 = vector.broadcast %and3A_1515 : i32 to vector<16xi32>
        %and3A_1517 = arith.andi %get3A_1514, %and3A_1516 : vector<16xi32>
        %swap3A_1518 = arith.constant 0 : i32
        %swap3A_1519 = arith.index_cast %swap3A_1518 : i32 to index
        %swap3A_1520 = arith.constant 16 : index
        %swap3A_1521 = tpu.vector_load %arg19[%swap3A_1519, %swap3A_1520] {strides = array<i32>} : memref<2x80xi32, #tpu.memory_space<vmem>>, vector<1x16xi32>,
        %swap3A_1522 = vector.shape_cast %swap3A_1521 : vector<1x16xi32> to vector<16xi32>
        %swap3A_1523 = vector.shape_cast %and3A_1517 : vector<16xi32> to vector<1x16xi32>
        tpu.vector_store %arg19[%swap3A_1519, %swap3A_1520], %swap3A_1523 {strides = array<i32>} : memref<2x80xi32, #tpu.memory_space<vmem>>, vector<1x16xi32>,
        %shift_right_arithmetic3A_1524 = arith.constant 14 : i32
        %shift_right_arithmetic3A_1525 = vector.broadcast %shift_right_arithmetic3A_1524 : i32 to vector<16xi32>
        %shift_right_arithmetic3A_1526 = arith.shrsi %get3A_1514, %shift_right_arithmetic3A_1525 : vector<16xi32>
        %swap3A_1527 = arith.constant 0 : i32
        %swap3A_1528 = arith.index_cast %swap3A_1527 : i32 to index
        %swap3A_1529 = arith.constant 16 : index
        %swap3A_1530 = tpu.vector_load %arg23[%swap3A_1528, %swap3A_1529] {strides = array<i32>} : memref<2x80xi32, #tpu.memory_space<vmem>>, vector<1x16xi32>,
        %swap3A_1531 = vector.shape_cast %swap3A_1530 : vector<1x16xi32> to vector<16xi32>
        %swap3A_1532 = vector.shape_cast %shift_right_arithmetic3A_1526 : vector<16xi32> to vector<1x16xi32>
        tpu.vector_store %arg23[%swap3A_1528, %swap3A_1529], %swap3A_1532 {strides = array<i32>} : memref<2x80xi32, #tpu.memory_space<vmem>>, vector<1x16xi32>,
        %get3A_1533 = arith.constant 0 : i32
        %get3A_1534 = arith.index_cast %get3A_1533 : i32 to index
        %get3A_1535 = arith.constant 32 : index
        %get3A_1536 = tpu.vector_load %arg15[%get3A_1534, %get3A_1535] {strides = array<i32>} : memref<2x80xi32, #tpu.memory_space<vmem>>, vector<1x16xi32>,
        %get3A_1537 = vector.shape_cast %get3A_1536 : vector<1x16xi32> to vector<16xi32>
        %and3A_1538 = arith.constant 16383 : i32
        %and3A_1539 = vector.broadcast %and3A_1538 : i32 to vector<16xi32>
        %and3A_1540 = arith.andi %get3A_1537, %and3A_1539 : vector<16xi32>
        %swap3A_1541 = arith.constant 0 : i32
        %swap3A_1542 = arith.index_cast %swap3A_1541 : i32 to index
        %swap3A_1543 = arith.constant 32 : index
        %swap3A_1544 = tpu.vector_load %arg19[%swap3A_1542, %swap3A_1543] {strides = array<i32>} : memref<2x80xi32, #tpu.memory_space<vmem>>, vector<1x16xi32>,
        %swap3A_1545 = vector.shape_cast %swap3A_1544 : vector<1x16xi32> to vector<16xi32>
        %swap3A_1546 = vector.shape_cast %and3A_1540 : vector<16xi32> to vector<1x16xi32>
        tpu.vector_store %arg19[%swap3A_1542, %swap3A_1543], %swap3A_1546 {strides = array<i32>} : memref<2x80xi32, #tpu.memory_space<vmem>>, vector<1x16xi32>,
        %shift_right_arithmetic3A_1547 = arith.constant 14 : i32
        %shift_right_arithmetic3A_1548 = vector.broadcast %shift_right_arithmetic3A_1547 : i32 to vector<16xi32>
        %shift_right_arithmetic3A_1549 = arith.shrsi %get3A_1537, %shift_right_arithmetic3A_1548 : vector<16xi32>
        %swap3A_1550 = arith.constant 0 : i32
        %swap3A_1551 = arith.index_cast %swap3A_1550 : i32 to index
        %swap3A_1552 = arith.constant 32 : index
        %swap3A_1553 = tpu.vector_load %arg23[%swap3A_1551, %swap3A_1552] {strides = array<i32>} : memref<2x80xi32, #tpu.memory_space<vmem>>, vector<1x16xi32>,
        %swap3A_1554 = vector.shape_cast %swap3A_1553 : vector<1x16xi32> to vector<16xi32>
        %swap3A_1555 = vector.shape_cast %shift_right_arithmetic3A_1549 : vector<16xi32> to vector<1x16xi32>
        tpu.vector_store %arg23[%swap3A_1551, %swap3A_1552], %swap3A_1555 {strides = array<i32>} : memref<2x80xi32, #tpu.memory_space<vmem>>, vector<1x16xi32>,
        %get3A_1556 = arith.constant 0 : i32
        %get3A_1557 = arith.index_cast %get3A_1556 : i32 to index
        %get3A_1558 = arith.constant 48 : index
        %get3A_1559 = tpu.vector_load %arg15[%get3A_1557, %get3A_1558] {strides = array<i32>} : memref<2x80xi32, #tpu.memory_space<vmem>>, vector<1x16xi32>,
        %get3A_1560 = vector.shape_cast %get3A_1559 : vector<1x16xi32> to vector<16xi32>
        %and3A_1561 = arith.constant 16383 : i32
        %and3A_1562 = vector.broadcast %and3A_1561 : i32 to vector<16xi32>
        %and3A_1563 = arith.andi %get3A_1560, %and3A_1562 : vector<16xi32>
        %swap3A_1564 = arith.constant 0 : i32
        %swap3A_1565 = arith.index_cast %swap3A_1564 : i32 to index
        %swap3A_1566 = arith.constant 48 : index
        %swap3A_1567 = tpu.vector_load %arg19[%swap3A_1565, %swap3A_1566] {strides = array<i32>} : memref<2x80xi32, #tpu.memory_space<vmem>>, vector<1x16xi32>,
        %swap3A_1568 = vector.shape_cast %swap3A_1567 : vector<1x16xi32> to vector<16xi32>
        %swap3A_1569 = vector.shape_cast %and3A_1563 : vector<16xi32> to vector<1x16xi32>
        tpu.vector_store %arg19[%swap3A_1565, %swap3A_1566], %swap3A_1569 {strides = array<i32>} : memref<2x80xi32, #tpu.memory_space<vmem>>, vector<1x16xi32>,
        %shift_right_arithmetic3A_1570 = arith.constant 14 : i32
        %shift_right_arithmetic3A_1571 = vector.broadcast %shift_right_arithmetic3A_1570 : i32 to vector<16xi32>
        %shift_right_arithmetic3A_1572 = arith.shrsi %get3A_1560, %shift_right_arithmetic3A_1571 : vector<16xi32>
        %swap3A_1573 = arith.constant 0 : i32
        %swap3A_1574 = arith.index_cast %swap3A_1573 : i32 to index
        %swap3A_1575 = arith.constant 48 : index
        %swap3A_1576 = tpu.vector_load %arg23[%swap3A_1574, %swap3A_1575] {strides = array<i32>} : memref<2x80xi32, #tpu.memory_space<vmem>>, vector<1x16xi32>,
        %swap3A_1577 = vector.shape_cast %swap3A_1576 : vector<1x16xi32> to vector<16xi32>
        %swap3A_1578 = vector.shape_cast %shift_right_arithmetic3A_1572 : vector<16xi32> to vector<1x16xi32>
        tpu.vector_store %arg23[%swap3A_1574, %swap3A_1575], %swap3A_1578 {strides = array<i32>} : memref<2x80xi32, #tpu.memory_space<vmem>>, vector<1x16xi32>,
        %get3A_1579 = arith.constant 0 : i32
        %get3A_1580 = arith.index_cast %get3A_1579 : i32 to index
        %get3A_1581 = arith.constant 64 : index
        %get3A_1582 = tpu.vector_load %arg15[%get3A_1580, %get3A_1581] {strides = array<i32>} : memref<2x80xi32, #tpu.memory_space<vmem>>, vector<1x16xi32>,
        %get3A_1583 = vector.shape_cast %get3A_1582 : vector<1x16xi32> to vector<16xi32>
        %and3A_1584 = arith.constant 16383 : i32
        %and3A_1585 = vector.broadcast %and3A_1584 : i32 to vector<16xi32>
        %and3A_1586 = arith.andi %get3A_1583, %and3A_1585 : vector<16xi32>
        %swap3A_1587 = arith.constant 0 : i32
        %swap3A_1588 = arith.index_cast %swap3A_1587 : i32 to index
        %swap3A_1589 = arith.constant 64 : index
        %swap3A_1590 = tpu.vector_load %arg19[%swap3A_1588, %swap3A_1589] {strides = array<i32>} : memref<2x80xi32, #tpu.memory_space<vmem>>, vector<1x16xi32>,
        %swap3A_1591 = vector.shape_cast %swap3A_1590 : vector<1x16xi32> to vector<16xi32>
        %swap3A_1592 = vector.shape_cast %and3A_1586 : vector<16xi32> to vector<1x16xi32>
        tpu.vector_store %arg19[%swap3A_1588, %swap3A_1589], %swap3A_1592 {strides = array<i32>} : memref<2x80xi32, #tpu.memory_space<vmem>>, vector<1x16xi32>,
        %shift_right_arithmetic3A_1593 = arith.constant 14 : i32
        %shift_right_arithmetic3A_1594 = vector.broadcast %shift_right_arithmetic3A_1593 : i32 to vector<16xi32>
        %shift_right_arithmetic3A_1595 = arith.shrsi %get3A_1583, %shift_right_arithmetic3A_1594 : vector<16xi32>
        %swap3A_1596 = arith.constant 0 : i32
        %swap3A_1597 = arith.index_cast %swap3A_1596 : i32 to index
        %swap3A_1598 = arith.constant 64 : index
        %swap3A_1599 = tpu.vector_load %arg23[%swap3A_1597, %swap3A_1598] {strides = array<i32>} : memref<2x80xi32, #tpu.memory_space<vmem>>, vector<1x16xi32>,
        %swap3A_1600 = vector.shape_cast %swap3A_1599 : vector<1x16xi32> to vector<16xi32>
        %swap3A_1601 = vector.shape_cast %shift_right_arithmetic3A_1595 : vector<16xi32> to vector<1x16xi32>
        tpu.vector_store %arg23[%swap3A_1597, %swap3A_1598], %swap3A_1601 {strides = array<i32>} : memref<2x80xi32, #tpu.memory_space<vmem>>, vector<1x16xi32>,
        %dma_start3A_1602 = arith.constant 0 : i32
        %dma_start3A_1603 = arith.constant 0 : i32
        %dma_start3A_1604 = tpu.memref_slice %arg19[%dma_start3A_1602, %dma_start3A_1603] : memref<2x80xi32, #tpu.memory_space<vmem>> -> memref<1x80xi32, #tpu.memory_space<vmem>>
        %dma_start3A_1605 = tpu.memref_squeeze %dma_start3A_1604 : memref<1x80xi32, #tpu.memory_space<vmem>> -> memref<80xi32, #tpu.memory_space<vmem>>
        %dma_start3A_1606 = arith.constant 0 : i32
        %dma_start3A_1607 = arith.constant 0 : i32
        %dma_start3A_1608 = tpu.memref_slice %arg3[%dma_start3A_1606, %dma_start3A_1607] : memref<10000x128xf32, #tpu.memory_space<hbm>> -> memref<10000x128xf32, #tpu.memory_space<hbm>>
        tpu.enqueue_indirect_dma source(%dma_start3A_1608 : memref<10000x128xf32, #tpu.memory_space<hbm>>) target(%arg11 : memref<80x128xf32, #tpu.memory_space<vmem>>) offsets(%dma_start3A_1605 : memref<80xi32, #tpu.memory_space<vmem>>) semaphore(%arg37 : memref<!tpu.dma_semaphore, #tpu.memory_space<semaphore_mem>>)
      } else {
      }
      %add3A_1466 = arith.constant 8 : i32
      %add3A_1467 = arith.addi %add3A_1438, %add3A_1466 : i32
      %lt3A_1468 = arith.constant 125 : i32
      %lt3A_1469 = arith.cmpi slt, %add3A_1467, %lt3A_1468 : i32
      %convert_element_type3A_1470 = arith.extui %lt3A_1469 : i1 to i32
      %cond3A_1471 = arith.constant 0 : i32
      %cond3A_1472 = arith.cmpi ne, %convert_element_type3A_1470, %cond3A_1471 : i32
      scf.if %cond3A_1472 {
        %dma_start3A_1473 = arith.constant 1 : i32
        %dma_start3A_1474 = arith.constant 0 : i32
        %dma_start3A_1475 = tpu.memref_slice %arg15[%dma_start3A_1473, %dma_start3A_1474] : memref<2x80xi32, #tpu.memory_space<vmem>> -> memref<1x80xi32, #tpu.memory_space<vmem>>
        %dma_start3A_1476 = tpu.memref_squeeze %dma_start3A_1475 : memref<1x80xi32, #tpu.memory_space<vmem>> -> memref<80xi32, #tpu.memory_space<vmem>>
        %dma_start3A_1477 = arith.constant 0 : i32
        %dma_start3A_1478 = tpu.memref_slice %arg2[%add3A, %add3A_1467, %dma_start3A_1477] : memref<32x125x80xi32, #tpu.memory_space<hbm>> -> memref<1x1x80xi32, #tpu.memory_space<hbm>>
        %dma_start3A_1479 = tpu.memref_squeeze %dma_start3A_1478 : memref<1x1x80xi32, #tpu.memory_space<hbm>> -> memref<80xi32, #tpu.memory_space<hbm>>
        %dma_start3A_1480 = arith.constant 0 : i32
        %dma_start3A_1481 = tpu.memref_slice %arg15[%dma_start3A_1473, %dma_start3A_1480] : memref<2x80xi32, #tpu.memory_space<vmem>> -> memref<1x80xi32, #tpu.memory_space<vmem>>
        %dma_start3A_1482 = tpu.memref_squeeze %dma_start3A_1481 : memref<1x80xi32, #tpu.memory_space<vmem>> -> memref<80xi32, #tpu.memory_space<vmem>>
        %dma_start3A_1483 = arith.constant 0 : i32
        %dma_start3A_1484 = tpu.memref_slice %arg2[%add3A, %add3A_1467, %dma_start3A_1483] : memref<32x125x80xi32, #tpu.memory_space<hbm>> -> memref<1x1x80xi32, #tpu.memory_space<hbm>>
        %dma_start3A_1485 = tpu.memref_squeeze %dma_start3A_1484 : memref<1x1x80xi32, #tpu.memory_space<hbm>> -> memref<80xi32, #tpu.memory_space<hbm>>
        tpu.enqueue_dma source(%dma_start3A_1485 : memref<80xi32, #tpu.memory_space<hbm>>) target(%dma_start3A_1482 : memref<80xi32, #tpu.memory_space<vmem>>) target_semaphore(%arg33 : memref<!tpu.dma_semaphore, #tpu.memory_space<semaphore_mem>>)
      } else {
      }
    }
    %scan3A_833 = arith.constant 15 : i32
    %dma_wait3A_834 = arith.constant 0 : i32
    %dma_wait3A_835 = arith.constant 0 : i32
    %dma_wait3A_836 = tpu.memref_slice %arg3[%dma_wait3A_834, %dma_wait3A_835] : memref<10000x128xf32, #tpu.memory_space<hbm>> -> memref<80x128xf32, #tpu.memory_space<hbm>>
    %dma_wait3A_837 = arith.constant 0 : i32
    %dma_wait3A_838 = arith.constant 0 : i32
    %dma_wait3A_839 = tpu.memref_slice %arg3[%dma_wait3A_837, %dma_wait3A_838] : memref<10000x128xf32, #tpu.memory_space<hbm>> -> memref<80x128xf32, #tpu.memory_space<hbm>>
    tpu.wait_dma2 semaphore(%arg34 : memref<!tpu.dma_semaphore, #tpu.memory_space<semaphore_mem>>) src(%dma_wait3A_839 : memref<80x128xf32, #tpu.memory_space<hbm>>) dst(%arg8 : memref<80x128xf32, #tpu.memory_space<vmem>>)
    %dma_start3A_840 = arith.constant 0 : i32
    %dma_start3A_841 = arith.constant 0 : i32
    %dma_start3A_842 = tpu.memref_slice %arg20[%dma_start3A_840, %dma_start3A_841] : memref<2x80xi32, #tpu.memory_space<vmem>> -> memref<1x80xi32, #tpu.memory_space<vmem>>
    %dma_start3A_843 = tpu.memref_squeeze %dma_start3A_842 : memref<1x80xi32, #tpu.memory_space<vmem>> -> memref<80xi32, #tpu.memory_space<vmem>>
    %dma_start3A_844 = arith.constant 0 : i32
    %dma_start3A_845 = arith.constant 0 : i32
    %dma_start3A_846 = tpu.memref_slice %arg6[%dma_start3A_844, %dma_start3A_845] : memref<10000x128xf32, #tpu.memory_space<vmem_shared>> -> memref<10000x128xf32, #tpu.memory_space<vmem_shared>>
    tpu.enqueue_indirect_dma source(%arg8 : memref<80x128xf32, #tpu.memory_space<vmem>>) target(%dma_start3A_846 : memref<10000x128xf32, #tpu.memory_space<vmem_shared>>) offsets(%dma_start3A_843 : memref<80xi32, #tpu.memory_space<vmem>>) semaphore(%arg38 : memref<!tpu.dma_semaphore, #tpu.memory_space<semaphore_mem>>) {add = true}
    %run_scoped3A = arith.constant 0 : i32
    "tpu.region"() ({
      %run_scoped3A_1168 = tpu.sem_alloc : memref<!tpu.dma_semaphore, #tpu.memory_space<semaphore_mem>>
      %dma_start3A_1169 = arith.constant 0 : i32
      %dma_start3A_1170 = tpu.memref_slice %arg20[%run_scoped3A, %dma_start3A_1169] : memref<2x80xi32, #tpu.memory_space<vmem>> -> memref<1x80xi32, #tpu.memory_space<vmem>>
      %dma_start3A_1171 = tpu.memref_squeeze %dma_start3A_1170 : memref<1x80xi32, #tpu.memory_space<vmem>> -> memref<80xi32, #tpu.memory_space<vmem>>
      %dma_start3A_1172 = arith.constant 0 : i32
      %dma_start3A_1173 = tpu.memref_slice %arg7[%dma_start3A_1172] : memref<10240xf32, #tpu.memory_space<vmem_shared>> -> memref<10240xf32, #tpu.memory_space<vmem_shared>>
      tpu.enqueue_indirect_dma source(%arg25 : memref<80xf32, #tpu.memory_space<vmem>>) target(%dma_start3A_1173 : memref<10240xf32, #tpu.memory_space<vmem_shared>>) offsets(%dma_start3A_1171 : memref<80xi32, #tpu.memory_space<vmem>>) semaphore(%run_scoped3A_1168 : memref<!tpu.dma_semaphore, #tpu.memory_space<semaphore_mem>>) {add = true}
      %dma_wait3A_1174 = arith.constant 0 : i32
      %dma_wait3A_1175 = tpu.memref_slice %arg20[%run_scoped3A, %dma_wait3A_1174] : memref<2x80xi32, #tpu.memory_space<vmem>> -> memref<1x80xi32, #tpu.memory_space<vmem>>
      %dma_wait3A_1176 = tpu.memref_squeeze %dma_wait3A_1175 : memref<1x80xi32, #tpu.memory_space<vmem>> -> memref<80xi32, #tpu.memory_space<vmem>>
      %dma_wait3A_1177 = arith.constant 0 : i32
      %dma_wait3A_1178 = tpu.memref_slice %arg7[%dma_wait3A_1177] : memref<10240xf32, #tpu.memory_space<vmem_shared>> -> memref<10240xf32, #tpu.memory_space<vmem_shared>>
      tpu.wait_indirect_dma semaphore(%run_scoped3A_1168 : memref<!tpu.dma_semaphore, #tpu.memory_space<semaphore_mem>>) src(%arg25 : memref<80xf32, #tpu.memory_space<vmem>>) dst(%dma_wait3A_1178 : memref<10240xf32, #tpu.memory_space<vmem_shared>>)
      tpu.yield
    }) : () -> ()
    %dma_wait3A_847 = arith.constant 0 : i32
    %dma_wait3A_848 = arith.constant 0 : i32
    %dma_wait3A_849 = tpu.memref_slice %arg3[%dma_wait3A_847, %dma_wait3A_848] : memref<10000x128xf32, #tpu.memory_space<hbm>> -> memref<80x128xf32, #tpu.memory_space<hbm>>
    %dma_wait3A_850 = arith.constant 0 : i32
    %dma_wait3A_851 = arith.constant 0 : i32
    %dma_wait3A_852 = tpu.memref_slice %arg3[%dma_wait3A_850, %dma_wait3A_851] : memref<10000x128xf32, #tpu.memory_space<hbm>> -> memref<80x128xf32, #tpu.memory_space<hbm>>
    tpu.wait_dma2 semaphore(%arg38 : memref<!tpu.dma_semaphore, #tpu.memory_space<semaphore_mem>>) src(%dma_wait3A_852 : memref<80x128xf32, #tpu.memory_space<hbm>>) dst(%arg8 : memref<80x128xf32, #tpu.memory_space<vmem>>)
    %dma_wait3A_853 = arith.constant 0 : i32
    %dma_wait3A_854 = arith.constant 1 : i32
    %dma_wait3A_855 = arith.constant 0 : i32
    %dma_wait3A_856 = tpu.memref_slice %arg12[%dma_wait3A_854, %dma_wait3A_855] : memref<2x80xi32, #tpu.memory_space<vmem>> -> memref<1x80xi32, #tpu.memory_space<vmem>>
    %dma_wait3A_857 = tpu.memref_squeeze %dma_wait3A_856 : memref<1x80xi32, #tpu.memory_space<vmem>> -> memref<80xi32, #tpu.memory_space<vmem>>
    %dma_wait3A_858 = arith.constant 0 : i32
    %dma_wait3A_859 = tpu.memref_slice %arg2[%add3A, %dma_wait3A_853, %dma_wait3A_858] : memref<32x125x80xi32, #tpu.memory_space<hbm>> -> memref<1x1x80xi32, #tpu.memory_space<hbm>>
    %dma_wait3A_860 = tpu.memref_squeeze %dma_wait3A_859 : memref<1x1x80xi32, #tpu.memory_space<hbm>> -> memref<80xi32, #tpu.memory_space<hbm>>
    %dma_wait3A_861 = arith.constant 0 : i32
    %dma_wait3A_862 = tpu.memref_slice %arg12[%dma_wait3A_854, %dma_wait3A_861] : memref<2x80xi32, #tpu.memory_space<vmem>> -> memref<1x80xi32, #tpu.memory_space<vmem>>
    %dma_wait3A_863 = tpu.memref_squeeze %dma_wait3A_862 : memref<1x80xi32, #tpu.memory_space<vmem>> -> memref<80xi32, #tpu.memory_space<vmem>>
    %dma_wait3A_864 = arith.constant 0 : i32
    %dma_wait3A_865 = tpu.memref_slice %arg2[%add3A, %dma_wait3A_853, %dma_wait3A_864] : memref<32x125x80xi32, #tpu.memory_space<hbm>> -> memref<1x1x80xi32, #tpu.memory_space<hbm>>
    %dma_wait3A_866 = tpu.memref_squeeze %dma_wait3A_865 : memref<1x1x80xi32, #tpu.memory_space<hbm>> -> memref<80xi32, #tpu.memory_space<hbm>>
    tpu.wait_dma2 semaphore(%arg27 : memref<!tpu.dma_semaphore, #tpu.memory_space<semaphore_mem>>) src(%dma_wait3A_866 : memref<80xi32, #tpu.memory_space<hbm>>) dst(%dma_wait3A_863 : memref<80xi32, #tpu.memory_space<vmem>>)
    %get3A_867 = arith.constant 1 : i32
    %get3A_868 = arith.index_cast %get3A_867 : i32 to index
    %get3A_869 = arith.constant 0 : index
    %get3A_870 = tpu.vector_load %arg12[%get3A_868, %get3A_869] {strides = array<i32>} : memref<2x80xi32, #tpu.memory_space<vmem>>, vector<1x16xi32>,
    %get3A_871 = vector.shape_cast %get3A_870 : vector<1x16xi32> to vector<16xi32>
    %and3A_872 = arith.constant 16383 : i32
    %and3A_873 = vector.broadcast %and3A_872 : i32 to vector<16xi32>
    %and3A_874 = arith.andi %get3A_871, %and3A_873 : vector<16xi32>
    %swap3A_875 = arith.constant 1 : i32
    %swap3A_876 = arith.index_cast %swap3A_875 : i32 to index
    %swap3A_877 = arith.constant 0 : index
    %swap3A_878 = tpu.vector_load %arg16[%swap3A_876, %swap3A_877] {strides = array<i32>} : memref<2x80xi32, #tpu.memory_space<vmem>>, vector<1x16xi32>,
    %swap3A_879 = vector.shape_cast %swap3A_878 : vector<1x16xi32> to vector<16xi32>
    %swap3A_880 = vector.shape_cast %and3A_874 : vector<16xi32> to vector<1x16xi32>
    tpu.vector_store %arg16[%swap3A_876, %swap3A_877], %swap3A_880 {strides = array<i32>} : memref<2x80xi32, #tpu.memory_space<vmem>>, vector<1x16xi32>,
    %shift_right_arithmetic3A_881 = arith.constant 14 : i32
    %shift_right_arithmetic3A_882 = vector.broadcast %shift_right_arithmetic3A_881 : i32 to vector<16xi32>
    %shift_right_arithmetic3A_883 = arith.shrsi %get3A_871, %shift_right_arithmetic3A_882 : vector<16xi32>
    %swap3A_884 = arith.constant 1 : i32
    %swap3A_885 = arith.index_cast %swap3A_884 : i32 to index
    %swap3A_886 = arith.constant 0 : index
    %swap3A_887 = tpu.vector_load %arg20[%swap3A_885, %swap3A_886] {strides = array<i32>} : memref<2x80xi32, #tpu.memory_space<vmem>>, vector<1x16xi32>,
    %swap3A_888 = vector.shape_cast %swap3A_887 : vector<1x16xi32> to vector<16xi32>
    %swap3A_889 = vector.shape_cast %shift_right_arithmetic3A_883 : vector<16xi32> to vector<1x16xi32>
    tpu.vector_store %arg20[%swap3A_885, %swap3A_886], %swap3A_889 {strides = array<i32>} : memref<2x80xi32, #tpu.memory_space<vmem>>, vector<1x16xi32>,
    %get3A_890 = arith.constant 1 : i32
    %get3A_891 = arith.index_cast %get3A_890 : i32 to index
    %get3A_892 = arith.constant 16 : index
    %get3A_893 = tpu.vector_load %arg12[%get3A_891, %get3A_892] {strides = array<i32>} : memref<2x80xi32, #tpu.memory_space<vmem>>, vector<1x16xi32>,
    %get3A_894 = vector.shape_cast %get3A_893 : vector<1x16xi32> to vector<16xi32>
    %and3A_895 = arith.constant 16383 : i32
    %and3A_896 = vector.broadcast %and3A_895 : i32 to vector<16xi32>
    %and3A_897 = arith.andi %get3A_894, %and3A_896 : vector<16xi32>
    %swap3A_898 = arith.constant 1 : i32
    %swap3A_899 = arith.index_cast %swap3A_898 : i32 to index
    %swap3A_900 = arith.constant 16 : index
    %swap3A_901 = tpu.vector_load %arg16[%swap3A_899, %swap3A_900] {strides = array<i32>} : memref<2x80xi32, #tpu.memory_space<vmem>>, vector<1x16xi32>,
    %swap3A_902 = vector.shape_cast %swap3A_901 : vector<1x16xi32> to vector<16xi32>
    %swap3A_903 = vector.shape_cast %and3A_897 : vector<16xi32> to vector<1x16xi32>
    tpu.vector_store %arg16[%swap3A_899, %swap3A_900], %swap3A_903 {strides = array<i32>} : memref<2x80xi32, #tpu.memory_space<vmem>>, vector<1x16xi32>,
    %shift_right_arithmetic3A_904 = arith.constant 14 : i32
    %shift_right_arithmetic3A_905 = vector.broadcast %shift_right_arithmetic3A_904 : i32 to vector<16xi32>
    %shift_right_arithmetic3A_906 = arith.shrsi %get3A_894, %shift_right_arithmetic3A_905 : vector<16xi32>
    %swap3A_907 = arith.constant 1 : i32
    %swap3A_908 = arith.index_cast %swap3A_907 : i32 to index
    %swap3A_909 = arith.constant 16 : index
    %swap3A_910 = tpu.vector_load %arg20[%swap3A_908, %swap3A_909] {strides = array<i32>} : memref<2x80xi32, #tpu.memory_space<vmem>>, vector<1x16xi32>,
    %swap3A_911 = vector.shape_cast %swap3A_910 : vector<1x16xi32> to vector<16xi32>
    %swap3A_912 = vector.shape_cast %shift_right_arithmetic3A_906 : vector<16xi32> to vector<1x16xi32>
    tpu.vector_store %arg20[%swap3A_908, %swap3A_909], %swap3A_912 {strides = array<i32>} : memref<2x80xi32, #tpu.memory_space<vmem>>, vector<1x16xi32>,
    %get3A_913 = arith.constant 1 : i32
    %get3A_914 = arith.index_cast %get3A_913 : i32 to index
    %get3A_915 = arith.constant 32 : index
    %get3A_916 = tpu.vector_load %arg12[%get3A_914, %get3A_915] {strides = array<i32>} : memref<2x80xi32, #tpu.memory_space<vmem>>, vector<1x16xi32>,
    %get3A_917 = vector.shape_cast %get3A_916 : vector<1x16xi32> to vector<16xi32>
    %and3A_918 = arith.constant 16383 : i32
    %and3A_919 = vector.broadcast %and3A_918 : i32 to vector<16xi32>
    %and3A_920 = arith.andi %get3A_917, %and3A_919 : vector<16xi32>
    %swap3A_921 = arith.constant 1 : i32
    %swap3A_922 = arith.index_cast %swap3A_921 : i32 to index
    %swap3A_923 = arith.constant 32 : index
    %swap3A_924 = tpu.vector_load %arg16[%swap3A_922, %swap3A_923] {strides = array<i32>} : memref<2x80xi32, #tpu.memory_space<vmem>>, vector<1x16xi32>,
    %swap3A_925 = vector.shape_cast %swap3A_924 : vector<1x16xi32> to vector<16xi32>
    %swap3A_926 = vector.shape_cast %and3A_920 : vector<16xi32> to vector<1x16xi32>
    tpu.vector_store %arg16[%swap3A_922, %swap3A_923], %swap3A_926 {strides = array<i32>} : memref<2x80xi32, #tpu.memory_space<vmem>>, vector<1x16xi32>,
    %shift_right_arithmetic3A_927 = arith.constant 14 : i32
    %shift_right_arithmetic3A_928 = vector.broadcast %shift_right_arithmetic3A_927 : i32 to vector<16xi32>
    %shift_right_arithmetic3A_929 = arith.shrsi %get3A_917, %shift_right_arithmetic3A_928 : vector<16xi32>
    %swap3A_930 = arith.constant 1 : i32
    %swap3A_931 = arith.index_cast %swap3A_930 : i32 to index
    %swap3A_932 = arith.constant 32 : index
    %swap3A_933 = tpu.vector_load %arg20[%swap3A_931, %swap3A_932] {strides = array<i32>} : memref<2x80xi32, #tpu.memory_space<vmem>>, vector<1x16xi32>,
    %swap3A_934 = vector.shape_cast %swap3A_933 : vector<1x16xi32> to vector<16xi32>
    %swap3A_935 = vector.shape_cast %shift_right_arithmetic3A_929 : vector<16xi32> to vector<1x16xi32>
    tpu.vector_store %arg20[%swap3A_931, %swap3A_932], %swap3A_935 {strides = array<i32>} : memref<2x80xi32, #tpu.memory_space<vmem>>, vector<1x16xi32>,
    %get3A_936 = arith.constant 1 : i32
    %get3A_937 = arith.index_cast %get3A_936 : i32 to index
    %get3A_938 = arith.constant 48 : index
    %get3A_939 = tpu.vector_load %arg12[%get3A_937, %get3A_938] {strides = array<i32>} : memref<2x80xi32, #tpu.memory_space<vmem>>, vector<1x16xi32>,
    %get3A_940 = vector.shape_cast %get3A_939 : vector<1x16xi32> to vector<16xi32>
    %and3A_941 = arith.constant 16383 : i32
    %and3A_942 = vector.broadcast %and3A_941 : i32 to vector<16xi32>
    %and3A_943 = arith.andi %get3A_940, %and3A_942 : vector<16xi32>
    %swap3A_944 = arith.constant 1 : i32
    %swap3A_945 = arith.index_cast %swap3A_944 : i32 to index
    %swap3A_946 = arith.constant 48 : index
    %swap3A_947 = tpu.vector_load %arg16[%swap3A_945, %swap3A_946] {strides = array<i32>} : memref<2x80xi32, #tpu.memory_space<vmem>>, vector<1x16xi32>,
    %swap3A_948 = vector.shape_cast %swap3A_947 : vector<1x16xi32> to vector<16xi32>
    %swap3A_949 = vector.shape_cast %and3A_943 : vector<16xi32> to vector<1x16xi32>
    tpu.vector_store %arg16[%swap3A_945, %swap3A_946], %swap3A_949 {strides = array<i32>} : memref<2x80xi32, #tpu.memory_space<vmem>>, vector<1x16xi32>,
    %shift_right_arithmetic3A_950 = arith.constant 14 : i32
    %shift_right_arithmetic3A_951 = vector.broadcast %shift_right_arithmetic3A_950 : i32 to vector<16xi32>
    %shift_right_arithmetic3A_952 = arith.shrsi %get3A_940, %shift_right_arithmetic3A_951 : vector<16xi32>
    %swap3A_953 = arith.constant 1 : i32
    %swap3A_954 = arith.index_cast %swap3A_953 : i32 to index
    %swap3A_955 = arith.constant 48 : index
    %swap3A_956 = tpu.vector_load %arg20[%swap3A_954, %swap3A_955] {strides = array<i32>} : memref<2x80xi32, #tpu.memory_space<vmem>>, vector<1x16xi32>,
    %swap3A_957 = vector.shape_cast %swap3A_956 : vector<1x16xi32> to vector<16xi32>
    %swap3A_958 = vector.shape_cast %shift_right_arithmetic3A_952 : vector<16xi32> to vector<1x16xi32>
    tpu.vector_store %arg20[%swap3A_954, %swap3A_955], %swap3A_958 {strides = array<i32>} : memref<2x80xi32, #tpu.memory_space<vmem>>, vector<1x16xi32>,
    %get3A_959 = arith.constant 1 : i32
    %get3A_960 = arith.index_cast %get3A_959 : i32 to index
    %get3A_961 = arith.constant 64 : index
    %get3A_962 = tpu.vector_load %arg12[%get3A_960, %get3A_961] {strides = array<i32>} : memref<2x80xi32, #tpu.memory_space<vmem>>, vector<1x16xi32>,
    %get3A_963 = vector.shape_cast %get3A_962 : vector<1x16xi32> to vector<16xi32>
    %and3A_964 = arith.constant 16383 : i32
    %and3A_965 = vector.broadcast %and3A_964 : i32 to vector<16xi32>
    %and3A_966 = arith.andi %get3A_963, %and3A_965 : vector<16xi32>
    %swap3A_967 = arith.constant 1 : i32
    %swap3A_968 = arith.index_cast %swap3A_967 : i32 to index
    %swap3A_969 = arith.constant 64 : index
    %swap3A_970 = tpu.vector_load %arg16[%swap3A_968, %swap3A_969] {strides = array<i32>} : memref<2x80xi32, #tpu.memory_space<vmem>>, vector<1x16xi32>,
    %swap3A_971 = vector.shape_cast %swap3A_970 : vector<1x16xi32> to vector<16xi32>
    %swap3A_972 = vector.shape_cast %and3A_966 : vector<16xi32> to vector<1x16xi32>
    tpu.vector_store %arg16[%swap3A_968, %swap3A_969], %swap3A_972 {strides = array<i32>} : memref<2x80xi32, #tpu.memory_space<vmem>>, vector<1x16xi32>,
    %shift_right_arithmetic3A_973 = arith.constant 14 : i32
    %shift_right_arithmetic3A_974 = vector.broadcast %shift_right_arithmetic3A_973 : i32 to vector<16xi32>
    %shift_right_arithmetic3A_975 = arith.shrsi %get3A_963, %shift_right_arithmetic3A_974 : vector<16xi32>
    %swap3A_976 = arith.constant 1 : i32
    %swap3A_977 = arith.index_cast %swap3A_976 : i32 to index
    %swap3A_978 = arith.constant 64 : index
    %swap3A_979 = tpu.vector_load %arg20[%swap3A_977, %swap3A_978] {strides = array<i32>} : memref<2x80xi32, #tpu.memory_space<vmem>>, vector<1x16xi32>,
    %swap3A_980 = vector.shape_cast %swap3A_979 : vector<1x16xi32> to vector<16xi32>
    %swap3A_981 = vector.shape_cast %shift_right_arithmetic3A_975 : vector<16xi32> to vector<1x16xi32>
    tpu.vector_store %arg20[%swap3A_977, %swap3A_978], %swap3A_981 {strides = array<i32>} : memref<2x80xi32, #tpu.memory_space<vmem>>, vector<1x16xi32>,
    %dma_start3A_982 = arith.constant 1 : i32
    %dma_start3A_983 = arith.constant 0 : i32
    %dma_start3A_984 = tpu.memref_slice %arg16[%dma_start3A_982, %dma_start3A_983] : memref<2x80xi32, #tpu.memory_space<vmem>> -> memref<1x80xi32, #tpu.memory_space<vmem>>
    %dma_start3A_985 = tpu.memref_squeeze %dma_start3A_984 : memref<1x80xi32, #tpu.memory_space<vmem>> -> memref<80xi32, #tpu.memory_space<vmem>>
    %dma_start3A_986 = arith.constant 0 : i32
    %dma_start3A_987 = arith.constant 0 : i32
    %dma_start3A_988 = tpu.memref_slice %arg3[%dma_start3A_986, %dma_start3A_987] : memref<10000x128xf32, #tpu.memory_space<hbm>> -> memref<10000x128xf32, #tpu.memory_space<hbm>>
    tpu.enqueue_indirect_dma source(%dma_start3A_988 : memref<10000x128xf32, #tpu.memory_space<hbm>>) target(%arg8 : memref<80x128xf32, #tpu.memory_space<vmem>>) offsets(%dma_start3A_985 : memref<80xi32, #tpu.memory_space<vmem>>) semaphore(%arg34 : memref<!tpu.dma_semaphore, #tpu.memory_space<semaphore_mem>>)
    %dma_wait3A_989 = arith.constant 0 : i32
    %dma_wait3A_990 = arith.constant 0 : i32
    %dma_wait3A_991 = tpu.memref_slice %arg3[%dma_wait3A_989, %dma_wait3A_990] : memref<10000x128xf32, #tpu.memory_space<hbm>> -> memref<80x128xf32, #tpu.memory_space<hbm>>
    %dma_wait3A_992 = arith.constant 0 : i32
    %dma_wait3A_993 = arith.constant 0 : i32
    %dma_wait3A_994 = tpu.memref_slice %arg3[%dma_wait3A_992, %dma_wait3A_993] : memref<10000x128xf32, #tpu.memory_space<hbm>> -> memref<80x128xf32, #tpu.memory_space<hbm>>
    tpu.wait_dma2 semaphore(%arg35 : memref<!tpu.dma_semaphore, #tpu.memory_space<semaphore_mem>>) src(%dma_wait3A_994 : memref<80x128xf32, #tpu.memory_space<hbm>>) dst(%arg9 : memref<80x128xf32, #tpu.memory_space<vmem>>)
    %dma_start3A_995 = arith.constant 0 : i32
    %dma_start3A_996 = arith.constant 0 : i32
    %dma_start3A_997 = tpu.memref_slice %arg21[%dma_start3A_995, %dma_start3A_996] : memref<2x80xi32, #tpu.memory_space<vmem>> -> memref<1x80xi32, #tpu.memory_space<vmem>>
    %dma_start3A_998 = tpu.memref_squeeze %dma_start3A_997 : memref<1x80xi32, #tpu.memory_space<vmem>> -> memref<80xi32, #tpu.memory_space<vmem>>
    %dma_start3A_999 = arith.constant 0 : i32
    %dma_start3A_1000 = arith.constant 0 : i32
    %dma_start3A_1001 = tpu.memref_slice %arg6[%dma_start3A_999, %dma_start3A_1000] : memref<10000x128xf32, #tpu.memory_space<vmem_shared>> -> memref<10000x128xf32, #tpu.memory_space<vmem_shared>>
    tpu.enqueue_indirect_dma source(%arg9 : memref<80x128xf32, #tpu.memory_space<vmem>>) target(%dma_start3A_1001 : memref<10000x128xf32, #tpu.memory_space<vmem_shared>>) offsets(%dma_start3A_998 : memref<80xi32, #tpu.memory_space<vmem>>) semaphore(%arg39 : memref<!tpu.dma_semaphore, #tpu.memory_space<semaphore_mem>>) {add = true}
    %run_scoped3A_1002 = arith.constant 0 : i32
    "tpu.region"() ({
      %run_scoped3A_1168 = tpu.sem_alloc : memref<!tpu.dma_semaphore, #tpu.memory_space<semaphore_mem>>
      %dma_start3A_1169 = arith.constant 0 : i32
      %dma_start3A_1170 = tpu.memref_slice %arg21[%run_scoped3A_1002, %dma_start3A_1169] : memref<2x80xi32, #tpu.memory_space<vmem>> -> memref<1x80xi32, #tpu.memory_space<vmem>>
      %dma_start3A_1171 = tpu.memref_squeeze %dma_start3A_1170 : memref<1x80xi32, #tpu.memory_space<vmem>> -> memref<80xi32, #tpu.memory_space<vmem>>
      %dma_start3A_1172 = arith.constant 0 : i32
      %dma_start3A_1173 = tpu.memref_slice %arg7[%dma_start3A_1172] : memref<10240xf32, #tpu.memory_space<vmem_shared>> -> memref<10240xf32, #tpu.memory_space<vmem_shared>>
      tpu.enqueue_indirect_dma source(%arg25 : memref<80xf32, #tpu.memory_space<vmem>>) target(%dma_start3A_1173 : memref<10240xf32, #tpu.memory_space<vmem_shared>>) offsets(%dma_start3A_1171 : memref<80xi32, #tpu.memory_space<vmem>>) semaphore(%run_scoped3A_1168 : memref<!tpu.dma_semaphore, #tpu.memory_space<semaphore_mem>>) {add = true}
      %dma_wait3A_1174 = arith.constant 0 : i32
      %dma_wait3A_1175 = tpu.memref_slice %arg21[%run_scoped3A_1002, %dma_wait3A_1174] : memref<2x80xi32, #tpu.memory_space<vmem>> -> memref<1x80xi32, #tpu.memory_space<vmem>>
      %dma_wait3A_1176 = tpu.memref_squeeze %dma_wait3A_1175 : memref<1x80xi32, #tpu.memory_space<vmem>> -> memref<80xi32, #tpu.memory_space<vmem>>
      %dma_wait3A_1177 = arith.constant 0 : i32
      %dma_wait3A_1178 = tpu.memref_slice %arg7[%dma_wait3A_1177] : memref<10240xf32, #tpu.memory_space<vmem_shared>> -> memref<10240xf32, #tpu.memory_space<vmem_shared>>
      tpu.wait_indirect_dma semaphore(%run_scoped3A_1168 : memref<!tpu.dma_semaphore, #tpu.memory_space<semaphore_mem>>) src(%arg25 : memref<80xf32, #tpu.memory_space<vmem>>) dst(%dma_wait3A_1178 : memref<10240xf32, #tpu.memory_space<vmem_shared>>)
      tpu.yield
    }) : () -> ()
    %dma_wait3A_1003 = arith.constant 0 : i32
    %dma_wait3A_1004 = arith.constant 0 : i32
    %dma_wait3A_1005 = tpu.memref_slice %arg3[%dma_wait3A_1003, %dma_wait3A_1004] : memref<10000x128xf32, #tpu.memory_space<hbm>> -> memref<80x128xf32, #tpu.memory_space<hbm>>
    %dma_wait3A_1006 = arith.constant 0 : i32
    %dma_wait3A_1007 = arith.constant 0 : i32
    %dma_wait3A_1008 = tpu.memref_slice %arg3[%dma_wait3A_1006, %dma_wait3A_1007] : memref<10000x128xf32, #tpu.memory_space<hbm>> -> memref<80x128xf32, #tpu.memory_space<hbm>>
    tpu.wait_dma2 semaphore(%arg39 : memref<!tpu.dma_semaphore, #tpu.memory_space<semaphore_mem>>) src(%dma_wait3A_1008 : memref<80x128xf32, #tpu.memory_space<hbm>>) dst(%arg9 : memref<80x128xf32, #tpu.memory_space<vmem>>)
    %dma_wait3A_1009 = arith.constant 0 : i32
    %dma_wait3A_1010 = arith.constant 0 : i32
    %dma_wait3A_1011 = tpu.memref_slice %arg3[%dma_wait3A_1009, %dma_wait3A_1010] : memref<10000x128xf32, #tpu.memory_space<hbm>> -> memref<80x128xf32, #tpu.memory_space<hbm>>
    %dma_wait3A_1012 = arith.constant 0 : i32
    %dma_wait3A_1013 = arith.constant 0 : i32
    %dma_wait3A_1014 = tpu.memref_slice %arg3[%dma_wait3A_1012, %dma_wait3A_1013] : memref<10000x128xf32, #tpu.memory_space<hbm>> -> memref<80x128xf32, #tpu.memory_space<hbm>>
    tpu.wait_dma2 semaphore(%arg36 : memref<!tpu.dma_semaphore, #tpu.memory_space<semaphore_mem>>) src(%dma_wait3A_1014 : memref<80x128xf32, #tpu.memory_space<hbm>>) dst(%arg10 : memref<80x128xf32, #tpu.memory_space<vmem>>)
    %dma_start3A_1015 = arith.constant 0 : i32
    %dma_start3A_1016 = arith.constant 0 : i32
    %dma_start3A_1017 = tpu.memref_slice %arg22[%dma_start3A_1015, %dma_start3A_1016] : memref<2x80xi32, #tpu.memory_space<vmem>> -> memref<1x80xi32, #tpu.memory_space<vmem>>
    %dma_start3A_1018 = tpu.memref_squeeze %dma_start3A_1017 : memref<1x80xi32, #tpu.memory_space<vmem>> -> memref<80xi32, #tpu.memory_space<vmem>>
    %dma_start3A_1019 = arith.constant 0 : i32
    %dma_start3A_1020 = arith.constant 0 : i32
    %dma_start3A_1021 = tpu.memref_slice %arg6[%dma_start3A_1019, %dma_start3A_1020] : memref<10000x128xf32, #tpu.memory_space<vmem_shared>> -> memref<10000x128xf32, #tpu.memory_space<vmem_shared>>
    tpu.enqueue_indirect_dma source(%arg10 : memref<80x128xf32, #tpu.memory_space<vmem>>) target(%dma_start3A_1021 : memref<10000x128xf32, #tpu.memory_space<vmem_shared>>) offsets(%dma_start3A_1018 : memref<80xi32, #tpu.memory_space<vmem>>) semaphore(%arg40 : memref<!tpu.dma_semaphore, #tpu.memory_space<semaphore_mem>>) {add = true}
    %run_scoped3A_1022 = arith.constant 0 : i32
    "tpu.region"() ({
      %run_scoped3A_1168 = tpu.sem_alloc : memref<!tpu.dma_semaphore, #tpu.memory_space<semaphore_mem>>
      %dma_start3A_1169 = arith.constant 0 : i32
      %dma_start3A_1170 = tpu.memref_slice %arg22[%run_scoped3A_1022, %dma_start3A_1169] : memref<2x80xi32, #tpu.memory_space<vmem>> -> memref<1x80xi32, #tpu.memory_space<vmem>>
      %dma_start3A_1171 = tpu.memref_squeeze %dma_start3A_1170 : memref<1x80xi32, #tpu.memory_space<vmem>> -> memref<80xi32, #tpu.memory_space<vmem>>
      %dma_start3A_1172 = arith.constant 0 : i32
      %dma_start3A_1173 = tpu.memref_slice %arg7[%dma_start3A_1172] : memref<10240xf32, #tpu.memory_space<vmem_shared>> -> memref<10240xf32, #tpu.memory_space<vmem_shared>>
      tpu.enqueue_indirect_dma source(%arg25 : memref<80xf32, #tpu.memory_space<vmem>>) target(%dma_start3A_1173 : memref<10240xf32, #tpu.memory_space<vmem_shared>>) offsets(%dma_start3A_1171 : memref<80xi32, #tpu.memory_space<vmem>>) semaphore(%run_scoped3A_1168 : memref<!tpu.dma_semaphore, #tpu.memory_space<semaphore_mem>>) {add = true}
      %dma_wait3A_1174 = arith.constant 0 : i32
      %dma_wait3A_1175 = tpu.memref_slice %arg22[%run_scoped3A_1022, %dma_wait3A_1174] : memref<2x80xi32, #tpu.memory_space<vmem>> -> memref<1x80xi32, #tpu.memory_space<vmem>>
      %dma_wait3A_1176 = tpu.memref_squeeze %dma_wait3A_1175 : memref<1x80xi32, #tpu.memory_space<vmem>> -> memref<80xi32, #tpu.memory_space<vmem>>
      %dma_wait3A_1177 = arith.constant 0 : i32
      %dma_wait3A_1178 = tpu.memref_slice %arg7[%dma_wait3A_1177] : memref<10240xf32, #tpu.memory_space<vmem_shared>> -> memref<10240xf32, #tpu.memory_space<vmem_shared>>
      tpu.wait_indirect_dma semaphore(%run_scoped3A_1168 : memref<!tpu.dma_semaphore, #tpu.memory_space<semaphore_mem>>) src(%arg25 : memref<80xf32, #tpu.memory_space<vmem>>) dst(%dma_wait3A_1178 : memref<10240xf32, #tpu.memory_space<vmem_shared>>)
      tpu.yield
    }) : () -> ()
    %dma_wait3A_1023 = arith.constant 0 : i32
    %dma_wait3A_1024 = arith.constant 0 : i32
    %dma_wait3A_1025 = tpu.memref_slice %arg3[%dma_wait3A_1023, %dma_wait3A_1024] : memref<10000x128xf32, #tpu.memory_space<hbm>> -> memref<80x128xf32, #tpu.memory_space<hbm>>
    %dma_wait3A_1026 = arith.constant 0 : i32
    %dma_wait3A_1027 = arith.constant 0 : i32
    %dma_wait3A_1028 = tpu.memref_slice %arg3[%dma_wait3A_1026, %dma_wait3A_1027] : memref<10000x128xf32, #tpu.memory_space<hbm>> -> memref<80x128xf32, #tpu.memory_space<hbm>>
    tpu.wait_dma2 semaphore(%arg40 : memref<!tpu.dma_semaphore, #tpu.memory_space<semaphore_mem>>) src(%dma_wait3A_1028 : memref<80x128xf32, #tpu.memory_space<hbm>>) dst(%arg10 : memref<80x128xf32, #tpu.memory_space<vmem>>)
    %dma_wait3A_1029 = arith.constant 0 : i32
    %dma_wait3A_1030 = arith.constant 0 : i32
    %dma_wait3A_1031 = tpu.memref_slice %arg3[%dma_wait3A_1029, %dma_wait3A_1030] : memref<10000x128xf32, #tpu.memory_space<hbm>> -> memref<80x128xf32, #tpu.memory_space<hbm>>
    %dma_wait3A_1032 = arith.constant 0 : i32
    %dma_wait3A_1033 = arith.constant 0 : i32
    %dma_wait3A_1034 = tpu.memref_slice %arg3[%dma_wait3A_1032, %dma_wait3A_1033] : memref<10000x128xf32, #tpu.memory_space<hbm>> -> memref<80x128xf32, #tpu.memory_space<hbm>>
    tpu.wait_dma2 semaphore(%arg37 : memref<!tpu.dma_semaphore, #tpu.memory_space<semaphore_mem>>) src(%dma_wait3A_1034 : memref<80x128xf32, #tpu.memory_space<hbm>>) dst(%arg11 : memref<80x128xf32, #tpu.memory_space<vmem>>)
    %dma_start3A_1035 = arith.constant 0 : i32
    %dma_start3A_1036 = arith.constant 0 : i32
    %dma_start3A_1037 = tpu.memref_slice %arg23[%dma_start3A_1035, %dma_start3A_1036] : memref<2x80xi32, #tpu.memory_space<vmem>> -> memref<1x80xi32, #tpu.memory_space<vmem>>
    %dma_start3A_1038 = tpu.memref_squeeze %dma_start3A_1037 : memref<1x80xi32, #tpu.memory_space<vmem>> -> memref<80xi32, #tpu.memory_space<vmem>>
    %dma_start3A_1039 = arith.constant 0 : i32
    %dma_start3A_1040 = arith.constant 0 : i32
    %dma_start3A_1041 = tpu.memref_slice %arg6[%dma_start3A_1039, %dma_start3A_1040] : memref<10000x128xf32, #tpu.memory_space<vmem_shared>> -> memref<10000x128xf32, #tpu.memory_space<vmem_shared>>
    tpu.enqueue_indirect_dma source(%arg11 : memref<80x128xf32, #tpu.memory_space<vmem>>) target(%dma_start3A_1041 : memref<10000x128xf32, #tpu.memory_space<vmem_shared>>) offsets(%dma_start3A_1038 : memref<80xi32, #tpu.memory_space<vmem>>) semaphore(%arg41 : memref<!tpu.dma_semaphore, #tpu.memory_space<semaphore_mem>>) {add = true}
    %run_scoped3A_1042 = arith.constant 0 : i32
    "tpu.region"() ({
      %run_scoped3A_1168 = tpu.sem_alloc : memref<!tpu.dma_semaphore, #tpu.memory_space<semaphore_mem>>
      %dma_start3A_1169 = arith.constant 0 : i32
      %dma_start3A_1170 = tpu.memref_slice %arg23[%run_scoped3A_1042, %dma_start3A_1169] : memref<2x80xi32, #tpu.memory_space<vmem>> -> memref<1x80xi32, #tpu.memory_space<vmem>>
      %dma_start3A_1171 = tpu.memref_squeeze %dma_start3A_1170 : memref<1x80xi32, #tpu.memory_space<vmem>> -> memref<80xi32, #tpu.memory_space<vmem>>
      %dma_start3A_1172 = arith.constant 0 : i32
      %dma_start3A_1173 = tpu.memref_slice %arg7[%dma_start3A_1172] : memref<10240xf32, #tpu.memory_space<vmem_shared>> -> memref<10240xf32, #tpu.memory_space<vmem_shared>>
      tpu.enqueue_indirect_dma source(%arg25 : memref<80xf32, #tpu.memory_space<vmem>>) target(%dma_start3A_1173 : memref<10240xf32, #tpu.memory_space<vmem_shared>>) offsets(%dma_start3A_1171 : memref<80xi32, #tpu.memory_space<vmem>>) semaphore(%run_scoped3A_1168 : memref<!tpu.dma_semaphore, #tpu.memory_space<semaphore_mem>>) {add = true}
      %dma_wait3A_1174 = arith.constant 0 : i32
      %dma_wait3A_1175 = tpu.memref_slice %arg23[%run_scoped3A_1042, %dma_wait3A_1174] : memref<2x80xi32, #tpu.memory_space<vmem>> -> memref<1x80xi32, #tpu.memory_space<vmem>>
      %dma_wait3A_1176 = tpu.memref_squeeze %dma_wait3A_1175 : memref<1x80xi32, #tpu.memory_space<vmem>> -> memref<80xi32, #tpu.memory_space<vmem>>
      %dma_wait3A_1177 = arith.constant 0 : i32
      %dma_wait3A_1178 = tpu.memref_slice %arg7[%dma_wait3A_1177] : memref<10240xf32, #tpu.memory_space<vmem_shared>> -> memref<10240xf32, #tpu.memory_space<vmem_shared>>
      tpu.wait_indirect_dma semaphore(%run_scoped3A_1168 : memref<!tpu.dma_semaphore, #tpu.memory_space<semaphore_mem>>) src(%arg25 : memref<80xf32, #tpu.memory_space<vmem>>) dst(%dma_wait3A_1178 : memref<10240xf32, #tpu.memory_space<vmem_shared>>)
      tpu.yield
    }) : () -> ()
    %dma_wait3A_1043 = arith.constant 0 : i32
    %dma_wait3A_1044 = arith.constant 0 : i32
    %dma_wait3A_1045 = tpu.memref_slice %arg3[%dma_wait3A_1043, %dma_wait3A_1044] : memref<10000x128xf32, #tpu.memory_space<hbm>> -> memref<80x128xf32, #tpu.memory_space<hbm>>
    %dma_wait3A_1046 = arith.constant 0 : i32
    %dma_wait3A_1047 = arith.constant 0 : i32
    %dma_wait3A_1048 = tpu.memref_slice %arg3[%dma_wait3A_1046, %dma_wait3A_1047] : memref<10000x128xf32, #tpu.memory_space<hbm>> -> memref<80x128xf32, #tpu.memory_space<hbm>>
    tpu.wait_dma2 semaphore(%arg41 : memref<!tpu.dma_semaphore, #tpu.memory_space<semaphore_mem>>) src(%dma_wait3A_1048 : memref<80x128xf32, #tpu.memory_space<hbm>>) dst(%arg11 : memref<80x128xf32, #tpu.memory_space<vmem>>)
    %dma_wait3A_1049 = arith.constant 0 : i32
    %dma_wait3A_1050 = arith.constant 0 : i32
    %dma_wait3A_1051 = tpu.memref_slice %arg3[%dma_wait3A_1049, %dma_wait3A_1050] : memref<10000x128xf32, #tpu.memory_space<hbm>> -> memref<80x128xf32, #tpu.memory_space<hbm>>
    %dma_wait3A_1052 = arith.constant 0 : i32
    %dma_wait3A_1053 = arith.constant 0 : i32
    %dma_wait3A_1054 = tpu.memref_slice %arg3[%dma_wait3A_1052, %dma_wait3A_1053] : memref<10000x128xf32, #tpu.memory_space<hbm>> -> memref<80x128xf32, #tpu.memory_space<hbm>>
    tpu.wait_dma2 semaphore(%arg34 : memref<!tpu.dma_semaphore, #tpu.memory_space<semaphore_mem>>) src(%dma_wait3A_1054 : memref<80x128xf32, #tpu.memory_space<hbm>>) dst(%arg8 : memref<80x128xf32, #tpu.memory_space<vmem>>)
    %dma_start3A_1055 = arith.constant 1 : i32
    %dma_start3A_1056 = arith.constant 0 : i32
    %dma_start3A_1057 = tpu.memref_slice %arg20[%dma_start3A_1055, %dma_start3A_1056] : memref<2x80xi32, #tpu.memory_space<vmem>> -> memref<1x80xi32, #tpu.memory_space<vmem>>
    %dma_start3A_1058 = tpu.memref_squeeze %dma_start3A_1057 : memref<1x80xi32, #tpu.memory_space<vmem>> -> memref<80xi32, #tpu.memory_space<vmem>>
    %dma_start3A_1059 = arith.constant 0 : i32
    %dma_start3A_1060 = arith.constant 0 : i32
    %dma_start3A_1061 = tpu.memref_slice %arg6[%dma_start3A_1059, %dma_start3A_1060] : memref<10000x128xf32, #tpu.memory_space<vmem_shared>> -> memref<10000x128xf32, #tpu.memory_space<vmem_shared>>
    tpu.enqueue_indirect_dma source(%arg8 : memref<80x128xf32, #tpu.memory_space<vmem>>) target(%dma_start3A_1061 : memref<10000x128xf32, #tpu.memory_space<vmem_shared>>) offsets(%dma_start3A_1058 : memref<80xi32, #tpu.memory_space<vmem>>) semaphore(%arg38 : memref<!tpu.dma_semaphore, #tpu.memory_space<semaphore_mem>>) {add = true}
    %run_scoped3A_1062 = arith.constant 1 : i32
    "tpu.region"() ({
      %run_scoped3A_1168 = tpu.sem_alloc : memref<!tpu.dma_semaphore, #tpu.memory_space<semaphore_mem>>
      %dma_start3A_1169 = arith.constant 0 : i32
      %dma_start3A_1170 = tpu.memref_slice %arg20[%run_scoped3A_1062, %dma_start3A_1169] : memref<2x80xi32, #tpu.memory_space<vmem>> -> memref<1x80xi32, #tpu.memory_space<vmem>>
      %dma_start3A_1171 = tpu.memref_squeeze %dma_start3A_1170 : memref<1x80xi32, #tpu.memory_space<vmem>> -> memref<80xi32, #tpu.memory_space<vmem>>
      %dma_start3A_1172 = arith.constant 0 : i32
      %dma_start3A_1173 = tpu.memref_slice %arg7[%dma_start3A_1172] : memref<10240xf32, #tpu.memory_space<vmem_shared>> -> memref<10240xf32, #tpu.memory_space<vmem_shared>>
      tpu.enqueue_indirect_dma source(%arg25 : memref<80xf32, #tpu.memory_space<vmem>>) target(%dma_start3A_1173 : memref<10240xf32, #tpu.memory_space<vmem_shared>>) offsets(%dma_start3A_1171 : memref<80xi32, #tpu.memory_space<vmem>>) semaphore(%run_scoped3A_1168 : memref<!tpu.dma_semaphore, #tpu.memory_space<semaphore_mem>>) {add = true}
      %dma_wait3A_1174 = arith.constant 0 : i32
      %dma_wait3A_1175 = tpu.memref_slice %arg20[%run_scoped3A_1062, %dma_wait3A_1174] : memref<2x80xi32, #tpu.memory_space<vmem>> -> memref<1x80xi32, #tpu.memory_space<vmem>>
      %dma_wait3A_1176 = tpu.memref_squeeze %dma_wait3A_1175 : memref<1x80xi32, #tpu.memory_space<vmem>> -> memref<80xi32, #tpu.memory_space<vmem>>
      %dma_wait3A_1177 = arith.constant 0 : i32
      %dma_wait3A_1178 = tpu.memref_slice %arg7[%dma_wait3A_1177] : memref<10240xf32, #tpu.memory_space<vmem_shared>> -> memref<10240xf32, #tpu.memory_space<vmem_shared>>
      tpu.wait_indirect_dma semaphore(%run_scoped3A_1168 : memref<!tpu.dma_semaphore, #tpu.memory_space<semaphore_mem>>) src(%arg25 : memref<80xf32, #tpu.memory_space<vmem>>) dst(%dma_wait3A_1178 : memref<10240xf32, #tpu.memory_space<vmem_shared>>)
      tpu.yield
    }) : () -> ()
    %dma_wait3A_1063 = arith.constant 0 : i32
    %dma_wait3A_1064 = arith.constant 0 : i32
    %dma_wait3A_1065 = tpu.memref_slice %arg3[%dma_wait3A_1063, %dma_wait3A_1064] : memref<10000x128xf32, #tpu.memory_space<hbm>> -> memref<80x128xf32, #tpu.memory_space<hbm>>
    %dma_wait3A_1066 = arith.constant 0 : i32
    %dma_wait3A_1067 = arith.constant 0 : i32
    %dma_wait3A_1068 = tpu.memref_slice %arg3[%dma_wait3A_1066, %dma_wait3A_1067] : memref<10000x128xf32, #tpu.memory_space<hbm>> -> memref<80x128xf32, #tpu.memory_space<hbm>>
    tpu.wait_dma2 semaphore(%arg38 : memref<!tpu.dma_semaphore, #tpu.memory_space<semaphore_mem>>) src(%dma_wait3A_1068 : memref<80x128xf32, #tpu.memory_space<hbm>>) dst(%arg8 : memref<80x128xf32, #tpu.memory_space<vmem>>)
    %barrier3A_1069 = arith.constant 0 : index
    tpu.barrier barrier_id(%barrier3A_1069)
    %mul3A_1070 = arith.constant 640 : i32
    %mul3A_1071 = arith.muli %arg1, %mul3A_1070 : i32
    %add3A_1072 = arith.constant 0 : i32
    %add3A_1073 = arith.addi %mul3A_1071, %add3A_1072 : i32
    %lt3A_1074 = arith.constant 10000 : i32
    %lt3A_1075 = arith.cmpi slt, %add3A_1073, %lt3A_1074 : i32
    %convert_element_type3A_1076 = arith.extui %lt3A_1075 : i1 to i32
    %cond3A_1077 = arith.constant 0 : i32
    %cond3A_1078 = arith.cmpi ne, %convert_element_type3A_1076, %cond3A_1077 : i32
    scf.if %cond3A_1078 {
      "tpu.region"() ({
        %run_scoped3A_1174 = tpu.sem_alloc : memref<!tpu.dma_semaphore, #tpu.memory_space<semaphore_mem>>
        %dma_start3A_1175 = arith.constant 0 : i32
        %dma_start3A_1176 = tpu.memref_slice %arg6[%add3A_1073, %dma_start3A_1175] : memref<10000x128xf32, #tpu.memory_space<vmem_shared>> -> memref<80x128xf32, #tpu.memory_space<vmem_shared>>
        %dma_start3A_1177 = arith.constant 0 : i32
        %dma_start3A_1178 = tpu.memref_slice %arg6[%add3A_1073, %dma_start3A_1177] : memref<10000x128xf32, #tpu.memory_space<vmem_shared>> -> memref<80x128xf32, #tpu.memory_space<vmem_shared>>
        tpu.enqueue_dma source(%dma_start3A_1178 : memref<80x128xf32, #tpu.memory_space<vmem_shared>>) target(%arg8 : memref<80x128xf32, #tpu.memory_space<vmem>>) target_semaphore(%run_scoped3A_1174 : memref<!tpu.dma_semaphore, #tpu.memory_space<semaphore_mem>>)
        %dma_wait3A_1179 = arith.constant 0 : i32
        %dma_wait3A_1180 = tpu.memref_slice %arg6[%add3A_1073, %dma_wait3A_1179] : memref<10000x128xf32, #tpu.memory_space<vmem_shared>> -> memref<80x128xf32, #tpu.memory_space<vmem_shared>>
        %dma_wait3A_1181 = arith.constant 0 : i32
        %dma_wait3A_1182 = tpu.memref_slice %arg6[%add3A_1073, %dma_wait3A_1181] : memref<10000x128xf32, #tpu.memory_space<vmem_shared>> -> memref<80x128xf32, #tpu.memory_space<vmem_shared>>
        tpu.wait_dma2 semaphore(%run_scoped3A_1174 : memref<!tpu.dma_semaphore, #tpu.memory_space<semaphore_mem>>) src(%dma_wait3A_1182 : memref<80x128xf32, #tpu.memory_space<vmem_shared>>) dst(%arg8 : memref<80x128xf32, #tpu.memory_space<vmem>>)
        tpu.yield
      }) : () -> ()
      %dma_start3A_1168 = arith.constant 0 : i32
      %dma_start3A_1169 = tpu.memref_slice %arg4[%arg0, %add3A_1073, %dma_start3A_1168] : memref<2x10000x128xf32, #tpu.memory_space<hbm>> -> memref<1x80x128xf32, #tpu.memory_space<hbm>>
      %dma_start3A_1170 = tpu.memref_squeeze %dma_start3A_1169 : memref<1x80x128xf32, #tpu.memory_space<hbm>> -> memref<80x128xf32, #tpu.memory_space<hbm>>
      %dma_start3A_1171 = arith.constant 0 : i32
      %dma_start3A_1172 = tpu.memref_slice %arg4[%arg0, %add3A_1073, %dma_start3A_1171] : memref<2x10000x128xf32, #tpu.memory_space<hbm>> -> memref<1x80x128xf32, #tpu.memory_space<hbm>>
      %dma_start3A_1173 = tpu.memref_squeeze %dma_start3A_1172 : memref<1x80x128xf32, #tpu.memory_space<hbm>> -> memref<80x128xf32, #tpu.memory_space<hbm>>
      tpu.enqueue_dma source(%arg8 : memref<80x128xf32, #tpu.memory_space<vmem>>) target(%dma_start3A_1173 : memref<80x128xf32, #tpu.memory_space<hbm>>) target_semaphore(%arg42 : memref<!tpu.dma_semaphore, #tpu.memory_space<semaphore_mem>>)
    } else {
    }
    %mul3A_1079 = arith.constant 640 : i32
    %mul3A_1080 = arith.muli %arg1, %mul3A_1079 : i32
    %add3A_1081 = arith.constant 80 : i32
    %add3A_1082 = arith.addi %mul3A_1080, %add3A_1081 : i32
    %lt3A_1083 = arith.constant 10000 : i32
    %lt3A_1084 = arith.cmpi slt, %add3A_1082, %lt3A_1083 : i32
    %convert_element_type3A_1085 = arith.extui %lt3A_1084 : i1 to i32
    %cond3A_1086 = arith.constant 0 : i32
    %cond3A_1087 = arith.cmpi ne, %convert_element_type3A_1085, %cond3A_1086 : i32
    scf.if %cond3A_1087 {
      "tpu.region"() ({
        %run_scoped3A_1174 = tpu.sem_alloc : memref<!tpu.dma_semaphore, #tpu.memory_space<semaphore_mem>>
        %dma_start3A_1175 = arith.constant 0 : i32
        %dma_start3A_1176 = tpu.memref_slice %arg6[%add3A_1082, %dma_start3A_1175] : memref<10000x128xf32, #tpu.memory_space<vmem_shared>> -> memref<80x128xf32, #tpu.memory_space<vmem_shared>>
        %dma_start3A_1177 = arith.constant 0 : i32
        %dma_start3A_1178 = tpu.memref_slice %arg6[%add3A_1082, %dma_start3A_1177] : memref<10000x128xf32, #tpu.memory_space<vmem_shared>> -> memref<80x128xf32, #tpu.memory_space<vmem_shared>>
        tpu.enqueue_dma source(%dma_start3A_1178 : memref<80x128xf32, #tpu.memory_space<vmem_shared>>) target(%arg9 : memref<80x128xf32, #tpu.memory_space<vmem>>) target_semaphore(%run_scoped3A_1174 : memref<!tpu.dma_semaphore, #tpu.memory_space<semaphore_mem>>)
        %dma_wait3A_1179 = arith.constant 0 : i32
        %dma_wait3A_1180 = tpu.memref_slice %arg6[%add3A_1082, %dma_wait3A_1179] : memref<10000x128xf32, #tpu.memory_space<vmem_shared>> -> memref<80x128xf32, #tpu.memory_space<vmem_shared>>
        %dma_wait3A_1181 = arith.constant 0 : i32
        %dma_wait3A_1182 = tpu.memref_slice %arg6[%add3A_1082, %dma_wait3A_1181] : memref<10000x128xf32, #tpu.memory_space<vmem_shared>> -> memref<80x128xf32, #tpu.memory_space<vmem_shared>>
        tpu.wait_dma2 semaphore(%run_scoped3A_1174 : memref<!tpu.dma_semaphore, #tpu.memory_space<semaphore_mem>>) src(%dma_wait3A_1182 : memref<80x128xf32, #tpu.memory_space<vmem_shared>>) dst(%arg9 : memref<80x128xf32, #tpu.memory_space<vmem>>)
        tpu.yield
      }) : () -> ()
      %dma_start3A_1168 = arith.constant 0 : i32
      %dma_start3A_1169 = tpu.memref_slice %arg4[%arg0, %add3A_1082, %dma_start3A_1168] : memref<2x10000x128xf32, #tpu.memory_space<hbm>> -> memref<1x80x128xf32, #tpu.memory_space<hbm>>
      %dma_start3A_1170 = tpu.memref_squeeze %dma_start3A_1169 : memref<1x80x128xf32, #tpu.memory_space<hbm>> -> memref<80x128xf32, #tpu.memory_space<hbm>>
      %dma_start3A_1171 = arith.constant 0 : i32
      %dma_start3A_1172 = tpu.memref_slice %arg4[%arg0, %add3A_1082, %dma_start3A_1171] : memref<2x10000x128xf32, #tpu.memory_space<hbm>> -> memref<1x80x128xf32, #tpu.memory_space<hbm>>
      %dma_start3A_1173 = tpu.memref_squeeze %dma_start3A_1172 : memref<1x80x128xf32, #tpu.memory_space<hbm>> -> memref<80x128xf32, #tpu.memory_space<hbm>>
      tpu.enqueue_dma source(%arg9 : memref<80x128xf32, #tpu.memory_space<vmem>>) target(%dma_start3A_1173 : memref<80x128xf32, #tpu.memory_space<hbm>>) target_semaphore(%arg42 : memref<!tpu.dma_semaphore, #tpu.memory_space<semaphore_mem>>)
    } else {
    }
    %mul3A_1088 = arith.constant 640 : i32
    %mul3A_1089 = arith.muli %arg1, %mul3A_1088 : i32
    %add3A_1090 = arith.constant 160 : i32
    %add3A_1091 = arith.addi %mul3A_1089, %add3A_1090 : i32
    %lt3A_1092 = arith.constant 10000 : i32
    %lt3A_1093 = arith.cmpi slt, %add3A_1091, %lt3A_1092 : i32
    %convert_element_type3A_1094 = arith.extui %lt3A_1093 : i1 to i32
    %cond3A_1095 = arith.constant 0 : i32
    %cond3A_1096 = arith.cmpi ne, %convert_element_type3A_1094, %cond3A_1095 : i32
    scf.if %cond3A_1096 {
      "tpu.region"() ({
        %run_scoped3A_1174 = tpu.sem_alloc : memref<!tpu.dma_semaphore, #tpu.memory_space<semaphore_mem>>
        %dma_start3A_1175 = arith.constant 0 : i32
        %dma_start3A_1176 = tpu.memref_slice %arg6[%add3A_1091, %dma_start3A_1175] : memref<10000x128xf32, #tpu.memory_space<vmem_shared>> -> memref<80x128xf32, #tpu.memory_space<vmem_shared>>
        %dma_start3A_1177 = arith.constant 0 : i32
        %dma_start3A_1178 = tpu.memref_slice %arg6[%add3A_1091, %dma_start3A_1177] : memref<10000x128xf32, #tpu.memory_space<vmem_shared>> -> memref<80x128xf32, #tpu.memory_space<vmem_shared>>
        tpu.enqueue_dma source(%dma_start3A_1178 : memref<80x128xf32, #tpu.memory_space<vmem_shared>>) target(%arg10 : memref<80x128xf32, #tpu.memory_space<vmem>>) target_semaphore(%run_scoped3A_1174 : memref<!tpu.dma_semaphore, #tpu.memory_space<semaphore_mem>>)
        %dma_wait3A_1179 = arith.constant 0 : i32
        %dma_wait3A_1180 = tpu.memref_slice %arg6[%add3A_1091, %dma_wait3A_1179] : memref<10000x128xf32, #tpu.memory_space<vmem_shared>> -> memref<80x128xf32, #tpu.memory_space<vmem_shared>>
        %dma_wait3A_1181 = arith.constant 0 : i32
        %dma_wait3A_1182 = tpu.memref_slice %arg6[%add3A_1091, %dma_wait3A_1181] : memref<10000x128xf32, #tpu.memory_space<vmem_shared>> -> memref<80x128xf32, #tpu.memory_space<vmem_shared>>
        tpu.wait_dma2 semaphore(%run_scoped3A_1174 : memref<!tpu.dma_semaphore, #tpu.memory_space<semaphore_mem>>) src(%dma_wait3A_1182 : memref<80x128xf32, #tpu.memory_space<vmem_shared>>) dst(%arg10 : memref<80x128xf32, #tpu.memory_space<vmem>>)
        tpu.yield
      }) : () -> ()
      %dma_start3A_1168 = arith.constant 0 : i32
      %dma_start3A_1169 = tpu.memref_slice %arg4[%arg0, %add3A_1091, %dma_start3A_1168] : memref<2x10000x128xf32, #tpu.memory_space<hbm>> -> memref<1x80x128xf32, #tpu.memory_space<hbm>>
      %dma_start3A_1170 = tpu.memref_squeeze %dma_start3A_1169 : memref<1x80x128xf32, #tpu.memory_space<hbm>> -> memref<80x128xf32, #tpu.memory_space<hbm>>
      %dma_start3A_1171 = arith.constant 0 : i32
      %dma_start3A_1172 = tpu.memref_slice %arg4[%arg0, %add3A_1091, %dma_start3A_1171] : memref<2x10000x128xf32, #tpu.memory_space<hbm>> -> memref<1x80x128xf32, #tpu.memory_space<hbm>>
      %dma_start3A_1173 = tpu.memref_squeeze %dma_start3A_1172 : memref<1x80x128xf32, #tpu.memory_space<hbm>> -> memref<80x128xf32, #tpu.memory_space<hbm>>
      tpu.enqueue_dma source(%arg10 : memref<80x128xf32, #tpu.memory_space<vmem>>) target(%dma_start3A_1173 : memref<80x128xf32, #tpu.memory_space<hbm>>) target_semaphore(%arg42 : memref<!tpu.dma_semaphore, #tpu.memory_space<semaphore_mem>>)
    } else {
    }
    %mul3A_1097 = arith.constant 640 : i32
    %mul3A_1098 = arith.muli %arg1, %mul3A_1097 : i32
    %add3A_1099 = arith.constant 240 : i32
    %add3A_1100 = arith.addi %mul3A_1098, %add3A_1099 : i32
    %lt3A_1101 = arith.constant 10000 : i32
    %lt3A_1102 = arith.cmpi slt, %add3A_1100, %lt3A_1101 : i32
    %convert_element_type3A_1103 = arith.extui %lt3A_1102 : i1 to i32
    %cond3A_1104 = arith.constant 0 : i32
    %cond3A_1105 = arith.cmpi ne, %convert_element_type3A_1103, %cond3A_1104 : i32
    scf.if %cond3A_1105 {
      "tpu.region"() ({
        %run_scoped3A_1174 = tpu.sem_alloc : memref<!tpu.dma_semaphore, #tpu.memory_space<semaphore_mem>>
        %dma_start3A_1175 = arith.constant 0 : i32
        %dma_start3A_1176 = tpu.memref_slice %arg6[%add3A_1100, %dma_start3A_1175] : memref<10000x128xf32, #tpu.memory_space<vmem_shared>> -> memref<80x128xf32, #tpu.memory_space<vmem_shared>>
        %dma_start3A_1177 = arith.constant 0 : i32
        %dma_start3A_1178 = tpu.memref_slice %arg6[%add3A_1100, %dma_start3A_1177] : memref<10000x128xf32, #tpu.memory_space<vmem_shared>> -> memref<80x128xf32, #tpu.memory_space<vmem_shared>>
        tpu.enqueue_dma source(%dma_start3A_1178 : memref<80x128xf32, #tpu.memory_space<vmem_shared>>) target(%arg11 : memref<80x128xf32, #tpu.memory_space<vmem>>) target_semaphore(%run_scoped3A_1174 : memref<!tpu.dma_semaphore, #tpu.memory_space<semaphore_mem>>)
        %dma_wait3A_1179 = arith.constant 0 : i32
        %dma_wait3A_1180 = tpu.memref_slice %arg6[%add3A_1100, %dma_wait3A_1179] : memref<10000x128xf32, #tpu.memory_space<vmem_shared>> -> memref<80x128xf32, #tpu.memory_space<vmem_shared>>
        %dma_wait3A_1181 = arith.constant 0 : i32
        %dma_wait3A_1182 = tpu.memref_slice %arg6[%add3A_1100, %dma_wait3A_1181] : memref<10000x128xf32, #tpu.memory_space<vmem_shared>> -> memref<80x128xf32, #tpu.memory_space<vmem_shared>>
        tpu.wait_dma2 semaphore(%run_scoped3A_1174 : memref<!tpu.dma_semaphore, #tpu.memory_space<semaphore_mem>>) src(%dma_wait3A_1182 : memref<80x128xf32, #tpu.memory_space<vmem_shared>>) dst(%arg11 : memref<80x128xf32, #tpu.memory_space<vmem>>)
        tpu.yield
      }) : () -> ()
      %dma_start3A_1168 = arith.constant 0 : i32
      %dma_start3A_1169 = tpu.memref_slice %arg4[%arg0, %add3A_1100, %dma_start3A_1168] : memref<2x10000x128xf32, #tpu.memory_space<hbm>> -> memref<1x80x128xf32, #tpu.memory_space<hbm>>
      %dma_start3A_1170 = tpu.memref_squeeze %dma_start3A_1169 : memref<1x80x128xf32, #tpu.memory_space<hbm>> -> memref<80x128xf32, #tpu.memory_space<hbm>>
      %dma_start3A_1171 = arith.constant 0 : i32
      %dma_start3A_1172 = tpu.memref_slice %arg4[%arg0, %add3A_1100, %dma_start3A_1171] : memref<2x10000x128xf32, #tpu.memory_space<hbm>> -> memref<1x80x128xf32, #tpu.memory_space<hbm>>
      %dma_start3A_1173 = tpu.memref_squeeze %dma_start3A_1172 : memref<1x80x128xf32, #tpu.memory_space<hbm>> -> memref<80x128xf32, #tpu.memory_space<hbm>>
      tpu.enqueue_dma source(%arg11 : memref<80x128xf32, #tpu.memory_space<vmem>>) target(%dma_start3A_1173 : memref<80x128xf32, #tpu.memory_space<hbm>>) target_semaphore(%arg42 : memref<!tpu.dma_semaphore, #tpu.memory_space<semaphore_mem>>)
    } else {
    }
    %mul3A_1106 = arith.constant 640 : i32
    %mul3A_1107 = arith.muli %arg1, %mul3A_1106 : i32
    %add3A_1108 = arith.constant 320 : i32
    %add3A_1109 = arith.addi %mul3A_1107, %add3A_1108 : i32
    %lt3A_1110 = arith.constant 10000 : i32
    %lt3A_1111 = arith.cmpi slt, %add3A_1109, %lt3A_1110 : i32
    %convert_element_type3A_1112 = arith.extui %lt3A_1111 : i1 to i32
    %cond3A_1113 = arith.constant 0 : i32
    %cond3A_1114 = arith.cmpi ne, %convert_element_type3A_1112, %cond3A_1113 : i32
    scf.if %cond3A_1114 {
      %dma_wait3A_1168 = arith.constant 0 : i32
      %dma_wait3A_1169 = arith.constant 0 : i32
      %dma_wait3A_1170 = tpu.memref_slice %arg3[%dma_wait3A_1168, %dma_wait3A_1169] : memref<10000x128xf32, #tpu.memory_space<hbm>> -> memref<80x128xf32, #tpu.memory_space<hbm>>
      %dma_wait3A_1171 = arith.constant 0 : i32
      %dma_wait3A_1172 = arith.constant 0 : i32
      %dma_wait3A_1173 = tpu.memref_slice %arg3[%dma_wait3A_1171, %dma_wait3A_1172] : memref<10000x128xf32, #tpu.memory_space<hbm>> -> memref<80x128xf32, #tpu.memory_space<hbm>>
      tpu.wait_dma2 semaphore(%arg42 : memref<!tpu.dma_semaphore, #tpu.memory_space<semaphore_mem>>) src(%dma_wait3A_1173 : memref<80x128xf32, #tpu.memory_space<hbm>>) dst(%arg8 : memref<80x128xf32, #tpu.memory_space<vmem>>)
      "tpu.region"() ({
        %run_scoped3A_1180 = tpu.sem_alloc : memref<!tpu.dma_semaphore, #tpu.memory_space<semaphore_mem>>
        %dma_start3A_1181 = arith.constant 0 : i32
        %dma_start3A_1182 = tpu.memref_slice %arg6[%add3A_1109, %dma_start3A_1181] : memref<10000x128xf32, #tpu.memory_space<vmem_shared>> -> memref<80x128xf32, #tpu.memory_space<vmem_shared>>
        %dma_start3A_1183 = arith.constant 0 : i32
        %dma_start3A_1184 = tpu.memref_slice %arg6[%add3A_1109, %dma_start3A_1183] : memref<10000x128xf32, #tpu.memory_space<vmem_shared>> -> memref<80x128xf32, #tpu.memory_space<vmem_shared>>
        tpu.enqueue_dma source(%dma_start3A_1184 : memref<80x128xf32, #tpu.memory_space<vmem_shared>>) target(%arg8 : memref<80x128xf32, #tpu.memory_space<vmem>>) target_semaphore(%run_scoped3A_1180 : memref<!tpu.dma_semaphore, #tpu.memory_space<semaphore_mem>>)
        %dma_wait3A_1185 = arith.constant 0 : i32
        %dma_wait3A_1186 = tpu.memref_slice %arg6[%add3A_1109, %dma_wait3A_1185] : memref<10000x128xf32, #tpu.memory_space<vmem_shared>> -> memref<80x128xf32, #tpu.memory_space<vmem_shared>>
        %dma_wait3A_1187 = arith.constant 0 : i32
        %dma_wait3A_1188 = tpu.memref_slice %arg6[%add3A_1109, %dma_wait3A_1187] : memref<10000x128xf32, #tpu.memory_space<vmem_shared>> -> memref<80x128xf32, #tpu.memory_space<vmem_shared>>
        tpu.wait_dma2 semaphore(%run_scoped3A_1180 : memref<!tpu.dma_semaphore, #tpu.memory_space<semaphore_mem>>) src(%dma_wait3A_1188 : memref<80x128xf32, #tpu.memory_space<vmem_shared>>) dst(%arg8 : memref<80x128xf32, #tpu.memory_space<vmem>>)
        tpu.yield
      }) : () -> ()
      %dma_start3A_1174 = arith.constant 0 : i32
      %dma_start3A_1175 = tpu.memref_slice %arg4[%arg0, %add3A_1109, %dma_start3A_1174] : memref<2x10000x128xf32, #tpu.memory_space<hbm>> -> memref<1x80x128xf32, #tpu.memory_space<hbm>>
      %dma_start3A_1176 = tpu.memref_squeeze %dma_start3A_1175 : memref<1x80x128xf32, #tpu.memory_space<hbm>> -> memref<80x128xf32, #tpu.memory_space<hbm>>
      %dma_start3A_1177 = arith.constant 0 : i32
      %dma_start3A_1178 = tpu.memref_slice %arg4[%arg0, %add3A_1109, %dma_start3A_1177] : memref<2x10000x128xf32, #tpu.memory_space<hbm>> -> memref<1x80x128xf32, #tpu.memory_space<hbm>>
      %dma_start3A_1179 = tpu.memref_squeeze %dma_start3A_1178 : memref<1x80x128xf32, #tpu.memory_space<hbm>> -> memref<80x128xf32, #tpu.memory_space<hbm>>
      tpu.enqueue_dma source(%arg8 : memref<80x128xf32, #tpu.memory_space<vmem>>) target(%dma_start3A_1179 : memref<80x128xf32, #tpu.memory_space<hbm>>) target_semaphore(%arg42 : memref<!tpu.dma_semaphore, #tpu.memory_space<semaphore_mem>>)
    } else {
    }
    %mul3A_1115 = arith.constant 640 : i32
    %mul3A_1116 = arith.muli %arg1, %mul3A_1115 : i32
    %add3A_1117 = arith.constant 400 : i32
    %add3A_1118 = arith.addi %mul3A_1116, %add3A_1117 : i32
    %lt3A_1119 = arith.constant 10000 : i32
    %lt3A_1120 = arith.cmpi slt, %add3A_1118, %lt3A_1119 : i32
    %convert_element_type3A_1121 = arith.extui %lt3A_1120 : i1 to i32
    %cond3A_1122 = arith.constant 0 : i32
    %cond3A_1123 = arith.cmpi ne, %convert_element_type3A_1121, %cond3A_1122 : i32
    scf.if %cond3A_1123 {
      %dma_wait3A_1168 = arith.constant 0 : i32
      %dma_wait3A_1169 = arith.constant 0 : i32
      %dma_wait3A_1170 = tpu.memref_slice %arg3[%dma_wait3A_1168, %dma_wait3A_1169] : memref<10000x128xf32, #tpu.memory_space<hbm>> -> memref<80x128xf32, #tpu.memory_space<hbm>>
      %dma_wait3A_1171 = arith.constant 0 : i32
      %dma_wait3A_1172 = arith.constant 0 : i32
      %dma_wait3A_1173 = tpu.memref_slice %arg3[%dma_wait3A_1171, %dma_wait3A_1172] : memref<10000x128xf32, #tpu.memory_space<hbm>> -> memref<80x128xf32, #tpu.memory_space<hbm>>
      tpu.wait_dma2 semaphore(%arg42 : memref<!tpu.dma_semaphore, #tpu.memory_space<semaphore_mem>>) src(%dma_wait3A_1173 : memref<80x128xf32, #tpu.memory_space<hbm>>) dst(%arg9 : memref<80x128xf32, #tpu.memory_space<vmem>>)
      "tpu.region"() ({
        %run_scoped3A_1180 = tpu.sem_alloc : memref<!tpu.dma_semaphore, #tpu.memory_space<semaphore_mem>>
        %dma_start3A_1181 = arith.constant 0 : i32
        %dma_start3A_1182 = tpu.memref_slice %arg6[%add3A_1118, %dma_start3A_1181] : memref<10000x128xf32, #tpu.memory_space<vmem_shared>> -> memref<80x128xf32, #tpu.memory_space<vmem_shared>>
        %dma_start3A_1183 = arith.constant 0 : i32
        %dma_start3A_1184 = tpu.memref_slice %arg6[%add3A_1118, %dma_start3A_1183] : memref<10000x128xf32, #tpu.memory_space<vmem_shared>> -> memref<80x128xf32, #tpu.memory_space<vmem_shared>>
        tpu.enqueue_dma source(%dma_start3A_1184 : memref<80x128xf32, #tpu.memory_space<vmem_shared>>) target(%arg9 : memref<80x128xf32, #tpu.memory_space<vmem>>) target_semaphore(%run_scoped3A_1180 : memref<!tpu.dma_semaphore, #tpu.memory_space<semaphore_mem>>)
        %dma_wait3A_1185 = arith.constant 0 : i32
        %dma_wait3A_1186 = tpu.memref_slice %arg6[%add3A_1118, %dma_wait3A_1185] : memref<10000x128xf32, #tpu.memory_space<vmem_shared>> -> memref<80x128xf32, #tpu.memory_space<vmem_shared>>
        %dma_wait3A_1187 = arith.constant 0 : i32
        %dma_wait3A_1188 = tpu.memref_slice %arg6[%add3A_1118, %dma_wait3A_1187] : memref<10000x128xf32, #tpu.memory_space<vmem_shared>> -> memref<80x128xf32, #tpu.memory_space<vmem_shared>>
        tpu.wait_dma2 semaphore(%run_scoped3A_1180 : memref<!tpu.dma_semaphore, #tpu.memory_space<semaphore_mem>>) src(%dma_wait3A_1188 : memref<80x128xf32, #tpu.memory_space<vmem_shared>>) dst(%arg9 : memref<80x128xf32, #tpu.memory_space<vmem>>)
        tpu.yield
      }) : () -> ()
      %dma_start3A_1174 = arith.constant 0 : i32
      %dma_start3A_1175 = tpu.memref_slice %arg4[%arg0, %add3A_1118, %dma_start3A_1174] : memref<2x10000x128xf32, #tpu.memory_space<hbm>> -> memref<1x80x128xf32, #tpu.memory_space<hbm>>
      %dma_start3A_1176 = tpu.memref_squeeze %dma_start3A_1175 : memref<1x80x128xf32, #tpu.memory_space<hbm>> -> memref<80x128xf32, #tpu.memory_space<hbm>>
      %dma_start3A_1177 = arith.constant 0 : i32
      %dma_start3A_1178 = tpu.memref_slice %arg4[%arg0, %add3A_1118, %dma_start3A_1177] : memref<2x10000x128xf32, #tpu.memory_space<hbm>> -> memref<1x80x128xf32, #tpu.memory_space<hbm>>
      %dma_start3A_1179 = tpu.memref_squeeze %dma_start3A_1178 : memref<1x80x128xf32, #tpu.memory_space<hbm>> -> memref<80x128xf32, #tpu.memory_space<hbm>>
      tpu.enqueue_dma source(%arg9 : memref<80x128xf32, #tpu.memory_space<vmem>>) target(%dma_start3A_1179 : memref<80x128xf32, #tpu.memory_space<hbm>>) target_semaphore(%arg42 : memref<!tpu.dma_semaphore, #tpu.memory_space<semaphore_mem>>)
    } else {
    }
    %mul3A_1124 = arith.constant 640 : i32
    %mul3A_1125 = arith.muli %arg1, %mul3A_1124 : i32
    %add3A_1126 = arith.constant 480 : i32
    %add3A_1127 = arith.addi %mul3A_1125, %add3A_1126 : i32
    %lt3A_1128 = arith.constant 10000 : i32
    %lt3A_1129 = arith.cmpi slt, %add3A_1127, %lt3A_1128 : i32
    %convert_element_type3A_1130 = arith.extui %lt3A_1129 : i1 to i32
    %cond3A_1131 = arith.constant 0 : i32
    %cond3A_1132 = arith.cmpi ne, %convert_element_type3A_1130, %cond3A_1131 : i32
    scf.if %cond3A_1132 {
      %dma_wait3A_1168 = arith.constant 0 : i32
      %dma_wait3A_1169 = arith.constant 0 : i32
      %dma_wait3A_1170 = tpu.memref_slice %arg3[%dma_wait3A_1168, %dma_wait3A_1169] : memref<10000x128xf32, #tpu.memory_space<hbm>> -> memref<80x128xf32, #tpu.memory_space<hbm>>
      %dma_wait3A_1171 = arith.constant 0 : i32
      %dma_wait3A_1172 = arith.constant 0 : i32
      %dma_wait3A_1173 = tpu.memref_slice %arg3[%dma_wait3A_1171, %dma_wait3A_1172] : memref<10000x128xf32, #tpu.memory_space<hbm>> -> memref<80x128xf32, #tpu.memory_space<hbm>>
      tpu.wait_dma2 semaphore(%arg42 : memref<!tpu.dma_semaphore, #tpu.memory_space<semaphore_mem>>) src(%dma_wait3A_1173 : memref<80x128xf32, #tpu.memory_space<hbm>>) dst(%arg10 : memref<80x128xf32, #tpu.memory_space<vmem>>)
      "tpu.region"() ({
        %run_scoped3A_1180 = tpu.sem_alloc : memref<!tpu.dma_semaphore, #tpu.memory_space<semaphore_mem>>
        %dma_start3A_1181 = arith.constant 0 : i32
        %dma_start3A_1182 = tpu.memref_slice %arg6[%add3A_1127, %dma_start3A_1181] : memref<10000x128xf32, #tpu.memory_space<vmem_shared>> -> memref<80x128xf32, #tpu.memory_space<vmem_shared>>
        %dma_start3A_1183 = arith.constant 0 : i32
        %dma_start3A_1184 = tpu.memref_slice %arg6[%add3A_1127, %dma_start3A_1183] : memref<10000x128xf32, #tpu.memory_space<vmem_shared>> -> memref<80x128xf32, #tpu.memory_space<vmem_shared>>
        tpu.enqueue_dma source(%dma_start3A_1184 : memref<80x128xf32, #tpu.memory_space<vmem_shared>>) target(%arg10 : memref<80x128xf32, #tpu.memory_space<vmem>>) target_semaphore(%run_scoped3A_1180 : memref<!tpu.dma_semaphore, #tpu.memory_space<semaphore_mem>>)
        %dma_wait3A_1185 = arith.constant 0 : i32
        %dma_wait3A_1186 = tpu.memref_slice %arg6[%add3A_1127, %dma_wait3A_1185] : memref<10000x128xf32, #tpu.memory_space<vmem_shared>> -> memref<80x128xf32, #tpu.memory_space<vmem_shared>>
        %dma_wait3A_1187 = arith.constant 0 : i32
        %dma_wait3A_1188 = tpu.memref_slice %arg6[%add3A_1127, %dma_wait3A_1187] : memref<10000x128xf32, #tpu.memory_space<vmem_shared>> -> memref<80x128xf32, #tpu.memory_space<vmem_shared>>
        tpu.wait_dma2 semaphore(%run_scoped3A_1180 : memref<!tpu.dma_semaphore, #tpu.memory_space<semaphore_mem>>) src(%dma_wait3A_1188 : memref<80x128xf32, #tpu.memory_space<vmem_shared>>) dst(%arg10 : memref<80x128xf32, #tpu.memory_space<vmem>>)
        tpu.yield
      }) : () -> ()
      %dma_start3A_1174 = arith.constant 0 : i32
      %dma_start3A_1175 = tpu.memref_slice %arg4[%arg0, %add3A_1127, %dma_start3A_1174] : memref<2x10000x128xf32, #tpu.memory_space<hbm>> -> memref<1x80x128xf32, #tpu.memory_space<hbm>>
      %dma_start3A_1176 = tpu.memref_squeeze %dma_start3A_1175 : memref<1x80x128xf32, #tpu.memory_space<hbm>> -> memref<80x128xf32, #tpu.memory_space<hbm>>
      %dma_start3A_1177 = arith.constant 0 : i32
      %dma_start3A_1178 = tpu.memref_slice %arg4[%arg0, %add3A_1127, %dma_start3A_1177] : memref<2x10000x128xf32, #tpu.memory_space<hbm>> -> memref<1x80x128xf32, #tpu.memory_space<hbm>>
      %dma_start3A_1179 = tpu.memref_squeeze %dma_start3A_1178 : memref<1x80x128xf32, #tpu.memory_space<hbm>> -> memref<80x128xf32, #tpu.memory_space<hbm>>
      tpu.enqueue_dma source(%arg10 : memref<80x128xf32, #tpu.memory_space<vmem>>) target(%dma_start3A_1179 : memref<80x128xf32, #tpu.memory_space<hbm>>) target_semaphore(%arg42 : memref<!tpu.dma_semaphore, #tpu.memory_space<semaphore_mem>>)
    } else {
    }
    %mul3A_1133 = arith.constant 640 : i32
    %mul3A_1134 = arith.muli %arg1, %mul3A_1133 : i32
    %add3A_1135 = arith.constant 560 : i32
    %add3A_1136 = arith.addi %mul3A_1134, %add3A_1135 : i32
    %lt3A_1137 = arith.constant 10000 : i32
    %lt3A_1138 = arith.cmpi slt, %add3A_1136, %lt3A_1137 : i32
    %convert_element_type3A_1139 = arith.extui %lt3A_1138 : i1 to i32
    %cond3A_1140 = arith.constant 0 : i32
    %cond3A_1141 = arith.cmpi ne, %convert_element_type3A_1139, %cond3A_1140 : i32
    scf.if %cond3A_1141 {
      %dma_wait3A_1168 = arith.constant 0 : i32
      %dma_wait3A_1169 = arith.constant 0 : i32
      %dma_wait3A_1170 = tpu.memref_slice %arg3[%dma_wait3A_1168, %dma_wait3A_1169] : memref<10000x128xf32, #tpu.memory_space<hbm>> -> memref<80x128xf32, #tpu.memory_space<hbm>>
      %dma_wait3A_1171 = arith.constant 0 : i32
      %dma_wait3A_1172 = arith.constant 0 : i32
      %dma_wait3A_1173 = tpu.memref_slice %arg3[%dma_wait3A_1171, %dma_wait3A_1172] : memref<10000x128xf32, #tpu.memory_space<hbm>> -> memref<80x128xf32, #tpu.memory_space<hbm>>
      tpu.wait_dma2 semaphore(%arg42 : memref<!tpu.dma_semaphore, #tpu.memory_space<semaphore_mem>>) src(%dma_wait3A_1173 : memref<80x128xf32, #tpu.memory_space<hbm>>) dst(%arg11 : memref<80x128xf32, #tpu.memory_space<vmem>>)
      "tpu.region"() ({
        %run_scoped3A_1180 = tpu.sem_alloc : memref<!tpu.dma_semaphore, #tpu.memory_space<semaphore_mem>>
        %dma_start3A_1181 = arith.constant 0 : i32
        %dma_start3A_1182 = tpu.memref_slice %arg6[%add3A_1136, %dma_start3A_1181] : memref<10000x128xf32, #tpu.memory_space<vmem_shared>> -> memref<80x128xf32, #tpu.memory_space<vmem_shared>>
        %dma_start3A_1183 = arith.constant 0 : i32
        %dma_start3A_1184 = tpu.memref_slice %arg6[%add3A_1136, %dma_start3A_1183] : memref<10000x128xf32, #tpu.memory_space<vmem_shared>> -> memref<80x128xf32, #tpu.memory_space<vmem_shared>>
        tpu.enqueue_dma source(%dma_start3A_1184 : memref<80x128xf32, #tpu.memory_space<vmem_shared>>) target(%arg11 : memref<80x128xf32, #tpu.memory_space<vmem>>) target_semaphore(%run_scoped3A_1180 : memref<!tpu.dma_semaphore, #tpu.memory_space<semaphore_mem>>)
        %dma_wait3A_1185 = arith.constant 0 : i32
        %dma_wait3A_1186 = tpu.memref_slice %arg6[%add3A_1136, %dma_wait3A_1185] : memref<10000x128xf32, #tpu.memory_space<vmem_shared>> -> memref<80x128xf32, #tpu.memory_space<vmem_shared>>
        %dma_wait3A_1187 = arith.constant 0 : i32
        %dma_wait3A_1188 = tpu.memref_slice %arg6[%add3A_1136, %dma_wait3A_1187] : memref<10000x128xf32, #tpu.memory_space<vmem_shared>> -> memref<80x128xf32, #tpu.memory_space<vmem_shared>>
        tpu.wait_dma2 semaphore(%run_scoped3A_1180 : memref<!tpu.dma_semaphore, #tpu.memory_space<semaphore_mem>>) src(%dma_wait3A_1188 : memref<80x128xf32, #tpu.memory_space<vmem_shared>>) dst(%arg11 : memref<80x128xf32, #tpu.memory_space<vmem>>)
        tpu.yield
      }) : () -> ()
      %dma_start3A_1174 = arith.constant 0 : i32
      %dma_start3A_1175 = tpu.memref_slice %arg4[%arg0, %add3A_1136, %dma_start3A_1174] : memref<2x10000x128xf32, #tpu.memory_space<hbm>> -> memref<1x80x128xf32, #tpu.memory_space<hbm>>
      %dma_start3A_1176 = tpu.memref_squeeze %dma_start3A_1175 : memref<1x80x128xf32, #tpu.memory_space<hbm>> -> memref<80x128xf32, #tpu.memory_space<hbm>>
      %dma_start3A_1177 = arith.constant 0 : i32
      %dma_start3A_1178 = tpu.memref_slice %arg4[%arg0, %add3A_1136, %dma_start3A_1177] : memref<2x10000x128xf32, #tpu.memory_space<hbm>> -> memref<1x80x128xf32, #tpu.memory_space<hbm>>
      %dma_start3A_1179 = tpu.memref_squeeze %dma_start3A_1178 : memref<1x80x128xf32, #tpu.memory_space<hbm>> -> memref<80x128xf32, #tpu.memory_space<hbm>>
      tpu.enqueue_dma source(%arg11 : memref<80x128xf32, #tpu.memory_space<vmem>>) target(%dma_start3A_1179 : memref<80x128xf32, #tpu.memory_space<hbm>>) target_semaphore(%arg42 : memref<!tpu.dma_semaphore, #tpu.memory_space<semaphore_mem>>)
    } else {
    }
    %dma_wait3A_1142 = arith.constant 0 : i32
    %dma_wait3A_1143 = arith.constant 0 : i32
    %dma_wait3A_1144 = tpu.memref_slice %arg3[%dma_wait3A_1142, %dma_wait3A_1143] : memref<10000x128xf32, #tpu.memory_space<hbm>> -> memref<80x128xf32, #tpu.memory_space<hbm>>
    %dma_wait3A_1145 = arith.constant 0 : i32
    %dma_wait3A_1146 = arith.constant 0 : i32
    %dma_wait3A_1147 = tpu.memref_slice %arg3[%dma_wait3A_1145, %dma_wait3A_1146] : memref<10000x128xf32, #tpu.memory_space<hbm>> -> memref<80x128xf32, #tpu.memory_space<hbm>>
    tpu.wait_dma2 semaphore(%arg42 : memref<!tpu.dma_semaphore, #tpu.memory_space<semaphore_mem>>) src(%dma_wait3A_1147 : memref<80x128xf32, #tpu.memory_space<hbm>>) dst(%arg8 : memref<80x128xf32, #tpu.memory_space<vmem>>)
    %dma_wait3A_1148 = arith.constant 0 : i32
    %dma_wait3A_1149 = arith.constant 0 : i32
    %dma_wait3A_1150 = tpu.memref_slice %arg3[%dma_wait3A_1148, %dma_wait3A_1149] : memref<10000x128xf32, #tpu.memory_space<hbm>> -> memref<80x128xf32, #tpu.memory_space<hbm>>
    %dma_wait3A_1151 = arith.constant 0 : i32
    %dma_wait3A_1152 = arith.constant 0 : i32
    %dma_wait3A_1153 = tpu.memref_slice %arg3[%dma_wait3A_1151, %dma_wait3A_1152] : memref<10000x128xf32, #tpu.memory_space<hbm>> -> memref<80x128xf32, #tpu.memory_space<hbm>>
    tpu.wait_dma2 semaphore(%arg42 : memref<!tpu.dma_semaphore, #tpu.memory_space<semaphore_mem>>) src(%dma_wait3A_1153 : memref<80x128xf32, #tpu.memory_space<hbm>>) dst(%arg8 : memref<80x128xf32, #tpu.memory_space<vmem>>)
    %dma_wait3A_1154 = arith.constant 0 : i32
    %dma_wait3A_1155 = arith.constant 0 : i32
    %dma_wait3A_1156 = tpu.memref_slice %arg3[%dma_wait3A_1154, %dma_wait3A_1155] : memref<10000x128xf32, #tpu.memory_space<hbm>> -> memref<80x128xf32, #tpu.memory_space<hbm>>
    %dma_wait3A_1157 = arith.constant 0 : i32
    %dma_wait3A_1158 = arith.constant 0 : i32
    %dma_wait3A_1159 = tpu.memref_slice %arg3[%dma_wait3A_1157, %dma_wait3A_1158] : memref<10000x128xf32, #tpu.memory_space<hbm>> -> memref<80x128xf32, #tpu.memory_space<hbm>>
    tpu.wait_dma2 semaphore(%arg42 : memref<!tpu.dma_semaphore, #tpu.memory_space<semaphore_mem>>) src(%dma_wait3A_1159 : memref<80x128xf32, #tpu.memory_space<hbm>>) dst(%arg8 : memref<80x128xf32, #tpu.memory_space<vmem>>)
    %dma_wait3A_1160 = arith.constant 0 : i32
    %dma_wait3A_1161 = arith.constant 0 : i32
    %dma_wait3A_1162 = tpu.memref_slice %arg3[%dma_wait3A_1160, %dma_wait3A_1161] : memref<10000x128xf32, #tpu.memory_space<hbm>> -> memref<80x128xf32, #tpu.memory_space<hbm>>
    %dma_wait3A_1163 = arith.constant 0 : i32
    %dma_wait3A_1164 = arith.constant 0 : i32
    %dma_wait3A_1165 = tpu.memref_slice %arg3[%dma_wait3A_1163, %dma_wait3A_1164] : memref<10000x128xf32, #tpu.memory_space<hbm>> -> memref<80x128xf32, #tpu.memory_space<hbm>>
    tpu.wait_dma2 semaphore(%arg42 : memref<!tpu.dma_semaphore, #tpu.memory_space<semaphore_mem>>) src(%dma_wait3A_1165 : memref<80x128xf32, #tpu.memory_space<hbm>>) dst(%arg8 : memref<80x128xf32, #tpu.memory_space<vmem>>)
    %mul3A_1166 = arith.constant 640 : i32
    %mul3A_1167 = arith.muli %arg1, %mul3A_1166 : i32
    "tpu.region"() ({
      %run_scoped3A_1168 = tpu.sem_alloc : memref<!tpu.dma_semaphore, #tpu.memory_space<semaphore_mem>>
      %dma_start3A_1169 = tpu.memref_slice %arg7[%mul3A_1167] : memref<10240xf32, #tpu.memory_space<vmem_shared>> -> memref<640xf32, #tpu.memory_space<vmem_shared>>
      %dma_start3A_1170 = tpu.memref_slice %arg7[%mul3A_1167] : memref<10240xf32, #tpu.memory_space<vmem_shared>> -> memref<640xf32, #tpu.memory_space<vmem_shared>>
      tpu.enqueue_dma source(%dma_start3A_1170 : memref<640xf32, #tpu.memory_space<vmem_shared>>) target(%arg24 : memref<640xf32, #tpu.memory_space<vmem>>) target_semaphore(%run_scoped3A_1168 : memref<!tpu.dma_semaphore, #tpu.memory_space<semaphore_mem>>)
      %dma_wait3A_1171 = tpu.memref_slice %arg7[%mul3A_1167] : memref<10240xf32, #tpu.memory_space<vmem_shared>> -> memref<640xf32, #tpu.memory_space<vmem_shared>>
      %dma_wait3A_1172 = tpu.memref_slice %arg7[%mul3A_1167] : memref<10240xf32, #tpu.memory_space<vmem_shared>> -> memref<640xf32, #tpu.memory_space<vmem_shared>>
      tpu.wait_dma2 semaphore(%run_scoped3A_1168 : memref<!tpu.dma_semaphore, #tpu.memory_space<semaphore_mem>>) src(%dma_wait3A_1172 : memref<640xf32, #tpu.memory_space<vmem_shared>>) dst(%arg24 : memref<640xf32, #tpu.memory_space<vmem>>)
      tpu.yield
    }) : () -> ()
    "tpu.region"() ({
      %run_scoped3A_1168 = tpu.sem_alloc : memref<!tpu.dma_semaphore, #tpu.memory_space<semaphore_mem>>
      %dma_start3A_1169 = tpu.memref_slice %arg5[%arg0, %mul3A_1167] : memref<2x10240xf32, #tpu.memory_space<hbm>> -> memref<1x640xf32, #tpu.memory_space<hbm>>
      %dma_start3A_1170 = tpu.memref_squeeze %dma_start3A_1169 : memref<1x640xf32, #tpu.memory_space<hbm>> -> memref<640xf32, #tpu.memory_space<hbm>>
      %dma_start3A_1171 = tpu.memref_slice %arg5[%arg0, %mul3A_1167] : memref<2x10240xf32, #tpu.memory_space<hbm>> -> memref<1x640xf32, #tpu.memory_space<hbm>>
      %dma_start3A_1172 = tpu.memref_squeeze %dma_start3A_1171 : memref<1x640xf32, #tpu.memory_space<hbm>> -> memref<640xf32, #tpu.memory_space<hbm>>
      tpu.enqueue_dma source(%arg24 : memref<640xf32, #tpu.memory_space<vmem>>) target(%dma_start3A_1172 : memref<640xf32, #tpu.memory_space<hbm>>) target_semaphore(%run_scoped3A_1168 : memref<!tpu.dma_semaphore, #tpu.memory_space<semaphore_mem>>)
      %dma_wait3A_1173 = tpu.memref_slice %arg5[%arg0, %mul3A_1167] : memref<2x10240xf32, #tpu.memory_space<hbm>> -> memref<1x640xf32, #tpu.memory_space<hbm>>
      %dma_wait3A_1174 = tpu.memref_squeeze %dma_wait3A_1173 : memref<1x640xf32, #tpu.memory_space<hbm>> -> memref<640xf32, #tpu.memory_space<hbm>>
      %dma_wait3A_1175 = tpu.memref_slice %arg5[%arg0, %mul3A_1167] : memref<2x10240xf32, #tpu.memory_space<hbm>> -> memref<1x640xf32, #tpu.memory_space<hbm>>
      %dma_wait3A_1176 = tpu.memref_squeeze %dma_wait3A_1175 : memref<1x640xf32, #tpu.memory_space<hbm>> -> memref<640xf32, #tpu.memory_space<hbm>>
      tpu.wait_dma2 semaphore(%run_scoped3A_1168 : memref<!tpu.dma_semaphore, #tpu.memory_space<semaphore_mem>>) src(%arg24 : memref<640xf32, #tpu.memory_space<vmem>>) dst(%dma_wait3A_1176 : memref<640xf32, #tpu.memory_space<hbm>>)
      tpu.yield
    }) : () -> ()
    return
  }
}

</mosaic_0001>

<sc_bundles>
// kernel: _sc_aggregate.3.cloned.1.call-start
scs
__scs_entry_jumppad:
0x0: {  	(pc) =	sbr.rel $0x88, $3  }
0x1: {  	(tag) =	ssettag $0x0;
	lr =	simm.s32 $0x1  }
0x2: {  	[smem:$0x3F9F] =	sst lr;
	_ =	strace $0xD0000000  }
0x3: {  	_ = 	snop  }
0x4: {  	_ = 	snop  }
0x5: {  	_ = 	snop  }
0x6: {  	_ = 	snop  }
0x7: {  	_ = 	snop  }
__scs_overlays_trampoline_lowered:
0x8: {  	[smem:$0x3FAE] =	sst s0  }
0x9: {  	[smem:$0x3FAF] =	sst s1  }
0xa: {  	[smem:$0x3FB0] =	sst s2  }
0xb: {  	[smem:$0x3FB1] =	sst s3  }
0xc: {  	[smem:$0x3FB2] =	sst s4  }
0xd: {  	[smem:$0x3FB3] =	sst s5  }
0xe: {  	[smem:$0x3FB4] =	sst s6  }
0xf: {  	[smem:$0x3FB5] =	sst s7  }
0x10: {  	[smem:$0x3FB6] =	sst s8  }
0x11: {  	[smem:$0x3FB7] =	sst s9;
	s0 =	simm.s32 @!p0 $0x0  }
0x12: {  	s1 =	sld [smem:$0x3F9D];
	s0 =	simm.s32 @p0 $0x1  }
0x13: {  	[smem:$0x3FB8] =	sst s0;
	s0 =	simm.s32 @!p1 $0x0  }
0x14: {  	s2 =	sld [smem:$0x3F9C];
	s0 =	simm.s32 @p1 $0x1  }
0x15: {  	[smem:$0x3FB9] =	sst s0;
	s0 =	simm.s32 @!p2 $0x0  }
0x16: {  	s3 =	sld [smem:$0x3FDB];
	s0 =	simm.s32 @p2 $0x1  }
0x17: {  	s4 =	simm.s32 $0x1BF5;
	[smem:$0x3FBB] =	sst s0  }
0x18: {  	s0 =	sld [smem:$0x3F9E];
	_ =	swait.ge [sflag:s4], $0x0  }
0x19: {  	s7 =	sld [smem:$0x3F9F]  }
0x1a: {  	s8 =	sadd.s32 $0xFFFFE003, lr  }
0x1b: {  	s9 =	sadd.s32 $0xFFFFFEF7, lr;
	s5 =	simm.s32 $0xFFFFFFFF;
	p2 =	slt.u32 s8, $0xFFFFF086  }
0x1c: {  	p1 =	slt.u32 s9, $0xF7A;
	s5 =	simm.s32 @!p2 $0x0  }
0x1d: {  	s5 =	simm.s32 @p1 $0x1;
	p0 =	seq.s32 s7, s2  }
0x1e: {  	s7 =	smul.u32 @!p0 $0xF7A, s2;
	p2 =	seq.s32 @!p0 s5, $0x0  }
0x1f: {  	s9 =	smul.u32 $0xF7A, s1;
	s8 =	simm.s32 @!p0 $0x1BF5;
	p2 =	por !p2, p0  }
0x20: {  	[sflag:s8] =	ssyncset.s32 @!p0 $0xFFFFF086;
	s6 =	sadd.s32 @!p0 s3, s7;
	s7 =	simm.s32 @!p0 $0x108  }
0x21: {  	s3 =	sadd.s32 s3, s9;
	s6 =	sadd.s32 @!p0 $0x88, s6;
	s7 =	simm.s32 @p2 $0x1082  }
0x22: {  	[simem:s7], [sflag:s8] =	dma.local @!p0 [hbm:s6], $0xF7A  }
0x23: {  	s9 =	sor.u32 $0xD0000000, s2;
	s6 =	simm.s32 $0x108;
	_ =	swait.ge @!p0 [sflag:s8], $0x0  }
0x24: {  	s3 =	sadd.s32 $0x88, s3;
	s6 =	simm.s32 @!p1 $0x1082;
	[sflag:s4] =	ssyncset.s32 $0xFFFFF086  }
0x25: {  	[simem:s6], [sflag:s4] =	dma.local [hbm:s3], $0xF7A  }
0x26: {  	[smem:$0x3F9F] =	sst s1;
	(tag) =	ssettag s2;
	_ =	strace s9  }
0x27: {  	s1 =	sld [smem:$0x3FAF]  }
0x28: {  	s2 =	sld [smem:$0x3FB0]  }
0x29: {  	s4 =	sld [smem:$0x3FB2]  }
0x2a: {  	p0 =	seq.s32 s5, $0x0;
	s5 =	sld [smem:$0x3FB3]  }
0x2b: {  	s6 =	sld [smem:$0x3FB4]  }
0x2c: {  	s7 =	sld [smem:$0x3FB5]  }
0x2d: {  	s3 =	simm.s32 $0x108;
	s8 =	sld [smem:$0x3FB6]  }
0x2e: {  	s3 =	simm.s32 @!p0 $0x1082;
	s9 =	sld [smem:$0x3FB7]  }
0x2f: {  	lr =	sadd.s32 s0, s3;
	s0 =	sld [smem:$0x3FAE]  }
0x30: {  	s3 =	sld [smem:$0x3FB1]  }
0x31: {  	[smem:$0x3FBA] =	sst s10  }
0x32: {  	s10 =	sld [smem:$0x3FB8];
	_ =	sdelay $0x3  }
0x33: {  	p0 =	seq.s32 s10, $0x1;
	s10 =	sld [smem:$0x3FBA];
	_ =	sdelay $0x3  }
0x34: {  	[smem:$0x3FBA] =	sst s10  }
0x35: {  	s10 =	sld [smem:$0x3FB9];
	_ =	sdelay $0x3  }
0x36: {  	p1 =	seq.s32 s10, $0x1;
	s10 =	sld [smem:$0x3FBA];
	_ =	sdelay $0x3  }
0x37: {  	[smem:$0x3FBA] =	sst s10  }
0x38: {  	s10 =	sld [smem:$0x3FBB]  }
0x39: {  	_ = 	snop;
	(pc) =	sbr.ind lr, $3  }
0x3a: {  	_ = 	snop  }
0x3b: {  	_ = 	snop  }
0x3c: {  	p2 =	seq.s32 s10, $0x1;
	s10 =	sld [smem:$0x3FBA]  }
0x3d: {  	_ =	shalt  }
0x3e: {  	_ =	shalt  }
0x3f: {  	_ =	shalt  }
0x40: {  	_ =	shalt  }
0x41: {  	_ =	shalt  }
0x42: {  	_ =	shalt  }
0x43: {  	_ =	shalt  }
0x44: {  	_ =	shalt  }
0x45: {  	_ =	shalt  }
0x46: {  	_ =	shalt  }
0x47: {  	_ =	shalt  }
0x48: {  	_ =	shalt  }
0x49: {  	_ =	shalt  }
0x4a: {  	_ =	shalt  }
0x4b: {  	_ =	shalt  }
0x4c: {  	_ =	shalt  }
0x4d: {  	_ =	shalt  }
0x4e: {  	_ =	shalt  }
0x4f: {  	_ =	shalt  }
0x50: {  	_ =	shalt  }
0x51: {  	_ =	shalt  }
0x52: {  	_ =	shalt  }
0x53: {  	_ =	shalt  }
0x54: {  	_ =	shalt  }
0x55: {  	_ =	shalt  }
0x56: {  	_ =	shalt  }
0x57: {  	_ =	shalt  }
0x58: {  	_ =	shalt  }
0x59: {  	_ =	shalt  }
0x5a: {  	_ =	shalt  }
0x5b: {  	_ =	shalt  }
0x5c: {  	_ =	shalt  }
0x5d: {  	_ =	shalt  }
0x5e: {  	_ =	shalt  }
0x5f: {  	_ =	shalt  }
0x60: {  	_ =	shalt  }
0x61: {  	_ =	shalt  }
0x62: {  	_ =	shalt  }
0x63: {  	_ =	shalt  }
0x64: {  	_ =	shalt  }
0x65: {  	_ =	shalt  }
0x66: {  	_ =	shalt  }
0x67: {  	_ =	shalt  }
0x68: {  	_ =	shalt  }
0x69: {  	_ =	shalt  }
0x6a: {  	_ =	shalt  }
0x6b: {  	_ =	shalt  }
0x6c: {  	_ =	shalt  }
0x6d: {  	_ =	shalt  }
0x6e: {  	_ =	shalt  }
0x6f: {  	_ =	shalt  }
0x70: {  	_ =	shalt  }
0x71: {  	_ =	shalt  }
0x72: {  	_ =	shalt  }
0x73: {  	_ =	shalt  }
0x74: {  	_ =	shalt  }
0x75: {  	_ =	shalt  }
0x76: {  	_ =	shalt  }
0x77: {  	_ =	shalt  }
0x78: {  	_ =	shalt  }
0x79: {  	_ =	shalt  }
0x7a: {  	_ =	shalt  }
0x7b: {  	_ =	shalt  }
0x7c: {  	_ =	shalt  }
0x7d: {  	_ =	shalt  }
0x7e: {  	_ =	shalt  }
0x7f: {  	_ =	shalt  }
0x80: {  	_ =	shalt  }
0x81: {  	_ =	shalt  }
0x82: {  	_ =	shalt  }
0x83: {  	_ =	shalt  }
0x84: {  	_ =	shalt  }
0x85: {  	_ =	shalt  }
0x86: {  	_ =	shalt  }
0x87: {  	_ =	shalt  }
.Lfunc_end0:
.L_simem_size_0:
called_computation_lowered:
.L_overlay_start_0:
0x88: {  	s2 =	sld [smem:$0x3FD9]  }
0x89: {  	s3 =	sld [smem:$0x3FFE];
	_ =	sdelay $0x1  }
0x8a: {  	s1 =	srdreg.scid  }
0x8b: {  	s0 =	sand.u32 $0x1, s1  }
0x8c: {  	s14 =	sshll.u32 s0, $0xA;
	s2 =	sadd.s32 s3, s2  }
0x8d: {  	s2 =	sadd.s32 s2, s14  }
0x8e: {  	[smem:$0x3FC6] =	sst s2  }
0x8f: {  	_ = 	snop  }
0x90: {  	s2 =	sld [smem:$0x3FD0];
	_ =	sdelay $0x2  }
0x91: {  	s4 =	simm.s32 $0xA;
	s5 =	simm.s32 $0x10;
	s15 =	sld [smem:$0x3FC8]  }
0x92: {  	[smem:s5], [sflag:s4] =	dma.local [hbm:s2], $0x1  }
0x93: {  	_ =	swait.eq [sflag:s4], $0x1  }
0x94: {  	[sflag:s4] =	ssyncset.done $0x0  }
0x95: {  	s16 =	sld [smem:$0x10];
	[sflag:s4] =	ssyncadd.s32 $0xFFFFFFFF  }
0x96: {  	s17 =	sld [smem:$0x11];
	(tm) =	ssettm $0x1  }
0x97: {  	s18 =	sld [smem:$0x3FFB];
	_ =	sdelay $0x3  }
0x98: {  	_ =	strace s18  }
0x99: {  	s5 =	sld [smem:$0x3FFC];
	_ =	sdelay $0x3  }
0x9a: {  	_ =	strace s5  }
0x9b: {  	s5 =	sld [smem:$0x3FFD];
	_ =	sdelay $0x3  }
0x9c: {  	_ =	strace s5  }
0x9d: {  	_ =	strace $0x8FFFFFFF  }
0x9e: {  	s19 =	sld [smem:$0x3FDB];
	_ =	sdelay $0x1  }
0x9f: {  	s6 =	simm.s32 $_scs_section_size  }
0xa0: {  	s7 =	simm.s32 $_size__tile_overlayer_lowered;
	s8 =	simm.s32 $_tile_overlayer_lowered  }
0xa1: {  	s22 =	simm.s32 $0x1BFF;
	s21 =	sshll.u32 s8, $0x1;
	s5 =	sadd.s32 s6, s19  }
0xa2: {  	s9 =	simm.s32 $0x0;
	s20 =	sshll.u32 s7, $0x1;
	s7 =	sadd.s32 s21, s5  }
0xa3: {  	[timem:s9], [sflag:s22] =	dma.local [hbm:s7], s20  }
0xa4: {  	_ =	swait.ge [sflag:s22], s20  }
0xa5: {  	s6 =	ssub.s32 $0x0, s20;
	[sflag:s22] =	ssyncset.done $0x0  }
0xa6: {  	[sflag:s22] =	ssyncadd.s32 s6;
	_ =	sdelay $0x1  }
0xa7: {  	s23 =	simm.s32 $0x1B8B  }
0xa8: {  	_ =	swait.ge [sflag:s23], $0x1  }
0xa9: {  	[sflag:s23] =	ssyncset.done $0x0  }
0xaa: {  	s25 =	simm.s32 $0x1B8E;
	s24 =	sld [smem:$0x3FFE];
	[sflag:s23] =	ssyncadd.s32 $0xFFFFFFFF  }
0xab: {  	s26 =	simm.s32 $execute0_lowered;
	[smem:$0x3FD2] =	sst s25  }
0xac: {  	s7 =	sshll.u32 s26, $0x1;
	_ =	strace $0x80000046;
	[dreg:$0x1] =	wrdreg $0xFFFFFFFF  }
0xad: {  	s28 =	simm.s32 $_size_execute0_lowered;
	s5 =	sadd.s32 s5, s7;
	[dreg:$0x0] =	wrdreg $0x0  }
0xae: {  	s7 =	sshll.u32 s28, $0x1;
	[dreg:$0x2] =	wrdreg s5  }
0xaf: {  	[dreg:$0x3] =	wrdreg s7  }
0xb0: {  	[dreg:$0x4] =	wrdreg $0xC0  }
0xb1: {  	_ =	task [dreg:s9], $0x5FFFF  }
0xb2: {  	[dreg:$0x1] =	wrdreg $0xFFFFFFFF  }
0xb3: {  	[dreg:$0x0] =	wrdreg $0x60  }
0xb4: {  	[dreg:$0x2] =	wrdreg s24  }
0xb5: {  	[dreg:$0x3] =	wrdreg s15  }
0xb6: {  	[dreg:$0x4] =	wrdreg s16  }
0xb7: {  	[dreg:$0x5] =	wrdreg s17  }
0xb8: {  	[dreg:$0x6] =	wrdreg $0x0  }
0xb9: {  	[dreg:$0x7] =	wrdreg $0x138800  }
0xba: {  	[dreg:$0x8] =	wrdreg $0x9  }
0xbb: {  	_ =	task.clear_ibuf [dreg:s9], $0x9FFFF;
	_ =	strace $0x90000046  }
0xbc: {  	s29 =	simm.s32 $0x9;
	_ =	strace $0x80000048  }
0xbd: {  	_ =	swait.ge [sflag:s29], $0x1  }
0xbe: {  	[sflag:s29] =	ssyncadd.s32 $0xFFFFFFFF  }
0xbf: {  	_ =	strace $0x90000048  }
0xc0: {  	_ =	sfence  }
0xc1: {  	s30 =	sld [smem:$0x0];
	_ =	sdelay $0x2  }
0xc2: {  	s31 =	sshll.u32 s1, $0xD;
	s1 =	sshrl.u32 s1, $0x2  }
0xc3: {  	s3 =	sand.u32 $0x4000, s31;
	s1 =	sadd.s32 s1, s30  }
0xc4: {  	s0 =	sor.u32 s3, s0;
	s1 =	sshll.u32 s1, $0x11  }
0xc5: {  	s0 =	sor.u32 s1, s0  }
0xc6: {  	s0 =	sadd.s32 $0x8F2B, s0  }
0xc7: {  	[sflag:s0] =	ssyncadd.remote.s32 $0x1  }
0xc8: {  	_ =	sfence.sel $0xFFFF  }
0xc9: {  	[dreg:$0x0] =	wrdreg $0xFFFFFFFF;
	(pc) =	sbr.abs _section_cstart, $3  }
0xca: {  	[dreg:$0x1] =	wrdreg $0xFFFFFFFF  }
0xcb: {  	_ =	task.clear_ibuf [dreg:s9], $0x2FFFF;
	_ =	strace $0x9FFFFFFF  }
0xcc: {  	(tm) =	ssettm $0x7FFFFFFF  }
0xcd: {  	_ =	shalt  }
tec
execute0_lowered:
.L_overlay_start_1:
0x0: {  	(tag) =	ssettag $0x1  }
0x1: {  	s0 =	rddreg [dreg:$0x0]  }
0x2: {  	s1 =	rddreg [dreg:$0x1]  }
0x3: {  	s19 =	rddreg [dreg:$0x2]  }
0x4: {  	s2 =	rddreg [dreg:$0x3]  }
0x5: {  	s3 =	rddreg [dreg:$0x4]  }
0x6: {  	s4 =	rddreg [dreg:$0x5]  }
0x7: {  	s5 =	simm.s32 $0x0;
	s6 =	srdreg.scid;
	s20 =	stileid.u32  }
0x8: {  	s30 =	simm.s32 $0x12;
	s28 =	simm.s32 $0x1E980;
	s10 =	smul.u32 $0x280, s20  }
0x9: {  	s29 =	simm.s32 $0xD;
	s31 =	simm.s32 $0x10;
	s24 =	smul.u32 $0x50000, s20  }
0xa: {  	[smem:$0x7FF] =	sst s5;
	s6 =	sand.u32 $0x1, s6;
	s14 =	smul.u32 $0x500, s20  }
0xb: {  	s9 =	sshll.u32 s20, $0xE;
	s0 =	sadd.s32 $0x600, s0;
	s23 =	smul.u32 $0x14000, s20  }
0xc: {  	p0 =	seq.s32 s20, $0xF;
	_ =	strace $0x80000047;
	s7 =	ssub.s32 $0x2, s6  }
0xd: {  	s8 =	sshll.u32 s6, $0x12;
	s18 =	sshll.u32 s6, $0x7;
	s22 =	smul.u32 $0x138800, s6  }
0xe: {  	s11 =	sshrl.u32 s7, $0x1;
	s8 =	sor.u32 s9, s8;
	s9 =	sshrl.u32 s24, $0x2  }
0xf: {  	s26 =	sshll.u32 s10, $0x7;
	s16 =	sadd.s32 $0x1E0, s10;
	s18 =	sor.u32 s18, s14  }
0x10: {  	s7 =	ssub.s32 s7, s11;
	s25 =	sshrl.u32 s8, $0x3;
	s9 =	sadd.s32 s9, s3  }
0x11: {  	s12 =	sadd.s32 $0x5000, s26;
	s15 =	sadd.s32 $0xA000, s26;
	s11 =	sadd.s32 $0xC800, s26  }
0x12: {  	s6 =	sshrl.u32 s18, $0x3;
	s8 =	sor.u32 $0x400, s8;
	[dreg:$0xc] =	wrdreg s22  }
0x13: {  	s21 =	sadd.s32 s0, s25;
	[dreg:$0x8] =	wrdreg s9;
	s9 =	sor.u32 $0x2800, s26  }
0x14: {  	s17 =	sadd.s32 s12, s3;
	s2 =	sadd.s32 s2, s6;
	s24 =	sshrl.u32 s8, $0x3  }
0x15: {  	s18 =	sadd.s32 s22, s12;
	s12 =	sadd.s32 s11, s3;
	[dreg:$0xa] =	wrdreg s17  }
0x16: {  	s13 =	sadd.s32 s9, s3;
	s17 =	sshll.u32 s16, $0x7;
	[dreg:$0xd] =	wrdreg s2  }
0x17: {  	s2 =	sadd.s32 $0x230, s10;
	s14 =	sadd.s32 s24, s0;
	[dreg:$0x16] =	wrdreg s12  }
0x18: {  	s9 =	sadd.s32 s22, s9;
	s16 =	simm.s32 @p0 $0x2760;
	[dreg:$0x7] =	wrdreg s21  }
0x19: {  	s20 =	sadd.s32 $0x20, s21;
	s12 =	simm.s32 $0x2;
	[dreg:$0x9] =	wrdreg s13  }
0x1a: {  	s13 =	sadd.s32 $0x7800, s26;
	s17 =	sadd.s32 s17, s3;
	s25 =	sshll.u32 s2, $0x7  }
0x1b: {  	s26 =	sadd.s32 s23, s22;
	s2 =	simm.s32 @p0 $0x27B0;
	[dreg:$0x1d] =	wrdreg s20  }
0x1c: {  	s20 =	simm.s32 $0x1E700;
	[dreg:$0xb] =	wrdreg s17;
	s0 =	sadd.s32 s25, s3  }
0x1d: {  	s8 =	sshrl.u32 s26, $0x3;
	s17 =	sadd.s32 s10, s4;
	s10 =	sshrl.u32 s9, $0x3  }
0x1e: {  	s23 =	sadd.s32 s13, s3;
	s24 =	sadd.s32 s22, s13;
	s25 =	sshrl.u32 s18, $0x3  }
0x1f: {  	s9 =	sadd.s32 s15, s3;
	s13 =	sadd.s32 s22, s11;
	[dreg:$0xe] =	wrdreg s0  }
0x20: {  	s18 =	smax.u32 s7, $0x1;
	s7 =	simm.s32 $0x16300;
	[dreg:$0x11] =	wrdreg s23  }
0x21: {  	s11 =	simm.s32 $0xF;
	s0 =	sadd.s32 s19, s8;
	[dreg:$0x15] =	wrdreg s9  }
0x22: {  	s26 =	sshrl.u32 s24, $0x3;
	s6 =	sshrl.u32 s13, $0x3;
	[dreg:$0x19] =	wrdreg s18  }
0x23: {  	s23 =	sadd.s32 $0x40, s21;
	s24 =	sadd.s32 $0x50, s21;
	[dreg:$0xf] =	wrdreg s17  }
0x24: {  	s13 =	simm.s32 $0x1DB00;
	s9 =	simm.s32 $0x18B00;
	[dreg:$0x10] =	wrdreg s0  }
0x25: {  	s18 =	simm.s32 $0x1B300;
	s0 =	sadd.s32 s19, s10;
	[dreg:$0x1f] =	wrdreg s23  }
0x26: {  	s8 =	sadd.s32 s19, s26;
	s10 =	sadd.s32 s22, s15;
	[smem:$0x7FB] =	sst s24  }
0x27: {  	s15 =	sadd.s32 s19, s6;
	s22 =	sadd.s32 $0x30, s21;
	[dreg:$0x12] =	wrdreg s0  }
0x28: {  	s26 =	sadd.s32 $0x70, s21;
	s23 =	simm.s32 $0x1;
	[dreg:$0x14] =	wrdreg s8  }
0x29: {  	s6 =	simm.s32 $0x50;
	s24 =	simm.s32 $0xA;
	[dreg:$0x18] =	wrdreg s15  }
0x2a: {  	s0 =	sadd.s32 s19, s25;
	[dreg:$0x1e] =	wrdreg s22;
	s25 =	sadd.s32 $0x60, s21  }
0x2b: {  	[smem:$0x7FD] =	sst s26;
	s26 =	simm.s32 $0x5;
	s22 =	simm.s32 $0x9  }
0x2c: {  	s8 =	simm.s32 $0xC;
	[dreg:$0x13] =	wrdreg s0;
	s0 =	sshrl.u32 s10, $0x3  }
.Ltmp0:
0x2d: {  	[smem:$0x7FC] =	sst s25;
	s0 =	sadd.s32 s19, s0;
	(pc) =	sbr.rel .LBB2_1-.Ltmp0, $4  }
0x2e: {  	s15 =	simm.s32 $0x0;
	s19 =	sadd.s32 $0x10, s21;
	[dreg:$0x17] =	wrdreg s0  }
0x2f: {  	s25 =	simm.s32 $0x13B00;
	s0 =	sshll.u32 @!p0 s16, $0x7;
	[dreg:$0x1c] =	wrdreg s19  }
0x30: {  	s10 =	simm.s32 $0x7;
	[dreg:$0x1a] =	wrdreg s0;
	s0 =	sshll.u32 @!p0 s2, $0x7  }
0x31: {  	v0 =	vimm.f32 $0.0e+00;
	v1 =	vimm.f32 $1.000000000e+00;
	s19 =	simm.s32 $0xE;
	s2 =	simm.s32 $0xB;
	[dreg:$0x1b] =	wrdreg s0  }
.LBB2_6:
0x32: {  	_ =	swait.ge [sflag:s22], $0x2800  }
0x33: {  	[sflag:s22] =	ssyncset.done $0x0  }
0x34: {  	s0 =	simm.s32 $0x1E300;
	[sflag:s22] =	ssyncadd.s32 $0xFFFFD800  }
0x35: {  	[spmem:s3] =	stream.indirect.scatter.add.f32 [tilespmem:s25], [sflag:$0xD], $0x80, s0, s6, $0xb8;
	[tilespmem:$0x1EA00] =	vst v63  }
0x36: {  	_ = 	snop  }
0x37: {  	[spmem:s4] =	stream.indirect.scatter.add.f32 [tilespmem:s28], [sflag:$0x12], $0x1, s0, s6, $0xb8;
	[tilespmem:$0x1EA00] =	vst v63  }
0x38: {  	_ =	swait.ge [sflag:s30], $0x50  }
0x39: {  	[sflag:s30] =	ssyncset.done $0x0  }
0x3a: {  	[sflag:s30] =	ssyncadd.s32 $0xFFFFFFB0  }
0x3b: {  	_ =	swait.ge [sflag:s29], $0x2800  }
0x3c: {  	[sflag:s29] =	ssyncset.done $0x0  }
0x3d: {  	[sflag:s29] =	ssyncadd.s32 $0xFFFFD800  }
0x3e: {  	_ =	swait.ge [sflag:s12], $0x80  }
0x3f: {  	[sflag:s12] =	ssyncset.done $0x0  }
0x40: {  	[sflag:s12] =	ssyncadd.s32 $0xFFFFFF80  }
0x41: {  	v2 =	vld [tilespmem:$0x1DB80];
	_ =	sdelay $0x1  }
0x42: {  	v3 =	vld [tilespmem:$0x1DB90];
	_ =	sdelay $0x1  }
0x43: {  	v4 =	vld [tilespmem:$0x1DBA0]  }
0x44: {  	v5 =	vand.u32 $0x3FFF, v2  }
0x45: {  	v63 =	vld [tilespmem:$0x1DBB0];
	v2 =	vshra.s32 v2, $0xE;
	[tilespmem:$0x1DF80] =	vst v5  }
0x46: {  	[tilespmem:$0x1E380] =	vst v2;
	v2 =	vand.u32 $0x3FFF, v3  }
0x47: {  	[tilespmem:$0x1DF90] =	vst v2;
	v2 =	vshra.s32 v3, $0xE;
	v3 =	vld [tilespmem:$0x1DBC0]  }
0x48: {  	[tilespmem:$0x1E390] =	vst v2;
	v2 =	vand.u32 $0x3FFF, v4  }
0x49: {  	[tilespmem:$0x1DFA0] =	vst v2;
	v2 =	vshra.s32 v4, $0xE  }
0x4a: {  	[tilespmem:$0x1E3A0] =	vst v2;
	v2 =	vand.u32 $0x3FFF, v63  }
0x4b: {  	[tilespmem:$0x1DFB0] =	vst v2;
	v2 =	vshra.s32 v63, $0xE  }
0x4c: {  	[tilespmem:$0x1E3B0] =	vst v2;
	v2 =	vand.u32 $0x3FFF, v3  }
0x4d: {  	[tilespmem:$0x1DFC0] =	vst v2;
	v2 =	vshra.s32 v3, $0xE  }
0x4e: {  	s23 =	simm.s32 $0x1DF80;
	[tilespmem:$0x1E3C0] =	vst v2  }
0x4f: {  	[tilespmem:s25], [sflag:$0x9] =	stream.indirect.gather [hbm4b:s1+s6], $0x80, s23, s6, $0xb8;
	[tilespmem:$0x1EA00] =	vst v63  }
0x50: {  	_ =	swait.ge [sflag:s24], $0x2800  }
0x51: {  	[sflag:s24] =	ssyncset.done $0x0  }
0x52: {  	s13 =	simm.s32 $0x1E400;
	[sflag:s24] =	ssyncadd.s32 $0xFFFFD800  }
0x53: {  	[spmem:s3] =	stream.indirect.scatter.add.f32 [tilespmem:s7], [sflag:$0xE], $0x80, s13, s6, $0xb8;
	[tilespmem:$0x1EA00] =	vst v63  }
0x54: {  	_ = 	snop  }
0x55: {  	[spmem:s4] =	stream.indirect.scatter.add.f32 [tilespmem:s28], [sflag:$0x12], $0x1, s13, s6, $0xb8;
	[tilespmem:$0x1EA00] =	vst v63  }
0x56: {  	_ =	swait.ge [sflag:s30], $0x50  }
0x57: {  	[sflag:s30] =	ssyncset.done $0x0  }
0x58: {  	[sflag:s30] =	ssyncadd.s32 $0xFFFFFFB0  }
0x59: {  	_ =	swait.ge [sflag:s19], $0x2800  }
0x5a: {  	[sflag:s19] =	ssyncset.done $0x0  }
0x5b: {  	[sflag:s19] =	ssyncadd.s32 $0xFFFFD800  }
0x5c: {  	_ =	swait.ge [sflag:s2], $0x2800  }
0x5d: {  	[sflag:s2] =	ssyncset.done $0x0  }
0x5e: {  	s15 =	simm.s32 $0x1E500;
	[sflag:s2] =	ssyncadd.s32 $0xFFFFD800  }
0x5f: {  	[spmem:s3] =	stream.indirect.scatter.add.f32 [tilespmem:s9], [sflag:$0xF], $0x80, s15, s6, $0xb8;
	[tilespmem:$0x1EA00] =	vst v63  }
0x60: {  	_ = 	snop  }
0x61: {  	[spmem:s4] =	stream.indirect.scatter.add.f32 [tilespmem:s28], [sflag:$0x12], $0x1, s15, s6, $0xb8;
	[tilespmem:$0x1EA00] =	vst v63  }
0x62: {  	_ =	swait.ge [sflag:s30], $0x50  }
0x63: {  	[sflag:s30] =	ssyncset.done $0x0  }
0x64: {  	[sflag:s30] =	ssyncadd.s32 $0xFFFFFFB0  }
0x65: {  	_ =	swait.ge [sflag:s11], $0x2800  }
0x66: {  	[sflag:s11] =	ssyncset.done $0x0  }
0x67: {  	[sflag:s11] =	ssyncadd.s32 $0xFFFFD800  }
0x68: {  	_ =	swait.ge [sflag:s8], $0x2800  }
0x69: {  	[sflag:s8] =	ssyncset.done $0x0  }
0x6a: {  	s16 =	simm.s32 $0x1E600;
	[sflag:s8] =	ssyncadd.s32 $0xFFFFD800  }
0x6b: {  	[spmem:s3] =	stream.indirect.scatter.add.f32 [tilespmem:s18], [sflag:$0x10], $0x80, s16, s6, $0xb8;
	[tilespmem:$0x1EA00] =	vst v63  }
0x6c: {  	_ = 	snop  }
0x6d: {  	[spmem:s4] =	stream.indirect.scatter.add.f32 [tilespmem:s28], [sflag:$0x12], $0x1, s16, s6, $0xb8;
	[tilespmem:$0x1EA00] =	vst v63  }
0x6e: {  	_ =	swait.ge [sflag:s30], $0x50  }
0x6f: {  	[sflag:s30] =	ssyncset.done $0x0  }
0x70: {  	[sflag:s30] =	ssyncadd.s32 $0xFFFFFFB0  }
0x71: {  	_ =	swait.ge [sflag:s31], $0x2800  }
0x72: {  	[sflag:s31] =	ssyncset.done $0x0  }
0x73: {  	[sflag:s31] =	ssyncadd.s32 $0xFFFFD800  }
0x74: {  	_ =	swait.ge [sflag:s22], $0x2800  }
0x75: {  	[sflag:s22] =	ssyncset.done $0x0  }
0x76: {  	s17 =	simm.s32 $0x1E380;
	[sflag:s22] =	ssyncadd.s32 $0xFFFFD800  }
0x77: {  	[spmem:s3] =	stream.indirect.scatter.add.f32 [tilespmem:s25], [sflag:$0xD], $0x80, s17, s6, $0xb8;
	[tilespmem:$0x1EA00] =	vst v63  }
0x78: {  	_ = 	snop  }
0x79: {  	[spmem:s4] =	stream.indirect.scatter.add.f32 [tilespmem:s28], [sflag:$0x12], $0x1, s17, s6, $0xb8;
	[tilespmem:$0x1EA00] =	vst v63  }
0x7a: {  	_ =	swait.ge [sflag:s30], $0x50  }
0x7b: {  	[sflag:s30] =	ssyncset.done $0x0  }
0x7c: {  	[sflag:s30] =	ssyncadd.s32 $0xFFFFFFB0  }
0x7d: {  	_ =	swait.ge [sflag:s29], $0x2800  }
0x7e: {  	[sflag:s29] =	ssyncset.done $0x0  }
0x7f: {  	[sflag:s29] =	ssyncadd.s32 $0xFFFFD800  }
0x80: {  	[bflag:$0x0] =	sbarrier.arrive $0xFFFF  }
0x81: {  	s20 =	rddreg [dreg:$0x8]  }
0x82: {  	[tilespmem:s25], [sflag:$0x12] =	stream.linear.gather [spmem:s20], $0x2800, $0x38;
	[tilespmem:$0x1EA00] =	vst v63  }
0x83: {  	_ =	swait.ge [sflag:s30], $0x2800  }
0x84: {  	[sflag:s30] =	ssyncset.done $0x0  }
0x85: {  	s21 =	rddreg [dreg:$0x10];
	[sflag:s30] =	ssyncadd.s32 $0xFFFFD800  }
0x86: {  	[hbm4b:s21+s5] =	stream.linear.scatter [tilespmem:s25], [sflag:$0x11], $0x2800, $0x38;
	[tilespmem:$0x1EA00] =	vst v63  }
0x87: {  	s23 =	rddreg [dreg:$0x9]  }
0x88: {  	[tilespmem:s7], [sflag:$0x12] =	stream.linear.gather [spmem:s23], $0x2800, $0x38;
	[tilespmem:$0x1EA00] =	vst v63  }
0x89: {  	_ =	swait.ge [sflag:s30], $0x2800  }
0x8a: {  	[sflag:s30] =	ssyncset.done $0x0  }
0x8b: {  	s13 =	rddreg [dreg:$0x12];
	[sflag:s30] =	ssyncadd.s32 $0xFFFFD800  }
0x8c: {  	[hbm4b:s13+s5] =	stream.linear.scatter [tilespmem:s7], [sflag:$0x11], $0x2800, $0x38;
	[tilespmem:$0x1EA00] =	vst v63  }
0x8d: {  	s15 =	rddreg [dreg:$0xa]  }
0x8e: {  	[tilespmem:s9], [sflag:$0x12] =	stream.linear.gather [spmem:s15], $0x2800, $0x38;
	[tilespmem:$0x1EA00] =	vst v63  }
0x8f: {  	_ =	swait.ge [sflag:s30], $0x2800  }
0x90: {  	[sflag:s30] =	ssyncset.done $0x0  }
0x91: {  	s16 =	rddreg [dreg:$0x13];
	[sflag:s30] =	ssyncadd.s32 $0xFFFFD800  }
0x92: {  	[hbm4b:s16+s5] =	stream.linear.scatter [tilespmem:s9], [sflag:$0x11], $0x2800, $0x38;
	[tilespmem:$0x1EA00] =	vst v63  }
0x93: {  	s17 =	rddreg [dreg:$0x11]  }
0x94: {  	[tilespmem:s18], [sflag:$0x12] =	stream.linear.gather [spmem:s17], $0x2800, $0x38;
	[tilespmem:$0x1EA00] =	vst v63  }
0x95: {  	_ =	swait.ge [sflag:s30], $0x2800  }
0x96: {  	[sflag:s30] =	ssyncset.done $0x0  }
0x97: {  	s23 =	simm.s32 $0x11;
	s20 =	rddreg [dreg:$0x14];
	[sflag:s30] =	ssyncadd.s32 $0xFFFFD800  }
0x98: {  	[hbm4b:s20+s5] =	stream.linear.scatter [tilespmem:s18], [sflag:$0x11], $0x2800, $0x38;
	[tilespmem:$0x1EA00] =	vst v63  }
0x99: {  	_ =	swait.ge [sflag:s23], $0x2800  }
0x9a: {  	[sflag:s23] =	ssyncset.done $0x0  }
0x9b: {  	s21 =	rddreg [dreg:$0x15];
	[sflag:s23] =	ssyncadd.s32 $0xFFFFD800  }
0x9c: {  	[tilespmem:s25], [sflag:$0x12] =	stream.linear.gather [spmem:s21], $0x2800, $0x38;
	[tilespmem:$0x1EA00] =	vst v63  }
0x9d: {  	_ =	swait.ge [sflag:s30], $0x2800  }
0x9e: {  	[sflag:s30] =	ssyncset.done $0x0  }
0x9f: {  	s0 =	simm.s32 @!p0 $0x11;
	s13 =	rddreg [dreg:$0x17];
	[sflag:s30] =	ssyncadd.s32 $0xFFFFD800  }
0xa0: {  	[hbm4b:s13+s5] =	stream.linear.scatter [tilespmem:s25], [sflag:$0x11], $0x2800, $0x38;
	[tilespmem:$0x1EA00] =	vst v63  }
0xa1: {  	_ =	swait.ge @!p0 [sflag:s0], $0x2800  }
0xa2: {  	s15 =	simm.s32 @!p0 $0x16300;
	[sflag:s0] =	ssyncset.done @!p0 $0x0  }
0xa3: {  	s16 =	simm.s32 @!p0 $0x12;
	s13 =	rddreg [dreg:$0x16];
	[sflag:s0] =	ssyncadd.s32 @!p0 $0xFFFFD800  }
0xa4: {  	[tilespmem:s15], [sflag:$0x12] =	stream.linear.gather @!p0 [spmem:s13], $0x2800, $0x38;
	[tilespmem:$0x1EA00] =	vst v63  }
0xa5: {  	_ =	swait.ge @!p0 [sflag:s16], $0x2800  }
0xa6: {  	[sflag:s16] =	ssyncset.done @!p0 $0x0  }
0xa7: {  	s17 =	simm.s32 @!p0 $0x0;
	s13 =	rddreg [dreg:$0x18];
	[sflag:s16] =	ssyncadd.s32 @!p0 $0xFFFFD800  }
0xa8: {  	[hbm4b:s13+s17] =	stream.linear.scatter @!p0 [tilespmem:s15], [sflag:$0x11], $0x2800, $0x38;
	[tilespmem:$0x1EA00] =	vst v63  }
0xa9: {  	_ =	swait.ge @!p0 [sflag:s0], $0x2800  }
0xaa: {  	[sflag:s0] =	ssyncset.done @!p0 $0x0;
	s21 =	rddreg [dreg:$0x1a]  }
0xab: {  	s20 =	simm.s32 @!p0 $0x18B00;
	[sflag:s0] =	ssyncadd.s32 @!p0 $0xFFFFD800;
	s15 =	sadd.s32 @!p0 s21, s3  }
0xac: {  	[tilespmem:s20], [sflag:$0x12] =	stream.linear.gather @!p0 [spmem:s15], $0x2800, $0x38;
	[tilespmem:$0x1EA00] =	vst v63  }
0xad: {  	_ =	swait.ge @!p0 [sflag:s16], $0x2800  }
0xae: {  	s13 =	rddreg [dreg:$0xc];
	[sflag:s16] =	ssyncset.done @!p0 $0x0  }
0xaf: {  	s15 =	sadd.s32 @!p0 s13, s21;
	[sflag:s16] =	ssyncadd.s32 @!p0 $0xFFFFD800  }
0xb0: {  	s15 =	sshrl.u32 @!p0 s15, $0x3;
	s21 =	rddreg [dreg:$0x2]  }
0xb1: {  	s15 =	sadd.s32 @!p0 s21, s15  }
0xb2: {  	[hbm4b:s15+s17] =	stream.linear.scatter @!p0 [tilespmem:s20], [sflag:$0x11], $0x2800, $0x38;
	[tilespmem:$0x1EA00] =	vst v63  }
0xb3: {  	_ =	swait.ge @!p0 [sflag:s0], $0x2800  }
0xb4: {  	[sflag:s0] =	ssyncset.done @!p0 $0x0;
	s20 =	rddreg [dreg:$0x1b]  }
0xb5: {  	s15 =	simm.s32 @!p0 $0x1B300;
	[sflag:s0] =	ssyncadd.s32 @!p0 $0xFFFFD800;
	s0 =	sadd.s32 @!p0 s20, s3  }
0xb6: {  	[tilespmem:s15], [sflag:$0x12] =	stream.linear.gather @!p0 [spmem:s0], $0x2800, $0x38;
	[tilespmem:$0x1EA00] =	vst v63  }
0xb7: {  	s0 =	sadd.s32 @!p0 s13, s20;
	_ =	swait.ge @!p0 [sflag:s16], $0x2800  }
0xb8: {  	s0 =	sshrl.u32 @!p0 s0, $0x3;
	[sflag:s16] =	ssyncset.done @!p0 $0x0  }
0xb9: {  	s0 =	sadd.s32 @!p0 s21, s0;
	[sflag:s16] =	ssyncadd.s32 @!p0 $0xFFFFD800  }
0xba: {  	[hbm4b:s0+s17] =	stream.linear.scatter @!p0 [tilespmem:s15], [sflag:$0x11], $0x2800, $0x38;
	[tilespmem:$0x1EA00] =	vst v63  }
0xbb: {  	_ =	swait.ge [sflag:s23], $0x2800  }
0xbc: {  	[sflag:s23] =	ssyncset.done $0x0  }
0xbd: {  	[sflag:s23] =	ssyncadd.s32 $0xFFFFD800  }
0xbe: {  	_ =	swait.ge [sflag:s23], $0x2800  }
0xbf: {  	[sflag:s23] =	ssyncset.done $0x0  }
0xc0: {  	[sflag:s23] =	ssyncadd.s32 $0xFFFFD800  }
0xc1: {  	_ =	swait.ge [sflag:s23], $0x2800  }
0xc2: {  	[sflag:s23] =	ssyncset.done $0x0  }
0xc3: {  	[sflag:s23] =	ssyncadd.s32 $0xFFFFD800  }
0xc4: {  	_ =	swait.ge [sflag:s23], $0x2800  }
0xc5: {  	[sflag:s23] =	ssyncset.done $0x0  }
0xc6: {  	s20 =	simm.s32 $0x1E700;
	s17 =	rddreg [dreg:$0xf];
	[sflag:s23] =	ssyncadd.s32 $0xFFFFD800  }
0xc7: {  	[tilespmem:s20], [sflag:$0x12] =	stream.linear.gather [spmem:s17], $0x280, $0x38;
	[tilespmem:$0x1EA00] =	vst v63  }
0xc8: {  	_ =	swait.ge [sflag:s30], $0x280  }
0xc9: {  	s21 =	simm.s32 $0x100;
	[sflag:s30] =	ssyncset.done $0x0  }
0xca: {  	s16 =	simm.s32 $0x80;
	s15 =	rddreg [dreg:$0xd];
	[sflag:s30] =	ssyncadd.s32 $0xFFFFFD80  }
0xcb: {  	[hbm4b:s15+s16] =	stream.strided.scatter [tilespmem:s20], [sflag:$0x12], $0x280, s21, s16, $0x38;
	[tilespmem:$0x1EA00] =	vst v63  }
0xcc: {  	_ =	swait.ge [sflag:s30], $0x280  }
0xcd: {  	s16 =	sld [smem:$0x7FA];
	_ =	sdelay $0x2  }
0xce: {  	s21 =	rddreg [dreg:$0x19];
	s15 =	sadd.s32 $0x1, s16  }
0xcf: {  	p1 =	sne.s32 s15, s21  }
.Ltmp1:
0xd0: {  	_ = 	snop;
	(pc) =	sbr.rel @!p1 .LBB2_7-.Ltmp1, $3  }
0xd1: {  	_ =	sdelay $0x1  }
0xd2: {  	[sflag:s30] =	ssyncset.done $0x0  }
0xd3: {  	s13 =	simm.s32 $0x1DB00;
	s23 =	simm.s32 $0x1;
	[sflag:s30] =	ssyncadd.s32 $0xFFFFFD80  }
.LBB2_1:
0xd4: {  	s0 =	rddreg [dreg:$0x7]  }
0xd5: {  	[tilespmem:s13], [sflag:$0x1] =	stream.linear.gather [hbm4b:s0+s5], $0x80, $0x38;
	[tilespmem:$0x1EA00] =	vst v63  }
0xd6: {  	s16 =	rddreg [dreg:$0x1c];
	s21 =	simm.s32 $0x1DC00  }
0xd7: {  	[tilespmem:s21], [sflag:$0x3] =	stream.linear.gather [hbm4b:s16+s5], $0x80, $0x38;
	[tilespmem:$0x1EA00] =	vst v63  }
0xd8: {  	s16 =	rddreg [dreg:$0x1d];
	s21 =	simm.s32 $0x1DD00  }
0xd9: {  	[tilespmem:s21], [sflag:$0x5] =	stream.linear.gather [hbm4b:s16+s5], $0x80, $0x38;
	[tilespmem:$0x1EA00] =	vst v63  }
0xda: {  	s16 =	rddreg [dreg:$0x1e];
	s21 =	simm.s32 $0x1DE00  }
0xdb: {  	[tilespmem:s21], [sflag:$0x7] =	stream.linear.gather [hbm4b:s16+s5], $0x80, $0x38;
	[tilespmem:$0x1EA00] =	vst v63  }
0xdc: {  	s16 =	rddreg [dreg:$0x1f];
	s21 =	simm.s32 $0x1DB80  }
0xdd: {  	[tilespmem:s21], [sflag:$0x2] =	stream.linear.gather [hbm4b:s16+s5], $0x80, $0x38;
	[tilespmem:$0x1EA00] =	vst v63  }
0xde: {  	s16 =	sld [smem:$0x7FB];
	_ =	sdelay $0x1  }
0xdf: {  	s21 =	simm.s32 $0x1DC80  }
0xe0: {  	[tilespmem:s21], [sflag:$0x4] =	stream.linear.gather [hbm4b:s16+s5], $0x80, $0x38;
	[tilespmem:$0x1EA00] =	vst v63  }
0xe1: {  	s16 =	sld [smem:$0x7FC];
	_ =	sdelay $0x1  }
0xe2: {  	s21 =	simm.s32 $0x1DD80  }
0xe3: {  	[tilespmem:s21], [sflag:$0x6] =	stream.linear.gather [hbm4b:s16+s5], $0x80, $0x38;
	[tilespmem:$0x1EA00] =	vst v63  }
0xe4: {  	s16 =	sld [smem:$0x7FD];
	_ =	sdelay $0x1  }
0xe5: {  	s21 =	simm.s32 $0x1DE80  }
0xe6: {  	[tilespmem:s21], [sflag:$0x8] =	stream.linear.gather [hbm4b:s16+s5], $0x80, $0x38;
	[tilespmem:$0x1EA00] =	vst v63  }
0xe7: {  	[smem:$0x7FA] =	sst s15;
	s16 =	simm.s32 $0x0;
	s21 =	simm.s32 $0x200  }
.LBB2_2:
0xe8: {  	p1 =	sne.s32 s21, $0x9E00;
	[tilespmem:s16+$0x13B70] =	vst v0  }
0xe9: {  	[tilespmem:s16+$0x13B00] =	vst v0  }
0xea: {  	[tilespmem:s16+$0x13B10] =	vst v0  }
.Ltmp2:
0xeb: {  	[tilespmem:s16+$0x13B20] =	vst v0;
	(pc) =	sbr.rel @p1 .LBB2_2-.Ltmp2, $4  }
0xec: {  	[tilespmem:s16+$0x13B30] =	vst v0  }
0xed: {  	[tilespmem:s16+$0x13B40] =	vst v0  }
0xee: {  	[tilespmem:s16+$0x13B50] =	vst v0  }
0xef: {  	[tilespmem:s16+$0x13B60] =	vst v0;
	s16 =	sshra.s32 s21, $0x2;
	s21 =	sadd.s32 $0x200, s21  }
0xf0: {  	[tilespmem:s16+$0x13B70] =	vst v0  }
0xf1: {  	[tilespmem:s16+$0x13B00] =	vst v0  }
0xf2: {  	[tilespmem:s16+$0x13B10] =	vst v0  }
0xf3: {  	[tilespmem:s16+$0x13B20] =	vst v0  }
0xf4: {  	[tilespmem:s16+$0x13B30] =	vst v0  }
0xf5: {  	[tilespmem:s16+$0x13B40] =	vst v0  }
0xf6: {  	[tilespmem:s16+$0x13B50] =	vst v0  }
0xf7: {  	[tilespmem:s16+$0x13B60] =	vst v0  }
0xf8: {  	[tilespmem:$0x1E700] =	vst v0  }
0xf9: {  	[tilespmem:$0x1E710] =	vst v0  }
0xfa: {  	[tilespmem:$0x1E720] =	vst v0  }
0xfb: {  	[tilespmem:$0x1E730] =	vst v0  }
0xfc: {  	[tilespmem:$0x1E740] =	vst v0  }
0xfd: {  	[tilespmem:$0x1E750] =	vst v0  }
0xfe: {  	[tilespmem:$0x1E760] =	vst v0  }
0xff: {  	[tilespmem:$0x1E770] =	vst v0  }
0x100: {  	[tilespmem:$0x1E780] =	vst v0  }
0x101: {  	[tilespmem:$0x1E790] =	vst v0  }
0x102: {  	[tilespmem:$0x1E7A0] =	vst v0  }
0x103: {  	[tilespmem:$0x1E7B0] =	vst v0  }
0x104: {  	[tilespmem:$0x1E7C0] =	vst v0  }
0x105: {  	[tilespmem:$0x1E7D0] =	vst v0  }
0x106: {  	[tilespmem:$0x1E7E0] =	vst v0  }
0x107: {  	[tilespmem:$0x1E7F0] =	vst v0  }
0x108: {  	[tilespmem:$0x1E800] =	vst v0  }
0x109: {  	[tilespmem:$0x1E810] =	vst v0  }
0x10a: {  	[tilespmem:$0x1E820] =	vst v0  }
0x10b: {  	[tilespmem:$0x1E830] =	vst v0  }
0x10c: {  	[tilespmem:$0x1E840] =	vst v0  }
0x10d: {  	[tilespmem:$0x1E850] =	vst v0  }
0x10e: {  	[tilespmem:$0x1E860] =	vst v0  }
0x10f: {  	[tilespmem:$0x1E870] =	vst v0  }
0x110: {  	[tilespmem:$0x1E880] =	vst v0  }
0x111: {  	[tilespmem:$0x1E890] =	vst v0  }
0x112: {  	[tilespmem:$0x1E8A0] =	vst v0  }
0x113: {  	[tilespmem:$0x1E8B0] =	vst v0  }
0x114: {  	[tilespmem:$0x1E8C0] =	vst v0  }
0x115: {  	[tilespmem:$0x1E8D0] =	vst v0  }
0x116: {  	[tilespmem:$0x1E8E0] =	vst v0  }
0x117: {  	[tilespmem:$0x1E8F0] =	vst v0  }
0x118: {  	[tilespmem:$0x1E900] =	vst v0  }
0x119: {  	[tilespmem:$0x1E910] =	vst v0  }
0x11a: {  	[tilespmem:$0x1E920] =	vst v0  }
0x11b: {  	[tilespmem:$0x1E930] =	vst v0  }
0x11c: {  	[tilespmem:$0x1E940] =	vst v0  }
0x11d: {  	[tilespmem:$0x1E950] =	vst v0  }
0x11e: {  	[tilespmem:$0x1E960] =	vst v0  }
0x11f: {  	[tilespmem:$0x1E970] =	vst v0  }
0x120: {  	[tilespmem:$0x1E980] =	vst v1  }
0x121: {  	[tilespmem:$0x1E990] =	vst v1  }
0x122: {  	[tilespmem:$0x1E9A0] =	vst v1  }
0x123: {  	[tilespmem:$0x1E9B0] =	vst v1  }
0x124: {  	s0 =	rddreg [dreg:$0x8];
	[tilespmem:$0x1E9C0] =	vst v1  }
0x125: {  	[spmem:s0] =	stream.linear.scatter [tilespmem:s25], [sflag:$0x11], $0x2800, $0x38;
	[tilespmem:$0x1EA00] =	vst v63  }
0x126: {  	s16 =	rddreg [dreg:$0x9]  }
0x127: {  	[spmem:s16] =	stream.linear.scatter [tilespmem:s25], [sflag:$0x11], $0x2800, $0x38;
	[tilespmem:$0x1EA00] =	vst v63  }
0x128: {  	s21 =	rddreg [dreg:$0xa]  }
0x129: {  	[spmem:s21] =	stream.linear.scatter [tilespmem:s25], [sflag:$0x11], $0x2800, $0x38;
	[tilespmem:$0x1EA00] =	vst v63  }
0x12a: {  	s15 =	rddreg [dreg:$0x11]  }
0x12b: {  	[spmem:s15] =	stream.linear.scatter [tilespmem:s25], [sflag:$0x11], $0x2800, $0x38;
	[tilespmem:$0x1EA00] =	vst v63  }
0x12c: {  	s16 =	rddreg [dreg:$0x15]  }
0x12d: {  	[spmem:s16] =	stream.linear.scatter [tilespmem:s25], [sflag:$0x11], $0x2800, $0x38;
	[tilespmem:$0x1EA00] =	vst v63  }
0x12e: {  	s0 =	rddreg [dreg:$0x16];
	s16 =	simm.s32 @!p0 $0x13B00  }
0x12f: {  	[spmem:s0] =	stream.linear.scatter @!p0 [tilespmem:s16], [sflag:$0x11], $0x2800, $0x38;
	[tilespmem:$0x1EA00] =	vst v63  }
0x130: {  	s0 =	rddreg [dreg:$0xb]  }
0x131: {  	[spmem:s0] =	stream.linear.scatter @!p0 [tilespmem:s16], [sflag:$0x11], $0x2800, $0x38;
	[tilespmem:$0x1EA00] =	vst v63  }
0x132: {  	s0 =	rddreg [dreg:$0xe]  }
0x133: {  	[spmem:s0] =	stream.linear.scatter @!p0 [tilespmem:s16], [sflag:$0x11], $0x2800, $0x38;
	[tilespmem:$0x1EA00] =	vst v63  }
0x134: {  	_ = 	snop  }
0x135: {  	[spmem:s17] =	stream.linear.scatter [tilespmem:s20], [sflag:$0x12], $0x280, $0x38;
	[tilespmem:$0x1EA00] =	vst v63  }
0x136: {  	_ =	swait.ge [sflag:s30], $0x280  }
0x137: {  	[sflag:s30] =	ssyncset.done $0x0  }
0x138: {  	s21 =	simm.s32 $0x11;
	[sflag:s30] =	ssyncadd.s32 $0xFFFFFD80  }
0x139: {  	_ =	swait.ge [sflag:s21], $0x2800  }
0x13a: {  	[sflag:s21] =	ssyncset.done $0x0  }
0x13b: {  	[sflag:s21] =	ssyncadd.s32 $0xFFFFD800  }
0x13c: {  	_ =	swait.ge [sflag:s21], $0x2800  }
0x13d: {  	[sflag:s21] =	ssyncset.done $0x0  }
0x13e: {  	[sflag:s21] =	ssyncadd.s32 $0xFFFFD800  }
0x13f: {  	_ =	swait.ge [sflag:s21], $0x2800  }
0x140: {  	[sflag:s21] =	ssyncset.done $0x0  }
0x141: {  	[sflag:s21] =	ssyncadd.s32 $0xFFFFD800  }
0x142: {  	_ =	swait.ge [sflag:s21], $0x2800  }
0x143: {  	[sflag:s21] =	ssyncset.done $0x0  }
0x144: {  	[sflag:s21] =	ssyncadd.s32 $0xFFFFD800  }
0x145: {  	_ =	swait.ge [sflag:s21], $0x2800  }
0x146: {  	[sflag:s21] =	ssyncset.done $0x0  }
0x147: {  	s16 =	simm.s32 @!p0 $0x11;
	[sflag:s21] =	ssyncadd.s32 $0xFFFFD800  }
0x148: {  	_ =	swait.ge @!p0 [sflag:s16], $0x2800  }
0x149: {  	[sflag:s16] =	ssyncset.done @!p0 $0x0  }
0x14a: {  	[sflag:s16] =	ssyncadd.s32 @!p0 $0xFFFFD800  }
0x14b: {  	_ =	swait.ge @!p0 [sflag:s16], $0x2800  }
0x14c: {  	[sflag:s16] =	ssyncset.done @!p0 $0x0  }
0x14d: {  	[sflag:s16] =	ssyncadd.s32 @!p0 $0xFFFFD800  }
0x14e: {  	_ =	swait.ge @!p0 [sflag:s16], $0x2800  }
0x14f: {  	[sflag:s16] =	ssyncset.done @!p0 $0x0  }
0x150: {  	[sflag:s16] =	ssyncadd.s32 @!p0 $0xFFFFD800  }
0x151: {  	_ =	swait.ge [sflag:s23], $0x80  }
0x152: {  	[sflag:s23] =	ssyncset.done $0x0  }
0x153: {  	[sflag:s23] =	ssyncadd.s32 $0xFFFFFF80  }
0x154: {  	v2 =	vld [tilespmem:$0x1DB00];
	_ =	sdelay $0x1  }
0x155: {  	v3 =	vld [tilespmem:$0x1DB10];
	_ =	sdelay $0x1  }
0x156: {  	v4 =	vld [tilespmem:$0x1DB20]  }
0x157: {  	v5 =	vand.u32 $0x3FFF, v2  }
0x158: {  	v54 =	vld [tilespmem:$0x1DB30];
	v2 =	vshra.s32 v2, $0xE;
	[tilespmem:$0x1DF00] =	vst v5  }
0x159: {  	[tilespmem:$0x1E300] =	vst v2;
	v2 =	vand.u32 $0x3FFF, v3  }
0x15a: {  	[tilespmem:$0x1DF10] =	vst v2;
	v2 =	vshra.s32 v3, $0xE;
	v3 =	vld [tilespmem:$0x1DB40]  }
0x15b: {  	[tilespmem:$0x1E310] =	vst v2;
	v2 =	vand.u32 $0x3FFF, v4  }
0x15c: {  	[tilespmem:$0x1DF20] =	vst v2;
	v2 =	vshra.s32 v4, $0xE  }
0x15d: {  	[tilespmem:$0x1E320] =	vst v2;
	v2 =	vand.u32 $0x3FFF, v54  }
0x15e: {  	[tilespmem:$0x1DF30] =	vst v2;
	v2 =	vshra.s32 v54, $0xE  }
0x15f: {  	[tilespmem:$0x1E330] =	vst v2;
	v2 =	vand.u32 $0x3FFF, v3  }
0x160: {  	[tilespmem:$0x1DF40] =	vst v2;
	v2 =	vshra.s32 v3, $0xE  }
0x161: {  	s15 =	simm.s32 $0x1DF00;
	s16 =	simm.s32 $0x3;
	[tilespmem:$0x1E340] =	vst v2  }
0x162: {  	[tilespmem:s25], [sflag:$0x9] =	stream.indirect.gather [hbm4b:s1+s6], $0x80, s15, s6, $0xb8;
	[tilespmem:$0x1EA00] =	vst v63  }
0x163: {  	_ =	swait.ge [sflag:s16], $0x80  }
0x164: {  	[sflag:s16] =	ssyncset.done $0x0  }
0x165: {  	[sflag:s16] =	ssyncadd.s32 $0xFFFFFF80  }
0x166: {  	v2 =	vld [tilespmem:$0x1DC00];
	_ =	sdelay $0x1  }
0x167: {  	v3 =	vld [tilespmem:$0x1DC10];
	_ =	sdelay $0x1  }
0x168: {  	v55 =	vld [tilespmem:$0x1DC20]  }
0x169: {  	v56 =	vand.u32 $0x3FFF, v2  }
0x16a: {  	v57 =	vld [tilespmem:$0x1DC30];
	v2 =	vshra.s32 v2, $0xE;
	[tilespmem:$0x1E000] =	vst v56  }
0x16b: {  	[tilespmem:$0x1E400] =	vst v2;
	v2 =	vand.u32 $0x3FFF, v3  }
0x16c: {  	[tilespmem:$0x1E010] =	vst v2;
	v2 =	vshra.s32 v3, $0xE;
	v3 =	vld [tilespmem:$0x1DC40]  }
0x16d: {  	[tilespmem:$0x1E410] =	vst v2;
	v2 =	vand.u32 $0x3FFF, v55  }
0x16e: {  	[tilespmem:$0x1E020] =	vst v2;
	v2 =	vshra.s32 v55, $0xE  }
0x16f: {  	[tilespmem:$0x1E420] =	vst v2;
	v2 =	vand.u32 $0x3FFF, v57  }
0x170: {  	[tilespmem:$0x1E030] =	vst v2;
	v2 =	vshra.s32 v57, $0xE  }
0x171: {  	[tilespmem:$0x1E430] =	vst v2;
	v2 =	vand.u32 $0x3FFF, v3  }
0x172: {  	[tilespmem:$0x1E040] =	vst v2;
	v2 =	vshra.s32 v3, $0xE  }
0x173: {  	s17 =	simm.s32 $0x1E000;
	[tilespmem:$0x1E440] =	vst v2  }
0x174: {  	[tilespmem:s7], [sflag:$0xA] =	stream.indirect.gather [hbm4b:s1+s6], $0x80, s17, s6, $0xb8;
	[tilespmem:$0x1EA00] =	vst v63  }
0x175: {  	_ =	swait.ge [sflag:s26], $0x80  }
0x176: {  	[sflag:s26] =	ssyncset.done $0x0  }
0x177: {  	[sflag:s26] =	ssyncadd.s32 $0xFFFFFF80  }
0x178: {  	v2 =	vld [tilespmem:$0x1DD00];
	_ =	sdelay $0x1  }
0x179: {  	v3 =	vld [tilespmem:$0x1DD10];
	_ =	sdelay $0x1  }
0x17a: {  	v58 =	vld [tilespmem:$0x1DD20]  }
0x17b: {  	v59 =	vand.u32 $0x3FFF, v2  }
0x17c: {  	v60 =	vld [tilespmem:$0x1DD30];
	v2 =	vshra.s32 v2, $0xE;
	[tilespmem:$0x1E100] =	vst v59  }
0x17d: {  	[tilespmem:$0x1E500] =	vst v2;
	v2 =	vand.u32 $0x3FFF, v3  }
0x17e: {  	[tilespmem:$0x1E110] =	vst v2;
	v2 =	vshra.s32 v3, $0xE;
	v3 =	vld [tilespmem:$0x1DD40]  }
0x17f: {  	[tilespmem:$0x1E510] =	vst v2;
	v2 =	vand.u32 $0x3FFF, v58  }
0x180: {  	[tilespmem:$0x1E120] =	vst v2;
	v2 =	vshra.s32 v58, $0xE  }
0x181: {  	[tilespmem:$0x1E520] =	vst v2;
	v2 =	vand.u32 $0x3FFF, v60  }
0x182: {  	[tilespmem:$0x1E130] =	vst v2;
	v2 =	vshra.s32 v60, $0xE  }
0x183: {  	[tilespmem:$0x1E530] =	vst v2;
	v2 =	vand.u32 $0x3FFF, v3  }
0x184: {  	[tilespmem:$0x1E140] =	vst v2;
	v2 =	vshra.s32 v3, $0xE  }
0x185: {  	s20 =	simm.s32 $0x1E100;
	[tilespmem:$0x1E540] =	vst v2  }
0x186: {  	[tilespmem:s9], [sflag:$0xB] =	stream.indirect.gather [hbm4b:s1+s6], $0x80, s20, s6, $0xb8;
	[tilespmem:$0x1EA00] =	vst v63  }
0x187: {  	_ =	swait.ge [sflag:s10], $0x80  }
0x188: {  	[sflag:s10] =	ssyncset.done $0x0  }
0x189: {  	[sflag:s10] =	ssyncadd.s32 $0xFFFFFF80  }
0x18a: {  	v2 =	vld [tilespmem:$0x1DE00];
	_ =	sdelay $0x1  }
0x18b: {  	v3 =	vld [tilespmem:$0x1DE10];
	_ =	sdelay $0x1  }
0x18c: {  	v61 =	vld [tilespmem:$0x1DE20]  }
0x18d: {  	v62 =	vand.u32 $0x3FFF, v2  }
0x18e: {  	v63 =	vld [tilespmem:$0x1DE30];
	v2 =	vshra.s32 v2, $0xE;
	[tilespmem:$0x1E200] =	vst v62  }
0x18f: {  	[tilespmem:$0x1E600] =	vst v2;
	v2 =	vand.u32 $0x3FFF, v3  }
0x190: {  	[tilespmem:$0x1E210] =	vst v2;
	v2 =	vshra.s32 v3, $0xE;
	v3 =	vld [tilespmem:$0x1DE40]  }
0x191: {  	[tilespmem:$0x1E610] =	vst v2;
	v2 =	vand.u32 $0x3FFF, v61  }
0x192: {  	[tilespmem:$0x1E220] =	vst v2;
	v2 =	vshra.s32 v61, $0xE  }
0x193: {  	[tilespmem:$0x1E620] =	vst v2;
	v2 =	vand.u32 $0x3FFF, v63  }
0x194: {  	[tilespmem:$0x1E230] =	vst v2;
	v2 =	vshra.s32 v63, $0xE  }
0x195: {  	[tilespmem:$0x1E630] =	vst v2;
	v2 =	vand.u32 $0x3FFF, v3  }
0x196: {  	[tilespmem:$0x1E240] =	vst v2;
	v2 =	vshra.s32 v3, $0xE  }
0x197: {  	s21 =	simm.s32 $0x1E200;
	[tilespmem:$0x1E640] =	vst v2  }
0x198: {  	[tilespmem:s18], [sflag:$0xC] =	stream.indirect.gather [hbm4b:s1+s6], $0x80, s21, s6, $0xb8;
	[tilespmem:$0x1EA00] =	vst v63  }
0x199: {  	s21 =	simm.s32 $0x0;
	[bflag:$0x0] =	sbarrier.arrive $0xFFFF  }
.LBB2_4:
0x19a: {  	_ =	swait.ge [sflag:s22], $0x2800  }
0x19b: {  	[sflag:s22] =	ssyncset.done $0x0  }
0x19c: {  	s0 =	simm.s32 $0x1E300;
	[sflag:s22] =	ssyncadd.s32 $0xFFFFD800  }
0x19d: {  	[spmem:s3] =	stream.indirect.scatter.add.f32 [tilespmem:s25], [sflag:$0xD], $0x80, s0, s6, $0xb8;
	[tilespmem:$0x1EA00] =	vst v63  }
0x19e: {  	_ = 	snop  }
0x19f: {  	[spmem:s4] =	stream.indirect.scatter.add.f32 [tilespmem:s28], [sflag:$0x12], $0x1, s0, s6, $0xb8;
	[tilespmem:$0x1EA00] =	vst v63  }
0x1a0: {  	_ =	swait.ge [sflag:s30], $0x50  }
0x1a1: {  	[sflag:s30] =	ssyncset.done $0x0  }
0x1a2: {  	[sflag:s30] =	ssyncadd.s32 $0xFFFFFFB0  }
0x1a3: {  	_ =	swait.ge [sflag:s29], $0x2800  }
0x1a4: {  	[sflag:s29] =	ssyncset.done $0x0  }
0x1a5: {  	[sflag:s29] =	ssyncadd.s32 $0xFFFFD800  }
0x1a6: {  	_ =	swait.ge [sflag:s12], $0x80  }
0x1a7: {  	[sflag:s12] =	ssyncset.done $0x0  }
0x1a8: {  	[sflag:s12] =	ssyncadd.s32 $0xFFFFFF80  }
0x1a9: {  	v2 =	vld [tilespmem:$0x1DB80];
	_ =	sdelay $0x1  }
0x1aa: {  	v3 =	vld [tilespmem:$0x1DB90];
	_ =	sdelay $0x1  }
0x1ab: {  	v4 =	vld [tilespmem:$0x1DBA0]  }
0x1ac: {  	v5 =	vand.u32 $0x3FFF, v2  }
0x1ad: {  	v42 =	vld [tilespmem:$0x1DBB0];
	v2 =	vshra.s32 v2, $0xE;
	[tilespmem:$0x1DF80] =	vst v5  }
0x1ae: {  	[tilespmem:$0x1E380] =	vst v2;
	v2 =	vand.u32 $0x3FFF, v3  }
0x1af: {  	[tilespmem:$0x1DF90] =	vst v2;
	v2 =	vshra.s32 v3, $0xE;
	v3 =	vld [tilespmem:$0x1DBC0]  }
0x1b0: {  	[tilespmem:$0x1E390] =	vst v2;
	v2 =	vand.u32 $0x3FFF, v4  }
0x1b1: {  	[tilespmem:$0x1DFA0] =	vst v2;
	v2 =	vshra.s32 v4, $0xE  }
0x1b2: {  	[tilespmem:$0x1E3A0] =	vst v2;
	v2 =	vand.u32 $0x3FFF, v42  }
0x1b3: {  	[tilespmem:$0x1DFB0] =	vst v2;
	v2 =	vshra.s32 v42, $0xE  }
0x1b4: {  	[tilespmem:$0x1E3B0] =	vst v2;
	v2 =	vand.u32 $0x3FFF, v3  }
0x1b5: {  	[tilespmem:$0x1DFC0] =	vst v2;
	v2 =	vshra.s32 v3, $0xE  }
0x1b6: {  	s17 =	simm.s32 $0x1DF80;
	[tilespmem:$0x1E3C0] =	vst v2  }
0x1b7: {  	[tilespmem:s25], [sflag:$0x9] =	stream.indirect.gather [hbm4b:s1+s6], $0x80, s17, s6, $0xb8;
	[tilespmem:$0x1EA00] =	vst v63  }
0x1b8: {  	s16 =	sadd.s32 s21, s14  }
0x1b9: {  	[tilespmem:s13], [sflag:$0x1] =	stream.linear.gather [hbm4b:s16+s5], $0x80, $0x38;
	[tilespmem:$0x1EA00] =	vst v63  }
0x1ba: {  	_ =	swait.ge [sflag:s24], $0x2800  }
0x1bb: {  	[sflag:s24] =	ssyncset.done $0x0  }
0x1bc: {  	s20 =	simm.s32 $0x1E400;
	[sflag:s24] =	ssyncadd.s32 $0xFFFFD800  }
0x1bd: {  	[spmem:s3] =	stream.indirect.scatter.add.f32 [tilespmem:s7], [sflag:$0xE], $0x80, s20, s6, $0xb8;
	[tilespmem:$0x1EA00] =	vst v63  }
0x1be: {  	_ = 	snop  }
0x1bf: {  	[spmem:s4] =	stream.indirect.scatter.add.f32 [tilespmem:s28], [sflag:$0x12], $0x1, s20, s6, $0xb8;
	[tilespmem:$0x1EA00] =	vst v63  }
0x1c0: {  	_ =	swait.ge [sflag:s30], $0x50  }
0x1c1: {  	[sflag:s30] =	ssyncset.done $0x0  }
0x1c2: {  	[sflag:s30] =	ssyncadd.s32 $0xFFFFFFB0  }
0x1c3: {  	_ =	swait.ge [sflag:s19], $0x2800  }
0x1c4: {  	[sflag:s19] =	ssyncset.done $0x0  }
0x1c5: {  	s15 =	simm.s32 $0x4;
	[sflag:s19] =	ssyncadd.s32 $0xFFFFD800  }
0x1c6: {  	_ =	swait.ge [sflag:s15], $0x80  }
0x1c7: {  	[sflag:s15] =	ssyncset.done $0x0  }
0x1c8: {  	[sflag:s15] =	ssyncadd.s32 $0xFFFFFF80  }
0x1c9: {  	v2 =	vld [tilespmem:$0x1DC80];
	_ =	sdelay $0x1  }
0x1ca: {  	v3 =	vld [tilespmem:$0x1DC90];
	_ =	sdelay $0x1  }
0x1cb: {  	v43 =	vld [tilespmem:$0x1DCA0]  }
0x1cc: {  	v44 =	vand.u32 $0x3FFF, v2  }
0x1cd: {  	v45 =	vld [tilespmem:$0x1DCB0];
	v2 =	vshra.s32 v2, $0xE;
	[tilespmem:$0x1E080] =	vst v44  }
0x1ce: {  	[tilespmem:$0x1E480] =	vst v2;
	v2 =	vand.u32 $0x3FFF, v3  }
0x1cf: {  	[tilespmem:$0x1E090] =	vst v2;
	v2 =	vshra.s32 v3, $0xE;
	v3 =	vld [tilespmem:$0x1DCC0]  }
0x1d0: {  	[tilespmem:$0x1E490] =	vst v2;
	v2 =	vand.u32 $0x3FFF, v43  }
0x1d1: {  	[tilespmem:$0x1E0A0] =	vst v2;
	v2 =	vshra.s32 v43, $0xE  }
0x1d2: {  	[tilespmem:$0x1E4A0] =	vst v2;
	v2 =	vand.u32 $0x3FFF, v45  }
0x1d3: {  	[tilespmem:$0x1E0B0] =	vst v2;
	v2 =	vshra.s32 v45, $0xE  }
0x1d4: {  	[tilespmem:$0x1E4B0] =	vst v2;
	v2 =	vand.u32 $0x3FFF, v3  }
0x1d5: {  	[tilespmem:$0x1E0C0] =	vst v2;
	v2 =	vshra.s32 v3, $0xE  }
0x1d6: {  	s17 =	simm.s32 $0x1E080;
	[tilespmem:$0x1E4C0] =	vst v2  }
0x1d7: {  	[tilespmem:s7], [sflag:$0xA] =	stream.indirect.gather [hbm4b:s1+s6], $0x80, s17, s6, $0xb8;
	[tilespmem:$0x1EA00] =	vst v63  }
0x1d8: {  	s20 =	simm.s32 $0x1DC00;
	s17 =	sadd.s32 $0x10, s16  }
0x1d9: {  	[tilespmem:s20], [sflag:$0x3] =	stream.linear.gather [hbm4b:s17+s5], $0x80, $0x38;
	[tilespmem:$0x1EA00] =	vst v63  }
0x1da: {  	_ =	swait.ge [sflag:s2], $0x2800  }
0x1db: {  	[sflag:s2] =	ssyncset.done $0x0  }
0x1dc: {  	s15 =	simm.s32 $0x1E500;
	[sflag:s2] =	ssyncadd.s32 $0xFFFFD800  }
0x1dd: {  	[spmem:s3] =	stream.indirect.scatter.add.f32 [tilespmem:s9], [sflag:$0xF], $0x80, s15, s6, $0xb8;
	[tilespmem:$0x1EA00] =	vst v63  }
0x1de: {  	_ = 	snop  }
0x1df: {  	[spmem:s4] =	stream.indirect.scatter.add.f32 [tilespmem:s28], [sflag:$0x12], $0x1, s15, s6, $0xb8;
	[tilespmem:$0x1EA00] =	vst v63  }
0x1e0: {  	_ =	swait.ge [sflag:s30], $0x50  }
0x1e1: {  	[sflag:s30] =	ssyncset.done $0x0  }
0x1e2: {  	[sflag:s30] =	ssyncadd.s32 $0xFFFFFFB0  }
0x1e3: {  	_ =	swait.ge [sflag:s11], $0x2800  }
0x1e4: {  	[sflag:s11] =	ssyncset.done $0x0  }
0x1e5: {  	s17 =	simm.s32 $0x6;
	[sflag:s11] =	ssyncadd.s32 $0xFFFFD800  }
0x1e6: {  	_ =	swait.ge [sflag:s17], $0x80  }
0x1e7: {  	[sflag:s17] =	ssyncset.done $0x0  }
0x1e8: {  	[sflag:s17] =	ssyncadd.s32 $0xFFFFFF80  }
0x1e9: {  	v2 =	vld [tilespmem:$0x1DD80];
	_ =	sdelay $0x1  }
0x1ea: {  	v3 =	vld [tilespmem:$0x1DD90];
	_ =	sdelay $0x1  }
0x1eb: {  	v46 =	vld [tilespmem:$0x1DDA0]  }
0x1ec: {  	v47 =	vand.u32 $0x3FFF, v2  }
0x1ed: {  	v48 =	vld [tilespmem:$0x1DDB0];
	v2 =	vshra.s32 v2, $0xE;
	[tilespmem:$0x1E180] =	vst v47  }
0x1ee: {  	[tilespmem:$0x1E580] =	vst v2;
	v2 =	vand.u32 $0x3FFF, v3  }
0x1ef: {  	[tilespmem:$0x1E190] =	vst v2;
	v2 =	vshra.s32 v3, $0xE;
	v3 =	vld [tilespmem:$0x1DDC0]  }
0x1f0: {  	[tilespmem:$0x1E590] =	vst v2;
	v2 =	vand.u32 $0x3FFF, v46  }
0x1f1: {  	[tilespmem:$0x1E1A0] =	vst v2;
	v2 =	vshra.s32 v46, $0xE  }
0x1f2: {  	[tilespmem:$0x1E5A0] =	vst v2;
	v2 =	vand.u32 $0x3FFF, v48  }
0x1f3: {  	[tilespmem:$0x1E1B0] =	vst v2;
	v2 =	vshra.s32 v48, $0xE  }
0x1f4: {  	[tilespmem:$0x1E5B0] =	vst v2;
	v2 =	vand.u32 $0x3FFF, v3  }
0x1f5: {  	[tilespmem:$0x1E1C0] =	vst v2;
	v2 =	vshra.s32 v3, $0xE  }
0x1f6: {  	s20 =	simm.s32 $0x1E180;
	[tilespmem:$0x1E5C0] =	vst v2  }
0x1f7: {  	[tilespmem:s9], [sflag:$0xB] =	stream.indirect.gather [hbm4b:s1+s6], $0x80, s20, s6, $0xb8;
	[tilespmem:$0x1EA00] =	vst v63  }
0x1f8: {  	s15 =	sadd.s32 $0x20, s16;
	s20 =	simm.s32 $0x1DD00  }
0x1f9: {  	[tilespmem:s20], [sflag:$0x5] =	stream.linear.gather [hbm4b:s15+s5], $0x80, $0x38;
	[tilespmem:$0x1EA00] =	vst v63  }
0x1fa: {  	_ =	swait.ge [sflag:s8], $0x2800  }
0x1fb: {  	[sflag:s8] =	ssyncset.done $0x0  }
0x1fc: {  	s15 =	simm.s32 $0x1E600;
	[sflag:s8] =	ssyncadd.s32 $0xFFFFD800  }
0x1fd: {  	[spmem:s3] =	stream.indirect.scatter.add.f32 [tilespmem:s18], [sflag:$0x10], $0x80, s15, s6, $0xb8;
	[tilespmem:$0x1EA00] =	vst v63  }
0x1fe: {  	_ = 	snop  }
0x1ff: {  	[spmem:s4] =	stream.indirect.scatter.add.f32 [tilespmem:s28], [sflag:$0x12], $0x1, s15, s6, $0xb8;
	[tilespmem:$0x1EA00] =	vst v63  }
0x200: {  	_ =	swait.ge [sflag:s30], $0x50  }
0x201: {  	[sflag:s30] =	ssyncset.done $0x0  }
0x202: {  	[sflag:s30] =	ssyncadd.s32 $0xFFFFFFB0  }
0x203: {  	_ =	swait.ge [sflag:s31], $0x2800  }
0x204: {  	[sflag:s31] =	ssyncset.done $0x0  }
0x205: {  	s17 =	simm.s32 $0x8;
	[sflag:s31] =	ssyncadd.s32 $0xFFFFD800  }
0x206: {  	_ =	swait.ge [sflag:s17], $0x80  }
0x207: {  	[sflag:s17] =	ssyncset.done $0x0  }
0x208: {  	[sflag:s17] =	ssyncadd.s32 $0xFFFFFF80  }
0x209: {  	v2 =	vld [tilespmem:$0x1DE80];
	_ =	sdelay $0x1  }
0x20a: {  	v3 =	vld [tilespmem:$0x1DE90];
	_ =	sdelay $0x1  }
0x20b: {  	v49 =	vld [tilespmem:$0x1DEA0]  }
0x20c: {  	v50 =	vand.u32 $0x3FFF, v2  }
0x20d: {  	v51 =	vld [tilespmem:$0x1DEB0];
	v2 =	vshra.s32 v2, $0xE;
	[tilespmem:$0x1E280] =	vst v50  }
0x20e: {  	[tilespmem:$0x1E680] =	vst v2;
	v2 =	vand.u32 $0x3FFF, v3  }
0x20f: {  	[tilespmem:$0x1E290] =	vst v2;
	v2 =	vshra.s32 v3, $0xE;
	v3 =	vld [tilespmem:$0x1DEC0]  }
0x210: {  	[tilespmem:$0x1E690] =	vst v2;
	v2 =	vand.u32 $0x3FFF, v49  }
0x211: {  	[tilespmem:$0x1E2A0] =	vst v2;
	v2 =	vshra.s32 v49, $0xE  }
0x212: {  	[tilespmem:$0x1E6A0] =	vst v2;
	v2 =	vand.u32 $0x3FFF, v51  }
0x213: {  	[tilespmem:$0x1E2B0] =	vst v2;
	v2 =	vshra.s32 v51, $0xE  }
0x214: {  	[tilespmem:$0x1E6B0] =	vst v2;
	v2 =	vand.u32 $0x3FFF, v3  }
0x215: {  	[tilespmem:$0x1E2C0] =	vst v2;
	v2 =	vshra.s32 v3, $0xE  }
0x216: {  	s20 =	simm.s32 $0x1E280;
	[tilespmem:$0x1E6C0] =	vst v2  }
0x217: {  	[tilespmem:s18], [sflag:$0xC] =	stream.indirect.gather [hbm4b:s1+s6], $0x80, s20, s6, $0xb8;
	[tilespmem:$0x1EA00] =	vst v63  }
0x218: {  	s0 =	sadd.s32 $0x30, s16;
	s15 =	simm.s32 $0x1DE00  }
0x219: {  	[tilespmem:s15], [sflag:$0x7] =	stream.linear.gather [hbm4b:s0+s5], $0x80, $0x38;
	[tilespmem:$0x1EA00] =	vst v63  }
0x21a: {  	_ =	swait.ge [sflag:s22], $0x2800  }
0x21b: {  	[sflag:s22] =	ssyncset.done $0x0  }
0x21c: {  	s17 =	simm.s32 $0x1E380;
	[sflag:s22] =	ssyncadd.s32 $0xFFFFD800  }
0x21d: {  	[spmem:s3] =	stream.indirect.scatter.add.f32 [tilespmem:s25], [sflag:$0xD], $0x80, s17, s6, $0xb8;
	[tilespmem:$0x1EA00] =	vst v63  }
0x21e: {  	_ = 	snop  }
0x21f: {  	[spmem:s4] =	stream.indirect.scatter.add.f32 [tilespmem:s28], [sflag:$0x12], $0x1, s17, s6, $0xb8;
	[tilespmem:$0x1EA00] =	vst v63  }
0x220: {  	_ =	swait.ge [sflag:s30], $0x50  }
0x221: {  	[sflag:s30] =	ssyncset.done $0x0  }
0x222: {  	[sflag:s30] =	ssyncadd.s32 $0xFFFFFFB0  }
0x223: {  	_ =	swait.ge [sflag:s29], $0x2800  }
0x224: {  	[sflag:s29] =	ssyncset.done $0x0  }
0x225: {  	[sflag:s29] =	ssyncadd.s32 $0xFFFFD800  }
0x226: {  	_ =	swait.ge [sflag:s23], $0x80  }
0x227: {  	[sflag:s23] =	ssyncset.done $0x0  }
0x228: {  	[sflag:s23] =	ssyncadd.s32 $0xFFFFFF80  }
0x229: {  	v2 =	vld [tilespmem:$0x1DB00];
	_ =	sdelay $0x1  }
0x22a: {  	v3 =	vld [tilespmem:$0x1DB10];
	_ =	sdelay $0x1  }
0x22b: {  	v52 =	vld [tilespmem:$0x1DB20]  }
0x22c: {  	v53 =	vand.u32 $0x3FFF, v2  }
0x22d: {  	v54 =	vld [tilespmem:$0x1DB30];
	v2 =	vshra.s32 v2, $0xE;
	[tilespmem:$0x1DF00] =	vst v53  }
0x22e: {  	[tilespmem:$0x1E300] =	vst v2;
	v2 =	vand.u32 $0x3FFF, v3  }
0x22f: {  	[tilespmem:$0x1DF10] =	vst v2;
	v2 =	vshra.s32 v3, $0xE;
	v3 =	vld [tilespmem:$0x1DB40]  }
0x230: {  	[tilespmem:$0x1E310] =	vst v2;
	v2 =	vand.u32 $0x3FFF, v52  }
0x231: {  	[tilespmem:$0x1DF20] =	vst v2;
	v2 =	vshra.s32 v52, $0xE  }
0x232: {  	[tilespmem:$0x1E320] =	vst v2;
	v2 =	vand.u32 $0x3FFF, v54  }
0x233: {  	[tilespmem:$0x1DF30] =	vst v2;
	v2 =	vshra.s32 v54, $0xE  }
0x234: {  	[tilespmem:$0x1E330] =	vst v2;
	v2 =	vand.u32 $0x3FFF, v3  }
0x235: {  	[tilespmem:$0x1DF40] =	vst v2;
	v2 =	vshra.s32 v3, $0xE  }
0x236: {  	s20 =	simm.s32 $0x1DF00;
	[tilespmem:$0x1E340] =	vst v2  }
0x237: {  	[tilespmem:s25], [sflag:$0x9] =	stream.indirect.gather [hbm4b:s1+s6], $0x80, s20, s6, $0xb8;
	[tilespmem:$0x1EA00] =	vst v63  }
0x238: {  	s0 =	sadd.s32 $0x40, s16;
	s15 =	simm.s32 $0x1DB80  }
0x239: {  	[tilespmem:s15], [sflag:$0x2] =	stream.linear.gather [hbm4b:s0+s5], $0x80, $0x38;
	[tilespmem:$0x1EA00] =	vst v63  }
0x23a: {  	_ =	swait.ge [sflag:s24], $0x2800  }
0x23b: {  	[sflag:s24] =	ssyncset.done $0x0  }
0x23c: {  	s20 =	simm.s32 $0x1E480;
	[sflag:s24] =	ssyncadd.s32 $0xFFFFD800  }
0x23d: {  	[spmem:s3] =	stream.indirect.scatter.add.f32 [tilespmem:s7], [sflag:$0xE], $0x80, s20, s6, $0xb8;
	[tilespmem:$0x1EA00] =	vst v63  }
0x23e: {  	_ = 	snop  }
0x23f: {  	[spmem:s4] =	stream.indirect.scatter.add.f32 [tilespmem:s28], [sflag:$0x12], $0x1, s20, s6, $0xb8;
	[tilespmem:$0x1EA00] =	vst v63  }
0x240: {  	_ =	swait.ge [sflag:s30], $0x50  }
0x241: {  	[sflag:s30] =	ssyncset.done $0x0  }
0x242: {  	[sflag:s30] =	ssyncadd.s32 $0xFFFFFFB0  }
0x243: {  	_ =	swait.ge [sflag:s19], $0x2800  }
0x244: {  	[sflag:s19] =	ssyncset.done $0x0  }
0x245: {  	s15 =	simm.s32 $0x3;
	[sflag:s19] =	ssyncadd.s32 $0xFFFFD800  }
0x246: {  	_ =	swait.ge [sflag:s15], $0x80  }
0x247: {  	[sflag:s15] =	ssyncset.done $0x0  }
0x248: {  	[sflag:s15] =	ssyncadd.s32 $0xFFFFFF80  }
0x249: {  	v2 =	vld [tilespmem:$0x1DC00];
	_ =	sdelay $0x1  }
0x24a: {  	v3 =	vld [tilespmem:$0x1DC10];
	_ =	sdelay $0x1  }
0x24b: {  	v55 =	vld [tilespmem:$0x1DC20]  }
0x24c: {  	v56 =	vand.u32 $0x3FFF, v2  }
0x24d: {  	v57 =	vld [tilespmem:$0x1DC30];
	v2 =	vshra.s32 v2, $0xE;
	[tilespmem:$0x1E000] =	vst v56  }
0x24e: {  	[tilespmem:$0x1E400] =	vst v2;
	v2 =	vand.u32 $0x3FFF, v3  }
0x24f: {  	[tilespmem:$0x1E010] =	vst v2;
	v2 =	vshra.s32 v3, $0xE;
	v3 =	vld [tilespmem:$0x1DC40]  }
0x250: {  	[tilespmem:$0x1E410] =	vst v2;
	v2 =	vand.u32 $0x3FFF, v55  }
0x251: {  	[tilespmem:$0x1E020] =	vst v2;
	v2 =	vshra.s32 v55, $0xE  }
0x252: {  	[tilespmem:$0x1E420] =	vst v2;
	v2 =	vand.u32 $0x3FFF, v57  }
0x253: {  	[tilespmem:$0x1E030] =	vst v2;
	v2 =	vshra.s32 v57, $0xE  }
0x254: {  	[tilespmem:$0x1E430] =	vst v2;
	v2 =	vand.u32 $0x3FFF, v3  }
0x255: {  	[tilespmem:$0x1E040] =	vst v2;
	v2 =	vshra.s32 v3, $0xE  }
0x256: {  	p1 =	seq.s32 s21, $0x700;
	s17 =	simm.s32 $0x1E000;
	[tilespmem:$0x1E440] =	vst v2  }
0x257: {  	[tilespmem:s7], [sflag:$0xA] =	stream.indirect.gather [hbm4b:s1+s6], $0x80, s17, s6, $0xb8;
	[tilespmem:$0x1EA00] =	vst v63  }
0x258: {  	s17 =	sadd.s32 @!p1 s21, s14  }
0x259: {  	s0 =	simm.s32 @!p1 $0x0;
	s15 =	simm.s32 @!p1 $0x1DC80;
	s20 =	sadd.s32 @!p1 $0x50, s17  }
0x25a: {  	[tilespmem:s15], [sflag:$0x4] =	stream.linear.gather @!p1 [hbm4b:s20+s0], $0x80, $0x38;
	[tilespmem:$0x1EA00] =	vst v63  }
0x25b: {  	_ =	swait.ge [sflag:s2], $0x2800  }
0x25c: {  	[sflag:s2] =	ssyncset.done $0x0  }
0x25d: {  	s20 =	simm.s32 $0x1E580;
	[sflag:s2] =	ssyncadd.s32 $0xFFFFD800  }
0x25e: {  	[spmem:s3] =	stream.indirect.scatter.add.f32 [tilespmem:s9], [sflag:$0xF], $0x80, s20, s6, $0xb8;
	[tilespmem:$0x1EA00] =	vst v63  }
0x25f: {  	_ = 	snop  }
0x260: {  	[spmem:s4] =	stream.indirect.scatter.add.f32 [tilespmem:s28], [sflag:$0x12], $0x1, s20, s6, $0xb8;
	[tilespmem:$0x1EA00] =	vst v63  }
0x261: {  	_ =	swait.ge [sflag:s30], $0x50  }
0x262: {  	[sflag:s30] =	ssyncset.done $0x0  }
0x263: {  	[sflag:s30] =	ssyncadd.s32 $0xFFFFFFB0  }
0x264: {  	_ =	swait.ge [sflag:s11], $0x2800  }
0x265: {  	[sflag:s11] =	ssyncset.done $0x0  }
0x266: {  	[sflag:s11] =	ssyncadd.s32 $0xFFFFD800  }
0x267: {  	_ =	swait.ge [sflag:s26], $0x80  }
0x268: {  	[sflag:s26] =	ssyncset.done $0x0  }
0x269: {  	[sflag:s26] =	ssyncadd.s32 $0xFFFFFF80  }
0x26a: {  	v2 =	vld [tilespmem:$0x1DD00];
	_ =	sdelay $0x1  }
0x26b: {  	v3 =	vld [tilespmem:$0x1DD10];
	_ =	sdelay $0x1  }
0x26c: {  	v58 =	vld [tilespmem:$0x1DD20]  }
0x26d: {  	v59 =	vand.u32 $0x3FFF, v2  }
0x26e: {  	v60 =	vld [tilespmem:$0x1DD30];
	v2 =	vshra.s32 v2, $0xE;
	[tilespmem:$0x1E100] =	vst v59  }
0x26f: {  	[tilespmem:$0x1E500] =	vst v2;
	v2 =	vand.u32 $0x3FFF, v3  }
0x270: {  	[tilespmem:$0x1E110] =	vst v2;
	v2 =	vshra.s32 v3, $0xE;
	v3 =	vld [tilespmem:$0x1DD40]  }
0x271: {  	[tilespmem:$0x1E510] =	vst v2;
	v2 =	vand.u32 $0x3FFF, v58  }
0x272: {  	[tilespmem:$0x1E120] =	vst v2;
	v2 =	vshra.s32 v58, $0xE  }
0x273: {  	[tilespmem:$0x1E520] =	vst v2;
	v2 =	vand.u32 $0x3FFF, v60  }
0x274: {  	[tilespmem:$0x1E130] =	vst v2;
	v2 =	vshra.s32 v60, $0xE  }
0x275: {  	[tilespmem:$0x1E530] =	vst v2;
	v2 =	vand.u32 $0x3FFF, v3  }
0x276: {  	[tilespmem:$0x1E140] =	vst v2;
	v2 =	vshra.s32 v3, $0xE  }
0x277: {  	s20 =	simm.s32 $0x1E100;
	[tilespmem:$0x1E540] =	vst v2  }
0x278: {  	[tilespmem:s9], [sflag:$0xB] =	stream.indirect.gather [hbm4b:s1+s6], $0x80, s20, s6, $0xb8;
	[tilespmem:$0x1EA00] =	vst v63  }
0x279: {  	s15 =	sadd.s32 @!p1 $0x60, s17;
	s17 =	simm.s32 @!p1 $0x1DD80  }
0x27a: {  	[tilespmem:s17], [sflag:$0x6] =	stream.linear.gather @!p1 [hbm4b:s15+s0], $0x80, $0x38;
	[tilespmem:$0x1EA00] =	vst v63  }
0x27b: {  	_ =	swait.ge [sflag:s8], $0x2800  }
0x27c: {  	[sflag:s8] =	ssyncset.done $0x0  }
0x27d: {  	s17 =	simm.s32 $0x1E680;
	[sflag:s8] =	ssyncadd.s32 $0xFFFFD800  }
0x27e: {  	[spmem:s3] =	stream.indirect.scatter.add.f32 [tilespmem:s18], [sflag:$0x10], $0x80, s17, s6, $0xb8;
	[tilespmem:$0x1EA00] =	vst v63  }
0x27f: {  	_ = 	snop  }
0x280: {  	[spmem:s4] =	stream.indirect.scatter.add.f32 [tilespmem:s28], [sflag:$0x12], $0x1, s17, s6, $0xb8;
	[tilespmem:$0x1EA00] =	vst v63  }
0x281: {  	_ =	swait.ge [sflag:s30], $0x50  }
0x282: {  	[sflag:s30] =	ssyncset.done $0x0  }
0x283: {  	[sflag:s30] =	ssyncadd.s32 $0xFFFFFFB0  }
0x284: {  	_ =	swait.ge [sflag:s31], $0x2800  }
0x285: {  	[sflag:s31] =	ssyncset.done $0x0  }
0x286: {  	[sflag:s31] =	ssyncadd.s32 $0xFFFFD800  }
0x287: {  	_ =	swait.ge [sflag:s10], $0x80  }
0x288: {  	[sflag:s10] =	ssyncset.done $0x0  }
0x289: {  	[sflag:s10] =	ssyncadd.s32 $0xFFFFFF80  }
0x28a: {  	v2 =	vld [tilespmem:$0x1DE00];
	_ =	sdelay $0x1  }
0x28b: {  	v3 =	vld [tilespmem:$0x1DE10];
	_ =	sdelay $0x1  }
0x28c: {  	v61 =	vld [tilespmem:$0x1DE20]  }
0x28d: {  	v62 =	vand.u32 $0x3FFF, v2  }
0x28e: {  	v63 =	vld [tilespmem:$0x1DE30];
	v2 =	vshra.s32 v2, $0xE;
	[tilespmem:$0x1E200] =	vst v62  }
0x28f: {  	[tilespmem:$0x1E600] =	vst v2;
	v2 =	vand.u32 $0x3FFF, v3  }
0x290: {  	[tilespmem:$0x1E210] =	vst v2;
	v2 =	vshra.s32 v3, $0xE;
	v3 =	vld [tilespmem:$0x1DE40]  }
0x291: {  	[tilespmem:$0x1E610] =	vst v2;
	v2 =	vand.u32 $0x3FFF, v61  }
0x292: {  	[tilespmem:$0x1E220] =	vst v2;
	v2 =	vshra.s32 v61, $0xE  }
0x293: {  	[tilespmem:$0x1E620] =	vst v2;
	v2 =	vand.u32 $0x3FFF, v63  }
.Ltmp3:
0x294: {  	[tilespmem:$0x1E230] =	vst v2;
	v2 =	vshra.s32 v63, $0xE;
	(pc) =	sbr.rel @p1 .LBB2_6-.Ltmp3, $4  }
0x295: {  	[tilespmem:$0x1E630] =	vst v2;
	v2 =	vand.u32 $0x3FFF, v3  }
0x296: {  	[tilespmem:$0x1E240] =	vst v2;
	v2 =	vshra.s32 v3, $0xE  }
0x297: {  	s20 =	simm.s32 $0x1E200;
	[tilespmem:$0x1E640] =	vst v2  }
0x298: {  	[tilespmem:s18], [sflag:$0xC] =	stream.indirect.gather [hbm4b:s1+s6], $0x80, s20, s6, $0xb8;
	[tilespmem:$0x1EA00] =	vst v63  }
.Ltmp4:
0x299: {  	(pc) =	sbr.rel .LBB2_4-.Ltmp4, $3  }
0x29a: {  	_ =	sdelay $0x1  }
0x29b: {  	s0 =	sadd.s32 $0x70, s16;
	s15 =	simm.s32 $0x1DE80;
	s21 =	sadd.s32 $0x80, s21  }
0x29c: {  	[tilespmem:s15], [sflag:$0x8] =	stream.linear.gather [hbm4b:s0+s5], $0x80, $0x38;
	[tilespmem:$0x1EA00] =	vst v63  }
.LBB2_7:
0x29d: {  	_ =	sfence.sel $0x180000  }
0x29e: {  	[bflag:$0x0] =	sbarrier.arrive $0xFFFF  }
0x29f: {  	_ =	strace $0x90000047  }
0x2a0: {  	s0 =	stileid.u32;
	[bflag:$0x2] =	sbarrier.arrive $0xFFFF  }
0x2a1: {  	p0 =	sne.s32 s0, $0x0;
	s0 =	rddreg [dreg:$0x6]  }
0x2a2: {  	s0 =	sadd.s32 @!p0 $0x100000, s0  }
0x2a3: {  	[sflag:s0] =	ssyncadd.tile.s32 @!p0 $0x1;
	_ =	shalt  }
.Lfunc_end2:
_tile_overlayer_lowered:
.L_overlay_start_2:
0x2a4: {  	(tag) =	ssettag $0x2  }
0x2a5: {  	s0 =	rddreg [dreg:$0x0];
	s2 =	stileid.u32  }
0x2a6: {  	s1 =	rddreg [dreg:$0x1];
	p0 =	sne.s32 s2, $0x0  }
0x2a7: {  	s3 =	rddreg [dreg:$0x2];
	[bflag:$0x3] =	sbarrier.arrive $0xFFFF;
	s2 =	simm.s32 @!p0 $0x1C12  }
0x2a8: {  	[timem:s3], [sflag:s2] =	dma.local @!p0 [hbm:s0], s1  }
0x2a9: {  	s0 =	simm.s32 @!p0 $0x12  }
0x2aa: {  	_ =	swait.ge @!p0 [sflag:s0], s1  }
0x2ab: {  	s1 =	ssub.s32 @!p0 $0x0, s1;
	[sflag:s0] =	ssyncset.done @!p0 $0x0  }
0x2ac: {  	[sflag:s0] =	ssyncadd.s32 @!p0 s1  }
0x2ad: {  	[bflag:$0x3] =	sbarrier.arrive $0xFFFF  }
0x2ae: {  	_ =	shalt  }

</sc_bundles>
